<compile_context>
chip_gen: v7x
topology: tpu7x:2x2x1
jax: 0.10.2.dev20260603
libtpu: 0.0.44.dev20260713+nightly
codegen_flags: <defaults>
</compile_context>

<pallas_src>
import jax
import jax.numpy as jnp
from jax import lax
from jax.experimental import pallas as pl
from jax.experimental.pallas import tpu as pltpu
from jax.experimental.pallas import tpu_sc as plsc

N = 10000
B = 100
NP = 100
E = 160000
EP = 1600
K = 4
D = 128
NPP = 128
G = 20
NB = B // G
GR = G * NPP
GB = 32

NCORE = 2
NSUB = 16
NW = NCORE * NSUB
HG = B // NCORE
HWORDS = HG * NPP * NPP
EH = E // NCORE
ET = 5120
ECH = ET // 128
ZCH = HWORDS // NSUB

_HI = lax.Precision.HIGHEST


def _sc_body(tgt_hbm, ea_hbm, zeros_hbm, aw_hbm, ac_hbm,
             idx3, eav, ones_v, zb, aw_sh, ac_sh, sem):
    c = lax.axis_index("c")
    s = lax.axis_index("s")
    tid = c * NSUB + s

    pltpu.sync_copy(zeros_hbm, zb)
    zoff = s * ZCH
    cps = []
    for q in range(ZCH // ET):
        cps.append(pltpu.async_copy(zb, aw_sh.at[pl.ds(zoff + q * ET, ET)], sem))
        cps.append(pltpu.async_copy(zb, ac_sh.at[pl.ds(zoff + q * ET, ET)], sem))
    for cp in cps:
        cp.wait()

    pltpu.sync_copy(tgt_hbm.at[tid], idx3)
    pltpu.sync_copy(ea_hbm.at[tid], eav)
    for l in range(8):
        ones_v[pl.ds(l * 16, 16)] = jnp.ones((16,), jnp.float32)

    @pl.when(c == 1)
    def _():
        def sub(j, carry):
            for l in range(8):
                sl = (j, pl.ds(l * 16, 16))
                idx3[sl] = idx3[sl] - HWORDS
            return carry
        lax.fori_loop(0, ECH, sub, 0)

    plsc.subcore_barrier()

    cps = []
    for j in range(ECH):
        cps.append(pltpu.async_copy(eav.at[j], aw_sh.at[idx3.at[j]], sem,
                                    add=True))
        cps.append(pltpu.async_copy(ones_v, ac_sh.at[idx3.at[j]], sem,
                                    add=True))
    for cp in cps:
        cp.wait()

    plsc.subcore_barrier()

    woff = c * HWORDS + zoff
    for q in range(ZCH // ET):
        pltpu.sync_copy(aw_sh.at[pl.ds(zoff + q * ET, ET)], zb)
        pltpu.sync_copy(zb, aw_hbm.at[pl.ds(woff + q * ET, ET)])
        pltpu.sync_copy(ac_sh.at[pl.ds(zoff + q * ET, ET)], zb)
        pltpu.sync_copy(zb, ac_hbm.at[pl.ds(woff + q * ET, ET)])


_sc_build = pl.kernel(
    _sc_body,
    out_type=(jax.ShapeDtypeStruct((NCORE * HWORDS,), jnp.float32),
              jax.ShapeDtypeStruct((NCORE * HWORDS,), jnp.float32)),
    mesh=plsc.VectorSubcoreMesh(core_axis_name="c", subcore_axis_name="s"),
    scratch_types=[
        pltpu.VMEM((ECH, 128), jnp.int32),
        pltpu.VMEM((ECH, 128), jnp.float32),
        pltpu.VMEM((128,), jnp.float32),
        pltpu.VMEM((ET,), jnp.float32),
        pltpu.VMEM_SHARED((HWORDS + 8,), jnp.float32),
        pltpu.VMEM_SHARED((HWORDS + 8,), jnp.float32),
        pltpu.SemaphoreType.DMA,
    ],
)


def _dotT(a, b):
    return lax.dot_general(a, b, (((0,), (0,)), ((), ())),
                           preferred_element_type=jnp.float32, precision=_HI)


def _mm(a, b):
    return lax.dot_general(a, b, (((1,), (0,)), ((), ())),
                           preferred_element_type=jnp.float32, precision=_HI)


def _mmd(a, b):
    return lax.dot_general(a, b, (((1,), (0,)), ((), ())),
                           preferred_element_type=jnp.float32)


def _tc_body(aw_ref, ac_ref, xf_ref, Wa, Ws, Wc, Wbb, Wcb, Wi, Wo, out_ref,
             ys, ts):
    X = _mmd(xf_ref[...], Wa[...])
    for j in range(G):
        r = pl.ds(j * NPP, NPP)
        ys[r] = X[j * NPP:(j + 1) * NPP] + _mm(aw_ref[r], X[j * NPP:(j + 1) * NPP])
    Y = ys[...]
    S = _mmd(Y, Ws[...])
    e = jnp.exp(S - jnp.max(S, axis=-1, keepdims=True))
    P = e / jnp.sum(e, axis=-1, keepdims=True)
    rows = lax.broadcasted_iota(jnp.int32, (GR, 1), 0)
    P = P * ((rows & (NPP - 1)) < NP).astype(jnp.float32)
    U = jnp.concatenate([X * (P[:, k:k + 1] * P[:, k:k + 1])
                         for k in range(K)], axis=1)
    for j in range(G):
        r = pl.ds(j * NPP, NPP)
        ts[r] = _mm(ac_ref[r], U[j * NPP:(j + 1) * NPP])
    T = ts[...]
    Gm = (lax.broadcasted_iota(jnp.int32, (GB, GR), 1) // NPP
          == lax.broadcasted_iota(jnp.int32, (GB, GR), 0)).astype(jnp.float32)
    GmT = (lax.broadcasted_iota(jnp.int32, (GR, GB), 0) // NPP
           == lax.broadcasted_iota(jnp.int32, (GR, GB), 1)).astype(jnp.float32)
    Pre = jnp.zeros((GR, D), jnp.float32)
    for k in range(K):
        Hk = P[:, k:k + 1] * (X + T[:, k * D:(k + 1) * D])
        Zk = jnp.maximum(_mmd(Hk, Wc[...]), 0.0)
        Ck = _mm(Gm, Zk)
        Pre = Pre + P[:, k:k + 1] * _mm(GmT, Ck)
    Mcb = _mmd(Pre, Wcb[...])
    be = jnp.maximum(_mmd(Y, Wbb[...]) + Mcb, 0.0)
    NE = _mmd(be, Wi[...])
    ge = _mm(Gm, NE) * (1.0 / NP)
    o = _mmd(ge, Wo[...])
    out_ref[...] = jnp.broadcast_to(o[:G].reshape(G, 1, 1), (G, 1, D))


@jax.jit
def _run(tgt_pad, ea_pad, xfp, Wa, Ws, Wc, Wbb, Wcb, Wi, Wo):
    zeros = jnp.zeros((ET,), jnp.float32)
    aw_flat, ac_flat = _sc_build(tgt_pad, ea_pad, zeros)
    aw = aw_flat.reshape(B * NPP, NPP)
    ac = ac_flat.reshape(B * NPP, NPP)
    full = lambda i: (0, 0)
    out = pl.pallas_call(
        _tc_body,
        grid=(NB,),
        in_specs=[
            pl.BlockSpec((GR, NPP), lambda i: (i, 0)),
            pl.BlockSpec((GR, NPP), lambda i: (i, 0)),
            pl.BlockSpec((GR, D), lambda i: (i, 0)),
            pl.BlockSpec((D, D), full),
            pl.BlockSpec((D, K), full),
            pl.BlockSpec((D, D), full),
            pl.BlockSpec((D, D), full),
            pl.BlockSpec((D, D), full),
            pl.BlockSpec((D, D), full),
            pl.BlockSpec((D, 1), full),
        ],
        out_specs=pl.BlockSpec((G, 1, D), lambda i: (i, 0, 0)),
        out_shape=jax.ShapeDtypeStruct((B, 1, D), jnp.float32),
        scratch_shapes=[
            pltpu.VMEM((GR, D), jnp.float32),
            pltpu.VMEM((GR, K * D), jnp.float32),
        ],
    )(aw, ac, xfp, Wa, Ws, Wc, Wbb, Wcb, Wi, Wo)
    return out[:, 0, :1]


def kernel(x_feat, edge_attr, W_atom, W_score, W_c, W_bb, W_cb, W_bc, W_cc,
           W_inter, W_out, edge_index):
    del W_bc, W_cc
    goff = jnp.repeat(jnp.arange(B, dtype=jnp.int32) * NP, EP)
    gpad = jnp.repeat(jnp.arange(B, dtype=jnp.int32) * (NPP * NPP), EP)
    tgt = (edge_index[1] - goff) * NPP + (edge_index[0] - goff) + gpad
    halves_t, halves_e = [], []
    for c in range(NCORE):
        th = tgt[c * EH:(c + 1) * EH].reshape(NSUB, EH // NSUB)
        eh = edge_attr[c * EH:(c + 1) * EH].reshape(NSUB, EH // NSUB)
        pad = ET - EH // NSUB
        halves_t.append(jnp.pad(th, ((0, 0), (0, pad)),
                                constant_values=(c + 1) * HWORDS))
        halves_e.append(jnp.pad(eh, ((0, 0), (0, pad))))
    tgt_pad = jnp.concatenate(halves_t, 0).reshape(NW, ECH, 128)
    ea_pad = jnp.concatenate(halves_e, 0).reshape(NW, ECH, 128)
    xfp = jnp.pad(x_feat.reshape(B, NP, D),
                  ((0, 0), (0, NPP - NP), (0, 0))).reshape(B * NPP, D)
    return _run(tgt_pad, ea_pad, xfp, W_atom, W_score, W_c, W_bb, W_cb,
                W_inter, W_out)

# --- scband reference (transcript-rebuilt; emitter-appended) ---
"""Pipeline reference for scband-hybrid-model-28209345200317 (READ-ONLY COPY).

The authoritative reference and input builder live on the scoring server;
editing this copy changes nothing except your own understanding.
"""

import jax, jax.numpy as jnp
import numpy as np

N = 10000   # total nodes (100 graphs x 100 nodes)
B = 100     # num graphs
NP = 100    # nodes per graph
E = 160000  # total edges (avg degree 16)
EP = 1600   # edges per graph
K = 4       # n_centroids
S = 1       # n_samples
NE = 1      # n_ensemble
R = S * NE  # repeats
D = 128     # d_model


def setup_inputs(seed: int = 0):
    key = jax.random.key(seed)
    ks = jax.random.split(key, 14)
    goff = jnp.repeat(jnp.arange(B) * NP, EP)
    src = jax.random.randint(ks[0], (E,), 0, NP) + goff
    dst = jax.random.randint(ks[1], (E,), 0, NP) + goff
    edge_index = jnp.stack([src, dst]).astype(jnp.int32)

    def w(k, shp):
        return jax.random.normal(k, shp, jnp.float32) * 0.05

    return {
        "x_feat": jax.random.normal(ks[2], (N, D), jnp.float32),
        "edge_attr": jax.random.uniform(ks[3], (E,), jnp.float32),
        "W_atom": w(ks[4], (D, D)),
        "W_score": w(ks[5], (D, K)),
        "W_c": w(ks[6], (D, D)),
        "W_bb": w(ks[7], (D, D)),
        "W_cb": w(ks[8], (D, D)),
        "W_bc": w(ks[9], (D, D)),
        "W_cc": w(ks[10], (D, D)),
        "W_inter": w(ks[11], (D, D)),
        "W_out": w(ks[12], (D, 1)),
        "edge_index": edge_index,
    }


def _forward(x_feat, edge_attr, W_atom, W_score, W_c, W_bb, W_cb, W_bc, W_cc, W_inter, W_out, edge_index):
    src, dst = edge_index[0], edge_index[1]
    # atom encoder
    x = x_feat @ W_atom
    # scorer (1-layer message passing + linear); softmax marginal as soft node mask (sampler.validation path)
    m = jax.ops.segment_sum(x[src] * edge_attr[:, None], dst, num_segments=N)
    scores = (x + m) @ W_score                                     # [N, K]
    probs = jax.nn.softmax(scores, axis=-1)
    node_mask = jnp.broadcast_to(probs[None, :, :, None], (S, N, K, NE))
    nm = jnp.transpose(node_mask, (0, 3, 2, 1)).reshape(R, K, N)[..., None]  # [R,K,N,1]
    edge_mask = nm[:, :, src, :] * nm[:, :, dst, :]                          # [R,K,E,1]
    batch_base = jnp.repeat(jnp.arange(B), NP)
    batch = jnp.tile(batch_base, R * K) + jnp.repeat(jnp.arange(R * K), N) * B
    # base2centroid: masked message passing + pooling per (repeat, centroid, graph)
    x_rep = jnp.tile(x, (R * K, 1))
    h = x_rep * nm.reshape(R * K * N, 1)
    offs = jnp.repeat(jnp.arange(R * K), E) * N
    esrc = jnp.tile(src, R * K) + offs
    edst = jnp.tile(dst, R * K) + offs
    ew = edge_mask.reshape(-1)
    msg = jax.ops.segment_sum(h[esrc] * ew[:, None], edst, num_segments=R * K * N)
    hc = jax.nn.relu((h + msg) @ W_c)
    cpool = jax.ops.segment_sum(hc, batch, num_segments=R * K * B)
    # reorder (r,c,g) -> (r,g,c) to match centroid node id layout (r*B+g)*K+c
    centroid_x = cpool.reshape(R, K, B, D).transpose(0, 2, 1, 3).reshape(R * B * K, D)
    # base<->centroid bipartite edges
    src_bc = jnp.repeat(jnp.arange(R * N), K)
    dst_bc = ((jnp.repeat(jnp.arange(R * B), NP) * K)[:, None] + jnp.arange(K)[None, :]).reshape(-1)
    w_bc = jnp.transpose(nm[..., 0], (0, 2, 1)).reshape(-1)
    # centroid<->centroid intra edge weights (triu pairs + diag, then to_undirected mean)
    iu, ju = np.triu_indices(K, k=1)
    di = np.arange(K)
    Poff = iu.shape[0]
    P = Poff + K
    idx0 = jnp.array(np.concatenate([iu, di]))
    idx1 = jnp.array(np.concatenate([ju, di]))
    eg = jnp.repeat(jnp.arange(B), EP)
    prod = nm[:, idx0, :, 0][:, :, src] * nm[:, idx1, :, 0][:, :, dst]       # [R,P,E]
    intra = jax.ops.segment_sum(jnp.moveaxis(prod, 2, 0).reshape(E, R * P), eg, num_segments=B)
    intra = intra.reshape(B, R, P).transpose(1, 2, 0)                         # [R,P,B]
    intra = intra.at[:, Poff:, :].divide(2.0)
    offw = intra[:, :Poff]
    diagw = intra[:, Poff:]
    w_all = jnp.concatenate([offw, offw, diagw], axis=1)                      # undirected: both directions, mean reduce
    w_all = w_all / jax.lax.stop_gradient(jnp.max(w_all))
    ci = jnp.array(np.concatenate([iu, ju, di]))
    cj = jnp.array(np.concatenate([ju, iu, di]))
    Pe = 2 * Poff + K
    blk = jnp.repeat(jnp.arange(R * B) * K, Pe)
    c2c_src = jnp.tile(ci, R * B) + blk
    c2c_dst = jnp.tile(cj, R * B) + blk
    w_c2c = jnp.transpose(w_all, (0, 2, 1)).reshape(-1)
    # base->base edges replicated over repeats
    offb = jnp.repeat(jnp.arange(R), E) * N
    bsrc = jnp.tile(src, R) + offb
    bdst = jnp.tile(dst, R) + offb
    battr = jnp.tile(edge_attr, R)
    x_base = jnp.tile(x, (R, 1))
    Nb = R * N
    Nc = R * B * K
    # hetero GNN layer over 4 relation types
    m_bb = jax.ops.segment_sum(x_base[bsrc] * battr[:, None], bdst, num_segments=Nb)
    m_cb = jax.ops.segment_sum(centroid_x[dst_bc] * w_bc[:, None], src_bc, num_segments=Nb)
    m_bc = jax.ops.segment_sum(x_base[src_bc] * w_bc[:, None], dst_bc, num_segments=Nc)
    m_cc = jax.ops.segment_sum(centroid_x[c2c_src] * w_c2c[:, None], c2c_dst, num_segments=Nc)
    base_emb = jax.nn.relu((x_base + m_bb) @ W_bb + m_cb @ W_cb)
    cent_emb = jax.nn.relu((centroid_x + m_cc) @ W_cc + m_bc @ W_bc)  # returned by hetero_gnn; unused for target='base'
    del cent_emb
    # inter ensemble mean pool -> inter head -> intra graph mean pool -> intra head
    node_embedding = jnp.mean(base_emb.reshape(R, N, D), axis=0)
    node_embedding = node_embedding @ W_inter
    counts = jax.ops.segment_sum(jnp.ones((N,), jnp.float32), batch_base, num_segments=B)
    graph_embedding = jax.ops.segment_sum(node_embedding, batch_base, num_segments=B) / counts[:, None]
    return graph_embedding @ W_out


def reference(x_feat, edge_attr, W_atom, W_score, W_c, W_bb, W_cb, W_bc, W_cc, W_inter, W_out, edge_index):
    return _forward(x_feat, edge_attr, W_atom, W_score, W_c, W_bb, W_cb, W_bc, W_cc, W_inter, W_out, edge_index)

if __name__ == "__main__":
    import jax
    _d = setup_inputs()
    print(jax.jit(kernel)(*tuple(_d.values())))

</pallas_src>

<mosaic_0001>
#map = affine_map<(d0, d1) -> (0, 0, 0)>
#map1 = affine_map<(d0, d1) -> (0)>
module attributes {stable_mosaic.version = 14 : i64} {
  func.func @_sc_body(%arg0: i32, %arg1: i32, %arg2: memref<32x40x128xi32, #tpu.memory_space<hbm>>, %arg3: memref<32x40x128xf32, #tpu.memory_space<hbm>>, %arg4: memref<5120xf32, #tpu.memory_space<hbm>>, %arg5: memref<1638400xf32, #tpu.memory_space<hbm>>, %arg6: memref<1638400xf32, #tpu.memory_space<hbm>>, %arg7: memref<40x128xi32, #tpu.memory_space<vmem>>, %arg8: memref<40x128xf32, #tpu.memory_space<vmem>>, %arg9: memref<128xf32, #tpu.memory_space<vmem>>, %arg10: memref<5120xf32, #tpu.memory_space<vmem>>, %arg11: memref<819208xf32, #tpu.memory_space<vmem_shared>>, %arg12: memref<819208xf32, #tpu.memory_space<vmem_shared>>, %arg13: memref<!tpu.dma_semaphore, #tpu.memory_space<semaphore_mem>>) attributes {dimension_semantics = [#tpu.dimension_semantics<core_parallel>, #tpu.dimension_semantics<subcore_parallel>], iteration_bounds = array<i64: 2, 16>, scalar_prefetch = 0 : i64, scratch_operands = 7 : i64, tpu.core_type = #tpu.core_type<sc_vector_subcore>, window_params = [{transform_indices = #map}, {transform_indices = #map}, {transform_indices = #map1}, {transform_indices = #map1}, {transform_indices = #map1}]} {
    %mul3A = arith.constant 16 : i32
    %mul3A_0 = arith.muli %arg0, %mul3A : i32
    %add3A = arith.addi %mul3A_0, %arg1 : i32
    "tpu.region"() ({
      %run_scoped3A = tpu.sem_alloc : memref<!tpu.dma_semaphore, #tpu.memory_space<semaphore_mem>>
      tpu.enqueue_dma source(%arg4 : memref<5120xf32, #tpu.memory_space<hbm>>) target(%arg10 : memref<5120xf32, #tpu.memory_space<vmem>>) target_semaphore(%run_scoped3A : memref<!tpu.dma_semaphore, #tpu.memory_space<semaphore_mem>>)
      tpu.wait_dma2 semaphore(%run_scoped3A : memref<!tpu.dma_semaphore, #tpu.memory_space<semaphore_mem>>) src(%arg4 : memref<5120xf32, #tpu.memory_space<hbm>>) dst(%arg10 : memref<5120xf32, #tpu.memory_space<vmem>>)
      tpu.yield
    }) : () -> ()
    %mul3A_1 = arith.constant 51200 : i32
    %mul3A_2 = arith.muli %arg1, %mul3A_1 : i32
    %add3A_3 = arith.constant 0 : i32
    %add3A_4 = arith.addi %mul3A_2, %add3A_3 : i32
    %dma_start3A = tpu.memref_slice %arg11[%add3A_4] : memref<819208xf32, #tpu.memory_space<vmem_shared>> -> memref<5120xf32, #tpu.memory_space<vmem_shared>>
    %dma_start3A_5 = tpu.memref_slice %arg11[%add3A_4] : memref<819208xf32, #tpu.memory_space<vmem_shared>> -> memref<5120xf32, #tpu.memory_space<vmem_shared>>
    tpu.enqueue_dma source(%arg10 : memref<5120xf32, #tpu.memory_space<vmem>>) target(%dma_start3A_5 : memref<5120xf32, #tpu.memory_space<vmem_shared>>) target_semaphore(%arg13 : memref<!tpu.dma_semaphore, #tpu.memory_space<semaphore_mem>>)
    %add3A_6 = arith.constant 0 : i32
    %add3A_7 = arith.addi %mul3A_2, %add3A_6 : i32
    %dma_start3A_8 = tpu.memref_slice %arg12[%add3A_7] : memref<819208xf32, #tpu.memory_space<vmem_shared>> -> memref<5120xf32, #tpu.memory_space<vmem_shared>>
    %dma_start3A_9 = tpu.memref_slice %arg12[%add3A_7] : memref<819208xf32, #tpu.memory_space<vmem_shared>> -> memref<5120xf32, #tpu.memory_space<vmem_shared>>
    tpu.enqueue_dma source(%arg10 : memref<5120xf32, #tpu.memory_space<vmem>>) target(%dma_start3A_9 : memref<5120xf32, #tpu.memory_space<vmem_shared>>) target_semaphore(%arg13 : memref<!tpu.dma_semaphore, #tpu.memory_space<semaphore_mem>>)
    %add3A_10 = arith.constant 5120 : i32
    %add3A_11 = arith.addi %mul3A_2, %add3A_10 : i32
    %dma_start3A_12 = tpu.memref_slice %arg11[%add3A_11] : memref<819208xf32, #tpu.memory_space<vmem_shared>> -> memref<5120xf32, #tpu.memory_space<vmem_shared>>
    %dma_start3A_13 = tpu.memref_slice %arg11[%add3A_11] : memref<819208xf32, #tpu.memory_space<vmem_shared>> -> memref<5120xf32, #tpu.memory_space<vmem_shared>>
    tpu.enqueue_dma source(%arg10 : memref<5120xf32, #tpu.memory_space<vmem>>) target(%dma_start3A_13 : memref<5120xf32, #tpu.memory_space<vmem_shared>>) target_semaphore(%arg13 : memref<!tpu.dma_semaphore, #tpu.memory_space<semaphore_mem>>)
    %add3A_14 = arith.constant 5120 : i32
    %add3A_15 = arith.addi %mul3A_2, %add3A_14 : i32
    %dma_start3A_16 = tpu.memref_slice %arg12[%add3A_15] : memref<819208xf32, #tpu.memory_space<vmem_shared>> -> memref<5120xf32, #tpu.memory_space<vmem_shared>>
    %dma_start3A_17 = tpu.memref_slice %arg12[%add3A_15] : memref<819208xf32, #tpu.memory_space<vmem_shared>> -> memref<5120xf32, #tpu.memory_space<vmem_shared>>
    tpu.enqueue_dma source(%arg10 : memref<5120xf32, #tpu.memory_space<vmem>>) target(%dma_start3A_17 : memref<5120xf32, #tpu.memory_space<vmem_shared>>) target_semaphore(%arg13 : memref<!tpu.dma_semaphore, #tpu.memory_space<semaphore_mem>>)
    %add3A_18 = arith.constant 10240 : i32
    %add3A_19 = arith.addi %mul3A_2, %add3A_18 : i32
    %dma_start3A_20 = tpu.memref_slice %arg11[%add3A_19] : memref<819208xf32, #tpu.memory_space<vmem_shared>> -> memref<5120xf32, #tpu.memory_space<vmem_shared>>
    %dma_start3A_21 = tpu.memref_slice %arg11[%add3A_19] : memref<819208xf32, #tpu.memory_space<vmem_shared>> -> memref<5120xf32, #tpu.memory_space<vmem_shared>>
    tpu.enqueue_dma source(%arg10 : memref<5120xf32, #tpu.memory_space<vmem>>) target(%dma_start3A_21 : memref<5120xf32, #tpu.memory_space<vmem_shared>>) target_semaphore(%arg13 : memref<!tpu.dma_semaphore, #tpu.memory_space<semaphore_mem>>)
    %add3A_22 = arith.constant 10240 : i32
    %add3A_23 = arith.addi %mul3A_2, %add3A_22 : i32
    %dma_start3A_24 = tpu.memref_slice %arg12[%add3A_23] : memref<819208xf32, #tpu.memory_space<vmem_shared>> -> memref<5120xf32, #tpu.memory_space<vmem_shared>>
    %dma_start3A_25 = tpu.memref_slice %arg12[%add3A_23] : memref<819208xf32, #tpu.memory_space<vmem_shared>> -> memref<5120xf32, #tpu.memory_space<vmem_shared>>
    tpu.enqueue_dma source(%arg10 : memref<5120xf32, #tpu.memory_space<vmem>>) target(%dma_start3A_25 : memref<5120xf32, #tpu.memory_space<vmem_shared>>) target_semaphore(%arg13 : memref<!tpu.dma_semaphore, #tpu.memory_space<semaphore_mem>>)
    %add3A_26 = arith.constant 15360 : i32
    %add3A_27 = arith.addi %mul3A_2, %add3A_26 : i32
    %dma_start3A_28 = tpu.memref_slice %arg11[%add3A_27] : memref<819208xf32, #tpu.memory_space<vmem_shared>> -> memref<5120xf32, #tpu.memory_space<vmem_shared>>
    %dma_start3A_29 = tpu.memref_slice %arg11[%add3A_27] : memref<819208xf32, #tpu.memory_space<vmem_shared>> -> memref<5120xf32, #tpu.memory_space<vmem_shared>>
    tpu.enqueue_dma source(%arg10 : memref<5120xf32, #tpu.memory_space<vmem>>) target(%dma_start3A_29 : memref<5120xf32, #tpu.memory_space<vmem_shared>>) target_semaphore(%arg13 : memref<!tpu.dma_semaphore, #tpu.memory_space<semaphore_mem>>)
    %add3A_30 = arith.constant 15360 : i32
    %add3A_31 = arith.addi %mul3A_2, %add3A_30 : i32
    %dma_start3A_32 = tpu.memref_slice %arg12[%add3A_31] : memref<819208xf32, #tpu.memory_space<vmem_shared>> -> memref<5120xf32, #tpu.memory_space<vmem_shared>>
    %dma_start3A_33 = tpu.memref_slice %arg12[%add3A_31] : memref<819208xf32, #tpu.memory_space<vmem_shared>> -> memref<5120xf32, #tpu.memory_space<vmem_shared>>
    tpu.enqueue_dma source(%arg10 : memref<5120xf32, #tpu.memory_space<vmem>>) target(%dma_start3A_33 : memref<5120xf32, #tpu.memory_space<vmem_shared>>) target_semaphore(%arg13 : memref<!tpu.dma_semaphore, #tpu.memory_space<semaphore_mem>>)
    %add3A_34 = arith.constant 20480 : i32
    %add3A_35 = arith.addi %mul3A_2, %add3A_34 : i32
    %dma_start3A_36 = tpu.memref_slice %arg11[%add3A_35] : memref<819208xf32, #tpu.memory_space<vmem_shared>> -> memref<5120xf32, #tpu.memory_space<vmem_shared>>
    %dma_start3A_37 = tpu.memref_slice %arg11[%add3A_35] : memref<819208xf32, #tpu.memory_space<vmem_shared>> -> memref<5120xf32, #tpu.memory_space<vmem_shared>>
    tpu.enqueue_dma source(%arg10 : memref<5120xf32, #tpu.memory_space<vmem>>) target(%dma_start3A_37 : memref<5120xf32, #tpu.memory_space<vmem_shared>>) target_semaphore(%arg13 : memref<!tpu.dma_semaphore, #tpu.memory_space<semaphore_mem>>)
    %add3A_38 = arith.constant 20480 : i32
    %add3A_39 = arith.addi %mul3A_2, %add3A_38 : i32
    %dma_start3A_40 = tpu.memref_slice %arg12[%add3A_39] : memref<819208xf32, #tpu.memory_space<vmem_shared>> -> memref<5120xf32, #tpu.memory_space<vmem_shared>>
    %dma_start3A_41 = tpu.memref_slice %arg12[%add3A_39] : memref<819208xf32, #tpu.memory_space<vmem_shared>> -> memref<5120xf32, #tpu.memory_space<vmem_shared>>
    tpu.enqueue_dma source(%arg10 : memref<5120xf32, #tpu.memory_space<vmem>>) target(%dma_start3A_41 : memref<5120xf32, #tpu.memory_space<vmem_shared>>) target_semaphore(%arg13 : memref<!tpu.dma_semaphore, #tpu.memory_space<semaphore_mem>>)
    %add3A_42 = arith.constant 25600 : i32
    %add3A_43 = arith.addi %mul3A_2, %add3A_42 : i32
    %dma_start3A_44 = tpu.memref_slice %arg11[%add3A_43] : memref<819208xf32, #tpu.memory_space<vmem_shared>> -> memref<5120xf32, #tpu.memory_space<vmem_shared>>
    %dma_start3A_45 = tpu.memref_slice %arg11[%add3A_43] : memref<819208xf32, #tpu.memory_space<vmem_shared>> -> memref<5120xf32, #tpu.memory_space<vmem_shared>>
    tpu.enqueue_dma source(%arg10 : memref<5120xf32, #tpu.memory_space<vmem>>) target(%dma_start3A_45 : memref<5120xf32, #tpu.memory_space<vmem_shared>>) target_semaphore(%arg13 : memref<!tpu.dma_semaphore, #tpu.memory_space<semaphore_mem>>)
    %add3A_46 = arith.constant 25600 : i32
    %add3A_47 = arith.addi %mul3A_2, %add3A_46 : i32
    %dma_start3A_48 = tpu.memref_slice %arg12[%add3A_47] : memref<819208xf32, #tpu.memory_space<vmem_shared>> -> memref<5120xf32, #tpu.memory_space<vmem_shared>>
    %dma_start3A_49 = tpu.memref_slice %arg12[%add3A_47] : memref<819208xf32, #tpu.memory_space<vmem_shared>> -> memref<5120xf32, #tpu.memory_space<vmem_shared>>
    tpu.enqueue_dma source(%arg10 : memref<5120xf32, #tpu.memory_space<vmem>>) target(%dma_start3A_49 : memref<5120xf32, #tpu.memory_space<vmem_shared>>) target_semaphore(%arg13 : memref<!tpu.dma_semaphore, #tpu.memory_space<semaphore_mem>>)
    %add3A_50 = arith.constant 30720 : i32
    %add3A_51 = arith.addi %mul3A_2, %add3A_50 : i32
    %dma_start3A_52 = tpu.memref_slice %arg11[%add3A_51] : memref<819208xf32, #tpu.memory_space<vmem_shared>> -> memref<5120xf32, #tpu.memory_space<vmem_shared>>
    %dma_start3A_53 = tpu.memref_slice %arg11[%add3A_51] : memref<819208xf32, #tpu.memory_space<vmem_shared>> -> memref<5120xf32, #tpu.memory_space<vmem_shared>>
    tpu.enqueue_dma source(%arg10 : memref<5120xf32, #tpu.memory_space<vmem>>) target(%dma_start3A_53 : memref<5120xf32, #tpu.memory_space<vmem_shared>>) target_semaphore(%arg13 : memref<!tpu.dma_semaphore, #tpu.memory_space<semaphore_mem>>)
    %add3A_54 = arith.constant 30720 : i32
    %add3A_55 = arith.addi %mul3A_2, %add3A_54 : i32
    %dma_start3A_56 = tpu.memref_slice %arg12[%add3A_55] : memref<819208xf32, #tpu.memory_space<vmem_shared>> -> memref<5120xf32, #tpu.memory_space<vmem_shared>>
    %dma_start3A_57 = tpu.memref_slice %arg12[%add3A_55] : memref<819208xf32, #tpu.memory_space<vmem_shared>> -> memref<5120xf32, #tpu.memory_space<vmem_shared>>
    tpu.enqueue_dma source(%arg10 : memref<5120xf32, #tpu.memory_space<vmem>>) target(%dma_start3A_57 : memref<5120xf32, #tpu.memory_space<vmem_shared>>) target_semaphore(%arg13 : memref<!tpu.dma_semaphore, #tpu.memory_space<semaphore_mem>>)
    %add3A_58 = arith.constant 35840 : i32
    %add3A_59 = arith.addi %mul3A_2, %add3A_58 : i32
    %dma_start3A_60 = tpu.memref_slice %arg11[%add3A_59] : memref<819208xf32, #tpu.memory_space<vmem_shared>> -> memref<5120xf32, #tpu.memory_space<vmem_shared>>
    %dma_start3A_61 = tpu.memref_slice %arg11[%add3A_59] : memref<819208xf32, #tpu.memory_space<vmem_shared>> -> memref<5120xf32, #tpu.memory_space<vmem_shared>>
    tpu.enqueue_dma source(%arg10 : memref<5120xf32, #tpu.memory_space<vmem>>) target(%dma_start3A_61 : memref<5120xf32, #tpu.memory_space<vmem_shared>>) target_semaphore(%arg13 : memref<!tpu.dma_semaphore, #tpu.memory_space<semaphore_mem>>)
    %add3A_62 = arith.constant 35840 : i32
    %add3A_63 = arith.addi %mul3A_2, %add3A_62 : i32
    %dma_start3A_64 = tpu.memref_slice %arg12[%add3A_63] : memref<819208xf32, #tpu.memory_space<vmem_shared>> -> memref<5120xf32, #tpu.memory_space<vmem_shared>>
    %dma_start3A_65 = tpu.memref_slice %arg12[%add3A_63] : memref<819208xf32, #tpu.memory_space<vmem_shared>> -> memref<5120xf32, #tpu.memory_space<vmem_shared>>
    tpu.enqueue_dma source(%arg10 : memref<5120xf32, #tpu.memory_space<vmem>>) target(%dma_start3A_65 : memref<5120xf32, #tpu.memory_space<vmem_shared>>) target_semaphore(%arg13 : memref<!tpu.dma_semaphore, #tpu.memory_space<semaphore_mem>>)
    %add3A_66 = arith.constant 40960 : i32
    %add3A_67 = arith.addi %mul3A_2, %add3A_66 : i32
    %dma_start3A_68 = tpu.memref_slice %arg11[%add3A_67] : memref<819208xf32, #tpu.memory_space<vmem_shared>> -> memref<5120xf32, #tpu.memory_space<vmem_shared>>
    %dma_start3A_69 = tpu.memref_slice %arg11[%add3A_67] : memref<819208xf32, #tpu.memory_space<vmem_shared>> -> memref<5120xf32, #tpu.memory_space<vmem_shared>>
    tpu.enqueue_dma source(%arg10 : memref<5120xf32, #tpu.memory_space<vmem>>) target(%dma_start3A_69 : memref<5120xf32, #tpu.memory_space<vmem_shared>>) target_semaphore(%arg13 : memref<!tpu.dma_semaphore, #tpu.memory_space<semaphore_mem>>)
    %add3A_70 = arith.constant 40960 : i32
    %add3A_71 = arith.addi %mul3A_2, %add3A_70 : i32
    %dma_start3A_72 = tpu.memref_slice %arg12[%add3A_71] : memref<819208xf32, #tpu.memory_space<vmem_shared>> -> memref<5120xf32, #tpu.memory_space<vmem_shared>>
    %dma_start3A_73 = tpu.memref_slice %arg12[%add3A_71] : memref<819208xf32, #tpu.memory_space<vmem_shared>> -> memref<5120xf32, #tpu.memory_space<vmem_shared>>
    tpu.enqueue_dma source(%arg10 : memref<5120xf32, #tpu.memory_space<vmem>>) target(%dma_start3A_73 : memref<5120xf32, #tpu.memory_space<vmem_shared>>) target_semaphore(%arg13 : memref<!tpu.dma_semaphore, #tpu.memory_space<semaphore_mem>>)
    %add3A_74 = arith.constant 46080 : i32
    %add3A_75 = arith.addi %mul3A_2, %add3A_74 : i32
    %dma_start3A_76 = tpu.memref_slice %arg11[%add3A_75] : memref<819208xf32, #tpu.memory_space<vmem_shared>> -> memref<5120xf32, #tpu.memory_space<vmem_shared>>
    %dma_start3A_77 = tpu.memref_slice %arg11[%add3A_75] : memref<819208xf32, #tpu.memory_space<vmem_shared>> -> memref<5120xf32, #tpu.memory_space<vmem_shared>>
    tpu.enqueue_dma source(%arg10 : memref<5120xf32, #tpu.memory_space<vmem>>) target(%dma_start3A_77 : memref<5120xf32, #tpu.memory_space<vmem_shared>>) target_semaphore(%arg13 : memref<!tpu.dma_semaphore, #tpu.memory_space<semaphore_mem>>)
    %add3A_78 = arith.constant 46080 : i32
    %add3A_79 = arith.addi %mul3A_2, %add3A_78 : i32
    %dma_start3A_80 = tpu.memref_slice %arg12[%add3A_79] : memref<819208xf32, #tpu.memory_space<vmem_shared>> -> memref<5120xf32, #tpu.memory_space<vmem_shared>>
    %dma_start3A_81 = tpu.memref_slice %arg12[%add3A_79] : memref<819208xf32, #tpu.memory_space<vmem_shared>> -> memref<5120xf32, #tpu.memory_space<vmem_shared>>
    tpu.enqueue_dma source(%arg10 : memref<5120xf32, #tpu.memory_space<vmem>>) target(%dma_start3A_81 : memref<5120xf32, #tpu.memory_space<vmem_shared>>) target_semaphore(%arg13 : memref<!tpu.dma_semaphore, #tpu.memory_space<semaphore_mem>>)
    %dma_wait3A = tpu.memref_slice %arg11[%add3A_4] : memref<819208xf32, #tpu.memory_space<vmem_shared>> -> memref<5120xf32, #tpu.memory_space<vmem_shared>>
    %dma_wait3A_82 = tpu.memref_slice %arg11[%add3A_4] : memref<819208xf32, #tpu.memory_space<vmem_shared>> -> memref<5120xf32, #tpu.memory_space<vmem_shared>>
    tpu.wait_dma2 semaphore(%arg13 : memref<!tpu.dma_semaphore, #tpu.memory_space<semaphore_mem>>) src(%arg10 : memref<5120xf32, #tpu.memory_space<vmem>>) dst(%dma_wait3A_82 : memref<5120xf32, #tpu.memory_space<vmem_shared>>)
    %dma_wait3A_83 = tpu.memref_slice %arg12[%add3A_7] : memref<819208xf32, #tpu.memory_space<vmem_shared>> -> memref<5120xf32, #tpu.memory_space<vmem_shared>>
    %dma_wait3A_84 = tpu.memref_slice %arg12[%add3A_7] : memref<819208xf32, #tpu.memory_space<vmem_shared>> -> memref<5120xf32, #tpu.memory_space<vmem_shared>>
    tpu.wait_dma2 semaphore(%arg13 : memref<!tpu.dma_semaphore, #tpu.memory_space<semaphore_mem>>) src(%arg10 : memref<5120xf32, #tpu.memory_space<vmem>>) dst(%dma_wait3A_84 : memref<5120xf32, #tpu.memory_space<vmem_shared>>)
    %dma_wait3A_85 = tpu.memref_slice %arg11[%add3A_11] : memref<819208xf32, #tpu.memory_space<vmem_shared>> -> memref<5120xf32, #tpu.memory_space<vmem_shared>>
    %dma_wait3A_86 = tpu.memref_slice %arg11[%add3A_11] : memref<819208xf32, #tpu.memory_space<vmem_shared>> -> memref<5120xf32, #tpu.memory_space<vmem_shared>>
    tpu.wait_dma2 semaphore(%arg13 : memref<!tpu.dma_semaphore, #tpu.memory_space<semaphore_mem>>) src(%arg10 : memref<5120xf32, #tpu.memory_space<vmem>>) dst(%dma_wait3A_86 : memref<5120xf32, #tpu.memory_space<vmem_shared>>)
    %dma_wait3A_87 = tpu.memref_slice %arg12[%add3A_15] : memref<819208xf32, #tpu.memory_space<vmem_shared>> -> memref<5120xf32, #tpu.memory_space<vmem_shared>>
    %dma_wait3A_88 = tpu.memref_slice %arg12[%add3A_15] : memref<819208xf32, #tpu.memory_space<vmem_shared>> -> memref<5120xf32, #tpu.memory_space<vmem_shared>>
    tpu.wait_dma2 semaphore(%arg13 : memref<!tpu.dma_semaphore, #tpu.memory_space<semaphore_mem>>) src(%arg10 : memref<5120xf32, #tpu.memory_space<vmem>>) dst(%dma_wait3A_88 : memref<5120xf32, #tpu.memory_space<vmem_shared>>)
    %dma_wait3A_89 = tpu.memref_slice %arg11[%add3A_19] : memref<819208xf32, #tpu.memory_space<vmem_shared>> -> memref<5120xf32, #tpu.memory_space<vmem_shared>>
    %dma_wait3A_90 = tpu.memref_slice %arg11[%add3A_19] : memref<819208xf32, #tpu.memory_space<vmem_shared>> -> memref<5120xf32, #tpu.memory_space<vmem_shared>>
    tpu.wait_dma2 semaphore(%arg13 : memref<!tpu.dma_semaphore, #tpu.memory_space<semaphore_mem>>) src(%arg10 : memref<5120xf32, #tpu.memory_space<vmem>>) dst(%dma_wait3A_90 : memref<5120xf32, #tpu.memory_space<vmem_shared>>)
    %dma_wait3A_91 = tpu.memref_slice %arg12[%add3A_23] : memref<819208xf32, #tpu.memory_space<vmem_shared>> -> memref<5120xf32, #tpu.memory_space<vmem_shared>>
    %dma_wait3A_92 = tpu.memref_slice %arg12[%add3A_23] : memref<819208xf32, #tpu.memory_space<vmem_shared>> -> memref<5120xf32, #tpu.memory_space<vmem_shared>>
    tpu.wait_dma2 semaphore(%arg13 : memref<!tpu.dma_semaphore, #tpu.memory_space<semaphore_mem>>) src(%arg10 : memref<5120xf32, #tpu.memory_space<vmem>>) dst(%dma_wait3A_92 : memref<5120xf32, #tpu.memory_space<vmem_shared>>)
    %dma_wait3A_93 = tpu.memref_slice %arg11[%add3A_27] : memref<819208xf32, #tpu.memory_space<vmem_shared>> -> memref<5120xf32, #tpu.memory_space<vmem_shared>>
    %dma_wait3A_94 = tpu.memref_slice %arg11[%add3A_27] : memref<819208xf32, #tpu.memory_space<vmem_shared>> -> memref<5120xf32, #tpu.memory_space<vmem_shared>>
    tpu.wait_dma2 semaphore(%arg13 : memref<!tpu.dma_semaphore, #tpu.memory_space<semaphore_mem>>) src(%arg10 : memref<5120xf32, #tpu.memory_space<vmem>>) dst(%dma_wait3A_94 : memref<5120xf32, #tpu.memory_space<vmem_shared>>)
    %dma_wait3A_95 = tpu.memref_slice %arg12[%add3A_31] : memref<819208xf32, #tpu.memory_space<vmem_shared>> -> memref<5120xf32, #tpu.memory_space<vmem_shared>>
    %dma_wait3A_96 = tpu.memref_slice %arg12[%add3A_31] : memref<819208xf32, #tpu.memory_space<vmem_shared>> -> memref<5120xf32, #tpu.memory_space<vmem_shared>>
    tpu.wait_dma2 semaphore(%arg13 : memref<!tpu.dma_semaphore, #tpu.memory_space<semaphore_mem>>) src(%arg10 : memref<5120xf32, #tpu.memory_space<vmem>>) dst(%dma_wait3A_96 : memref<5120xf32, #tpu.memory_space<vmem_shared>>)
    %dma_wait3A_97 = tpu.memref_slice %arg11[%add3A_35] : memref<819208xf32, #tpu.memory_space<vmem_shared>> -> memref<5120xf32, #tpu.memory_space<vmem_shared>>
    %dma_wait3A_98 = tpu.memref_slice %arg11[%add3A_35] : memref<819208xf32, #tpu.memory_space<vmem_shared>> -> memref<5120xf32, #tpu.memory_space<vmem_shared>>
    tpu.wait_dma2 semaphore(%arg13 : memref<!tpu.dma_semaphore, #tpu.memory_space<semaphore_mem>>) src(%arg10 : memref<5120xf32, #tpu.memory_space<vmem>>) dst(%dma_wait3A_98 : memref<5120xf32, #tpu.memory_space<vmem_shared>>)
    %dma_wait3A_99 = tpu.memref_slice %arg12[%add3A_39] : memref<819208xf32, #tpu.memory_space<vmem_shared>> -> memref<5120xf32, #tpu.memory_space<vmem_shared>>
    %dma_wait3A_100 = tpu.memref_slice %arg12[%add3A_39] : memref<819208xf32, #tpu.memory_space<vmem_shared>> -> memref<5120xf32, #tpu.memory_space<vmem_shared>>
    tpu.wait_dma2 semaphore(%arg13 : memref<!tpu.dma_semaphore, #tpu.memory_space<semaphore_mem>>) src(%arg10 : memref<5120xf32, #tpu.memory_space<vmem>>) dst(%dma_wait3A_100 : memref<5120xf32, #tpu.memory_space<vmem_shared>>)
    %dma_wait3A_101 = tpu.memref_slice %arg11[%add3A_43] : memref<819208xf32, #tpu.memory_space<vmem_shared>> -> memref<5120xf32, #tpu.memory_space<vmem_shared>>
    %dma_wait3A_102 = tpu.memref_slice %arg11[%add3A_43] : memref<819208xf32, #tpu.memory_space<vmem_shared>> -> memref<5120xf32, #tpu.memory_space<vmem_shared>>
    tpu.wait_dma2 semaphore(%arg13 : memref<!tpu.dma_semaphore, #tpu.memory_space<semaphore_mem>>) src(%arg10 : memref<5120xf32, #tpu.memory_space<vmem>>) dst(%dma_wait3A_102 : memref<5120xf32, #tpu.memory_space<vmem_shared>>)
    %dma_wait3A_103 = tpu.memref_slice %arg12[%add3A_47] : memref<819208xf32, #tpu.memory_space<vmem_shared>> -> memref<5120xf32, #tpu.memory_space<vmem_shared>>
    %dma_wait3A_104 = tpu.memref_slice %arg12[%add3A_47] : memref<819208xf32, #tpu.memory_space<vmem_shared>> -> memref<5120xf32, #tpu.memory_space<vmem_shared>>
    tpu.wait_dma2 semaphore(%arg13 : memref<!tpu.dma_semaphore, #tpu.memory_space<semaphore_mem>>) src(%arg10 : memref<5120xf32, #tpu.memory_space<vmem>>) dst(%dma_wait3A_104 : memref<5120xf32, #tpu.memory_space<vmem_shared>>)
    %dma_wait3A_105 = tpu.memref_slice %arg11[%add3A_51] : memref<819208xf32, #tpu.memory_space<vmem_shared>> -> memref<5120xf32, #tpu.memory_space<vmem_shared>>
    %dma_wait3A_106 = tpu.memref_slice %arg11[%add3A_51] : memref<819208xf32, #tpu.memory_space<vmem_shared>> -> memref<5120xf32, #tpu.memory_space<vmem_shared>>
    tpu.wait_dma2 semaphore(%arg13 : memref<!tpu.dma_semaphore, #tpu.memory_space<semaphore_mem>>) src(%arg10 : memref<5120xf32, #tpu.memory_space<vmem>>) dst(%dma_wait3A_106 : memref<5120xf32, #tpu.memory_space<vmem_shared>>)
    %dma_wait3A_107 = tpu.memref_slice %arg12[%add3A_55] : memref<819208xf32, #tpu.memory_space<vmem_shared>> -> memref<5120xf32, #tpu.memory_space<vmem_shared>>
    %dma_wait3A_108 = tpu.memref_slice %arg12[%add3A_55] : memref<819208xf32, #tpu.memory_space<vmem_shared>> -> memref<5120xf32, #tpu.memory_space<vmem_shared>>
    tpu.wait_dma2 semaphore(%arg13 : memref<!tpu.dma_semaphore, #tpu.memory_space<semaphore_mem>>) src(%arg10 : memref<5120xf32, #tpu.memory_space<vmem>>) dst(%dma_wait3A_108 : memref<5120xf32, #tpu.memory_space<vmem_shared>>)
    %dma_wait3A_109 = tpu.memref_slice %arg11[%add3A_59] : memref<819208xf32, #tpu.memory_space<vmem_shared>> -> memref<5120xf32, #tpu.memory_space<vmem_shared>>
    %dma_wait3A_110 = tpu.memref_slice %arg11[%add3A_59] : memref<819208xf32, #tpu.memory_space<vmem_shared>> -> memref<5120xf32, #tpu.memory_space<vmem_shared>>
    tpu.wait_dma2 semaphore(%arg13 : memref<!tpu.dma_semaphore, #tpu.memory_space<semaphore_mem>>) src(%arg10 : memref<5120xf32, #tpu.memory_space<vmem>>) dst(%dma_wait3A_110 : memref<5120xf32, #tpu.memory_space<vmem_shared>>)
    %dma_wait3A_111 = tpu.memref_slice %arg12[%add3A_63] : memref<819208xf32, #tpu.memory_space<vmem_shared>> -> memref<5120xf32, #tpu.memory_space<vmem_shared>>
    %dma_wait3A_112 = tpu.memref_slice %arg12[%add3A_63] : memref<819208xf32, #tpu.memory_space<vmem_shared>> -> memref<5120xf32, #tpu.memory_space<vmem_shared>>
    tpu.wait_dma2 semaphore(%arg13 : memref<!tpu.dma_semaphore, #tpu.memory_space<semaphore_mem>>) src(%arg10 : memref<5120xf32, #tpu.memory_space<vmem>>) dst(%dma_wait3A_112 : memref<5120xf32, #tpu.memory_space<vmem_shared>>)
    %dma_wait3A_113 = tpu.memref_slice %arg11[%add3A_67] : memref<819208xf32, #tpu.memory_space<vmem_shared>> -> memref<5120xf32, #tpu.memory_space<vmem_shared>>
    %dma_wait3A_114 = tpu.memref_slice %arg11[%add3A_67] : memref<819208xf32, #tpu.memory_space<vmem_shared>> -> memref<5120xf32, #tpu.memory_space<vmem_shared>>
    tpu.wait_dma2 semaphore(%arg13 : memref<!tpu.dma_semaphore, #tpu.memory_space<semaphore_mem>>) src(%arg10 : memref<5120xf32, #tpu.memory_space<vmem>>) dst(%dma_wait3A_114 : memref<5120xf32, #tpu.memory_space<vmem_shared>>)
    %dma_wait3A_115 = tpu.memref_slice %arg12[%add3A_71] : memref<819208xf32, #tpu.memory_space<vmem_shared>> -> memref<5120xf32, #tpu.memory_space<vmem_shared>>
    %dma_wait3A_116 = tpu.memref_slice %arg12[%add3A_71] : memref<819208xf32, #tpu.memory_space<vmem_shared>> -> memref<5120xf32, #tpu.memory_space<vmem_shared>>
    tpu.wait_dma2 semaphore(%arg13 : memref<!tpu.dma_semaphore, #tpu.memory_space<semaphore_mem>>) src(%arg10 : memref<5120xf32, #tpu.memory_space<vmem>>) dst(%dma_wait3A_116 : memref<5120xf32, #tpu.memory_space<vmem_shared>>)
    %dma_wait3A_117 = tpu.memref_slice %arg11[%add3A_75] : memref<819208xf32, #tpu.memory_space<vmem_shared>> -> memref<5120xf32, #tpu.memory_space<vmem_shared>>
    %dma_wait3A_118 = tpu.memref_slice %arg11[%add3A_75] : memref<819208xf32, #tpu.memory_space<vmem_shared>> -> memref<5120xf32, #tpu.memory_space<vmem_shared>>
    tpu.wait_dma2 semaphore(%arg13 : memref<!tpu.dma_semaphore, #tpu.memory_space<semaphore_mem>>) src(%arg10 : memref<5120xf32, #tpu.memory_space<vmem>>) dst(%dma_wait3A_118 : memref<5120xf32, #tpu.memory_space<vmem_shared>>)
    %dma_wait3A_119 = tpu.memref_slice %arg12[%add3A_79] : memref<819208xf32, #tpu.memory_space<vmem_shared>> -> memref<5120xf32, #tpu.memory_space<vmem_shared>>
    %dma_wait3A_120 = tpu.memref_slice %arg12[%add3A_79] : memref<819208xf32, #tpu.memory_space<vmem_shared>> -> memref<5120xf32, #tpu.memory_space<vmem_shared>>
    tpu.wait_dma2 semaphore(%arg13 : memref<!tpu.dma_semaphore, #tpu.memory_space<semaphore_mem>>) src(%arg10 : memref<5120xf32, #tpu.memory_space<vmem>>) dst(%dma_wait3A_120 : memref<5120xf32, #tpu.memory_space<vmem_shared>>)
    "tpu.region"() ({
      %run_scoped3A = tpu.sem_alloc : memref<!tpu.dma_semaphore, #tpu.memory_space<semaphore_mem>>
      %dma_start3A_1533 = arith.constant 0 : i32
      %dma_start3A_1534 = arith.constant 0 : i32
      %dma_start3A_1535 = tpu.memref_slice %arg2[%add3A, %dma_start3A_1533, %dma_start3A_1534] : memref<32x40x128xi32, #tpu.memory_space<hbm>> -> memref<1x40x128xi32, #tpu.memory_space<hbm>>
      %dma_start3A_1536 = tpu.memref_squeeze %dma_start3A_1535 : memref<1x40x128xi32, #tpu.memory_space<hbm>> -> memref<40x128xi32, #tpu.memory_space<hbm>>
      %dma_start3A_1537 = arith.constant 0 : i32
      %dma_start3A_1538 = arith.constant 0 : i32
      %dma_start3A_1539 = tpu.memref_slice %arg2[%add3A, %dma_start3A_1537, %dma_start3A_1538] : memref<32x40x128xi32, #tpu.memory_space<hbm>> -> memref<1x40x128xi32, #tpu.memory_space<hbm>>
      %dma_start3A_1540 = tpu.memref_squeeze %dma_start3A_1539 : memref<1x40x128xi32, #tpu.memory_space<hbm>> -> memref<40x128xi32, #tpu.memory_space<hbm>>
      tpu.enqueue_dma source(%dma_start3A_1540 : memref<40x128xi32, #tpu.memory_space<hbm>>) target(%arg7 : memref<40x128xi32, #tpu.memory_space<vmem>>) target_semaphore(%run_scoped3A : memref<!tpu.dma_semaphore, #tpu.memory_space<semaphore_mem>>)
      %dma_wait3A_1541 = arith.constant 0 : i32
      %dma_wait3A_1542 = arith.constant 0 : i32
      %dma_wait3A_1543 = tpu.memref_slice %arg2[%add3A, %dma_wait3A_1541, %dma_wait3A_1542] : memref<32x40x128xi32, #tpu.memory_space<hbm>> -> memref<1x40x128xi32, #tpu.memory_space<hbm>>
      %dma_wait3A_1544 = tpu.memref_squeeze %dma_wait3A_1543 : memref<1x40x128xi32, #tpu.memory_space<hbm>> -> memref<40x128xi32, #tpu.memory_space<hbm>>
      %dma_wait3A_1545 = arith.constant 0 : i32
      %dma_wait3A_1546 = arith.constant 0 : i32
      %dma_wait3A_1547 = tpu.memref_slice %arg2[%add3A, %dma_wait3A_1545, %dma_wait3A_1546] : memref<32x40x128xi32, #tpu.memory_space<hbm>> -> memref<1x40x128xi32, #tpu.memory_space<hbm>>
      %dma_wait3A_1548 = tpu.memref_squeeze %dma_wait3A_1547 : memref<1x40x128xi32, #tpu.memory_space<hbm>> -> memref<40x128xi32, #tpu.memory_space<hbm>>
      tpu.wait_dma2 semaphore(%run_scoped3A : memref<!tpu.dma_semaphore, #tpu.memory_space<semaphore_mem>>) src(%dma_wait3A_1548 : memref<40x128xi32, #tpu.memory_space<hbm>>) dst(%arg7 : memref<40x128xi32, #tpu.memory_space<vmem>>)
      tpu.yield
    }) : () -> ()
    "tpu.region"() ({
      %run_scoped3A = tpu.sem_alloc : memref<!tpu.dma_semaphore, #tpu.memory_space<semaphore_mem>>
      %dma_start3A_1533 = arith.constant 0 : i32
      %dma_start3A_1534 = arith.constant 0 : i32
      %dma_start3A_1535 = tpu.memref_slice %arg3[%add3A, %dma_start3A_1533, %dma_start3A_1534] : memref<32x40x128xf32, #tpu.memory_space<hbm>> -> memref<1x40x128xf32, #tpu.memory_space<hbm>>
      %dma_start3A_1536 = tpu.memref_squeeze %dma_start3A_1535 : memref<1x40x128xf32, #tpu.memory_space<hbm>> -> memref<40x128xf32, #tpu.memory_space<hbm>>
      %dma_start3A_1537 = arith.constant 0 : i32
      %dma_start3A_1538 = arith.constant 0 : i32
      %dma_start3A_1539 = tpu.memref_slice %arg3[%add3A, %dma_start3A_1537, %dma_start3A_1538] : memref<32x40x128xf32, #tpu.memory_space<hbm>> -> memref<1x40x128xf32, #tpu.memory_space<hbm>>
      %dma_start3A_1540 = tpu.memref_squeeze %dma_start3A_1539 : memref<1x40x128xf32, #tpu.memory_space<hbm>> -> memref<40x128xf32, #tpu.memory_space<hbm>>
      tpu.enqueue_dma source(%dma_start3A_1540 : memref<40x128xf32, #tpu.memory_space<hbm>>) target(%arg8 : memref<40x128xf32, #tpu.memory_space<vmem>>) target_semaphore(%run_scoped3A : memref<!tpu.dma_semaphore, #tpu.memory_space<semaphore_mem>>)
      %dma_wait3A_1541 = arith.constant 0 : i32
      %dma_wait3A_1542 = arith.constant 0 : i32
      %dma_wait3A_1543 = tpu.memref_slice %arg3[%add3A, %dma_wait3A_1541, %dma_wait3A_1542] : memref<32x40x128xf32, #tpu.memory_space<hbm>> -> memref<1x40x128xf32, #tpu.memory_space<hbm>>
      %dma_wait3A_1544 = tpu.memref_squeeze %dma_wait3A_1543 : memref<1x40x128xf32, #tpu.memory_space<hbm>> -> memref<40x128xf32, #tpu.memory_space<hbm>>
      %dma_wait3A_1545 = arith.constant 0 : i32
      %dma_wait3A_1546 = arith.constant 0 : i32
      %dma_wait3A_1547 = tpu.memref_slice %arg3[%add3A, %dma_wait3A_1545, %dma_wait3A_1546] : memref<32x40x128xf32, #tpu.memory_space<hbm>> -> memref<1x40x128xf32, #tpu.memory_space<hbm>>
      %dma_wait3A_1548 = tpu.memref_squeeze %dma_wait3A_1547 : memref<1x40x128xf32, #tpu.memory_space<hbm>> -> memref<40x128xf32, #tpu.memory_space<hbm>>
      tpu.wait_dma2 semaphore(%run_scoped3A : memref<!tpu.dma_semaphore, #tpu.memory_space<semaphore_mem>>) src(%dma_wait3A_1548 : memref<40x128xf32, #tpu.memory_space<hbm>>) dst(%arg8 : memref<40x128xf32, #tpu.memory_space<vmem>>)
      tpu.yield
    }) : () -> ()
    %broadcast_in_dim3A = arith.constant 1.000000e+00 : f32
    %broadcast_in_dim3A_121 = vector.broadcast %broadcast_in_dim3A : f32 to vector<16xf32>
    %swap3A = arith.constant 0 : index
    %swap3A_122 = tpu.vector_load %arg9[%swap3A] {strides = array<i32>} : memref<128xf32, #tpu.memory_space<vmem>>, vector<16xf32>,
    %swap3A_123 = vector.shape_cast %swap3A_122 : vector<16xf32> to vector<16xf32>
    %swap3A_124 = vector.shape_cast %broadcast_in_dim3A_121 : vector<16xf32> to vector<16xf32>
    tpu.vector_store %arg9[%swap3A], %swap3A_124 {strides = array<i32>} : memref<128xf32, #tpu.memory_space<vmem>>, vector<16xf32>,
    %broadcast_in_dim3A_125 = arith.constant 1.000000e+00 : f32
    %broadcast_in_dim3A_126 = vector.broadcast %broadcast_in_dim3A_125 : f32 to vector<16xf32>
    %swap3A_127 = arith.constant 16 : index
    %swap3A_128 = tpu.vector_load %arg9[%swap3A_127] {strides = array<i32>} : memref<128xf32, #tpu.memory_space<vmem>>, vector<16xf32>,
    %swap3A_129 = vector.shape_cast %swap3A_128 : vector<16xf32> to vector<16xf32>
    %swap3A_130 = vector.shape_cast %broadcast_in_dim3A_126 : vector<16xf32> to vector<16xf32>
    tpu.vector_store %arg9[%swap3A_127], %swap3A_130 {strides = array<i32>} : memref<128xf32, #tpu.memory_space<vmem>>, vector<16xf32>,
    %broadcast_in_dim3A_131 = arith.constant 1.000000e+00 : f32
    %broadcast_in_dim3A_132 = vector.broadcast %broadcast_in_dim3A_131 : f32 to vector<16xf32>
    %swap3A_133 = arith.constant 32 : index
    %swap3A_134 = tpu.vector_load %arg9[%swap3A_133] {strides = array<i32>} : memref<128xf32, #tpu.memory_space<vmem>>, vector<16xf32>,
    %swap3A_135 = vector.shape_cast %swap3A_134 : vector<16xf32> to vector<16xf32>
    %swap3A_136 = vector.shape_cast %broadcast_in_dim3A_132 : vector<16xf32> to vector<16xf32>
    tpu.vector_store %arg9[%swap3A_133], %swap3A_136 {strides = array<i32>} : memref<128xf32, #tpu.memory_space<vmem>>, vector<16xf32>,
    %broadcast_in_dim3A_137 = arith.constant 1.000000e+00 : f32
    %broadcast_in_dim3A_138 = vector.broadcast %broadcast_in_dim3A_137 : f32 to vector<16xf32>
    %swap3A_139 = arith.constant 48 : index
    %swap3A_140 = tpu.vector_load %arg9[%swap3A_139] {strides = array<i32>} : memref<128xf32, #tpu.memory_space<vmem>>, vector<16xf32>,
    %swap3A_141 = vector.shape_cast %swap3A_140 : vector<16xf32> to vector<16xf32>
    %swap3A_142 = vector.shape_cast %broadcast_in_dim3A_138 : vector<16xf32> to vector<16xf32>
    tpu.vector_store %arg9[%swap3A_139], %swap3A_142 {strides = array<i32>} : memref<128xf32, #tpu.memory_space<vmem>>, vector<16xf32>,
    %broadcast_in_dim3A_143 = arith.constant 1.000000e+00 : f32
    %broadcast_in_dim3A_144 = vector.broadcast %broadcast_in_dim3A_143 : f32 to vector<16xf32>
    %swap3A_145 = arith.constant 64 : index
    %swap3A_146 = tpu.vector_load %arg9[%swap3A_145] {strides = array<i32>} : memref<128xf32, #tpu.memory_space<vmem>>, vector<16xf32>,
    %swap3A_147 = vector.shape_cast %swap3A_146 : vector<16xf32> to vector<16xf32>
    %swap3A_148 = vector.shape_cast %broadcast_in_dim3A_144 : vector<16xf32> to vector<16xf32>
    tpu.vector_store %arg9[%swap3A_145], %swap3A_148 {strides = array<i32>} : memref<128xf32, #tpu.memory_space<vmem>>, vector<16xf32>,
    %broadcast_in_dim3A_149 = arith.constant 1.000000e+00 : f32
    %broadcast_in_dim3A_150 = vector.broadcast %broadcast_in_dim3A_149 : f32 to vector<16xf32>
    %swap3A_151 = arith.constant 80 : index
    %swap3A_152 = tpu.vector_load %arg9[%swap3A_151] {strides = array<i32>} : memref<128xf32, #tpu.memory_space<vmem>>, vector<16xf32>,
    %swap3A_153 = vector.shape_cast %swap3A_152 : vector<16xf32> to vector<16xf32>
    %swap3A_154 = vector.shape_cast %broadcast_in_dim3A_150 : vector<16xf32> to vector<16xf32>
    tpu.vector_store %arg9[%swap3A_151], %swap3A_154 {strides = array<i32>} : memref<128xf32, #tpu.memory_space<vmem>>, vector<16xf32>,
    %broadcast_in_dim3A_155 = arith.constant 1.000000e+00 : f32
    %broadcast_in_dim3A_156 = vector.broadcast %broadcast_in_dim3A_155 : f32 to vector<16xf32>
    %swap3A_157 = arith.constant 96 : index
    %swap3A_158 = tpu.vector_load %arg9[%swap3A_157] {strides = array<i32>} : memref<128xf32, #tpu.memory_space<vmem>>, vector<16xf32>,
    %swap3A_159 = vector.shape_cast %swap3A_158 : vector<16xf32> to vector<16xf32>
    %swap3A_160 = vector.shape_cast %broadcast_in_dim3A_156 : vector<16xf32> to vector<16xf32>
    tpu.vector_store %arg9[%swap3A_157], %swap3A_160 {strides = array<i32>} : memref<128xf32, #tpu.memory_space<vmem>>, vector<16xf32>,
    %broadcast_in_dim3A_161 = arith.constant 1.000000e+00 : f32
    %broadcast_in_dim3A_162 = vector.broadcast %broadcast_in_dim3A_161 : f32 to vector<16xf32>
    %swap3A_163 = arith.constant 112 : index
    %swap3A_164 = tpu.vector_load %arg9[%swap3A_163] {strides = array<i32>} : memref<128xf32, #tpu.memory_space<vmem>>, vector<16xf32>,
    %swap3A_165 = vector.shape_cast %swap3A_164 : vector<16xf32> to vector<16xf32>
    %swap3A_166 = vector.shape_cast %broadcast_in_dim3A_162 : vector<16xf32> to vector<16xf32>
    tpu.vector_store %arg9[%swap3A_163], %swap3A_166 {strides = array<i32>} : memref<128xf32, #tpu.memory_space<vmem>>, vector<16xf32>,
    %eq3A = arith.constant 1 : i32
    %eq3A_167 = arith.cmpi eq, %arg0, %eq3A : i32
    %convert_element_type3A = arith.extui %eq3A_167 : i1 to i32
    %cond3A = arith.constant 0 : i32
    %cond3A_168 = arith.cmpi ne, %convert_element_type3A, %cond3A : i32
    scf.if %cond3A_168 {
      %scan3A = arith.constant 0 : i32
      %scan3A_1533 = arith.constant 0 : i32
      %scan3A_1534 = arith.constant 40 : i32
      %scan3A_1535 = arith.addi %scan3A_1533, %scan3A_1534 : i32
      %scan3A_1536 = arith.constant 1 : i32
      scf.for %scan3A_1538 = %scan3A_1533 to %scan3A_1535 step %scan3A_1536  : i32 {
        %get3A = arith.index_cast %scan3A_1538 : i32 to index
        %get3A_1539 = arith.constant 0 : index
        %get3A_1540 = tpu.vector_load %arg7[%get3A, %get3A_1539] {strides = array<i32>} : memref<40x128xi32, #tpu.memory_space<vmem>>, vector<1x16xi32>,
        %get3A_1541 = vector.shape_cast %get3A_1540 : vector<1x16xi32> to vector<16xi32>
        %sub3A = arith.constant 819200 : i32
        %sub3A_1542 = vector.broadcast %sub3A : i32 to vector<16xi32>
        %sub3A_1543 = arith.subi %get3A_1541, %sub3A_1542 : vector<16xi32>
        %swap3A_1544 = arith.index_cast %scan3A_1538 : i32 to index
        %swap3A_1545 = arith.constant 0 : index
        %swap3A_1546 = tpu.vector_load %arg7[%swap3A_1544, %swap3A_1545] {strides = array<i32>} : memref<40x128xi32, #tpu.memory_space<vmem>>, vector<1x16xi32>,
        %swap3A_1547 = vector.shape_cast %swap3A_1546 : vector<1x16xi32> to vector<16xi32>
        %swap3A_1548 = vector.shape_cast %sub3A_1543 : vector<16xi32> to vector<1x16xi32>
        tpu.vector_store %arg7[%swap3A_1544, %swap3A_1545], %swap3A_1548 {strides = array<i32>} : memref<40x128xi32, #tpu.memory_space<vmem>>, vector<1x16xi32>,
        %get3A_1549 = arith.index_cast %scan3A_1538 : i32 to index
        %get3A_1550 = arith.constant 16 : index
        %get3A_1551 = tpu.vector_load %arg7[%get3A_1549, %get3A_1550] {strides = array<i32>} : memref<40x128xi32, #tpu.memory_space<vmem>>, vector<1x16xi32>,
        %get3A_1552 = vector.shape_cast %get3A_1551 : vector<1x16xi32> to vector<16xi32>
        %sub3A_1553 = arith.constant 819200 : i32
        %sub3A_1554 = vector.broadcast %sub3A_1553 : i32 to vector<16xi32>
        %sub3A_1555 = arith.subi %get3A_1552, %sub3A_1554 : vector<16xi32>
        %swap3A_1556 = arith.index_cast %scan3A_1538 : i32 to index
        %swap3A_1557 = arith.constant 16 : index
        %swap3A_1558 = tpu.vector_load %arg7[%swap3A_1556, %swap3A_1557] {strides = array<i32>} : memref<40x128xi32, #tpu.memory_space<vmem>>, vector<1x16xi32>,
        %swap3A_1559 = vector.shape_cast %swap3A_1558 : vector<1x16xi32> to vector<16xi32>
        %swap3A_1560 = vector.shape_cast %sub3A_1555 : vector<16xi32> to vector<1x16xi32>
        tpu.vector_store %arg7[%swap3A_1556, %swap3A_1557], %swap3A_1560 {strides = array<i32>} : memref<40x128xi32, #tpu.memory_space<vmem>>, vector<1x16xi32>,
        %get3A_1561 = arith.index_cast %scan3A_1538 : i32 to index
        %get3A_1562 = arith.constant 32 : index
        %get3A_1563 = tpu.vector_load %arg7[%get3A_1561, %get3A_1562] {strides = array<i32>} : memref<40x128xi32, #tpu.memory_space<vmem>>, vector<1x16xi32>,
        %get3A_1564 = vector.shape_cast %get3A_1563 : vector<1x16xi32> to vector<16xi32>
        %sub3A_1565 = arith.constant 819200 : i32
        %sub3A_1566 = vector.broadcast %sub3A_1565 : i32 to vector<16xi32>
        %sub3A_1567 = arith.subi %get3A_1564, %sub3A_1566 : vector<16xi32>
        %swap3A_1568 = arith.index_cast %scan3A_1538 : i32 to index
        %swap3A_1569 = arith.constant 32 : index
        %swap3A_1570 = tpu.vector_load %arg7[%swap3A_1568, %swap3A_1569] {strides = array<i32>} : memref<40x128xi32, #tpu.memory_space<vmem>>, vector<1x16xi32>,
        %swap3A_1571 = vector.shape_cast %swap3A_1570 : vector<1x16xi32> to vector<16xi32>
        %swap3A_1572 = vector.shape_cast %sub3A_1567 : vector<16xi32> to vector<1x16xi32>
        tpu.vector_store %arg7[%swap3A_1568, %swap3A_1569], %swap3A_1572 {strides = array<i32>} : memref<40x128xi32, #tpu.memory_space<vmem>>, vector<1x16xi32>,
        %get3A_1573 = arith.index_cast %scan3A_1538 : i32 to index
        %get3A_1574 = arith.constant 48 : index
        %get3A_1575 = tpu.vector_load %arg7[%get3A_1573, %get3A_1574] {strides = array<i32>} : memref<40x128xi32, #tpu.memory_space<vmem>>, vector<1x16xi32>,
        %get3A_1576 = vector.shape_cast %get3A_1575 : vector<1x16xi32> to vector<16xi32>
        %sub3A_1577 = arith.constant 819200 : i32
        %sub3A_1578 = vector.broadcast %sub3A_1577 : i32 to vector<16xi32>
        %sub3A_1579 = arith.subi %get3A_1576, %sub3A_1578 : vector<16xi32>
        %swap3A_1580 = arith.index_cast %scan3A_1538 : i32 to index
        %swap3A_1581 = arith.constant 48 : index
        %swap3A_1582 = tpu.vector_load %arg7[%swap3A_1580, %swap3A_1581] {strides = array<i32>} : memref<40x128xi32, #tpu.memory_space<vmem>>, vector<1x16xi32>,
        %swap3A_1583 = vector.shape_cast %swap3A_1582 : vector<1x16xi32> to vector<16xi32>
        %swap3A_1584 = vector.shape_cast %sub3A_1579 : vector<16xi32> to vector<1x16xi32>
        tpu.vector_store %arg7[%swap3A_1580, %swap3A_1581], %swap3A_1584 {strides = array<i32>} : memref<40x128xi32, #tpu.memory_space<vmem>>, vector<1x16xi32>,
        %get3A_1585 = arith.index_cast %scan3A_1538 : i32 to index
        %get3A_1586 = arith.constant 64 : index
        %get3A_1587 = tpu.vector_load %arg7[%get3A_1585, %get3A_1586] {strides = array<i32>} : memref<40x128xi32, #tpu.memory_space<vmem>>, vector<1x16xi32>,
        %get3A_1588 = vector.shape_cast %get3A_1587 : vector<1x16xi32> to vector<16xi32>
        %sub3A_1589 = arith.constant 819200 : i32
        %sub3A_1590 = vector.broadcast %sub3A_1589 : i32 to vector<16xi32>
        %sub3A_1591 = arith.subi %get3A_1588, %sub3A_1590 : vector<16xi32>
        %swap3A_1592 = arith.index_cast %scan3A_1538 : i32 to index
        %swap3A_1593 = arith.constant 64 : index
        %swap3A_1594 = tpu.vector_load %arg7[%swap3A_1592, %swap3A_1593] {strides = array<i32>} : memref<40x128xi32, #tpu.memory_space<vmem>>, vector<1x16xi32>,
        %swap3A_1595 = vector.shape_cast %swap3A_1594 : vector<1x16xi32> to vector<16xi32>
        %swap3A_1596 = vector.shape_cast %sub3A_1591 : vector<16xi32> to vector<1x16xi32>
        tpu.vector_store %arg7[%swap3A_1592, %swap3A_1593], %swap3A_1596 {strides = array<i32>} : memref<40x128xi32, #tpu.memory_space<vmem>>, vector<1x16xi32>,
        %get3A_1597 = arith.index_cast %scan3A_1538 : i32 to index
        %get3A_1598 = arith.constant 80 : index
        %get3A_1599 = tpu.vector_load %arg7[%get3A_1597, %get3A_1598] {strides = array<i32>} : memref<40x128xi32, #tpu.memory_space<vmem>>, vector<1x16xi32>,
        %get3A_1600 = vector.shape_cast %get3A_1599 : vector<1x16xi32> to vector<16xi32>
        %sub3A_1601 = arith.constant 819200 : i32
        %sub3A_1602 = vector.broadcast %sub3A_1601 : i32 to vector<16xi32>
        %sub3A_1603 = arith.subi %get3A_1600, %sub3A_1602 : vector<16xi32>
        %swap3A_1604 = arith.index_cast %scan3A_1538 : i32 to index
        %swap3A_1605 = arith.constant 80 : index
        %swap3A_1606 = tpu.vector_load %arg7[%swap3A_1604, %swap3A_1605] {strides = array<i32>} : memref<40x128xi32, #tpu.memory_space<vmem>>, vector<1x16xi32>,
        %swap3A_1607 = vector.shape_cast %swap3A_1606 : vector<1x16xi32> to vector<16xi32>
        %swap3A_1608 = vector.shape_cast %sub3A_1603 : vector<16xi32> to vector<1x16xi32>
        tpu.vector_store %arg7[%swap3A_1604, %swap3A_1605], %swap3A_1608 {strides = array<i32>} : memref<40x128xi32, #tpu.memory_space<vmem>>, vector<1x16xi32>,
        %get3A_1609 = arith.index_cast %scan3A_1538 : i32 to index
        %get3A_1610 = arith.constant 96 : index
        %get3A_1611 = tpu.vector_load %arg7[%get3A_1609, %get3A_1610] {strides = array<i32>} : memref<40x128xi32, #tpu.memory_space<vmem>>, vector<1x16xi32>,
        %get3A_1612 = vector.shape_cast %get3A_1611 : vector<1x16xi32> to vector<16xi32>
        %sub3A_1613 = arith.constant 819200 : i32
        %sub3A_1614 = vector.broadcast %sub3A_1613 : i32 to vector<16xi32>
        %sub3A_1615 = arith.subi %get3A_1612, %sub3A_1614 : vector<16xi32>
        %swap3A_1616 = arith.index_cast %scan3A_1538 : i32 to index
        %swap3A_1617 = arith.constant 96 : index
        %swap3A_1618 = tpu.vector_load %arg7[%swap3A_1616, %swap3A_1617] {strides = array<i32>} : memref<40x128xi32, #tpu.memory_space<vmem>>, vector<1x16xi32>,
        %swap3A_1619 = vector.shape_cast %swap3A_1618 : vector<1x16xi32> to vector<16xi32>
        %swap3A_1620 = vector.shape_cast %sub3A_1615 : vector<16xi32> to vector<1x16xi32>
        tpu.vector_store %arg7[%swap3A_1616, %swap3A_1617], %swap3A_1620 {strides = array<i32>} : memref<40x128xi32, #tpu.memory_space<vmem>>, vector<1x16xi32>,
        %get3A_1621 = arith.index_cast %scan3A_1538 : i32 to index
        %get3A_1622 = arith.constant 112 : index
        %get3A_1623 = tpu.vector_load %arg7[%get3A_1621, %get3A_1622] {strides = array<i32>} : memref<40x128xi32, #tpu.memory_space<vmem>>, vector<1x16xi32>,
        %get3A_1624 = vector.shape_cast %get3A_1623 : vector<1x16xi32> to vector<16xi32>
        %sub3A_1625 = arith.constant 819200 : i32
        %sub3A_1626 = vector.broadcast %sub3A_1625 : i32 to vector<16xi32>
        %sub3A_1627 = arith.subi %get3A_1624, %sub3A_1626 : vector<16xi32>
        %swap3A_1628 = arith.index_cast %scan3A_1538 : i32 to index
        %swap3A_1629 = arith.constant 112 : index
        %swap3A_1630 = tpu.vector_load %arg7[%swap3A_1628, %swap3A_1629] {strides = array<i32>} : memref<40x128xi32, #tpu.memory_space<vmem>>, vector<1x16xi32>,
        %swap3A_1631 = vector.shape_cast %swap3A_1630 : vector<1x16xi32> to vector<16xi32>
        %swap3A_1632 = vector.shape_cast %sub3A_1627 : vector<16xi32> to vector<1x16xi32>
        tpu.vector_store %arg7[%swap3A_1628, %swap3A_1629], %swap3A_1632 {strides = array<i32>} : memref<40x128xi32, #tpu.memory_space<vmem>>, vector<1x16xi32>,
      }
      %scan3A_1537 = arith.constant 40 : i32
    } else {
    }
    %barrier3A = arith.constant 0 : index
    tpu.barrier barrier_id(%barrier3A)
    %dma_start3A_169 = arith.constant 0 : i32
    %dma_start3A_170 = arith.constant 0 : i32
    %dma_start3A_171 = arith.constant 0 : i32
    %dma_start3A_172 = tpu.memref_slice %arg8[%dma_start3A_169, %dma_start3A_171] : memref<40x128xf32, #tpu.memory_space<vmem>> -> memref<1x128xf32, #tpu.memory_space<vmem>>
    %dma_start3A_173 = tpu.memref_squeeze %dma_start3A_172 : memref<1x128xf32, #tpu.memory_space<vmem>> -> memref<128xf32, #tpu.memory_space<vmem>>
    %dma_start3A_174 = arith.constant 0 : i32
    %dma_start3A_175 = tpu.memref_slice %arg7[%dma_start3A_170, %dma_start3A_174] : memref<40x128xi32, #tpu.memory_space<vmem>> -> memref<1x128xi32, #tpu.memory_space<vmem>>
    %dma_start3A_176 = tpu.memref_squeeze %dma_start3A_175 : memref<1x128xi32, #tpu.memory_space<vmem>> -> memref<128xi32, #tpu.memory_space<vmem>>
    %dma_start3A_177 = arith.constant 0 : i32
    %dma_start3A_178 = tpu.memref_slice %arg11[%dma_start3A_177] : memref<819208xf32, #tpu.memory_space<vmem_shared>> -> memref<819208xf32, #tpu.memory_space<vmem_shared>>
    tpu.enqueue_indirect_dma source(%dma_start3A_173 : memref<128xf32, #tpu.memory_space<vmem>>) target(%dma_start3A_178 : memref<819208xf32, #tpu.memory_space<vmem_shared>>) offsets(%dma_start3A_176 : memref<128xi32, #tpu.memory_space<vmem>>) semaphore(%arg13 : memref<!tpu.dma_semaphore, #tpu.memory_space<semaphore_mem>>) {add = true}
    %dma_start3A_179 = arith.constant 0 : i32
    %dma_start3A_180 = arith.constant 0 : i32
    %dma_start3A_181 = tpu.memref_slice %arg7[%dma_start3A_179, %dma_start3A_180] : memref<40x128xi32, #tpu.memory_space<vmem>> -> memref<1x128xi32, #tpu.memory_space<vmem>>
    %dma_start3A_182 = tpu.memref_squeeze %dma_start3A_181 : memref<1x128xi32, #tpu.memory_space<vmem>> -> memref<128xi32, #tpu.memory_space<vmem>>
    %dma_start3A_183 = arith.constant 0 : i32
    %dma_start3A_184 = tpu.memref_slice %arg12[%dma_start3A_183] : memref<819208xf32, #tpu.memory_space<vmem_shared>> -> memref<819208xf32, #tpu.memory_space<vmem_shared>>
    tpu.enqueue_indirect_dma source(%arg9 : memref<128xf32, #tpu.memory_space<vmem>>) target(%dma_start3A_184 : memref<819208xf32, #tpu.memory_space<vmem_shared>>) offsets(%dma_start3A_182 : memref<128xi32, #tpu.memory_space<vmem>>) semaphore(%arg13 : memref<!tpu.dma_semaphore, #tpu.memory_space<semaphore_mem>>) {add = true}
    %dma_start3A_185 = arith.constant 1 : i32
    %dma_start3A_186 = arith.constant 1 : i32
    %dma_start3A_187 = arith.constant 0 : i32
    %dma_start3A_188 = tpu.memref_slice %arg8[%dma_start3A_185, %dma_start3A_187] : memref<40x128xf32, #tpu.memory_space<vmem>> -> memref<1x128xf32, #tpu.memory_space<vmem>>
    %dma_start3A_189 = tpu.memref_squeeze %dma_start3A_188 : memref<1x128xf32, #tpu.memory_space<vmem>> -> memref<128xf32, #tpu.memory_space<vmem>>
    %dma_start3A_190 = arith.constant 0 : i32
    %dma_start3A_191 = tpu.memref_slice %arg7[%dma_start3A_186, %dma_start3A_190] : memref<40x128xi32, #tpu.memory_space<vmem>> -> memref<1x128xi32, #tpu.memory_space<vmem>>
    %dma_start3A_192 = tpu.memref_squeeze %dma_start3A_191 : memref<1x128xi32, #tpu.memory_space<vmem>> -> memref<128xi32, #tpu.memory_space<vmem>>
    %dma_start3A_193 = arith.constant 0 : i32
    %dma_start3A_194 = tpu.memref_slice %arg11[%dma_start3A_193] : memref<819208xf32, #tpu.memory_space<vmem_shared>> -> memref<819208xf32, #tpu.memory_space<vmem_shared>>
    tpu.enqueue_indirect_dma source(%dma_start3A_189 : memref<128xf32, #tpu.memory_space<vmem>>) target(%dma_start3A_194 : memref<819208xf32, #tpu.memory_space<vmem_shared>>) offsets(%dma_start3A_192 : memref<128xi32, #tpu.memory_space<vmem>>) semaphore(%arg13 : memref<!tpu.dma_semaphore, #tpu.memory_space<semaphore_mem>>) {add = true}
    %dma_start3A_195 = arith.constant 1 : i32
    %dma_start3A_196 = arith.constant 0 : i32
    %dma_start3A_197 = tpu.memref_slice %arg7[%dma_start3A_195, %dma_start3A_196] : memref<40x128xi32, #tpu.memory_space<vmem>> -> memref<1x128xi32, #tpu.memory_space<vmem>>
    %dma_start3A_198 = tpu.memref_squeeze %dma_start3A_197 : memref<1x128xi32, #tpu.memory_space<vmem>> -> memref<128xi32, #tpu.memory_space<vmem>>
    %dma_start3A_199 = arith.constant 0 : i32
    %dma_start3A_200 = tpu.memref_slice %arg12[%dma_start3A_199] : memref<819208xf32, #tpu.memory_space<vmem_shared>> -> memref<819208xf32, #tpu.memory_space<vmem_shared>>
    tpu.enqueue_indirect_dma source(%arg9 : memref<128xf32, #tpu.memory_space<vmem>>) target(%dma_start3A_200 : memref<819208xf32, #tpu.memory_space<vmem_shared>>) offsets(%dma_start3A_198 : memref<128xi32, #tpu.memory_space<vmem>>) semaphore(%arg13 : memref<!tpu.dma_semaphore, #tpu.memory_space<semaphore_mem>>) {add = true}
    %dma_start3A_201 = arith.constant 2 : i32
    %dma_start3A_202 = arith.constant 2 : i32
    %dma_start3A_203 = arith.constant 0 : i32
    %dma_start3A_204 = tpu.memref_slice %arg8[%dma_start3A_201, %dma_start3A_203] : memref<40x128xf32, #tpu.memory_space<vmem>> -> memref<1x128xf32, #tpu.memory_space<vmem>>
    %dma_start3A_205 = tpu.memref_squeeze %dma_start3A_204 : memref<1x128xf32, #tpu.memory_space<vmem>> -> memref<128xf32, #tpu.memory_space<vmem>>
    %dma_start3A_206 = arith.constant 0 : i32
    %dma_start3A_207 = tpu.memref_slice %arg7[%dma_start3A_202, %dma_start3A_206] : memref<40x128xi32, #tpu.memory_space<vmem>> -> memref<1x128xi32, #tpu.memory_space<vmem>>
    %dma_start3A_208 = tpu.memref_squeeze %dma_start3A_207 : memref<1x128xi32, #tpu.memory_space<vmem>> -> memref<128xi32, #tpu.memory_space<vmem>>
    %dma_start3A_209 = arith.constant 0 : i32
    %dma_start3A_210 = tpu.memref_slice %arg11[%dma_start3A_209] : memref<819208xf32, #tpu.memory_space<vmem_shared>> -> memref<819208xf32, #tpu.memory_space<vmem_shared>>
    tpu.enqueue_indirect_dma source(%dma_start3A_205 : memref<128xf32, #tpu.memory_space<vmem>>) target(%dma_start3A_210 : memref<819208xf32, #tpu.memory_space<vmem_shared>>) offsets(%dma_start3A_208 : memref<128xi32, #tpu.memory_space<vmem>>) semaphore(%arg13 : memref<!tpu.dma_semaphore, #tpu.memory_space<semaphore_mem>>) {add = true}
    %dma_start3A_211 = arith.constant 2 : i32
    %dma_start3A_212 = arith.constant 0 : i32
    %dma_start3A_213 = tpu.memref_slice %arg7[%dma_start3A_211, %dma_start3A_212] : memref<40x128xi32, #tpu.memory_space<vmem>> -> memref<1x128xi32, #tpu.memory_space<vmem>>
    %dma_start3A_214 = tpu.memref_squeeze %dma_start3A_213 : memref<1x128xi32, #tpu.memory_space<vmem>> -> memref<128xi32, #tpu.memory_space<vmem>>
    %dma_start3A_215 = arith.constant 0 : i32
    %dma_start3A_216 = tpu.memref_slice %arg12[%dma_start3A_215] : memref<819208xf32, #tpu.memory_space<vmem_shared>> -> memref<819208xf32, #tpu.memory_space<vmem_shared>>
    tpu.enqueue_indirect_dma source(%arg9 : memref<128xf32, #tpu.memory_space<vmem>>) target(%dma_start3A_216 : memref<819208xf32, #tpu.memory_space<vmem_shared>>) offsets(%dma_start3A_214 : memref<128xi32, #tpu.memory_space<vmem>>) semaphore(%arg13 : memref<!tpu.dma_semaphore, #tpu.memory_space<semaphore_mem>>) {add = true}
    %dma_start3A_217 = arith.constant 3 : i32
    %dma_start3A_218 = arith.constant 3 : i32
    %dma_start3A_219 = arith.constant 0 : i32
    %dma_start3A_220 = tpu.memref_slice %arg8[%dma_start3A_217, %dma_start3A_219] : memref<40x128xf32, #tpu.memory_space<vmem>> -> memref<1x128xf32, #tpu.memory_space<vmem>>
    %dma_start3A_221 = tpu.memref_squeeze %dma_start3A_220 : memref<1x128xf32, #tpu.memory_space<vmem>> -> memref<128xf32, #tpu.memory_space<vmem>>
    %dma_start3A_222 = arith.constant 0 : i32
    %dma_start3A_223 = tpu.memref_slice %arg7[%dma_start3A_218, %dma_start3A_222] : memref<40x128xi32, #tpu.memory_space<vmem>> -> memref<1x128xi32, #tpu.memory_space<vmem>>
    %dma_start3A_224 = tpu.memref_squeeze %dma_start3A_223 : memref<1x128xi32, #tpu.memory_space<vmem>> -> memref<128xi32, #tpu.memory_space<vmem>>
    %dma_start3A_225 = arith.constant 0 : i32
    %dma_start3A_226 = tpu.memref_slice %arg11[%dma_start3A_225] : memref<819208xf32, #tpu.memory_space<vmem_shared>> -> memref<819208xf32, #tpu.memory_space<vmem_shared>>
    tpu.enqueue_indirect_dma source(%dma_start3A_221 : memref<128xf32, #tpu.memory_space<vmem>>) target(%dma_start3A_226 : memref<819208xf32, #tpu.memory_space<vmem_shared>>) offsets(%dma_start3A_224 : memref<128xi32, #tpu.memory_space<vmem>>) semaphore(%arg13 : memref<!tpu.dma_semaphore, #tpu.memory_space<semaphore_mem>>) {add = true}
    %dma_start3A_227 = arith.constant 3 : i32
    %dma_start3A_228 = arith.constant 0 : i32
    %dma_start3A_229 = tpu.memref_slice %arg7[%dma_start3A_227, %dma_start3A_228] : memref<40x128xi32, #tpu.memory_space<vmem>> -> memref<1x128xi32, #tpu.memory_space<vmem>>
    %dma_start3A_230 = tpu.memref_squeeze %dma_start3A_229 : memref<1x128xi32, #tpu.memory_space<vmem>> -> memref<128xi32, #tpu.memory_space<vmem>>
    %dma_start3A_231 = arith.constant 0 : i32
    %dma_start3A_232 = tpu.memref_slice %arg12[%dma_start3A_231] : memref<819208xf32, #tpu.memory_space<vmem_shared>> -> memref<819208xf32, #tpu.memory_space<vmem_shared>>
    tpu.enqueue_indirect_dma source(%arg9 : memref<128xf32, #tpu.memory_space<vmem>>) target(%dma_start3A_232 : memref<819208xf32, #tpu.memory_space<vmem_shared>>) offsets(%dma_start3A_230 : memref<128xi32, #tpu.memory_space<vmem>>) semaphore(%arg13 : memref<!tpu.dma_semaphore, #tpu.memory_space<semaphore_mem>>) {add = true}
    %dma_start3A_233 = arith.constant 4 : i32
    %dma_start3A_234 = arith.constant 4 : i32
    %dma_start3A_235 = arith.constant 0 : i32
    %dma_start3A_236 = tpu.memref_slice %arg8[%dma_start3A_233, %dma_start3A_235] : memref<40x128xf32, #tpu.memory_space<vmem>> -> memref<1x128xf32, #tpu.memory_space<vmem>>
    %dma_start3A_237 = tpu.memref_squeeze %dma_start3A_236 : memref<1x128xf32, #tpu.memory_space<vmem>> -> memref<128xf32, #tpu.memory_space<vmem>>
    %dma_start3A_238 = arith.constant 0 : i32
    %dma_start3A_239 = tpu.memref_slice %arg7[%dma_start3A_234, %dma_start3A_238] : memref<40x128xi32, #tpu.memory_space<vmem>> -> memref<1x128xi32, #tpu.memory_space<vmem>>
    %dma_start3A_240 = tpu.memref_squeeze %dma_start3A_239 : memref<1x128xi32, #tpu.memory_space<vmem>> -> memref<128xi32, #tpu.memory_space<vmem>>
    %dma_start3A_241 = arith.constant 0 : i32
    %dma_start3A_242 = tpu.memref_slice %arg11[%dma_start3A_241] : memref<819208xf32, #tpu.memory_space<vmem_shared>> -> memref<819208xf32, #tpu.memory_space<vmem_shared>>
    tpu.enqueue_indirect_dma source(%dma_start3A_237 : memref<128xf32, #tpu.memory_space<vmem>>) target(%dma_start3A_242 : memref<819208xf32, #tpu.memory_space<vmem_shared>>) offsets(%dma_start3A_240 : memref<128xi32, #tpu.memory_space<vmem>>) semaphore(%arg13 : memref<!tpu.dma_semaphore, #tpu.memory_space<semaphore_mem>>) {add = true}
    %dma_start3A_243 = arith.constant 4 : i32
    %dma_start3A_244 = arith.constant 0 : i32
    %dma_start3A_245 = tpu.memref_slice %arg7[%dma_start3A_243, %dma_start3A_244] : memref<40x128xi32, #tpu.memory_space<vmem>> -> memref<1x128xi32, #tpu.memory_space<vmem>>
    %dma_start3A_246 = tpu.memref_squeeze %dma_start3A_245 : memref<1x128xi32, #tpu.memory_space<vmem>> -> memref<128xi32, #tpu.memory_space<vmem>>
    %dma_start3A_247 = arith.constant 0 : i32
    %dma_start3A_248 = tpu.memref_slice %arg12[%dma_start3A_247] : memref<819208xf32, #tpu.memory_space<vmem_shared>> -> memref<819208xf32, #tpu.memory_space<vmem_shared>>
    tpu.enqueue_indirect_dma source(%arg9 : memref<128xf32, #tpu.memory_space<vmem>>) target(%dma_start3A_248 : memref<819208xf32, #tpu.memory_space<vmem_shared>>) offsets(%dma_start3A_246 : memref<128xi32, #tpu.memory_space<vmem>>) semaphore(%arg13 : memref<!tpu.dma_semaphore, #tpu.memory_space<semaphore_mem>>) {add = true}
    %dma_start3A_249 = arith.constant 5 : i32
    %dma_start3A_250 = arith.constant 5 : i32
    %dma_start3A_251 = arith.constant 0 : i32
    %dma_start3A_252 = tpu.memref_slice %arg8[%dma_start3A_249, %dma_start3A_251] : memref<40x128xf32, #tpu.memory_space<vmem>> -> memref<1x128xf32, #tpu.memory_space<vmem>>
    %dma_start3A_253 = tpu.memref_squeeze %dma_start3A_252 : memref<1x128xf32, #tpu.memory_space<vmem>> -> memref<128xf32, #tpu.memory_space<vmem>>
    %dma_start3A_254 = arith.constant 0 : i32
    %dma_start3A_255 = tpu.memref_slice %arg7[%dma_start3A_250, %dma_start3A_254] : memref<40x128xi32, #tpu.memory_space<vmem>> -> memref<1x128xi32, #tpu.memory_space<vmem>>
    %dma_start3A_256 = tpu.memref_squeeze %dma_start3A_255 : memref<1x128xi32, #tpu.memory_space<vmem>> -> memref<128xi32, #tpu.memory_space<vmem>>
    %dma_start3A_257 = arith.constant 0 : i32
    %dma_start3A_258 = tpu.memref_slice %arg11[%dma_start3A_257] : memref<819208xf32, #tpu.memory_space<vmem_shared>> -> memref<819208xf32, #tpu.memory_space<vmem_shared>>
    tpu.enqueue_indirect_dma source(%dma_start3A_253 : memref<128xf32, #tpu.memory_space<vmem>>) target(%dma_start3A_258 : memref<819208xf32, #tpu.memory_space<vmem_shared>>) offsets(%dma_start3A_256 : memref<128xi32, #tpu.memory_space<vmem>>) semaphore(%arg13 : memref<!tpu.dma_semaphore, #tpu.memory_space<semaphore_mem>>) {add = true}
    %dma_start3A_259 = arith.constant 5 : i32
    %dma_start3A_260 = arith.constant 0 : i32
    %dma_start3A_261 = tpu.memref_slice %arg7[%dma_start3A_259, %dma_start3A_260] : memref<40x128xi32, #tpu.memory_space<vmem>> -> memref<1x128xi32, #tpu.memory_space<vmem>>
    %dma_start3A_262 = tpu.memref_squeeze %dma_start3A_261 : memref<1x128xi32, #tpu.memory_space<vmem>> -> memref<128xi32, #tpu.memory_space<vmem>>
    %dma_start3A_263 = arith.constant 0 : i32
    %dma_start3A_264 = tpu.memref_slice %arg12[%dma_start3A_263] : memref<819208xf32, #tpu.memory_space<vmem_shared>> -> memref<819208xf32, #tpu.memory_space<vmem_shared>>
    tpu.enqueue_indirect_dma source(%arg9 : memref<128xf32, #tpu.memory_space<vmem>>) target(%dma_start3A_264 : memref<819208xf32, #tpu.memory_space<vmem_shared>>) offsets(%dma_start3A_262 : memref<128xi32, #tpu.memory_space<vmem>>) semaphore(%arg13 : memref<!tpu.dma_semaphore, #tpu.memory_space<semaphore_mem>>) {add = true}
    %dma_start3A_265 = arith.constant 6 : i32
    %dma_start3A_266 = arith.constant 6 : i32
    %dma_start3A_267 = arith.constant 0 : i32
    %dma_start3A_268 = tpu.memref_slice %arg8[%dma_start3A_265, %dma_start3A_267] : memref<40x128xf32, #tpu.memory_space<vmem>> -> memref<1x128xf32, #tpu.memory_space<vmem>>
    %dma_start3A_269 = tpu.memref_squeeze %dma_start3A_268 : memref<1x128xf32, #tpu.memory_space<vmem>> -> memref<128xf32, #tpu.memory_space<vmem>>
    %dma_start3A_270 = arith.constant 0 : i32
    %dma_start3A_271 = tpu.memref_slice %arg7[%dma_start3A_266, %dma_start3A_270] : memref<40x128xi32, #tpu.memory_space<vmem>> -> memref<1x128xi32, #tpu.memory_space<vmem>>
    %dma_start3A_272 = tpu.memref_squeeze %dma_start3A_271 : memref<1x128xi32, #tpu.memory_space<vmem>> -> memref<128xi32, #tpu.memory_space<vmem>>
    %dma_start3A_273 = arith.constant 0 : i32
    %dma_start3A_274 = tpu.memref_slice %arg11[%dma_start3A_273] : memref<819208xf32, #tpu.memory_space<vmem_shared>> -> memref<819208xf32, #tpu.memory_space<vmem_shared>>
    tpu.enqueue_indirect_dma source(%dma_start3A_269 : memref<128xf32, #tpu.memory_space<vmem>>) target(%dma_start3A_274 : memref<819208xf32, #tpu.memory_space<vmem_shared>>) offsets(%dma_start3A_272 : memref<128xi32, #tpu.memory_space<vmem>>) semaphore(%arg13 : memref<!tpu.dma_semaphore, #tpu.memory_space<semaphore_mem>>) {add = true}
    %dma_start3A_275 = arith.constant 6 : i32
    %dma_start3A_276 = arith.constant 0 : i32
    %dma_start3A_277 = tpu.memref_slice %arg7[%dma_start3A_275, %dma_start3A_276] : memref<40x128xi32, #tpu.memory_space<vmem>> -> memref<1x128xi32, #tpu.memory_space<vmem>>
    %dma_start3A_278 = tpu.memref_squeeze %dma_start3A_277 : memref<1x128xi32, #tpu.memory_space<vmem>> -> memref<128xi32, #tpu.memory_space<vmem>>
    %dma_start3A_279 = arith.constant 0 : i32
    %dma_start3A_280 = tpu.memref_slice %arg12[%dma_start3A_279] : memref<819208xf32, #tpu.memory_space<vmem_shared>> -> memref<819208xf32, #tpu.memory_space<vmem_shared>>
    tpu.enqueue_indirect_dma source(%arg9 : memref<128xf32, #tpu.memory_space<vmem>>) target(%dma_start3A_280 : memref<819208xf32, #tpu.memory_space<vmem_shared>>) offsets(%dma_start3A_278 : memref<128xi32, #tpu.memory_space<vmem>>) semaphore(%arg13 : memref<!tpu.dma_semaphore, #tpu.memory_space<semaphore_mem>>) {add = true}
    %dma_start3A_281 = arith.constant 7 : i32
    %dma_start3A_282 = arith.constant 7 : i32
    %dma_start3A_283 = arith.constant 0 : i32
    %dma_start3A_284 = tpu.memref_slice %arg8[%dma_start3A_281, %dma_start3A_283] : memref<40x128xf32, #tpu.memory_space<vmem>> -> memref<1x128xf32, #tpu.memory_space<vmem>>
    %dma_start3A_285 = tpu.memref_squeeze %dma_start3A_284 : memref<1x128xf32, #tpu.memory_space<vmem>> -> memref<128xf32, #tpu.memory_space<vmem>>
    %dma_start3A_286 = arith.constant 0 : i32
    %dma_start3A_287 = tpu.memref_slice %arg7[%dma_start3A_282, %dma_start3A_286] : memref<40x128xi32, #tpu.memory_space<vmem>> -> memref<1x128xi32, #tpu.memory_space<vmem>>
    %dma_start3A_288 = tpu.memref_squeeze %dma_start3A_287 : memref<1x128xi32, #tpu.memory_space<vmem>> -> memref<128xi32, #tpu.memory_space<vmem>>
    %dma_start3A_289 = arith.constant 0 : i32
    %dma_start3A_290 = tpu.memref_slice %arg11[%dma_start3A_289] : memref<819208xf32, #tpu.memory_space<vmem_shared>> -> memref<819208xf32, #tpu.memory_space<vmem_shared>>
    tpu.enqueue_indirect_dma source(%dma_start3A_285 : memref<128xf32, #tpu.memory_space<vmem>>) target(%dma_start3A_290 : memref<819208xf32, #tpu.memory_space<vmem_shared>>) offsets(%dma_start3A_288 : memref<128xi32, #tpu.memory_space<vmem>>) semaphore(%arg13 : memref<!tpu.dma_semaphore, #tpu.memory_space<semaphore_mem>>) {add = true}
    %dma_start3A_291 = arith.constant 7 : i32
    %dma_start3A_292 = arith.constant 0 : i32
    %dma_start3A_293 = tpu.memref_slice %arg7[%dma_start3A_291, %dma_start3A_292] : memref<40x128xi32, #tpu.memory_space<vmem>> -> memref<1x128xi32, #tpu.memory_space<vmem>>
    %dma_start3A_294 = tpu.memref_squeeze %dma_start3A_293 : memref<1x128xi32, #tpu.memory_space<vmem>> -> memref<128xi32, #tpu.memory_space<vmem>>
    %dma_start3A_295 = arith.constant 0 : i32
    %dma_start3A_296 = tpu.memref_slice %arg12[%dma_start3A_295] : memref<819208xf32, #tpu.memory_space<vmem_shared>> -> memref<819208xf32, #tpu.memory_space<vmem_shared>>
    tpu.enqueue_indirect_dma source(%arg9 : memref<128xf32, #tpu.memory_space<vmem>>) target(%dma_start3A_296 : memref<819208xf32, #tpu.memory_space<vmem_shared>>) offsets(%dma_start3A_294 : memref<128xi32, #tpu.memory_space<vmem>>) semaphore(%arg13 : memref<!tpu.dma_semaphore, #tpu.memory_space<semaphore_mem>>) {add = true}
    %dma_start3A_297 = arith.constant 8 : i32
    %dma_start3A_298 = arith.constant 8 : i32
    %dma_start3A_299 = arith.constant 0 : i32
    %dma_start3A_300 = tpu.memref_slice %arg8[%dma_start3A_297, %dma_start3A_299] : memref<40x128xf32, #tpu.memory_space<vmem>> -> memref<1x128xf32, #tpu.memory_space<vmem>>
    %dma_start3A_301 = tpu.memref_squeeze %dma_start3A_300 : memref<1x128xf32, #tpu.memory_space<vmem>> -> memref<128xf32, #tpu.memory_space<vmem>>
    %dma_start3A_302 = arith.constant 0 : i32
    %dma_start3A_303 = tpu.memref_slice %arg7[%dma_start3A_298, %dma_start3A_302] : memref<40x128xi32, #tpu.memory_space<vmem>> -> memref<1x128xi32, #tpu.memory_space<vmem>>
    %dma_start3A_304 = tpu.memref_squeeze %dma_start3A_303 : memref<1x128xi32, #tpu.memory_space<vmem>> -> memref<128xi32, #tpu.memory_space<vmem>>
    %dma_start3A_305 = arith.constant 0 : i32
    %dma_start3A_306 = tpu.memref_slice %arg11[%dma_start3A_305] : memref<819208xf32, #tpu.memory_space<vmem_shared>> -> memref<819208xf32, #tpu.memory_space<vmem_shared>>
    tpu.enqueue_indirect_dma source(%dma_start3A_301 : memref<128xf32, #tpu.memory_space<vmem>>) target(%dma_start3A_306 : memref<819208xf32, #tpu.memory_space<vmem_shared>>) offsets(%dma_start3A_304 : memref<128xi32, #tpu.memory_space<vmem>>) semaphore(%arg13 : memref<!tpu.dma_semaphore, #tpu.memory_space<semaphore_mem>>) {add = true}
    %dma_start3A_307 = arith.constant 8 : i32
    %dma_start3A_308 = arith.constant 0 : i32
    %dma_start3A_309 = tpu.memref_slice %arg7[%dma_start3A_307, %dma_start3A_308] : memref<40x128xi32, #tpu.memory_space<vmem>> -> memref<1x128xi32, #tpu.memory_space<vmem>>
    %dma_start3A_310 = tpu.memref_squeeze %dma_start3A_309 : memref<1x128xi32, #tpu.memory_space<vmem>> -> memref<128xi32, #tpu.memory_space<vmem>>
    %dma_start3A_311 = arith.constant 0 : i32
    %dma_start3A_312 = tpu.memref_slice %arg12[%dma_start3A_311] : memref<819208xf32, #tpu.memory_space<vmem_shared>> -> memref<819208xf32, #tpu.memory_space<vmem_shared>>
    tpu.enqueue_indirect_dma source(%arg9 : memref<128xf32, #tpu.memory_space<vmem>>) target(%dma_start3A_312 : memref<819208xf32, #tpu.memory_space<vmem_shared>>) offsets(%dma_start3A_310 : memref<128xi32, #tpu.memory_space<vmem>>) semaphore(%arg13 : memref<!tpu.dma_semaphore, #tpu.memory_space<semaphore_mem>>) {add = true}
    %dma_start3A_313 = arith.constant 9 : i32
    %dma_start3A_314 = arith.constant 9 : i32
    %dma_start3A_315 = arith.constant 0 : i32
    %dma_start3A_316 = tpu.memref_slice %arg8[%dma_start3A_313, %dma_start3A_315] : memref<40x128xf32, #tpu.memory_space<vmem>> -> memref<1x128xf32, #tpu.memory_space<vmem>>
    %dma_start3A_317 = tpu.memref_squeeze %dma_start3A_316 : memref<1x128xf32, #tpu.memory_space<vmem>> -> memref<128xf32, #tpu.memory_space<vmem>>
    %dma_start3A_318 = arith.constant 0 : i32
    %dma_start3A_319 = tpu.memref_slice %arg7[%dma_start3A_314, %dma_start3A_318] : memref<40x128xi32, #tpu.memory_space<vmem>> -> memref<1x128xi32, #tpu.memory_space<vmem>>
    %dma_start3A_320 = tpu.memref_squeeze %dma_start3A_319 : memref<1x128xi32, #tpu.memory_space<vmem>> -> memref<128xi32, #tpu.memory_space<vmem>>
    %dma_start3A_321 = arith.constant 0 : i32
    %dma_start3A_322 = tpu.memref_slice %arg11[%dma_start3A_321] : memref<819208xf32, #tpu.memory_space<vmem_shared>> -> memref<819208xf32, #tpu.memory_space<vmem_shared>>
    tpu.enqueue_indirect_dma source(%dma_start3A_317 : memref<128xf32, #tpu.memory_space<vmem>>) target(%dma_start3A_322 : memref<819208xf32, #tpu.memory_space<vmem_shared>>) offsets(%dma_start3A_320 : memref<128xi32, #tpu.memory_space<vmem>>) semaphore(%arg13 : memref<!tpu.dma_semaphore, #tpu.memory_space<semaphore_mem>>) {add = true}
    %dma_start3A_323 = arith.constant 9 : i32
    %dma_start3A_324 = arith.constant 0 : i32
    %dma_start3A_325 = tpu.memref_slice %arg7[%dma_start3A_323, %dma_start3A_324] : memref<40x128xi32, #tpu.memory_space<vmem>> -> memref<1x128xi32, #tpu.memory_space<vmem>>
    %dma_start3A_326 = tpu.memref_squeeze %dma_start3A_325 : memref<1x128xi32, #tpu.memory_space<vmem>> -> memref<128xi32, #tpu.memory_space<vmem>>
    %dma_start3A_327 = arith.constant 0 : i32
    %dma_start3A_328 = tpu.memref_slice %arg12[%dma_start3A_327] : memref<819208xf32, #tpu.memory_space<vmem_shared>> -> memref<819208xf32, #tpu.memory_space<vmem_shared>>
    tpu.enqueue_indirect_dma source(%arg9 : memref<128xf32, #tpu.memory_space<vmem>>) target(%dma_start3A_328 : memref<819208xf32, #tpu.memory_space<vmem_shared>>) offsets(%dma_start3A_326 : memref<128xi32, #tpu.memory_space<vmem>>) semaphore(%arg13 : memref<!tpu.dma_semaphore, #tpu.memory_space<semaphore_mem>>) {add = true}
    %dma_start3A_329 = arith.constant 10 : i32
    %dma_start3A_330 = arith.constant 10 : i32
    %dma_start3A_331 = arith.constant 0 : i32
    %dma_start3A_332 = tpu.memref_slice %arg8[%dma_start3A_329, %dma_start3A_331] : memref<40x128xf32, #tpu.memory_space<vmem>> -> memref<1x128xf32, #tpu.memory_space<vmem>>
    %dma_start3A_333 = tpu.memref_squeeze %dma_start3A_332 : memref<1x128xf32, #tpu.memory_space<vmem>> -> memref<128xf32, #tpu.memory_space<vmem>>
    %dma_start3A_334 = arith.constant 0 : i32
    %dma_start3A_335 = tpu.memref_slice %arg7[%dma_start3A_330, %dma_start3A_334] : memref<40x128xi32, #tpu.memory_space<vmem>> -> memref<1x128xi32, #tpu.memory_space<vmem>>
    %dma_start3A_336 = tpu.memref_squeeze %dma_start3A_335 : memref<1x128xi32, #tpu.memory_space<vmem>> -> memref<128xi32, #tpu.memory_space<vmem>>
    %dma_start3A_337 = arith.constant 0 : i32
    %dma_start3A_338 = tpu.memref_slice %arg11[%dma_start3A_337] : memref<819208xf32, #tpu.memory_space<vmem_shared>> -> memref<819208xf32, #tpu.memory_space<vmem_shared>>
    tpu.enqueue_indirect_dma source(%dma_start3A_333 : memref<128xf32, #tpu.memory_space<vmem>>) target(%dma_start3A_338 : memref<819208xf32, #tpu.memory_space<vmem_shared>>) offsets(%dma_start3A_336 : memref<128xi32, #tpu.memory_space<vmem>>) semaphore(%arg13 : memref<!tpu.dma_semaphore, #tpu.memory_space<semaphore_mem>>) {add = true}
    %dma_start3A_339 = arith.constant 10 : i32
    %dma_start3A_340 = arith.constant 0 : i32
    %dma_start3A_341 = tpu.memref_slice %arg7[%dma_start3A_339, %dma_start3A_340] : memref<40x128xi32, #tpu.memory_space<vmem>> -> memref<1x128xi32, #tpu.memory_space<vmem>>
    %dma_start3A_342 = tpu.memref_squeeze %dma_start3A_341 : memref<1x128xi32, #tpu.memory_space<vmem>> -> memref<128xi32, #tpu.memory_space<vmem>>
    %dma_start3A_343 = arith.constant 0 : i32
    %dma_start3A_344 = tpu.memref_slice %arg12[%dma_start3A_343] : memref<819208xf32, #tpu.memory_space<vmem_shared>> -> memref<819208xf32, #tpu.memory_space<vmem_shared>>
    tpu.enqueue_indirect_dma source(%arg9 : memref<128xf32, #tpu.memory_space<vmem>>) target(%dma_start3A_344 : memref<819208xf32, #tpu.memory_space<vmem_shared>>) offsets(%dma_start3A_342 : memref<128xi32, #tpu.memory_space<vmem>>) semaphore(%arg13 : memref<!tpu.dma_semaphore, #tpu.memory_space<semaphore_mem>>) {add = true}
    %dma_start3A_345 = arith.constant 11 : i32
    %dma_start3A_346 = arith.constant 11 : i32
    %dma_start3A_347 = arith.constant 0 : i32
    %dma_start3A_348 = tpu.memref_slice %arg8[%dma_start3A_345, %dma_start3A_347] : memref<40x128xf32, #tpu.memory_space<vmem>> -> memref<1x128xf32, #tpu.memory_space<vmem>>
    %dma_start3A_349 = tpu.memref_squeeze %dma_start3A_348 : memref<1x128xf32, #tpu.memory_space<vmem>> -> memref<128xf32, #tpu.memory_space<vmem>>
    %dma_start3A_350 = arith.constant 0 : i32
    %dma_start3A_351 = tpu.memref_slice %arg7[%dma_start3A_346, %dma_start3A_350] : memref<40x128xi32, #tpu.memory_space<vmem>> -> memref<1x128xi32, #tpu.memory_space<vmem>>
    %dma_start3A_352 = tpu.memref_squeeze %dma_start3A_351 : memref<1x128xi32, #tpu.memory_space<vmem>> -> memref<128xi32, #tpu.memory_space<vmem>>
    %dma_start3A_353 = arith.constant 0 : i32
    %dma_start3A_354 = tpu.memref_slice %arg11[%dma_start3A_353] : memref<819208xf32, #tpu.memory_space<vmem_shared>> -> memref<819208xf32, #tpu.memory_space<vmem_shared>>
    tpu.enqueue_indirect_dma source(%dma_start3A_349 : memref<128xf32, #tpu.memory_space<vmem>>) target(%dma_start3A_354 : memref<819208xf32, #tpu.memory_space<vmem_shared>>) offsets(%dma_start3A_352 : memref<128xi32, #tpu.memory_space<vmem>>) semaphore(%arg13 : memref<!tpu.dma_semaphore, #tpu.memory_space<semaphore_mem>>) {add = true}
    %dma_start3A_355 = arith.constant 11 : i32
    %dma_start3A_356 = arith.constant 0 : i32
    %dma_start3A_357 = tpu.memref_slice %arg7[%dma_start3A_355, %dma_start3A_356] : memref<40x128xi32, #tpu.memory_space<vmem>> -> memref<1x128xi32, #tpu.memory_space<vmem>>
    %dma_start3A_358 = tpu.memref_squeeze %dma_start3A_357 : memref<1x128xi32, #tpu.memory_space<vmem>> -> memref<128xi32, #tpu.memory_space<vmem>>
    %dma_start3A_359 = arith.constant 0 : i32
    %dma_start3A_360 = tpu.memref_slice %arg12[%dma_start3A_359] : memref<819208xf32, #tpu.memory_space<vmem_shared>> -> memref<819208xf32, #tpu.memory_space<vmem_shared>>
    tpu.enqueue_indirect_dma source(%arg9 : memref<128xf32, #tpu.memory_space<vmem>>) target(%dma_start3A_360 : memref<819208xf32, #tpu.memory_space<vmem_shared>>) offsets(%dma_start3A_358 : memref<128xi32, #tpu.memory_space<vmem>>) semaphore(%arg13 : memref<!tpu.dma_semaphore, #tpu.memory_space<semaphore_mem>>) {add = true}
    %dma_start3A_361 = arith.constant 12 : i32
    %dma_start3A_362 = arith.constant 12 : i32
    %dma_start3A_363 = arith.constant 0 : i32
    %dma_start3A_364 = tpu.memref_slice %arg8[%dma_start3A_361, %dma_start3A_363] : memref<40x128xf32, #tpu.memory_space<vmem>> -> memref<1x128xf32, #tpu.memory_space<vmem>>
    %dma_start3A_365 = tpu.memref_squeeze %dma_start3A_364 : memref<1x128xf32, #tpu.memory_space<vmem>> -> memref<128xf32, #tpu.memory_space<vmem>>
    %dma_start3A_366 = arith.constant 0 : i32
    %dma_start3A_367 = tpu.memref_slice %arg7[%dma_start3A_362, %dma_start3A_366] : memref<40x128xi32, #tpu.memory_space<vmem>> -> memref<1x128xi32, #tpu.memory_space<vmem>>
    %dma_start3A_368 = tpu.memref_squeeze %dma_start3A_367 : memref<1x128xi32, #tpu.memory_space<vmem>> -> memref<128xi32, #tpu.memory_space<vmem>>
    %dma_start3A_369 = arith.constant 0 : i32
    %dma_start3A_370 = tpu.memref_slice %arg11[%dma_start3A_369] : memref<819208xf32, #tpu.memory_space<vmem_shared>> -> memref<819208xf32, #tpu.memory_space<vmem_shared>>
    tpu.enqueue_indirect_dma source(%dma_start3A_365 : memref<128xf32, #tpu.memory_space<vmem>>) target(%dma_start3A_370 : memref<819208xf32, #tpu.memory_space<vmem_shared>>) offsets(%dma_start3A_368 : memref<128xi32, #tpu.memory_space<vmem>>) semaphore(%arg13 : memref<!tpu.dma_semaphore, #tpu.memory_space<semaphore_mem>>) {add = true}
    %dma_start3A_371 = arith.constant 12 : i32
    %dma_start3A_372 = arith.constant 0 : i32
    %dma_start3A_373 = tpu.memref_slice %arg7[%dma_start3A_371, %dma_start3A_372] : memref<40x128xi32, #tpu.memory_space<vmem>> -> memref<1x128xi32, #tpu.memory_space<vmem>>
    %dma_start3A_374 = tpu.memref_squeeze %dma_start3A_373 : memref<1x128xi32, #tpu.memory_space<vmem>> -> memref<128xi32, #tpu.memory_space<vmem>>
    %dma_start3A_375 = arith.constant 0 : i32
    %dma_start3A_376 = tpu.memref_slice %arg12[%dma_start3A_375] : memref<819208xf32, #tpu.memory_space<vmem_shared>> -> memref<819208xf32, #tpu.memory_space<vmem_shared>>
    tpu.enqueue_indirect_dma source(%arg9 : memref<128xf32, #tpu.memory_space<vmem>>) target(%dma_start3A_376 : memref<819208xf32, #tpu.memory_space<vmem_shared>>) offsets(%dma_start3A_374 : memref<128xi32, #tpu.memory_space<vmem>>) semaphore(%arg13 : memref<!tpu.dma_semaphore, #tpu.memory_space<semaphore_mem>>) {add = true}
    %dma_start3A_377 = arith.constant 13 : i32
    %dma_start3A_378 = arith.constant 13 : i32
    %dma_start3A_379 = arith.constant 0 : i32
    %dma_start3A_380 = tpu.memref_slice %arg8[%dma_start3A_377, %dma_start3A_379] : memref<40x128xf32, #tpu.memory_space<vmem>> -> memref<1x128xf32, #tpu.memory_space<vmem>>
    %dma_start3A_381 = tpu.memref_squeeze %dma_start3A_380 : memref<1x128xf32, #tpu.memory_space<vmem>> -> memref<128xf32, #tpu.memory_space<vmem>>
    %dma_start3A_382 = arith.constant 0 : i32
    %dma_start3A_383 = tpu.memref_slice %arg7[%dma_start3A_378, %dma_start3A_382] : memref<40x128xi32, #tpu.memory_space<vmem>> -> memref<1x128xi32, #tpu.memory_space<vmem>>
    %dma_start3A_384 = tpu.memref_squeeze %dma_start3A_383 : memref<1x128xi32, #tpu.memory_space<vmem>> -> memref<128xi32, #tpu.memory_space<vmem>>
    %dma_start3A_385 = arith.constant 0 : i32
    %dma_start3A_386 = tpu.memref_slice %arg11[%dma_start3A_385] : memref<819208xf32, #tpu.memory_space<vmem_shared>> -> memref<819208xf32, #tpu.memory_space<vmem_shared>>
    tpu.enqueue_indirect_dma source(%dma_start3A_381 : memref<128xf32, #tpu.memory_space<vmem>>) target(%dma_start3A_386 : memref<819208xf32, #tpu.memory_space<vmem_shared>>) offsets(%dma_start3A_384 : memref<128xi32, #tpu.memory_space<vmem>>) semaphore(%arg13 : memref<!tpu.dma_semaphore, #tpu.memory_space<semaphore_mem>>) {add = true}
    %dma_start3A_387 = arith.constant 13 : i32
    %dma_start3A_388 = arith.constant 0 : i32
    %dma_start3A_389 = tpu.memref_slice %arg7[%dma_start3A_387, %dma_start3A_388] : memref<40x128xi32, #tpu.memory_space<vmem>> -> memref<1x128xi32, #tpu.memory_space<vmem>>
    %dma_start3A_390 = tpu.memref_squeeze %dma_start3A_389 : memref<1x128xi32, #tpu.memory_space<vmem>> -> memref<128xi32, #tpu.memory_space<vmem>>
    %dma_start3A_391 = arith.constant 0 : i32
    %dma_start3A_392 = tpu.memref_slice %arg12[%dma_start3A_391] : memref<819208xf32, #tpu.memory_space<vmem_shared>> -> memref<819208xf32, #tpu.memory_space<vmem_shared>>
    tpu.enqueue_indirect_dma source(%arg9 : memref<128xf32, #tpu.memory_space<vmem>>) target(%dma_start3A_392 : memref<819208xf32, #tpu.memory_space<vmem_shared>>) offsets(%dma_start3A_390 : memref<128xi32, #tpu.memory_space<vmem>>) semaphore(%arg13 : memref<!tpu.dma_semaphore, #tpu.memory_space<semaphore_mem>>) {add = true}
    %dma_start3A_393 = arith.constant 14 : i32
    %dma_start3A_394 = arith.constant 14 : i32
    %dma_start3A_395 = arith.constant 0 : i32
    %dma_start3A_396 = tpu.memref_slice %arg8[%dma_start3A_393, %dma_start3A_395] : memref<40x128xf32, #tpu.memory_space<vmem>> -> memref<1x128xf32, #tpu.memory_space<vmem>>
    %dma_start3A_397 = tpu.memref_squeeze %dma_start3A_396 : memref<1x128xf32, #tpu.memory_space<vmem>> -> memref<128xf32, #tpu.memory_space<vmem>>
    %dma_start3A_398 = arith.constant 0 : i32
    %dma_start3A_399 = tpu.memref_slice %arg7[%dma_start3A_394, %dma_start3A_398] : memref<40x128xi32, #tpu.memory_space<vmem>> -> memref<1x128xi32, #tpu.memory_space<vmem>>
    %dma_start3A_400 = tpu.memref_squeeze %dma_start3A_399 : memref<1x128xi32, #tpu.memory_space<vmem>> -> memref<128xi32, #tpu.memory_space<vmem>>
    %dma_start3A_401 = arith.constant 0 : i32
    %dma_start3A_402 = tpu.memref_slice %arg11[%dma_start3A_401] : memref<819208xf32, #tpu.memory_space<vmem_shared>> -> memref<819208xf32, #tpu.memory_space<vmem_shared>>
    tpu.enqueue_indirect_dma source(%dma_start3A_397 : memref<128xf32, #tpu.memory_space<vmem>>) target(%dma_start3A_402 : memref<819208xf32, #tpu.memory_space<vmem_shared>>) offsets(%dma_start3A_400 : memref<128xi32, #tpu.memory_space<vmem>>) semaphore(%arg13 : memref<!tpu.dma_semaphore, #tpu.memory_space<semaphore_mem>>) {add = true}
    %dma_start3A_403 = arith.constant 14 : i32
    %dma_start3A_404 = arith.constant 0 : i32
    %dma_start3A_405 = tpu.memref_slice %arg7[%dma_start3A_403, %dma_start3A_404] : memref<40x128xi32, #tpu.memory_space<vmem>> -> memref<1x128xi32, #tpu.memory_space<vmem>>
    %dma_start3A_406 = tpu.memref_squeeze %dma_start3A_405 : memref<1x128xi32, #tpu.memory_space<vmem>> -> memref<128xi32, #tpu.memory_space<vmem>>
    %dma_start3A_407 = arith.constant 0 : i32
    %dma_start3A_408 = tpu.memref_slice %arg12[%dma_start3A_407] : memref<819208xf32, #tpu.memory_space<vmem_shared>> -> memref<819208xf32, #tpu.memory_space<vmem_shared>>
    tpu.enqueue_indirect_dma source(%arg9 : memref<128xf32, #tpu.memory_space<vmem>>) target(%dma_start3A_408 : memref<819208xf32, #tpu.memory_space<vmem_shared>>) offsets(%dma_start3A_406 : memref<128xi32, #tpu.memory_space<vmem>>) semaphore(%arg13 : memref<!tpu.dma_semaphore, #tpu.memory_space<semaphore_mem>>) {add = true}
    %dma_start3A_409 = arith.constant 15 : i32
    %dma_start3A_410 = arith.constant 15 : i32
    %dma_start3A_411 = arith.constant 0 : i32
    %dma_start3A_412 = tpu.memref_slice %arg8[%dma_start3A_409, %dma_start3A_411] : memref<40x128xf32, #tpu.memory_space<vmem>> -> memref<1x128xf32, #tpu.memory_space<vmem>>
    %dma_start3A_413 = tpu.memref_squeeze %dma_start3A_412 : memref<1x128xf32, #tpu.memory_space<vmem>> -> memref<128xf32, #tpu.memory_space<vmem>>
    %dma_start3A_414 = arith.constant 0 : i32
    %dma_start3A_415 = tpu.memref_slice %arg7[%dma_start3A_410, %dma_start3A_414] : memref<40x128xi32, #tpu.memory_space<vmem>> -> memref<1x128xi32, #tpu.memory_space<vmem>>
    %dma_start3A_416 = tpu.memref_squeeze %dma_start3A_415 : memref<1x128xi32, #tpu.memory_space<vmem>> -> memref<128xi32, #tpu.memory_space<vmem>>
    %dma_start3A_417 = arith.constant 0 : i32
    %dma_start3A_418 = tpu.memref_slice %arg11[%dma_start3A_417] : memref<819208xf32, #tpu.memory_space<vmem_shared>> -> memref<819208xf32, #tpu.memory_space<vmem_shared>>
    tpu.enqueue_indirect_dma source(%dma_start3A_413 : memref<128xf32, #tpu.memory_space<vmem>>) target(%dma_start3A_418 : memref<819208xf32, #tpu.memory_space<vmem_shared>>) offsets(%dma_start3A_416 : memref<128xi32, #tpu.memory_space<vmem>>) semaphore(%arg13 : memref<!tpu.dma_semaphore, #tpu.memory_space<semaphore_mem>>) {add = true}
    %dma_start3A_419 = arith.constant 15 : i32
    %dma_start3A_420 = arith.constant 0 : i32
    %dma_start3A_421 = tpu.memref_slice %arg7[%dma_start3A_419, %dma_start3A_420] : memref<40x128xi32, #tpu.memory_space<vmem>> -> memref<1x128xi32, #tpu.memory_space<vmem>>
    %dma_start3A_422 = tpu.memref_squeeze %dma_start3A_421 : memref<1x128xi32, #tpu.memory_space<vmem>> -> memref<128xi32, #tpu.memory_space<vmem>>
    %dma_start3A_423 = arith.constant 0 : i32
    %dma_start3A_424 = tpu.memref_slice %arg12[%dma_start3A_423] : memref<819208xf32, #tpu.memory_space<vmem_shared>> -> memref<819208xf32, #tpu.memory_space<vmem_shared>>
    tpu.enqueue_indirect_dma source(%arg9 : memref<128xf32, #tpu.memory_space<vmem>>) target(%dma_start3A_424 : memref<819208xf32, #tpu.memory_space<vmem_shared>>) offsets(%dma_start3A_422 : memref<128xi32, #tpu.memory_space<vmem>>) semaphore(%arg13 : memref<!tpu.dma_semaphore, #tpu.memory_space<semaphore_mem>>) {add = true}
    %dma_start3A_425 = arith.constant 16 : i32
    %dma_start3A_426 = arith.constant 16 : i32
    %dma_start3A_427 = arith.constant 0 : i32
    %dma_start3A_428 = tpu.memref_slice %arg8[%dma_start3A_425, %dma_start3A_427] : memref<40x128xf32, #tpu.memory_space<vmem>> -> memref<1x128xf32, #tpu.memory_space<vmem>>
    %dma_start3A_429 = tpu.memref_squeeze %dma_start3A_428 : memref<1x128xf32, #tpu.memory_space<vmem>> -> memref<128xf32, #tpu.memory_space<vmem>>
    %dma_start3A_430 = arith.constant 0 : i32
    %dma_start3A_431 = tpu.memref_slice %arg7[%dma_start3A_426, %dma_start3A_430] : memref<40x128xi32, #tpu.memory_space<vmem>> -> memref<1x128xi32, #tpu.memory_space<vmem>>
    %dma_start3A_432 = tpu.memref_squeeze %dma_start3A_431 : memref<1x128xi32, #tpu.memory_space<vmem>> -> memref<128xi32, #tpu.memory_space<vmem>>
    %dma_start3A_433 = arith.constant 0 : i32
    %dma_start3A_434 = tpu.memref_slice %arg11[%dma_start3A_433] : memref<819208xf32, #tpu.memory_space<vmem_shared>> -> memref<819208xf32, #tpu.memory_space<vmem_shared>>
    tpu.enqueue_indirect_dma source(%dma_start3A_429 : memref<128xf32, #tpu.memory_space<vmem>>) target(%dma_start3A_434 : memref<819208xf32, #tpu.memory_space<vmem_shared>>) offsets(%dma_start3A_432 : memref<128xi32, #tpu.memory_space<vmem>>) semaphore(%arg13 : memref<!tpu.dma_semaphore, #tpu.memory_space<semaphore_mem>>) {add = true}
    %dma_start3A_435 = arith.constant 16 : i32
    %dma_start3A_436 = arith.constant 0 : i32
    %dma_start3A_437 = tpu.memref_slice %arg7[%dma_start3A_435, %dma_start3A_436] : memref<40x128xi32, #tpu.memory_space<vmem>> -> memref<1x128xi32, #tpu.memory_space<vmem>>
    %dma_start3A_438 = tpu.memref_squeeze %dma_start3A_437 : memref<1x128xi32, #tpu.memory_space<vmem>> -> memref<128xi32, #tpu.memory_space<vmem>>
    %dma_start3A_439 = arith.constant 0 : i32
    %dma_start3A_440 = tpu.memref_slice %arg12[%dma_start3A_439] : memref<819208xf32, #tpu.memory_space<vmem_shared>> -> memref<819208xf32, #tpu.memory_space<vmem_shared>>
    tpu.enqueue_indirect_dma source(%arg9 : memref<128xf32, #tpu.memory_space<vmem>>) target(%dma_start3A_440 : memref<819208xf32, #tpu.memory_space<vmem_shared>>) offsets(%dma_start3A_438 : memref<128xi32, #tpu.memory_space<vmem>>) semaphore(%arg13 : memref<!tpu.dma_semaphore, #tpu.memory_space<semaphore_mem>>) {add = true}
    %dma_start3A_441 = arith.constant 17 : i32
    %dma_start3A_442 = arith.constant 17 : i32
    %dma_start3A_443 = arith.constant 0 : i32
    %dma_start3A_444 = tpu.memref_slice %arg8[%dma_start3A_441, %dma_start3A_443] : memref<40x128xf32, #tpu.memory_space<vmem>> -> memref<1x128xf32, #tpu.memory_space<vmem>>
    %dma_start3A_445 = tpu.memref_squeeze %dma_start3A_444 : memref<1x128xf32, #tpu.memory_space<vmem>> -> memref<128xf32, #tpu.memory_space<vmem>>
    %dma_start3A_446 = arith.constant 0 : i32
    %dma_start3A_447 = tpu.memref_slice %arg7[%dma_start3A_442, %dma_start3A_446] : memref<40x128xi32, #tpu.memory_space<vmem>> -> memref<1x128xi32, #tpu.memory_space<vmem>>
    %dma_start3A_448 = tpu.memref_squeeze %dma_start3A_447 : memref<1x128xi32, #tpu.memory_space<vmem>> -> memref<128xi32, #tpu.memory_space<vmem>>
    %dma_start3A_449 = arith.constant 0 : i32
    %dma_start3A_450 = tpu.memref_slice %arg11[%dma_start3A_449] : memref<819208xf32, #tpu.memory_space<vmem_shared>> -> memref<819208xf32, #tpu.memory_space<vmem_shared>>
    tpu.enqueue_indirect_dma source(%dma_start3A_445 : memref<128xf32, #tpu.memory_space<vmem>>) target(%dma_start3A_450 : memref<819208xf32, #tpu.memory_space<vmem_shared>>) offsets(%dma_start3A_448 : memref<128xi32, #tpu.memory_space<vmem>>) semaphore(%arg13 : memref<!tpu.dma_semaphore, #tpu.memory_space<semaphore_mem>>) {add = true}
    %dma_start3A_451 = arith.constant 17 : i32
    %dma_start3A_452 = arith.constant 0 : i32
    %dma_start3A_453 = tpu.memref_slice %arg7[%dma_start3A_451, %dma_start3A_452] : memref<40x128xi32, #tpu.memory_space<vmem>> -> memref<1x128xi32, #tpu.memory_space<vmem>>
    %dma_start3A_454 = tpu.memref_squeeze %dma_start3A_453 : memref<1x128xi32, #tpu.memory_space<vmem>> -> memref<128xi32, #tpu.memory_space<vmem>>
    %dma_start3A_455 = arith.constant 0 : i32
    %dma_start3A_456 = tpu.memref_slice %arg12[%dma_start3A_455] : memref<819208xf32, #tpu.memory_space<vmem_shared>> -> memref<819208xf32, #tpu.memory_space<vmem_shared>>
    tpu.enqueue_indirect_dma source(%arg9 : memref<128xf32, #tpu.memory_space<vmem>>) target(%dma_start3A_456 : memref<819208xf32, #tpu.memory_space<vmem_shared>>) offsets(%dma_start3A_454 : memref<128xi32, #tpu.memory_space<vmem>>) semaphore(%arg13 : memref<!tpu.dma_semaphore, #tpu.memory_space<semaphore_mem>>) {add = true}
    %dma_start3A_457 = arith.constant 18 : i32
    %dma_start3A_458 = arith.constant 18 : i32
    %dma_start3A_459 = arith.constant 0 : i32
    %dma_start3A_460 = tpu.memref_slice %arg8[%dma_start3A_457, %dma_start3A_459] : memref<40x128xf32, #tpu.memory_space<vmem>> -> memref<1x128xf32, #tpu.memory_space<vmem>>
    %dma_start3A_461 = tpu.memref_squeeze %dma_start3A_460 : memref<1x128xf32, #tpu.memory_space<vmem>> -> memref<128xf32, #tpu.memory_space<vmem>>
    %dma_start3A_462 = arith.constant 0 : i32
    %dma_start3A_463 = tpu.memref_slice %arg7[%dma_start3A_458, %dma_start3A_462] : memref<40x128xi32, #tpu.memory_space<vmem>> -> memref<1x128xi32, #tpu.memory_space<vmem>>
    %dma_start3A_464 = tpu.memref_squeeze %dma_start3A_463 : memref<1x128xi32, #tpu.memory_space<vmem>> -> memref<128xi32, #tpu.memory_space<vmem>>
    %dma_start3A_465 = arith.constant 0 : i32
    %dma_start3A_466 = tpu.memref_slice %arg11[%dma_start3A_465] : memref<819208xf32, #tpu.memory_space<vmem_shared>> -> memref<819208xf32, #tpu.memory_space<vmem_shared>>
    tpu.enqueue_indirect_dma source(%dma_start3A_461 : memref<128xf32, #tpu.memory_space<vmem>>) target(%dma_start3A_466 : memref<819208xf32, #tpu.memory_space<vmem_shared>>) offsets(%dma_start3A_464 : memref<128xi32, #tpu.memory_space<vmem>>) semaphore(%arg13 : memref<!tpu.dma_semaphore, #tpu.memory_space<semaphore_mem>>) {add = true}
    %dma_start3A_467 = arith.constant 18 : i32
    %dma_start3A_468 = arith.constant 0 : i32
    %dma_start3A_469 = tpu.memref_slice %arg7[%dma_start3A_467, %dma_start3A_468] : memref<40x128xi32, #tpu.memory_space<vmem>> -> memref<1x128xi32, #tpu.memory_space<vmem>>
    %dma_start3A_470 = tpu.memref_squeeze %dma_start3A_469 : memref<1x128xi32, #tpu.memory_space<vmem>> -> memref<128xi32, #tpu.memory_space<vmem>>
    %dma_start3A_471 = arith.constant 0 : i32
    %dma_start3A_472 = tpu.memref_slice %arg12[%dma_start3A_471] : memref<819208xf32, #tpu.memory_space<vmem_shared>> -> memref<819208xf32, #tpu.memory_space<vmem_shared>>
    tpu.enqueue_indirect_dma source(%arg9 : memref<128xf32, #tpu.memory_space<vmem>>) target(%dma_start3A_472 : memref<819208xf32, #tpu.memory_space<vmem_shared>>) offsets(%dma_start3A_470 : memref<128xi32, #tpu.memory_space<vmem>>) semaphore(%arg13 : memref<!tpu.dma_semaphore, #tpu.memory_space<semaphore_mem>>) {add = true}
    %dma_start3A_473 = arith.constant 19 : i32
    %dma_start3A_474 = arith.constant 19 : i32
    %dma_start3A_475 = arith.constant 0 : i32
    %dma_start3A_476 = tpu.memref_slice %arg8[%dma_start3A_473, %dma_start3A_475] : memref<40x128xf32, #tpu.memory_space<vmem>> -> memref<1x128xf32, #tpu.memory_space<vmem>>
    %dma_start3A_477 = tpu.memref_squeeze %dma_start3A_476 : memref<1x128xf32, #tpu.memory_space<vmem>> -> memref<128xf32, #tpu.memory_space<vmem>>
    %dma_start3A_478 = arith.constant 0 : i32
    %dma_start3A_479 = tpu.memref_slice %arg7[%dma_start3A_474, %dma_start3A_478] : memref<40x128xi32, #tpu.memory_space<vmem>> -> memref<1x128xi32, #tpu.memory_space<vmem>>
    %dma_start3A_480 = tpu.memref_squeeze %dma_start3A_479 : memref<1x128xi32, #tpu.memory_space<vmem>> -> memref<128xi32, #tpu.memory_space<vmem>>
    %dma_start3A_481 = arith.constant 0 : i32
    %dma_start3A_482 = tpu.memref_slice %arg11[%dma_start3A_481] : memref<819208xf32, #tpu.memory_space<vmem_shared>> -> memref<819208xf32, #tpu.memory_space<vmem_shared>>
    tpu.enqueue_indirect_dma source(%dma_start3A_477 : memref<128xf32, #tpu.memory_space<vmem>>) target(%dma_start3A_482 : memref<819208xf32, #tpu.memory_space<vmem_shared>>) offsets(%dma_start3A_480 : memref<128xi32, #tpu.memory_space<vmem>>) semaphore(%arg13 : memref<!tpu.dma_semaphore, #tpu.memory_space<semaphore_mem>>) {add = true}
    %dma_start3A_483 = arith.constant 19 : i32
    %dma_start3A_484 = arith.constant 0 : i32
    %dma_start3A_485 = tpu.memref_slice %arg7[%dma_start3A_483, %dma_start3A_484] : memref<40x128xi32, #tpu.memory_space<vmem>> -> memref<1x128xi32, #tpu.memory_space<vmem>>
    %dma_start3A_486 = tpu.memref_squeeze %dma_start3A_485 : memref<1x128xi32, #tpu.memory_space<vmem>> -> memref<128xi32, #tpu.memory_space<vmem>>
    %dma_start3A_487 = arith.constant 0 : i32
    %dma_start3A_488 = tpu.memref_slice %arg12[%dma_start3A_487] : memref<819208xf32, #tpu.memory_space<vmem_shared>> -> memref<819208xf32, #tpu.memory_space<vmem_shared>>
    tpu.enqueue_indirect_dma source(%arg9 : memref<128xf32, #tpu.memory_space<vmem>>) target(%dma_start3A_488 : memref<819208xf32, #tpu.memory_space<vmem_shared>>) offsets(%dma_start3A_486 : memref<128xi32, #tpu.memory_space<vmem>>) semaphore(%arg13 : memref<!tpu.dma_semaphore, #tpu.memory_space<semaphore_mem>>) {add = true}
    %dma_start3A_489 = arith.constant 20 : i32
    %dma_start3A_490 = arith.constant 20 : i32
    %dma_start3A_491 = arith.constant 0 : i32
    %dma_start3A_492 = tpu.memref_slice %arg8[%dma_start3A_489, %dma_start3A_491] : memref<40x128xf32, #tpu.memory_space<vmem>> -> memref<1x128xf32, #tpu.memory_space<vmem>>
    %dma_start3A_493 = tpu.memref_squeeze %dma_start3A_492 : memref<1x128xf32, #tpu.memory_space<vmem>> -> memref<128xf32, #tpu.memory_space<vmem>>
    %dma_start3A_494 = arith.constant 0 : i32
    %dma_start3A_495 = tpu.memref_slice %arg7[%dma_start3A_490, %dma_start3A_494] : memref<40x128xi32, #tpu.memory_space<vmem>> -> memref<1x128xi32, #tpu.memory_space<vmem>>
    %dma_start3A_496 = tpu.memref_squeeze %dma_start3A_495 : memref<1x128xi32, #tpu.memory_space<vmem>> -> memref<128xi32, #tpu.memory_space<vmem>>
    %dma_start3A_497 = arith.constant 0 : i32
    %dma_start3A_498 = tpu.memref_slice %arg11[%dma_start3A_497] : memref<819208xf32, #tpu.memory_space<vmem_shared>> -> memref<819208xf32, #tpu.memory_space<vmem_shared>>
    tpu.enqueue_indirect_dma source(%dma_start3A_493 : memref<128xf32, #tpu.memory_space<vmem>>) target(%dma_start3A_498 : memref<819208xf32, #tpu.memory_space<vmem_shared>>) offsets(%dma_start3A_496 : memref<128xi32, #tpu.memory_space<vmem>>) semaphore(%arg13 : memref<!tpu.dma_semaphore, #tpu.memory_space<semaphore_mem>>) {add = true}
    %dma_start3A_499 = arith.constant 20 : i32
    %dma_start3A_500 = arith.constant 0 : i32
    %dma_start3A_501 = tpu.memref_slice %arg7[%dma_start3A_499, %dma_start3A_500] : memref<40x128xi32, #tpu.memory_space<vmem>> -> memref<1x128xi32, #tpu.memory_space<vmem>>
    %dma_start3A_502 = tpu.memref_squeeze %dma_start3A_501 : memref<1x128xi32, #tpu.memory_space<vmem>> -> memref<128xi32, #tpu.memory_space<vmem>>
    %dma_start3A_503 = arith.constant 0 : i32
    %dma_start3A_504 = tpu.memref_slice %arg12[%dma_start3A_503] : memref<819208xf32, #tpu.memory_space<vmem_shared>> -> memref<819208xf32, #tpu.memory_space<vmem_shared>>
    tpu.enqueue_indirect_dma source(%arg9 : memref<128xf32, #tpu.memory_space<vmem>>) target(%dma_start3A_504 : memref<819208xf32, #tpu.memory_space<vmem_shared>>) offsets(%dma_start3A_502 : memref<128xi32, #tpu.memory_space<vmem>>) semaphore(%arg13 : memref<!tpu.dma_semaphore, #tpu.memory_space<semaphore_mem>>) {add = true}
    %dma_start3A_505 = arith.constant 21 : i32
    %dma_start3A_506 = arith.constant 21 : i32
    %dma_start3A_507 = arith.constant 0 : i32
    %dma_start3A_508 = tpu.memref_slice %arg8[%dma_start3A_505, %dma_start3A_507] : memref<40x128xf32, #tpu.memory_space<vmem>> -> memref<1x128xf32, #tpu.memory_space<vmem>>
    %dma_start3A_509 = tpu.memref_squeeze %dma_start3A_508 : memref<1x128xf32, #tpu.memory_space<vmem>> -> memref<128xf32, #tpu.memory_space<vmem>>
    %dma_start3A_510 = arith.constant 0 : i32
    %dma_start3A_511 = tpu.memref_slice %arg7[%dma_start3A_506, %dma_start3A_510] : memref<40x128xi32, #tpu.memory_space<vmem>> -> memref<1x128xi32, #tpu.memory_space<vmem>>
    %dma_start3A_512 = tpu.memref_squeeze %dma_start3A_511 : memref<1x128xi32, #tpu.memory_space<vmem>> -> memref<128xi32, #tpu.memory_space<vmem>>
    %dma_start3A_513 = arith.constant 0 : i32
    %dma_start3A_514 = tpu.memref_slice %arg11[%dma_start3A_513] : memref<819208xf32, #tpu.memory_space<vmem_shared>> -> memref<819208xf32, #tpu.memory_space<vmem_shared>>
    tpu.enqueue_indirect_dma source(%dma_start3A_509 : memref<128xf32, #tpu.memory_space<vmem>>) target(%dma_start3A_514 : memref<819208xf32, #tpu.memory_space<vmem_shared>>) offsets(%dma_start3A_512 : memref<128xi32, #tpu.memory_space<vmem>>) semaphore(%arg13 : memref<!tpu.dma_semaphore, #tpu.memory_space<semaphore_mem>>) {add = true}
    %dma_start3A_515 = arith.constant 21 : i32
    %dma_start3A_516 = arith.constant 0 : i32
    %dma_start3A_517 = tpu.memref_slice %arg7[%dma_start3A_515, %dma_start3A_516] : memref<40x128xi32, #tpu.memory_space<vmem>> -> memref<1x128xi32, #tpu.memory_space<vmem>>
    %dma_start3A_518 = tpu.memref_squeeze %dma_start3A_517 : memref<1x128xi32, #tpu.memory_space<vmem>> -> memref<128xi32, #tpu.memory_space<vmem>>
    %dma_start3A_519 = arith.constant 0 : i32
    %dma_start3A_520 = tpu.memref_slice %arg12[%dma_start3A_519] : memref<819208xf32, #tpu.memory_space<vmem_shared>> -> memref<819208xf32, #tpu.memory_space<vmem_shared>>
    tpu.enqueue_indirect_dma source(%arg9 : memref<128xf32, #tpu.memory_space<vmem>>) target(%dma_start3A_520 : memref<819208xf32, #tpu.memory_space<vmem_shared>>) offsets(%dma_start3A_518 : memref<128xi32, #tpu.memory_space<vmem>>) semaphore(%arg13 : memref<!tpu.dma_semaphore, #tpu.memory_space<semaphore_mem>>) {add = true}
    %dma_start3A_521 = arith.constant 22 : i32
    %dma_start3A_522 = arith.constant 22 : i32
    %dma_start3A_523 = arith.constant 0 : i32
    %dma_start3A_524 = tpu.memref_slice %arg8[%dma_start3A_521, %dma_start3A_523] : memref<40x128xf32, #tpu.memory_space<vmem>> -> memref<1x128xf32, #tpu.memory_space<vmem>>
    %dma_start3A_525 = tpu.memref_squeeze %dma_start3A_524 : memref<1x128xf32, #tpu.memory_space<vmem>> -> memref<128xf32, #tpu.memory_space<vmem>>
    %dma_start3A_526 = arith.constant 0 : i32
    %dma_start3A_527 = tpu.memref_slice %arg7[%dma_start3A_522, %dma_start3A_526] : memref<40x128xi32, #tpu.memory_space<vmem>> -> memref<1x128xi32, #tpu.memory_space<vmem>>
    %dma_start3A_528 = tpu.memref_squeeze %dma_start3A_527 : memref<1x128xi32, #tpu.memory_space<vmem>> -> memref<128xi32, #tpu.memory_space<vmem>>
    %dma_start3A_529 = arith.constant 0 : i32
    %dma_start3A_530 = tpu.memref_slice %arg11[%dma_start3A_529] : memref<819208xf32, #tpu.memory_space<vmem_shared>> -> memref<819208xf32, #tpu.memory_space<vmem_shared>>
    tpu.enqueue_indirect_dma source(%dma_start3A_525 : memref<128xf32, #tpu.memory_space<vmem>>) target(%dma_start3A_530 : memref<819208xf32, #tpu.memory_space<vmem_shared>>) offsets(%dma_start3A_528 : memref<128xi32, #tpu.memory_space<vmem>>) semaphore(%arg13 : memref<!tpu.dma_semaphore, #tpu.memory_space<semaphore_mem>>) {add = true}
    %dma_start3A_531 = arith.constant 22 : i32
    %dma_start3A_532 = arith.constant 0 : i32
    %dma_start3A_533 = tpu.memref_slice %arg7[%dma_start3A_531, %dma_start3A_532] : memref<40x128xi32, #tpu.memory_space<vmem>> -> memref<1x128xi32, #tpu.memory_space<vmem>>
    %dma_start3A_534 = tpu.memref_squeeze %dma_start3A_533 : memref<1x128xi32, #tpu.memory_space<vmem>> -> memref<128xi32, #tpu.memory_space<vmem>>
    %dma_start3A_535 = arith.constant 0 : i32
    %dma_start3A_536 = tpu.memref_slice %arg12[%dma_start3A_535] : memref<819208xf32, #tpu.memory_space<vmem_shared>> -> memref<819208xf32, #tpu.memory_space<vmem_shared>>
    tpu.enqueue_indirect_dma source(%arg9 : memref<128xf32, #tpu.memory_space<vmem>>) target(%dma_start3A_536 : memref<819208xf32, #tpu.memory_space<vmem_shared>>) offsets(%dma_start3A_534 : memref<128xi32, #tpu.memory_space<vmem>>) semaphore(%arg13 : memref<!tpu.dma_semaphore, #tpu.memory_space<semaphore_mem>>) {add = true}
    %dma_start3A_537 = arith.constant 23 : i32
    %dma_start3A_538 = arith.constant 23 : i32
    %dma_start3A_539 = arith.constant 0 : i32
    %dma_start3A_540 = tpu.memref_slice %arg8[%dma_start3A_537, %dma_start3A_539] : memref<40x128xf32, #tpu.memory_space<vmem>> -> memref<1x128xf32, #tpu.memory_space<vmem>>
    %dma_start3A_541 = tpu.memref_squeeze %dma_start3A_540 : memref<1x128xf32, #tpu.memory_space<vmem>> -> memref<128xf32, #tpu.memory_space<vmem>>
    %dma_start3A_542 = arith.constant 0 : i32
    %dma_start3A_543 = tpu.memref_slice %arg7[%dma_start3A_538, %dma_start3A_542] : memref<40x128xi32, #tpu.memory_space<vmem>> -> memref<1x128xi32, #tpu.memory_space<vmem>>
    %dma_start3A_544 = tpu.memref_squeeze %dma_start3A_543 : memref<1x128xi32, #tpu.memory_space<vmem>> -> memref<128xi32, #tpu.memory_space<vmem>>
    %dma_start3A_545 = arith.constant 0 : i32
    %dma_start3A_546 = tpu.memref_slice %arg11[%dma_start3A_545] : memref<819208xf32, #tpu.memory_space<vmem_shared>> -> memref<819208xf32, #tpu.memory_space<vmem_shared>>
    tpu.enqueue_indirect_dma source(%dma_start3A_541 : memref<128xf32, #tpu.memory_space<vmem>>) target(%dma_start3A_546 : memref<819208xf32, #tpu.memory_space<vmem_shared>>) offsets(%dma_start3A_544 : memref<128xi32, #tpu.memory_space<vmem>>) semaphore(%arg13 : memref<!tpu.dma_semaphore, #tpu.memory_space<semaphore_mem>>) {add = true}
    %dma_start3A_547 = arith.constant 23 : i32
    %dma_start3A_548 = arith.constant 0 : i32
    %dma_start3A_549 = tpu.memref_slice %arg7[%dma_start3A_547, %dma_start3A_548] : memref<40x128xi32, #tpu.memory_space<vmem>> -> memref<1x128xi32, #tpu.memory_space<vmem>>
    %dma_start3A_550 = tpu.memref_squeeze %dma_start3A_549 : memref<1x128xi32, #tpu.memory_space<vmem>> -> memref<128xi32, #tpu.memory_space<vmem>>
    %dma_start3A_551 = arith.constant 0 : i32
    %dma_start3A_552 = tpu.memref_slice %arg12[%dma_start3A_551] : memref<819208xf32, #tpu.memory_space<vmem_shared>> -> memref<819208xf32, #tpu.memory_space<vmem_shared>>
    tpu.enqueue_indirect_dma source(%arg9 : memref<128xf32, #tpu.memory_space<vmem>>) target(%dma_start3A_552 : memref<819208xf32, #tpu.memory_space<vmem_shared>>) offsets(%dma_start3A_550 : memref<128xi32, #tpu.memory_space<vmem>>) semaphore(%arg13 : memref<!tpu.dma_semaphore, #tpu.memory_space<semaphore_mem>>) {add = true}
    %dma_start3A_553 = arith.constant 24 : i32
    %dma_start3A_554 = arith.constant 24 : i32
    %dma_start3A_555 = arith.constant 0 : i32
    %dma_start3A_556 = tpu.memref_slice %arg8[%dma_start3A_553, %dma_start3A_555] : memref<40x128xf32, #tpu.memory_space<vmem>> -> memref<1x128xf32, #tpu.memory_space<vmem>>
    %dma_start3A_557 = tpu.memref_squeeze %dma_start3A_556 : memref<1x128xf32, #tpu.memory_space<vmem>> -> memref<128xf32, #tpu.memory_space<vmem>>
    %dma_start3A_558 = arith.constant 0 : i32
    %dma_start3A_559 = tpu.memref_slice %arg7[%dma_start3A_554, %dma_start3A_558] : memref<40x128xi32, #tpu.memory_space<vmem>> -> memref<1x128xi32, #tpu.memory_space<vmem>>
    %dma_start3A_560 = tpu.memref_squeeze %dma_start3A_559 : memref<1x128xi32, #tpu.memory_space<vmem>> -> memref<128xi32, #tpu.memory_space<vmem>>
    %dma_start3A_561 = arith.constant 0 : i32
    %dma_start3A_562 = tpu.memref_slice %arg11[%dma_start3A_561] : memref<819208xf32, #tpu.memory_space<vmem_shared>> -> memref<819208xf32, #tpu.memory_space<vmem_shared>>
    tpu.enqueue_indirect_dma source(%dma_start3A_557 : memref<128xf32, #tpu.memory_space<vmem>>) target(%dma_start3A_562 : memref<819208xf32, #tpu.memory_space<vmem_shared>>) offsets(%dma_start3A_560 : memref<128xi32, #tpu.memory_space<vmem>>) semaphore(%arg13 : memref<!tpu.dma_semaphore, #tpu.memory_space<semaphore_mem>>) {add = true}
    %dma_start3A_563 = arith.constant 24 : i32
    %dma_start3A_564 = arith.constant 0 : i32
    %dma_start3A_565 = tpu.memref_slice %arg7[%dma_start3A_563, %dma_start3A_564] : memref<40x128xi32, #tpu.memory_space<vmem>> -> memref<1x128xi32, #tpu.memory_space<vmem>>
    %dma_start3A_566 = tpu.memref_squeeze %dma_start3A_565 : memref<1x128xi32, #tpu.memory_space<vmem>> -> memref<128xi32, #tpu.memory_space<vmem>>
    %dma_start3A_567 = arith.constant 0 : i32
    %dma_start3A_568 = tpu.memref_slice %arg12[%dma_start3A_567] : memref<819208xf32, #tpu.memory_space<vmem_shared>> -> memref<819208xf32, #tpu.memory_space<vmem_shared>>
    tpu.enqueue_indirect_dma source(%arg9 : memref<128xf32, #tpu.memory_space<vmem>>) target(%dma_start3A_568 : memref<819208xf32, #tpu.memory_space<vmem_shared>>) offsets(%dma_start3A_566 : memref<128xi32, #tpu.memory_space<vmem>>) semaphore(%arg13 : memref<!tpu.dma_semaphore, #tpu.memory_space<semaphore_mem>>) {add = true}
    %dma_start3A_569 = arith.constant 25 : i32
    %dma_start3A_570 = arith.constant 25 : i32
    %dma_start3A_571 = arith.constant 0 : i32
    %dma_start3A_572 = tpu.memref_slice %arg8[%dma_start3A_569, %dma_start3A_571] : memref<40x128xf32, #tpu.memory_space<vmem>> -> memref<1x128xf32, #tpu.memory_space<vmem>>
    %dma_start3A_573 = tpu.memref_squeeze %dma_start3A_572 : memref<1x128xf32, #tpu.memory_space<vmem>> -> memref<128xf32, #tpu.memory_space<vmem>>
    %dma_start3A_574 = arith.constant 0 : i32
    %dma_start3A_575 = tpu.memref_slice %arg7[%dma_start3A_570, %dma_start3A_574] : memref<40x128xi32, #tpu.memory_space<vmem>> -> memref<1x128xi32, #tpu.memory_space<vmem>>
    %dma_start3A_576 = tpu.memref_squeeze %dma_start3A_575 : memref<1x128xi32, #tpu.memory_space<vmem>> -> memref<128xi32, #tpu.memory_space<vmem>>
    %dma_start3A_577 = arith.constant 0 : i32
    %dma_start3A_578 = tpu.memref_slice %arg11[%dma_start3A_577] : memref<819208xf32, #tpu.memory_space<vmem_shared>> -> memref<819208xf32, #tpu.memory_space<vmem_shared>>
    tpu.enqueue_indirect_dma source(%dma_start3A_573 : memref<128xf32, #tpu.memory_space<vmem>>) target(%dma_start3A_578 : memref<819208xf32, #tpu.memory_space<vmem_shared>>) offsets(%dma_start3A_576 : memref<128xi32, #tpu.memory_space<vmem>>) semaphore(%arg13 : memref<!tpu.dma_semaphore, #tpu.memory_space<semaphore_mem>>) {add = true}
    %dma_start3A_579 = arith.constant 25 : i32
    %dma_start3A_580 = arith.constant 0 : i32
    %dma_start3A_581 = tpu.memref_slice %arg7[%dma_start3A_579, %dma_start3A_580] : memref<40x128xi32, #tpu.memory_space<vmem>> -> memref<1x128xi32, #tpu.memory_space<vmem>>
    %dma_start3A_582 = tpu.memref_squeeze %dma_start3A_581 : memref<1x128xi32, #tpu.memory_space<vmem>> -> memref<128xi32, #tpu.memory_space<vmem>>
    %dma_start3A_583 = arith.constant 0 : i32
    %dma_start3A_584 = tpu.memref_slice %arg12[%dma_start3A_583] : memref<819208xf32, #tpu.memory_space<vmem_shared>> -> memref<819208xf32, #tpu.memory_space<vmem_shared>>
    tpu.enqueue_indirect_dma source(%arg9 : memref<128xf32, #tpu.memory_space<vmem>>) target(%dma_start3A_584 : memref<819208xf32, #tpu.memory_space<vmem_shared>>) offsets(%dma_start3A_582 : memref<128xi32, #tpu.memory_space<vmem>>) semaphore(%arg13 : memref<!tpu.dma_semaphore, #tpu.memory_space<semaphore_mem>>) {add = true}
    %dma_start3A_585 = arith.constant 26 : i32
    %dma_start3A_586 = arith.constant 26 : i32
    %dma_start3A_587 = arith.constant 0 : i32
    %dma_start3A_588 = tpu.memref_slice %arg8[%dma_start3A_585, %dma_start3A_587] : memref<40x128xf32, #tpu.memory_space<vmem>> -> memref<1x128xf32, #tpu.memory_space<vmem>>
    %dma_start3A_589 = tpu.memref_squeeze %dma_start3A_588 : memref<1x128xf32, #tpu.memory_space<vmem>> -> memref<128xf32, #tpu.memory_space<vmem>>
    %dma_start3A_590 = arith.constant 0 : i32
    %dma_start3A_591 = tpu.memref_slice %arg7[%dma_start3A_586, %dma_start3A_590] : memref<40x128xi32, #tpu.memory_space<vmem>> -> memref<1x128xi32, #tpu.memory_space<vmem>>
    %dma_start3A_592 = tpu.memref_squeeze %dma_start3A_591 : memref<1x128xi32, #tpu.memory_space<vmem>> -> memref<128xi32, #tpu.memory_space<vmem>>
    %dma_start3A_593 = arith.constant 0 : i32
    %dma_start3A_594 = tpu.memref_slice %arg11[%dma_start3A_593] : memref<819208xf32, #tpu.memory_space<vmem_shared>> -> memref<819208xf32, #tpu.memory_space<vmem_shared>>
    tpu.enqueue_indirect_dma source(%dma_start3A_589 : memref<128xf32, #tpu.memory_space<vmem>>) target(%dma_start3A_594 : memref<819208xf32, #tpu.memory_space<vmem_shared>>) offsets(%dma_start3A_592 : memref<128xi32, #tpu.memory_space<vmem>>) semaphore(%arg13 : memref<!tpu.dma_semaphore, #tpu.memory_space<semaphore_mem>>) {add = true}
    %dma_start3A_595 = arith.constant 26 : i32
    %dma_start3A_596 = arith.constant 0 : i32
    %dma_start3A_597 = tpu.memref_slice %arg7[%dma_start3A_595, %dma_start3A_596] : memref<40x128xi32, #tpu.memory_space<vmem>> -> memref<1x128xi32, #tpu.memory_space<vmem>>
    %dma_start3A_598 = tpu.memref_squeeze %dma_start3A_597 : memref<1x128xi32, #tpu.memory_space<vmem>> -> memref<128xi32, #tpu.memory_space<vmem>>
    %dma_start3A_599 = arith.constant 0 : i32
    %dma_start3A_600 = tpu.memref_slice %arg12[%dma_start3A_599] : memref<819208xf32, #tpu.memory_space<vmem_shared>> -> memref<819208xf32, #tpu.memory_space<vmem_shared>>
    tpu.enqueue_indirect_dma source(%arg9 : memref<128xf32, #tpu.memory_space<vmem>>) target(%dma_start3A_600 : memref<819208xf32, #tpu.memory_space<vmem_shared>>) offsets(%dma_start3A_598 : memref<128xi32, #tpu.memory_space<vmem>>) semaphore(%arg13 : memref<!tpu.dma_semaphore, #tpu.memory_space<semaphore_mem>>) {add = true}
    %dma_start3A_601 = arith.constant 27 : i32
    %dma_start3A_602 = arith.constant 27 : i32
    %dma_start3A_603 = arith.constant 0 : i32
    %dma_start3A_604 = tpu.memref_slice %arg8[%dma_start3A_601, %dma_start3A_603] : memref<40x128xf32, #tpu.memory_space<vmem>> -> memref<1x128xf32, #tpu.memory_space<vmem>>
    %dma_start3A_605 = tpu.memref_squeeze %dma_start3A_604 : memref<1x128xf32, #tpu.memory_space<vmem>> -> memref<128xf32, #tpu.memory_space<vmem>>
    %dma_start3A_606 = arith.constant 0 : i32
    %dma_start3A_607 = tpu.memref_slice %arg7[%dma_start3A_602, %dma_start3A_606] : memref<40x128xi32, #tpu.memory_space<vmem>> -> memref<1x128xi32, #tpu.memory_space<vmem>>
    %dma_start3A_608 = tpu.memref_squeeze %dma_start3A_607 : memref<1x128xi32, #tpu.memory_space<vmem>> -> memref<128xi32, #tpu.memory_space<vmem>>
    %dma_start3A_609 = arith.constant 0 : i32
    %dma_start3A_610 = tpu.memref_slice %arg11[%dma_start3A_609] : memref<819208xf32, #tpu.memory_space<vmem_shared>> -> memref<819208xf32, #tpu.memory_space<vmem_shared>>
    tpu.enqueue_indirect_dma source(%dma_start3A_605 : memref<128xf32, #tpu.memory_space<vmem>>) target(%dma_start3A_610 : memref<819208xf32, #tpu.memory_space<vmem_shared>>) offsets(%dma_start3A_608 : memref<128xi32, #tpu.memory_space<vmem>>) semaphore(%arg13 : memref<!tpu.dma_semaphore, #tpu.memory_space<semaphore_mem>>) {add = true}
    %dma_start3A_611 = arith.constant 27 : i32
    %dma_start3A_612 = arith.constant 0 : i32
    %dma_start3A_613 = tpu.memref_slice %arg7[%dma_start3A_611, %dma_start3A_612] : memref<40x128xi32, #tpu.memory_space<vmem>> -> memref<1x128xi32, #tpu.memory_space<vmem>>
    %dma_start3A_614 = tpu.memref_squeeze %dma_start3A_613 : memref<1x128xi32, #tpu.memory_space<vmem>> -> memref<128xi32, #tpu.memory_space<vmem>>
    %dma_start3A_615 = arith.constant 0 : i32
    %dma_start3A_616 = tpu.memref_slice %arg12[%dma_start3A_615] : memref<819208xf32, #tpu.memory_space<vmem_shared>> -> memref<819208xf32, #tpu.memory_space<vmem_shared>>
    tpu.enqueue_indirect_dma source(%arg9 : memref<128xf32, #tpu.memory_space<vmem>>) target(%dma_start3A_616 : memref<819208xf32, #tpu.memory_space<vmem_shared>>) offsets(%dma_start3A_614 : memref<128xi32, #tpu.memory_space<vmem>>) semaphore(%arg13 : memref<!tpu.dma_semaphore, #tpu.memory_space<semaphore_mem>>) {add = true}
    %dma_start3A_617 = arith.constant 28 : i32
    %dma_start3A_618 = arith.constant 28 : i32
    %dma_start3A_619 = arith.constant 0 : i32
    %dma_start3A_620 = tpu.memref_slice %arg8[%dma_start3A_617, %dma_start3A_619] : memref<40x128xf32, #tpu.memory_space<vmem>> -> memref<1x128xf32, #tpu.memory_space<vmem>>
    %dma_start3A_621 = tpu.memref_squeeze %dma_start3A_620 : memref<1x128xf32, #tpu.memory_space<vmem>> -> memref<128xf32, #tpu.memory_space<vmem>>
    %dma_start3A_622 = arith.constant 0 : i32
    %dma_start3A_623 = tpu.memref_slice %arg7[%dma_start3A_618, %dma_start3A_622] : memref<40x128xi32, #tpu.memory_space<vmem>> -> memref<1x128xi32, #tpu.memory_space<vmem>>
    %dma_start3A_624 = tpu.memref_squeeze %dma_start3A_623 : memref<1x128xi32, #tpu.memory_space<vmem>> -> memref<128xi32, #tpu.memory_space<vmem>>
    %dma_start3A_625 = arith.constant 0 : i32
    %dma_start3A_626 = tpu.memref_slice %arg11[%dma_start3A_625] : memref<819208xf32, #tpu.memory_space<vmem_shared>> -> memref<819208xf32, #tpu.memory_space<vmem_shared>>
    tpu.enqueue_indirect_dma source(%dma_start3A_621 : memref<128xf32, #tpu.memory_space<vmem>>) target(%dma_start3A_626 : memref<819208xf32, #tpu.memory_space<vmem_shared>>) offsets(%dma_start3A_624 : memref<128xi32, #tpu.memory_space<vmem>>) semaphore(%arg13 : memref<!tpu.dma_semaphore, #tpu.memory_space<semaphore_mem>>) {add = true}
    %dma_start3A_627 = arith.constant 28 : i32
    %dma_start3A_628 = arith.constant 0 : i32
    %dma_start3A_629 = tpu.memref_slice %arg7[%dma_start3A_627, %dma_start3A_628] : memref<40x128xi32, #tpu.memory_space<vmem>> -> memref<1x128xi32, #tpu.memory_space<vmem>>
    %dma_start3A_630 = tpu.memref_squeeze %dma_start3A_629 : memref<1x128xi32, #tpu.memory_space<vmem>> -> memref<128xi32, #tpu.memory_space<vmem>>
    %dma_start3A_631 = arith.constant 0 : i32
    %dma_start3A_632 = tpu.memref_slice %arg12[%dma_start3A_631] : memref<819208xf32, #tpu.memory_space<vmem_shared>> -> memref<819208xf32, #tpu.memory_space<vmem_shared>>
    tpu.enqueue_indirect_dma source(%arg9 : memref<128xf32, #tpu.memory_space<vmem>>) target(%dma_start3A_632 : memref<819208xf32, #tpu.memory_space<vmem_shared>>) offsets(%dma_start3A_630 : memref<128xi32, #tpu.memory_space<vmem>>) semaphore(%arg13 : memref<!tpu.dma_semaphore, #tpu.memory_space<semaphore_mem>>) {add = true}
    %dma_start3A_633 = arith.constant 29 : i32
    %dma_start3A_634 = arith.constant 29 : i32
    %dma_start3A_635 = arith.constant 0 : i32
    %dma_start3A_636 = tpu.memref_slice %arg8[%dma_start3A_633, %dma_start3A_635] : memref<40x128xf32, #tpu.memory_space<vmem>> -> memref<1x128xf32, #tpu.memory_space<vmem>>
    %dma_start3A_637 = tpu.memref_squeeze %dma_start3A_636 : memref<1x128xf32, #tpu.memory_space<vmem>> -> memref<128xf32, #tpu.memory_space<vmem>>
    %dma_start3A_638 = arith.constant 0 : i32
    %dma_start3A_639 = tpu.memref_slice %arg7[%dma_start3A_634, %dma_start3A_638] : memref<40x128xi32, #tpu.memory_space<vmem>> -> memref<1x128xi32, #tpu.memory_space<vmem>>
    %dma_start3A_640 = tpu.memref_squeeze %dma_start3A_639 : memref<1x128xi32, #tpu.memory_space<vmem>> -> memref<128xi32, #tpu.memory_space<vmem>>
    %dma_start3A_641 = arith.constant 0 : i32
    %dma_start3A_642 = tpu.memref_slice %arg11[%dma_start3A_641] : memref<819208xf32, #tpu.memory_space<vmem_shared>> -> memref<819208xf32, #tpu.memory_space<vmem_shared>>
    tpu.enqueue_indirect_dma source(%dma_start3A_637 : memref<128xf32, #tpu.memory_space<vmem>>) target(%dma_start3A_642 : memref<819208xf32, #tpu.memory_space<vmem_shared>>) offsets(%dma_start3A_640 : memref<128xi32, #tpu.memory_space<vmem>>) semaphore(%arg13 : memref<!tpu.dma_semaphore, #tpu.memory_space<semaphore_mem>>) {add = true}
    %dma_start3A_643 = arith.constant 29 : i32
    %dma_start3A_644 = arith.constant 0 : i32
    %dma_start3A_645 = tpu.memref_slice %arg7[%dma_start3A_643, %dma_start3A_644] : memref<40x128xi32, #tpu.memory_space<vmem>> -> memref<1x128xi32, #tpu.memory_space<vmem>>
    %dma_start3A_646 = tpu.memref_squeeze %dma_start3A_645 : memref<1x128xi32, #tpu.memory_space<vmem>> -> memref<128xi32, #tpu.memory_space<vmem>>
    %dma_start3A_647 = arith.constant 0 : i32
    %dma_start3A_648 = tpu.memref_slice %arg12[%dma_start3A_647] : memref<819208xf32, #tpu.memory_space<vmem_shared>> -> memref<819208xf32, #tpu.memory_space<vmem_shared>>
    tpu.enqueue_indirect_dma source(%arg9 : memref<128xf32, #tpu.memory_space<vmem>>) target(%dma_start3A_648 : memref<819208xf32, #tpu.memory_space<vmem_shared>>) offsets(%dma_start3A_646 : memref<128xi32, #tpu.memory_space<vmem>>) semaphore(%arg13 : memref<!tpu.dma_semaphore, #tpu.memory_space<semaphore_mem>>) {add = true}
    %dma_start3A_649 = arith.constant 30 : i32
    %dma_start3A_650 = arith.constant 30 : i32
    %dma_start3A_651 = arith.constant 0 : i32
    %dma_start3A_652 = tpu.memref_slice %arg8[%dma_start3A_649, %dma_start3A_651] : memref<40x128xf32, #tpu.memory_space<vmem>> -> memref<1x128xf32, #tpu.memory_space<vmem>>
    %dma_start3A_653 = tpu.memref_squeeze %dma_start3A_652 : memref<1x128xf32, #tpu.memory_space<vmem>> -> memref<128xf32, #tpu.memory_space<vmem>>
    %dma_start3A_654 = arith.constant 0 : i32
    %dma_start3A_655 = tpu.memref_slice %arg7[%dma_start3A_650, %dma_start3A_654] : memref<40x128xi32, #tpu.memory_space<vmem>> -> memref<1x128xi32, #tpu.memory_space<vmem>>
    %dma_start3A_656 = tpu.memref_squeeze %dma_start3A_655 : memref<1x128xi32, #tpu.memory_space<vmem>> -> memref<128xi32, #tpu.memory_space<vmem>>
    %dma_start3A_657 = arith.constant 0 : i32
    %dma_start3A_658 = tpu.memref_slice %arg11[%dma_start3A_657] : memref<819208xf32, #tpu.memory_space<vmem_shared>> -> memref<819208xf32, #tpu.memory_space<vmem_shared>>
    tpu.enqueue_indirect_dma source(%dma_start3A_653 : memref<128xf32, #tpu.memory_space<vmem>>) target(%dma_start3A_658 : memref<819208xf32, #tpu.memory_space<vmem_shared>>) offsets(%dma_start3A_656 : memref<128xi32, #tpu.memory_space<vmem>>) semaphore(%arg13 : memref<!tpu.dma_semaphore, #tpu.memory_space<semaphore_mem>>) {add = true}
    %dma_start3A_659 = arith.constant 30 : i32
    %dma_start3A_660 = arith.constant 0 : i32
    %dma_start3A_661 = tpu.memref_slice %arg7[%dma_start3A_659, %dma_start3A_660] : memref<40x128xi32, #tpu.memory_space<vmem>> -> memref<1x128xi32, #tpu.memory_space<vmem>>
    %dma_start3A_662 = tpu.memref_squeeze %dma_start3A_661 : memref<1x128xi32, #tpu.memory_space<vmem>> -> memref<128xi32, #tpu.memory_space<vmem>>
    %dma_start3A_663 = arith.constant 0 : i32
    %dma_start3A_664 = tpu.memref_slice %arg12[%dma_start3A_663] : memref<819208xf32, #tpu.memory_space<vmem_shared>> -> memref<819208xf32, #tpu.memory_space<vmem_shared>>
    tpu.enqueue_indirect_dma source(%arg9 : memref<128xf32, #tpu.memory_space<vmem>>) target(%dma_start3A_664 : memref<819208xf32, #tpu.memory_space<vmem_shared>>) offsets(%dma_start3A_662 : memref<128xi32, #tpu.memory_space<vmem>>) semaphore(%arg13 : memref<!tpu.dma_semaphore, #tpu.memory_space<semaphore_mem>>) {add = true}
    %dma_start3A_665 = arith.constant 31 : i32
    %dma_start3A_666 = arith.constant 31 : i32
    %dma_start3A_667 = arith.constant 0 : i32
    %dma_start3A_668 = tpu.memref_slice %arg8[%dma_start3A_665, %dma_start3A_667] : memref<40x128xf32, #tpu.memory_space<vmem>> -> memref<1x128xf32, #tpu.memory_space<vmem>>
    %dma_start3A_669 = tpu.memref_squeeze %dma_start3A_668 : memref<1x128xf32, #tpu.memory_space<vmem>> -> memref<128xf32, #tpu.memory_space<vmem>>
    %dma_start3A_670 = arith.constant 0 : i32
    %dma_start3A_671 = tpu.memref_slice %arg7[%dma_start3A_666, %dma_start3A_670] : memref<40x128xi32, #tpu.memory_space<vmem>> -> memref<1x128xi32, #tpu.memory_space<vmem>>
    %dma_start3A_672 = tpu.memref_squeeze %dma_start3A_671 : memref<1x128xi32, #tpu.memory_space<vmem>> -> memref<128xi32, #tpu.memory_space<vmem>>
    %dma_start3A_673 = arith.constant 0 : i32
    %dma_start3A_674 = tpu.memref_slice %arg11[%dma_start3A_673] : memref<819208xf32, #tpu.memory_space<vmem_shared>> -> memref<819208xf32, #tpu.memory_space<vmem_shared>>
    tpu.enqueue_indirect_dma source(%dma_start3A_669 : memref<128xf32, #tpu.memory_space<vmem>>) target(%dma_start3A_674 : memref<819208xf32, #tpu.memory_space<vmem_shared>>) offsets(%dma_start3A_672 : memref<128xi32, #tpu.memory_space<vmem>>) semaphore(%arg13 : memref<!tpu.dma_semaphore, #tpu.memory_space<semaphore_mem>>) {add = true}
    %dma_start3A_675 = arith.constant 31 : i32
    %dma_start3A_676 = arith.constant 0 : i32
    %dma_start3A_677 = tpu.memref_slice %arg7[%dma_start3A_675, %dma_start3A_676] : memref<40x128xi32, #tpu.memory_space<vmem>> -> memref<1x128xi32, #tpu.memory_space<vmem>>
    %dma_start3A_678 = tpu.memref_squeeze %dma_start3A_677 : memref<1x128xi32, #tpu.memory_space<vmem>> -> memref<128xi32, #tpu.memory_space<vmem>>
    %dma_start3A_679 = arith.constant 0 : i32
    %dma_start3A_680 = tpu.memref_slice %arg12[%dma_start3A_679] : memref<819208xf32, #tpu.memory_space<vmem_shared>> -> memref<819208xf32, #tpu.memory_space<vmem_shared>>
    tpu.enqueue_indirect_dma source(%arg9 : memref<128xf32, #tpu.memory_space<vmem>>) target(%dma_start3A_680 : memref<819208xf32, #tpu.memory_space<vmem_shared>>) offsets(%dma_start3A_678 : memref<128xi32, #tpu.memory_space<vmem>>) semaphore(%arg13 : memref<!tpu.dma_semaphore, #tpu.memory_space<semaphore_mem>>) {add = true}
    %dma_start3A_681 = arith.constant 32 : i32
    %dma_start3A_682 = arith.constant 32 : i32
    %dma_start3A_683 = arith.constant 0 : i32
    %dma_start3A_684 = tpu.memref_slice %arg8[%dma_start3A_681, %dma_start3A_683] : memref<40x128xf32, #tpu.memory_space<vmem>> -> memref<1x128xf32, #tpu.memory_space<vmem>>
    %dma_start3A_685 = tpu.memref_squeeze %dma_start3A_684 : memref<1x128xf32, #tpu.memory_space<vmem>> -> memref<128xf32, #tpu.memory_space<vmem>>
    %dma_start3A_686 = arith.constant 0 : i32
    %dma_start3A_687 = tpu.memref_slice %arg7[%dma_start3A_682, %dma_start3A_686] : memref<40x128xi32, #tpu.memory_space<vmem>> -> memref<1x128xi32, #tpu.memory_space<vmem>>
    %dma_start3A_688 = tpu.memref_squeeze %dma_start3A_687 : memref<1x128xi32, #tpu.memory_space<vmem>> -> memref<128xi32, #tpu.memory_space<vmem>>
    %dma_start3A_689 = arith.constant 0 : i32
    %dma_start3A_690 = tpu.memref_slice %arg11[%dma_start3A_689] : memref<819208xf32, #tpu.memory_space<vmem_shared>> -> memref<819208xf32, #tpu.memory_space<vmem_shared>>
    tpu.enqueue_indirect_dma source(%dma_start3A_685 : memref<128xf32, #tpu.memory_space<vmem>>) target(%dma_start3A_690 : memref<819208xf32, #tpu.memory_space<vmem_shared>>) offsets(%dma_start3A_688 : memref<128xi32, #tpu.memory_space<vmem>>) semaphore(%arg13 : memref<!tpu.dma_semaphore, #tpu.memory_space<semaphore_mem>>) {add = true}
    %dma_start3A_691 = arith.constant 32 : i32
    %dma_start3A_692 = arith.constant 0 : i32
    %dma_start3A_693 = tpu.memref_slice %arg7[%dma_start3A_691, %dma_start3A_692] : memref<40x128xi32, #tpu.memory_space<vmem>> -> memref<1x128xi32, #tpu.memory_space<vmem>>
    %dma_start3A_694 = tpu.memref_squeeze %dma_start3A_693 : memref<1x128xi32, #tpu.memory_space<vmem>> -> memref<128xi32, #tpu.memory_space<vmem>>
    %dma_start3A_695 = arith.constant 0 : i32
    %dma_start3A_696 = tpu.memref_slice %arg12[%dma_start3A_695] : memref<819208xf32, #tpu.memory_space<vmem_shared>> -> memref<819208xf32, #tpu.memory_space<vmem_shared>>
    tpu.enqueue_indirect_dma source(%arg9 : memref<128xf32, #tpu.memory_space<vmem>>) target(%dma_start3A_696 : memref<819208xf32, #tpu.memory_space<vmem_shared>>) offsets(%dma_start3A_694 : memref<128xi32, #tpu.memory_space<vmem>>) semaphore(%arg13 : memref<!tpu.dma_semaphore, #tpu.memory_space<semaphore_mem>>) {add = true}
    %dma_start3A_697 = arith.constant 33 : i32
    %dma_start3A_698 = arith.constant 33 : i32
    %dma_start3A_699 = arith.constant 0 : i32
    %dma_start3A_700 = tpu.memref_slice %arg8[%dma_start3A_697, %dma_start3A_699] : memref<40x128xf32, #tpu.memory_space<vmem>> -> memref<1x128xf32, #tpu.memory_space<vmem>>
    %dma_start3A_701 = tpu.memref_squeeze %dma_start3A_700 : memref<1x128xf32, #tpu.memory_space<vmem>> -> memref<128xf32, #tpu.memory_space<vmem>>
    %dma_start3A_702 = arith.constant 0 : i32
    %dma_start3A_703 = tpu.memref_slice %arg7[%dma_start3A_698, %dma_start3A_702] : memref<40x128xi32, #tpu.memory_space<vmem>> -> memref<1x128xi32, #tpu.memory_space<vmem>>
    %dma_start3A_704 = tpu.memref_squeeze %dma_start3A_703 : memref<1x128xi32, #tpu.memory_space<vmem>> -> memref<128xi32, #tpu.memory_space<vmem>>
    %dma_start3A_705 = arith.constant 0 : i32
    %dma_start3A_706 = tpu.memref_slice %arg11[%dma_start3A_705] : memref<819208xf32, #tpu.memory_space<vmem_shared>> -> memref<819208xf32, #tpu.memory_space<vmem_shared>>
    tpu.enqueue_indirect_dma source(%dma_start3A_701 : memref<128xf32, #tpu.memory_space<vmem>>) target(%dma_start3A_706 : memref<819208xf32, #tpu.memory_space<vmem_shared>>) offsets(%dma_start3A_704 : memref<128xi32, #tpu.memory_space<vmem>>) semaphore(%arg13 : memref<!tpu.dma_semaphore, #tpu.memory_space<semaphore_mem>>) {add = true}
    %dma_start3A_707 = arith.constant 33 : i32
    %dma_start3A_708 = arith.constant 0 : i32
    %dma_start3A_709 = tpu.memref_slice %arg7[%dma_start3A_707, %dma_start3A_708] : memref<40x128xi32, #tpu.memory_space<vmem>> -> memref<1x128xi32, #tpu.memory_space<vmem>>
    %dma_start3A_710 = tpu.memref_squeeze %dma_start3A_709 : memref<1x128xi32, #tpu.memory_space<vmem>> -> memref<128xi32, #tpu.memory_space<vmem>>
    %dma_start3A_711 = arith.constant 0 : i32
    %dma_start3A_712 = tpu.memref_slice %arg12[%dma_start3A_711] : memref<819208xf32, #tpu.memory_space<vmem_shared>> -> memref<819208xf32, #tpu.memory_space<vmem_shared>>
    tpu.enqueue_indirect_dma source(%arg9 : memref<128xf32, #tpu.memory_space<vmem>>) target(%dma_start3A_712 : memref<819208xf32, #tpu.memory_space<vmem_shared>>) offsets(%dma_start3A_710 : memref<128xi32, #tpu.memory_space<vmem>>) semaphore(%arg13 : memref<!tpu.dma_semaphore, #tpu.memory_space<semaphore_mem>>) {add = true}
    %dma_start3A_713 = arith.constant 34 : i32
    %dma_start3A_714 = arith.constant 34 : i32
    %dma_start3A_715 = arith.constant 0 : i32
    %dma_start3A_716 = tpu.memref_slice %arg8[%dma_start3A_713, %dma_start3A_715] : memref<40x128xf32, #tpu.memory_space<vmem>> -> memref<1x128xf32, #tpu.memory_space<vmem>>
    %dma_start3A_717 = tpu.memref_squeeze %dma_start3A_716 : memref<1x128xf32, #tpu.memory_space<vmem>> -> memref<128xf32, #tpu.memory_space<vmem>>
    %dma_start3A_718 = arith.constant 0 : i32
    %dma_start3A_719 = tpu.memref_slice %arg7[%dma_start3A_714, %dma_start3A_718] : memref<40x128xi32, #tpu.memory_space<vmem>> -> memref<1x128xi32, #tpu.memory_space<vmem>>
    %dma_start3A_720 = tpu.memref_squeeze %dma_start3A_719 : memref<1x128xi32, #tpu.memory_space<vmem>> -> memref<128xi32, #tpu.memory_space<vmem>>
    %dma_start3A_721 = arith.constant 0 : i32
    %dma_start3A_722 = tpu.memref_slice %arg11[%dma_start3A_721] : memref<819208xf32, #tpu.memory_space<vmem_shared>> -> memref<819208xf32, #tpu.memory_space<vmem_shared>>
    tpu.enqueue_indirect_dma source(%dma_start3A_717 : memref<128xf32, #tpu.memory_space<vmem>>) target(%dma_start3A_722 : memref<819208xf32, #tpu.memory_space<vmem_shared>>) offsets(%dma_start3A_720 : memref<128xi32, #tpu.memory_space<vmem>>) semaphore(%arg13 : memref<!tpu.dma_semaphore, #tpu.memory_space<semaphore_mem>>) {add = true}
    %dma_start3A_723 = arith.constant 34 : i32
    %dma_start3A_724 = arith.constant 0 : i32
    %dma_start3A_725 = tpu.memref_slice %arg7[%dma_start3A_723, %dma_start3A_724] : memref<40x128xi32, #tpu.memory_space<vmem>> -> memref<1x128xi32, #tpu.memory_space<vmem>>
    %dma_start3A_726 = tpu.memref_squeeze %dma_start3A_725 : memref<1x128xi32, #tpu.memory_space<vmem>> -> memref<128xi32, #tpu.memory_space<vmem>>
    %dma_start3A_727 = arith.constant 0 : i32
    %dma_start3A_728 = tpu.memref_slice %arg12[%dma_start3A_727] : memref<819208xf32, #tpu.memory_space<vmem_shared>> -> memref<819208xf32, #tpu.memory_space<vmem_shared>>
    tpu.enqueue_indirect_dma source(%arg9 : memref<128xf32, #tpu.memory_space<vmem>>) target(%dma_start3A_728 : memref<819208xf32, #tpu.memory_space<vmem_shared>>) offsets(%dma_start3A_726 : memref<128xi32, #tpu.memory_space<vmem>>) semaphore(%arg13 : memref<!tpu.dma_semaphore, #tpu.memory_space<semaphore_mem>>) {add = true}
    %dma_start3A_729 = arith.constant 35 : i32
    %dma_start3A_730 = arith.constant 35 : i32
    %dma_start3A_731 = arith.constant 0 : i32
    %dma_start3A_732 = tpu.memref_slice %arg8[%dma_start3A_729, %dma_start3A_731] : memref<40x128xf32, #tpu.memory_space<vmem>> -> memref<1x128xf32, #tpu.memory_space<vmem>>
    %dma_start3A_733 = tpu.memref_squeeze %dma_start3A_732 : memref<1x128xf32, #tpu.memory_space<vmem>> -> memref<128xf32, #tpu.memory_space<vmem>>
    %dma_start3A_734 = arith.constant 0 : i32
    %dma_start3A_735 = tpu.memref_slice %arg7[%dma_start3A_730, %dma_start3A_734] : memref<40x128xi32, #tpu.memory_space<vmem>> -> memref<1x128xi32, #tpu.memory_space<vmem>>
    %dma_start3A_736 = tpu.memref_squeeze %dma_start3A_735 : memref<1x128xi32, #tpu.memory_space<vmem>> -> memref<128xi32, #tpu.memory_space<vmem>>
    %dma_start3A_737 = arith.constant 0 : i32
    %dma_start3A_738 = tpu.memref_slice %arg11[%dma_start3A_737] : memref<819208xf32, #tpu.memory_space<vmem_shared>> -> memref<819208xf32, #tpu.memory_space<vmem_shared>>
    tpu.enqueue_indirect_dma source(%dma_start3A_733 : memref<128xf32, #tpu.memory_space<vmem>>) target(%dma_start3A_738 : memref<819208xf32, #tpu.memory_space<vmem_shared>>) offsets(%dma_start3A_736 : memref<128xi32, #tpu.memory_space<vmem>>) semaphore(%arg13 : memref<!tpu.dma_semaphore, #tpu.memory_space<semaphore_mem>>) {add = true}
    %dma_start3A_739 = arith.constant 35 : i32
    %dma_start3A_740 = arith.constant 0 : i32
    %dma_start3A_741 = tpu.memref_slice %arg7[%dma_start3A_739, %dma_start3A_740] : memref<40x128xi32, #tpu.memory_space<vmem>> -> memref<1x128xi32, #tpu.memory_space<vmem>>
    %dma_start3A_742 = tpu.memref_squeeze %dma_start3A_741 : memref<1x128xi32, #tpu.memory_space<vmem>> -> memref<128xi32, #tpu.memory_space<vmem>>
    %dma_start3A_743 = arith.constant 0 : i32
    %dma_start3A_744 = tpu.memref_slice %arg12[%dma_start3A_743] : memref<819208xf32, #tpu.memory_space<vmem_shared>> -> memref<819208xf32, #tpu.memory_space<vmem_shared>>
    tpu.enqueue_indirect_dma source(%arg9 : memref<128xf32, #tpu.memory_space<vmem>>) target(%dma_start3A_744 : memref<819208xf32, #tpu.memory_space<vmem_shared>>) offsets(%dma_start3A_742 : memref<128xi32, #tpu.memory_space<vmem>>) semaphore(%arg13 : memref<!tpu.dma_semaphore, #tpu.memory_space<semaphore_mem>>) {add = true}
    %dma_start3A_745 = arith.constant 36 : i32
    %dma_start3A_746 = arith.constant 36 : i32
    %dma_start3A_747 = arith.constant 0 : i32
    %dma_start3A_748 = tpu.memref_slice %arg8[%dma_start3A_745, %dma_start3A_747] : memref<40x128xf32, #tpu.memory_space<vmem>> -> memref<1x128xf32, #tpu.memory_space<vmem>>
    %dma_start3A_749 = tpu.memref_squeeze %dma_start3A_748 : memref<1x128xf32, #tpu.memory_space<vmem>> -> memref<128xf32, #tpu.memory_space<vmem>>
    %dma_start3A_750 = arith.constant 0 : i32
    %dma_start3A_751 = tpu.memref_slice %arg7[%dma_start3A_746, %dma_start3A_750] : memref<40x128xi32, #tpu.memory_space<vmem>> -> memref<1x128xi32, #tpu.memory_space<vmem>>
    %dma_start3A_752 = tpu.memref_squeeze %dma_start3A_751 : memref<1x128xi32, #tpu.memory_space<vmem>> -> memref<128xi32, #tpu.memory_space<vmem>>
    %dma_start3A_753 = arith.constant 0 : i32
    %dma_start3A_754 = tpu.memref_slice %arg11[%dma_start3A_753] : memref<819208xf32, #tpu.memory_space<vmem_shared>> -> memref<819208xf32, #tpu.memory_space<vmem_shared>>
    tpu.enqueue_indirect_dma source(%dma_start3A_749 : memref<128xf32, #tpu.memory_space<vmem>>) target(%dma_start3A_754 : memref<819208xf32, #tpu.memory_space<vmem_shared>>) offsets(%dma_start3A_752 : memref<128xi32, #tpu.memory_space<vmem>>) semaphore(%arg13 : memref<!tpu.dma_semaphore, #tpu.memory_space<semaphore_mem>>) {add = true}
    %dma_start3A_755 = arith.constant 36 : i32
    %dma_start3A_756 = arith.constant 0 : i32
    %dma_start3A_757 = tpu.memref_slice %arg7[%dma_start3A_755, %dma_start3A_756] : memref<40x128xi32, #tpu.memory_space<vmem>> -> memref<1x128xi32, #tpu.memory_space<vmem>>
    %dma_start3A_758 = tpu.memref_squeeze %dma_start3A_757 : memref<1x128xi32, #tpu.memory_space<vmem>> -> memref<128xi32, #tpu.memory_space<vmem>>
    %dma_start3A_759 = arith.constant 0 : i32
    %dma_start3A_760 = tpu.memref_slice %arg12[%dma_start3A_759] : memref<819208xf32, #tpu.memory_space<vmem_shared>> -> memref<819208xf32, #tpu.memory_space<vmem_shared>>
    tpu.enqueue_indirect_dma source(%arg9 : memref<128xf32, #tpu.memory_space<vmem>>) target(%dma_start3A_760 : memref<819208xf32, #tpu.memory_space<vmem_shared>>) offsets(%dma_start3A_758 : memref<128xi32, #tpu.memory_space<vmem>>) semaphore(%arg13 : memref<!tpu.dma_semaphore, #tpu.memory_space<semaphore_mem>>) {add = true}
    %dma_start3A_761 = arith.constant 37 : i32
    %dma_start3A_762 = arith.constant 37 : i32
    %dma_start3A_763 = arith.constant 0 : i32
    %dma_start3A_764 = tpu.memref_slice %arg8[%dma_start3A_761, %dma_start3A_763] : memref<40x128xf32, #tpu.memory_space<vmem>> -> memref<1x128xf32, #tpu.memory_space<vmem>>
    %dma_start3A_765 = tpu.memref_squeeze %dma_start3A_764 : memref<1x128xf32, #tpu.memory_space<vmem>> -> memref<128xf32, #tpu.memory_space<vmem>>
    %dma_start3A_766 = arith.constant 0 : i32
    %dma_start3A_767 = tpu.memref_slice %arg7[%dma_start3A_762, %dma_start3A_766] : memref<40x128xi32, #tpu.memory_space<vmem>> -> memref<1x128xi32, #tpu.memory_space<vmem>>
    %dma_start3A_768 = tpu.memref_squeeze %dma_start3A_767 : memref<1x128xi32, #tpu.memory_space<vmem>> -> memref<128xi32, #tpu.memory_space<vmem>>
    %dma_start3A_769 = arith.constant 0 : i32
    %dma_start3A_770 = tpu.memref_slice %arg11[%dma_start3A_769] : memref<819208xf32, #tpu.memory_space<vmem_shared>> -> memref<819208xf32, #tpu.memory_space<vmem_shared>>
    tpu.enqueue_indirect_dma source(%dma_start3A_765 : memref<128xf32, #tpu.memory_space<vmem>>) target(%dma_start3A_770 : memref<819208xf32, #tpu.memory_space<vmem_shared>>) offsets(%dma_start3A_768 : memref<128xi32, #tpu.memory_space<vmem>>) semaphore(%arg13 : memref<!tpu.dma_semaphore, #tpu.memory_space<semaphore_mem>>) {add = true}
    %dma_start3A_771 = arith.constant 37 : i32
    %dma_start3A_772 = arith.constant 0 : i32
    %dma_start3A_773 = tpu.memref_slice %arg7[%dma_start3A_771, %dma_start3A_772] : memref<40x128xi32, #tpu.memory_space<vmem>> -> memref<1x128xi32, #tpu.memory_space<vmem>>
    %dma_start3A_774 = tpu.memref_squeeze %dma_start3A_773 : memref<1x128xi32, #tpu.memory_space<vmem>> -> memref<128xi32, #tpu.memory_space<vmem>>
    %dma_start3A_775 = arith.constant 0 : i32
    %dma_start3A_776 = tpu.memref_slice %arg12[%dma_start3A_775] : memref<819208xf32, #tpu.memory_space<vmem_shared>> -> memref<819208xf32, #tpu.memory_space<vmem_shared>>
    tpu.enqueue_indirect_dma source(%arg9 : memref<128xf32, #tpu.memory_space<vmem>>) target(%dma_start3A_776 : memref<819208xf32, #tpu.memory_space<vmem_shared>>) offsets(%dma_start3A_774 : memref<128xi32, #tpu.memory_space<vmem>>) semaphore(%arg13 : memref<!tpu.dma_semaphore, #tpu.memory_space<semaphore_mem>>) {add = true}
    %dma_start3A_777 = arith.constant 38 : i32
    %dma_start3A_778 = arith.constant 38 : i32
    %dma_start3A_779 = arith.constant 0 : i32
    %dma_start3A_780 = tpu.memref_slice %arg8[%dma_start3A_777, %dma_start3A_779] : memref<40x128xf32, #tpu.memory_space<vmem>> -> memref<1x128xf32, #tpu.memory_space<vmem>>
    %dma_start3A_781 = tpu.memref_squeeze %dma_start3A_780 : memref<1x128xf32, #tpu.memory_space<vmem>> -> memref<128xf32, #tpu.memory_space<vmem>>
    %dma_start3A_782 = arith.constant 0 : i32
    %dma_start3A_783 = tpu.memref_slice %arg7[%dma_start3A_778, %dma_start3A_782] : memref<40x128xi32, #tpu.memory_space<vmem>> -> memref<1x128xi32, #tpu.memory_space<vmem>>
    %dma_start3A_784 = tpu.memref_squeeze %dma_start3A_783 : memref<1x128xi32, #tpu.memory_space<vmem>> -> memref<128xi32, #tpu.memory_space<vmem>>
    %dma_start3A_785 = arith.constant 0 : i32
    %dma_start3A_786 = tpu.memref_slice %arg11[%dma_start3A_785] : memref<819208xf32, #tpu.memory_space<vmem_shared>> -> memref<819208xf32, #tpu.memory_space<vmem_shared>>
    tpu.enqueue_indirect_dma source(%dma_start3A_781 : memref<128xf32, #tpu.memory_space<vmem>>) target(%dma_start3A_786 : memref<819208xf32, #tpu.memory_space<vmem_shared>>) offsets(%dma_start3A_784 : memref<128xi32, #tpu.memory_space<vmem>>) semaphore(%arg13 : memref<!tpu.dma_semaphore, #tpu.memory_space<semaphore_mem>>) {add = true}
    %dma_start3A_787 = arith.constant 38 : i32
    %dma_start3A_788 = arith.constant 0 : i32
    %dma_start3A_789 = tpu.memref_slice %arg7[%dma_start3A_787, %dma_start3A_788] : memref<40x128xi32, #tpu.memory_space<vmem>> -> memref<1x128xi32, #tpu.memory_space<vmem>>
    %dma_start3A_790 = tpu.memref_squeeze %dma_start3A_789 : memref<1x128xi32, #tpu.memory_space<vmem>> -> memref<128xi32, #tpu.memory_space<vmem>>
    %dma_start3A_791 = arith.constant 0 : i32
    %dma_start3A_792 = tpu.memref_slice %arg12[%dma_start3A_791] : memref<819208xf32, #tpu.memory_space<vmem_shared>> -> memref<819208xf32, #tpu.memory_space<vmem_shared>>
    tpu.enqueue_indirect_dma source(%arg9 : memref<128xf32, #tpu.memory_space<vmem>>) target(%dma_start3A_792 : memref<819208xf32, #tpu.memory_space<vmem_shared>>) offsets(%dma_start3A_790 : memref<128xi32, #tpu.memory_space<vmem>>) semaphore(%arg13 : memref<!tpu.dma_semaphore, #tpu.memory_space<semaphore_mem>>) {add = true}
    %dma_start3A_793 = arith.constant 39 : i32
    %dma_start3A_794 = arith.constant 39 : i32
    %dma_start3A_795 = arith.constant 0 : i32
    %dma_start3A_796 = tpu.memref_slice %arg8[%dma_start3A_793, %dma_start3A_795] : memref<40x128xf32, #tpu.memory_space<vmem>> -> memref<1x128xf32, #tpu.memory_space<vmem>>
    %dma_start3A_797 = tpu.memref_squeeze %dma_start3A_796 : memref<1x128xf32, #tpu.memory_space<vmem>> -> memref<128xf32, #tpu.memory_space<vmem>>
    %dma_start3A_798 = arith.constant 0 : i32
    %dma_start3A_799 = tpu.memref_slice %arg7[%dma_start3A_794, %dma_start3A_798] : memref<40x128xi32, #tpu.memory_space<vmem>> -> memref<1x128xi32, #tpu.memory_space<vmem>>
    %dma_start3A_800 = tpu.memref_squeeze %dma_start3A_799 : memref<1x128xi32, #tpu.memory_space<vmem>> -> memref<128xi32, #tpu.memory_space<vmem>>
    %dma_start3A_801 = arith.constant 0 : i32
    %dma_start3A_802 = tpu.memref_slice %arg11[%dma_start3A_801] : memref<819208xf32, #tpu.memory_space<vmem_shared>> -> memref<819208xf32, #tpu.memory_space<vmem_shared>>
    tpu.enqueue_indirect_dma source(%dma_start3A_797 : memref<128xf32, #tpu.memory_space<vmem>>) target(%dma_start3A_802 : memref<819208xf32, #tpu.memory_space<vmem_shared>>) offsets(%dma_start3A_800 : memref<128xi32, #tpu.memory_space<vmem>>) semaphore(%arg13 : memref<!tpu.dma_semaphore, #tpu.memory_space<semaphore_mem>>) {add = true}
    %dma_start3A_803 = arith.constant 39 : i32
    %dma_start3A_804 = arith.constant 0 : i32
    %dma_start3A_805 = tpu.memref_slice %arg7[%dma_start3A_803, %dma_start3A_804] : memref<40x128xi32, #tpu.memory_space<vmem>> -> memref<1x128xi32, #tpu.memory_space<vmem>>
    %dma_start3A_806 = tpu.memref_squeeze %dma_start3A_805 : memref<1x128xi32, #tpu.memory_space<vmem>> -> memref<128xi32, #tpu.memory_space<vmem>>
    %dma_start3A_807 = arith.constant 0 : i32
    %dma_start3A_808 = tpu.memref_slice %arg12[%dma_start3A_807] : memref<819208xf32, #tpu.memory_space<vmem_shared>> -> memref<819208xf32, #tpu.memory_space<vmem_shared>>
    tpu.enqueue_indirect_dma source(%arg9 : memref<128xf32, #tpu.memory_space<vmem>>) target(%dma_start3A_808 : memref<819208xf32, #tpu.memory_space<vmem_shared>>) offsets(%dma_start3A_806 : memref<128xi32, #tpu.memory_space<vmem>>) semaphore(%arg13 : memref<!tpu.dma_semaphore, #tpu.memory_space<semaphore_mem>>) {add = true}
    %dma_wait3A_809 = arith.constant 0 : i32
    %dma_wait3A_810 = arith.constant 0 : i32
    %dma_wait3A_811 = arith.constant 0 : i32
    %dma_wait3A_812 = tpu.memref_slice %arg8[%dma_wait3A_809, %dma_wait3A_811] : memref<40x128xf32, #tpu.memory_space<vmem>> -> memref<1x128xf32, #tpu.memory_space<vmem>>
    %dma_wait3A_813 = tpu.memref_squeeze %dma_wait3A_812 : memref<1x128xf32, #tpu.memory_space<vmem>> -> memref<128xf32, #tpu.memory_space<vmem>>
    %dma_wait3A_814 = arith.constant 0 : i32
    %dma_wait3A_815 = tpu.memref_slice %arg7[%dma_wait3A_810, %dma_wait3A_814] : memref<40x128xi32, #tpu.memory_space<vmem>> -> memref<1x128xi32, #tpu.memory_space<vmem>>
    %dma_wait3A_816 = tpu.memref_squeeze %dma_wait3A_815 : memref<1x128xi32, #tpu.memory_space<vmem>> -> memref<128xi32, #tpu.memory_space<vmem>>
    %dma_wait3A_817 = arith.constant 0 : i32
    %dma_wait3A_818 = tpu.memref_slice %arg11[%dma_wait3A_817] : memref<819208xf32, #tpu.memory_space<vmem_shared>> -> memref<819208xf32, #tpu.memory_space<vmem_shared>>
    tpu.wait_indirect_dma semaphore(%arg13 : memref<!tpu.dma_semaphore, #tpu.memory_space<semaphore_mem>>) src(%dma_wait3A_813 : memref<128xf32, #tpu.memory_space<vmem>>) dst(%dma_wait3A_818 : memref<819208xf32, #tpu.memory_space<vmem_shared>>)
    %dma_wait3A_819 = arith.constant 0 : i32
    %dma_wait3A_820 = arith.constant 0 : i32
    %dma_wait3A_821 = tpu.memref_slice %arg7[%dma_wait3A_819, %dma_wait3A_820] : memref<40x128xi32, #tpu.memory_space<vmem>> -> memref<1x128xi32, #tpu.memory_space<vmem>>
    %dma_wait3A_822 = tpu.memref_squeeze %dma_wait3A_821 : memref<1x128xi32, #tpu.memory_space<vmem>> -> memref<128xi32, #tpu.memory_space<vmem>>
    %dma_wait3A_823 = arith.constant 0 : i32
    %dma_wait3A_824 = tpu.memref_slice %arg12[%dma_wait3A_823] : memref<819208xf32, #tpu.memory_space<vmem_shared>> -> memref<819208xf32, #tpu.memory_space<vmem_shared>>
    tpu.wait_indirect_dma semaphore(%arg13 : memref<!tpu.dma_semaphore, #tpu.memory_space<semaphore_mem>>) src(%arg9 : memref<128xf32, #tpu.memory_space<vmem>>) dst(%dma_wait3A_824 : memref<819208xf32, #tpu.memory_space<vmem_shared>>)
    %dma_wait3A_825 = arith.constant 1 : i32
    %dma_wait3A_826 = arith.constant 1 : i32
    %dma_wait3A_827 = arith.constant 0 : i32
    %dma_wait3A_828 = tpu.memref_slice %arg8[%dma_wait3A_825, %dma_wait3A_827] : memref<40x128xf32, #tpu.memory_space<vmem>> -> memref<1x128xf32, #tpu.memory_space<vmem>>
    %dma_wait3A_829 = tpu.memref_squeeze %dma_wait3A_828 : memref<1x128xf32, #tpu.memory_space<vmem>> -> memref<128xf32, #tpu.memory_space<vmem>>
    %dma_wait3A_830 = arith.constant 0 : i32
    %dma_wait3A_831 = tpu.memref_slice %arg7[%dma_wait3A_826, %dma_wait3A_830] : memref<40x128xi32, #tpu.memory_space<vmem>> -> memref<1x128xi32, #tpu.memory_space<vmem>>
    %dma_wait3A_832 = tpu.memref_squeeze %dma_wait3A_831 : memref<1x128xi32, #tpu.memory_space<vmem>> -> memref<128xi32, #tpu.memory_space<vmem>>
    %dma_wait3A_833 = arith.constant 0 : i32
    %dma_wait3A_834 = tpu.memref_slice %arg11[%dma_wait3A_833] : memref<819208xf32, #tpu.memory_space<vmem_shared>> -> memref<819208xf32, #tpu.memory_space<vmem_shared>>
    tpu.wait_indirect_dma semaphore(%arg13 : memref<!tpu.dma_semaphore, #tpu.memory_space<semaphore_mem>>) src(%dma_wait3A_829 : memref<128xf32, #tpu.memory_space<vmem>>) dst(%dma_wait3A_834 : memref<819208xf32, #tpu.memory_space<vmem_shared>>)
    %dma_wait3A_835 = arith.constant 1 : i32
    %dma_wait3A_836 = arith.constant 0 : i32
    %dma_wait3A_837 = tpu.memref_slice %arg7[%dma_wait3A_835, %dma_wait3A_836] : memref<40x128xi32, #tpu.memory_space<vmem>> -> memref<1x128xi32, #tpu.memory_space<vmem>>
    %dma_wait3A_838 = tpu.memref_squeeze %dma_wait3A_837 : memref<1x128xi32, #tpu.memory_space<vmem>> -> memref<128xi32, #tpu.memory_space<vmem>>
    %dma_wait3A_839 = arith.constant 0 : i32
    %dma_wait3A_840 = tpu.memref_slice %arg12[%dma_wait3A_839] : memref<819208xf32, #tpu.memory_space<vmem_shared>> -> memref<819208xf32, #tpu.memory_space<vmem_shared>>
    tpu.wait_indirect_dma semaphore(%arg13 : memref<!tpu.dma_semaphore, #tpu.memory_space<semaphore_mem>>) src(%arg9 : memref<128xf32, #tpu.memory_space<vmem>>) dst(%dma_wait3A_840 : memref<819208xf32, #tpu.memory_space<vmem_shared>>)
    %dma_wait3A_841 = arith.constant 2 : i32
    %dma_wait3A_842 = arith.constant 2 : i32
    %dma_wait3A_843 = arith.constant 0 : i32
    %dma_wait3A_844 = tpu.memref_slice %arg8[%dma_wait3A_841, %dma_wait3A_843] : memref<40x128xf32, #tpu.memory_space<vmem>> -> memref<1x128xf32, #tpu.memory_space<vmem>>
    %dma_wait3A_845 = tpu.memref_squeeze %dma_wait3A_844 : memref<1x128xf32, #tpu.memory_space<vmem>> -> memref<128xf32, #tpu.memory_space<vmem>>
    %dma_wait3A_846 = arith.constant 0 : i32
    %dma_wait3A_847 = tpu.memref_slice %arg7[%dma_wait3A_842, %dma_wait3A_846] : memref<40x128xi32, #tpu.memory_space<vmem>> -> memref<1x128xi32, #tpu.memory_space<vmem>>
    %dma_wait3A_848 = tpu.memref_squeeze %dma_wait3A_847 : memref<1x128xi32, #tpu.memory_space<vmem>> -> memref<128xi32, #tpu.memory_space<vmem>>
    %dma_wait3A_849 = arith.constant 0 : i32
    %dma_wait3A_850 = tpu.memref_slice %arg11[%dma_wait3A_849] : memref<819208xf32, #tpu.memory_space<vmem_shared>> -> memref<819208xf32, #tpu.memory_space<vmem_shared>>
    tpu.wait_indirect_dma semaphore(%arg13 : memref<!tpu.dma_semaphore, #tpu.memory_space<semaphore_mem>>) src(%dma_wait3A_845 : memref<128xf32, #tpu.memory_space<vmem>>) dst(%dma_wait3A_850 : memref<819208xf32, #tpu.memory_space<vmem_shared>>)
    %dma_wait3A_851 = arith.constant 2 : i32
    %dma_wait3A_852 = arith.constant 0 : i32
    %dma_wait3A_853 = tpu.memref_slice %arg7[%dma_wait3A_851, %dma_wait3A_852] : memref<40x128xi32, #tpu.memory_space<vmem>> -> memref<1x128xi32, #tpu.memory_space<vmem>>
    %dma_wait3A_854 = tpu.memref_squeeze %dma_wait3A_853 : memref<1x128xi32, #tpu.memory_space<vmem>> -> memref<128xi32, #tpu.memory_space<vmem>>
    %dma_wait3A_855 = arith.constant 0 : i32
    %dma_wait3A_856 = tpu.memref_slice %arg12[%dma_wait3A_855] : memref<819208xf32, #tpu.memory_space<vmem_shared>> -> memref<819208xf32, #tpu.memory_space<vmem_shared>>
    tpu.wait_indirect_dma semaphore(%arg13 : memref<!tpu.dma_semaphore, #tpu.memory_space<semaphore_mem>>) src(%arg9 : memref<128xf32, #tpu.memory_space<vmem>>) dst(%dma_wait3A_856 : memref<819208xf32, #tpu.memory_space<vmem_shared>>)
    %dma_wait3A_857 = arith.constant 3 : i32
    %dma_wait3A_858 = arith.constant 3 : i32
    %dma_wait3A_859 = arith.constant 0 : i32
    %dma_wait3A_860 = tpu.memref_slice %arg8[%dma_wait3A_857, %dma_wait3A_859] : memref<40x128xf32, #tpu.memory_space<vmem>> -> memref<1x128xf32, #tpu.memory_space<vmem>>
    %dma_wait3A_861 = tpu.memref_squeeze %dma_wait3A_860 : memref<1x128xf32, #tpu.memory_space<vmem>> -> memref<128xf32, #tpu.memory_space<vmem>>
    %dma_wait3A_862 = arith.constant 0 : i32
    %dma_wait3A_863 = tpu.memref_slice %arg7[%dma_wait3A_858, %dma_wait3A_862] : memref<40x128xi32, #tpu.memory_space<vmem>> -> memref<1x128xi32, #tpu.memory_space<vmem>>
    %dma_wait3A_864 = tpu.memref_squeeze %dma_wait3A_863 : memref<1x128xi32, #tpu.memory_space<vmem>> -> memref<128xi32, #tpu.memory_space<vmem>>
    %dma_wait3A_865 = arith.constant 0 : i32
    %dma_wait3A_866 = tpu.memref_slice %arg11[%dma_wait3A_865] : memref<819208xf32, #tpu.memory_space<vmem_shared>> -> memref<819208xf32, #tpu.memory_space<vmem_shared>>
    tpu.wait_indirect_dma semaphore(%arg13 : memref<!tpu.dma_semaphore, #tpu.memory_space<semaphore_mem>>) src(%dma_wait3A_861 : memref<128xf32, #tpu.memory_space<vmem>>) dst(%dma_wait3A_866 : memref<819208xf32, #tpu.memory_space<vmem_shared>>)
    %dma_wait3A_867 = arith.constant 3 : i32
    %dma_wait3A_868 = arith.constant 0 : i32
    %dma_wait3A_869 = tpu.memref_slice %arg7[%dma_wait3A_867, %dma_wait3A_868] : memref<40x128xi32, #tpu.memory_space<vmem>> -> memref<1x128xi32, #tpu.memory_space<vmem>>
    %dma_wait3A_870 = tpu.memref_squeeze %dma_wait3A_869 : memref<1x128xi32, #tpu.memory_space<vmem>> -> memref<128xi32, #tpu.memory_space<vmem>>
    %dma_wait3A_871 = arith.constant 0 : i32
    %dma_wait3A_872 = tpu.memref_slice %arg12[%dma_wait3A_871] : memref<819208xf32, #tpu.memory_space<vmem_shared>> -> memref<819208xf32, #tpu.memory_space<vmem_shared>>
    tpu.wait_indirect_dma semaphore(%arg13 : memref<!tpu.dma_semaphore, #tpu.memory_space<semaphore_mem>>) src(%arg9 : memref<128xf32, #tpu.memory_space<vmem>>) dst(%dma_wait3A_872 : memref<819208xf32, #tpu.memory_space<vmem_shared>>)
    %dma_wait3A_873 = arith.constant 4 : i32
    %dma_wait3A_874 = arith.constant 4 : i32
    %dma_wait3A_875 = arith.constant 0 : i32
    %dma_wait3A_876 = tpu.memref_slice %arg8[%dma_wait3A_873, %dma_wait3A_875] : memref<40x128xf32, #tpu.memory_space<vmem>> -> memref<1x128xf32, #tpu.memory_space<vmem>>
    %dma_wait3A_877 = tpu.memref_squeeze %dma_wait3A_876 : memref<1x128xf32, #tpu.memory_space<vmem>> -> memref<128xf32, #tpu.memory_space<vmem>>
    %dma_wait3A_878 = arith.constant 0 : i32
    %dma_wait3A_879 = tpu.memref_slice %arg7[%dma_wait3A_874, %dma_wait3A_878] : memref<40x128xi32, #tpu.memory_space<vmem>> -> memref<1x128xi32, #tpu.memory_space<vmem>>
    %dma_wait3A_880 = tpu.memref_squeeze %dma_wait3A_879 : memref<1x128xi32, #tpu.memory_space<vmem>> -> memref<128xi32, #tpu.memory_space<vmem>>
    %dma_wait3A_881 = arith.constant 0 : i32
    %dma_wait3A_882 = tpu.memref_slice %arg11[%dma_wait3A_881] : memref<819208xf32, #tpu.memory_space<vmem_shared>> -> memref<819208xf32, #tpu.memory_space<vmem_shared>>
    tpu.wait_indirect_dma semaphore(%arg13 : memref<!tpu.dma_semaphore, #tpu.memory_space<semaphore_mem>>) src(%dma_wait3A_877 : memref<128xf32, #tpu.memory_space<vmem>>) dst(%dma_wait3A_882 : memref<819208xf32, #tpu.memory_space<vmem_shared>>)
    %dma_wait3A_883 = arith.constant 4 : i32
    %dma_wait3A_884 = arith.constant 0 : i32
    %dma_wait3A_885 = tpu.memref_slice %arg7[%dma_wait3A_883, %dma_wait3A_884] : memref<40x128xi32, #tpu.memory_space<vmem>> -> memref<1x128xi32, #tpu.memory_space<vmem>>
    %dma_wait3A_886 = tpu.memref_squeeze %dma_wait3A_885 : memref<1x128xi32, #tpu.memory_space<vmem>> -> memref<128xi32, #tpu.memory_space<vmem>>
    %dma_wait3A_887 = arith.constant 0 : i32
    %dma_wait3A_888 = tpu.memref_slice %arg12[%dma_wait3A_887] : memref<819208xf32, #tpu.memory_space<vmem_shared>> -> memref<819208xf32, #tpu.memory_space<vmem_shared>>
    tpu.wait_indirect_dma semaphore(%arg13 : memref<!tpu.dma_semaphore, #tpu.memory_space<semaphore_mem>>) src(%arg9 : memref<128xf32, #tpu.memory_space<vmem>>) dst(%dma_wait3A_888 : memref<819208xf32, #tpu.memory_space<vmem_shared>>)
    %dma_wait3A_889 = arith.constant 5 : i32
    %dma_wait3A_890 = arith.constant 5 : i32
    %dma_wait3A_891 = arith.constant 0 : i32
    %dma_wait3A_892 = tpu.memref_slice %arg8[%dma_wait3A_889, %dma_wait3A_891] : memref<40x128xf32, #tpu.memory_space<vmem>> -> memref<1x128xf32, #tpu.memory_space<vmem>>
    %dma_wait3A_893 = tpu.memref_squeeze %dma_wait3A_892 : memref<1x128xf32, #tpu.memory_space<vmem>> -> memref<128xf32, #tpu.memory_space<vmem>>
    %dma_wait3A_894 = arith.constant 0 : i32
    %dma_wait3A_895 = tpu.memref_slice %arg7[%dma_wait3A_890, %dma_wait3A_894] : memref<40x128xi32, #tpu.memory_space<vmem>> -> memref<1x128xi32, #tpu.memory_space<vmem>>
    %dma_wait3A_896 = tpu.memref_squeeze %dma_wait3A_895 : memref<1x128xi32, #tpu.memory_space<vmem>> -> memref<128xi32, #tpu.memory_space<vmem>>
    %dma_wait3A_897 = arith.constant 0 : i32
    %dma_wait3A_898 = tpu.memref_slice %arg11[%dma_wait3A_897] : memref<819208xf32, #tpu.memory_space<vmem_shared>> -> memref<819208xf32, #tpu.memory_space<vmem_shared>>
    tpu.wait_indirect_dma semaphore(%arg13 : memref<!tpu.dma_semaphore, #tpu.memory_space<semaphore_mem>>) src(%dma_wait3A_893 : memref<128xf32, #tpu.memory_space<vmem>>) dst(%dma_wait3A_898 : memref<819208xf32, #tpu.memory_space<vmem_shared>>)
    %dma_wait3A_899 = arith.constant 5 : i32
    %dma_wait3A_900 = arith.constant 0 : i32
    %dma_wait3A_901 = tpu.memref_slice %arg7[%dma_wait3A_899, %dma_wait3A_900] : memref<40x128xi32, #tpu.memory_space<vmem>> -> memref<1x128xi32, #tpu.memory_space<vmem>>
    %dma_wait3A_902 = tpu.memref_squeeze %dma_wait3A_901 : memref<1x128xi32, #tpu.memory_space<vmem>> -> memref<128xi32, #tpu.memory_space<vmem>>
    %dma_wait3A_903 = arith.constant 0 : i32
    %dma_wait3A_904 = tpu.memref_slice %arg12[%dma_wait3A_903] : memref<819208xf32, #tpu.memory_space<vmem_shared>> -> memref<819208xf32, #tpu.memory_space<vmem_shared>>
    tpu.wait_indirect_dma semaphore(%arg13 : memref<!tpu.dma_semaphore, #tpu.memory_space<semaphore_mem>>) src(%arg9 : memref<128xf32, #tpu.memory_space<vmem>>) dst(%dma_wait3A_904 : memref<819208xf32, #tpu.memory_space<vmem_shared>>)
    %dma_wait3A_905 = arith.constant 6 : i32
    %dma_wait3A_906 = arith.constant 6 : i32
    %dma_wait3A_907 = arith.constant 0 : i32
    %dma_wait3A_908 = tpu.memref_slice %arg8[%dma_wait3A_905, %dma_wait3A_907] : memref<40x128xf32, #tpu.memory_space<vmem>> -> memref<1x128xf32, #tpu.memory_space<vmem>>
    %dma_wait3A_909 = tpu.memref_squeeze %dma_wait3A_908 : memref<1x128xf32, #tpu.memory_space<vmem>> -> memref<128xf32, #tpu.memory_space<vmem>>
    %dma_wait3A_910 = arith.constant 0 : i32
    %dma_wait3A_911 = tpu.memref_slice %arg7[%dma_wait3A_906, %dma_wait3A_910] : memref<40x128xi32, #tpu.memory_space<vmem>> -> memref<1x128xi32, #tpu.memory_space<vmem>>
    %dma_wait3A_912 = tpu.memref_squeeze %dma_wait3A_911 : memref<1x128xi32, #tpu.memory_space<vmem>> -> memref<128xi32, #tpu.memory_space<vmem>>
    %dma_wait3A_913 = arith.constant 0 : i32
    %dma_wait3A_914 = tpu.memref_slice %arg11[%dma_wait3A_913] : memref<819208xf32, #tpu.memory_space<vmem_shared>> -> memref<819208xf32, #tpu.memory_space<vmem_shared>>
    tpu.wait_indirect_dma semaphore(%arg13 : memref<!tpu.dma_semaphore, #tpu.memory_space<semaphore_mem>>) src(%dma_wait3A_909 : memref<128xf32, #tpu.memory_space<vmem>>) dst(%dma_wait3A_914 : memref<819208xf32, #tpu.memory_space<vmem_shared>>)
    %dma_wait3A_915 = arith.constant 6 : i32
    %dma_wait3A_916 = arith.constant 0 : i32
    %dma_wait3A_917 = tpu.memref_slice %arg7[%dma_wait3A_915, %dma_wait3A_916] : memref<40x128xi32, #tpu.memory_space<vmem>> -> memref<1x128xi32, #tpu.memory_space<vmem>>
    %dma_wait3A_918 = tpu.memref_squeeze %dma_wait3A_917 : memref<1x128xi32, #tpu.memory_space<vmem>> -> memref<128xi32, #tpu.memory_space<vmem>>
    %dma_wait3A_919 = arith.constant 0 : i32
    %dma_wait3A_920 = tpu.memref_slice %arg12[%dma_wait3A_919] : memref<819208xf32, #tpu.memory_space<vmem_shared>> -> memref<819208xf32, #tpu.memory_space<vmem_shared>>
    tpu.wait_indirect_dma semaphore(%arg13 : memref<!tpu.dma_semaphore, #tpu.memory_space<semaphore_mem>>) src(%arg9 : memref<128xf32, #tpu.memory_space<vmem>>) dst(%dma_wait3A_920 : memref<819208xf32, #tpu.memory_space<vmem_shared>>)
    %dma_wait3A_921 = arith.constant 7 : i32
    %dma_wait3A_922 = arith.constant 7 : i32
    %dma_wait3A_923 = arith.constant 0 : i32
    %dma_wait3A_924 = tpu.memref_slice %arg8[%dma_wait3A_921, %dma_wait3A_923] : memref<40x128xf32, #tpu.memory_space<vmem>> -> memref<1x128xf32, #tpu.memory_space<vmem>>
    %dma_wait3A_925 = tpu.memref_squeeze %dma_wait3A_924 : memref<1x128xf32, #tpu.memory_space<vmem>> -> memref<128xf32, #tpu.memory_space<vmem>>
    %dma_wait3A_926 = arith.constant 0 : i32
    %dma_wait3A_927 = tpu.memref_slice %arg7[%dma_wait3A_922, %dma_wait3A_926] : memref<40x128xi32, #tpu.memory_space<vmem>> -> memref<1x128xi32, #tpu.memory_space<vmem>>
    %dma_wait3A_928 = tpu.memref_squeeze %dma_wait3A_927 : memref<1x128xi32, #tpu.memory_space<vmem>> -> memref<128xi32, #tpu.memory_space<vmem>>
    %dma_wait3A_929 = arith.constant 0 : i32
    %dma_wait3A_930 = tpu.memref_slice %arg11[%dma_wait3A_929] : memref<819208xf32, #tpu.memory_space<vmem_shared>> -> memref<819208xf32, #tpu.memory_space<vmem_shared>>
    tpu.wait_indirect_dma semaphore(%arg13 : memref<!tpu.dma_semaphore, #tpu.memory_space<semaphore_mem>>) src(%dma_wait3A_925 : memref<128xf32, #tpu.memory_space<vmem>>) dst(%dma_wait3A_930 : memref<819208xf32, #tpu.memory_space<vmem_shared>>)
    %dma_wait3A_931 = arith.constant 7 : i32
    %dma_wait3A_932 = arith.constant 0 : i32
    %dma_wait3A_933 = tpu.memref_slice %arg7[%dma_wait3A_931, %dma_wait3A_932] : memref<40x128xi32, #tpu.memory_space<vmem>> -> memref<1x128xi32, #tpu.memory_space<vmem>>
    %dma_wait3A_934 = tpu.memref_squeeze %dma_wait3A_933 : memref<1x128xi32, #tpu.memory_space<vmem>> -> memref<128xi32, #tpu.memory_space<vmem>>
    %dma_wait3A_935 = arith.constant 0 : i32
    %dma_wait3A_936 = tpu.memref_slice %arg12[%dma_wait3A_935] : memref<819208xf32, #tpu.memory_space<vmem_shared>> -> memref<819208xf32, #tpu.memory_space<vmem_shared>>
    tpu.wait_indirect_dma semaphore(%arg13 : memref<!tpu.dma_semaphore, #tpu.memory_space<semaphore_mem>>) src(%arg9 : memref<128xf32, #tpu.memory_space<vmem>>) dst(%dma_wait3A_936 : memref<819208xf32, #tpu.memory_space<vmem_shared>>)
    %dma_wait3A_937 = arith.constant 8 : i32
    %dma_wait3A_938 = arith.constant 8 : i32
    %dma_wait3A_939 = arith.constant 0 : i32
    %dma_wait3A_940 = tpu.memref_slice %arg8[%dma_wait3A_937, %dma_wait3A_939] : memref<40x128xf32, #tpu.memory_space<vmem>> -> memref<1x128xf32, #tpu.memory_space<vmem>>
    %dma_wait3A_941 = tpu.memref_squeeze %dma_wait3A_940 : memref<1x128xf32, #tpu.memory_space<vmem>> -> memref<128xf32, #tpu.memory_space<vmem>>
    %dma_wait3A_942 = arith.constant 0 : i32
    %dma_wait3A_943 = tpu.memref_slice %arg7[%dma_wait3A_938, %dma_wait3A_942] : memref<40x128xi32, #tpu.memory_space<vmem>> -> memref<1x128xi32, #tpu.memory_space<vmem>>
    %dma_wait3A_944 = tpu.memref_squeeze %dma_wait3A_943 : memref<1x128xi32, #tpu.memory_space<vmem>> -> memref<128xi32, #tpu.memory_space<vmem>>
    %dma_wait3A_945 = arith.constant 0 : i32
    %dma_wait3A_946 = tpu.memref_slice %arg11[%dma_wait3A_945] : memref<819208xf32, #tpu.memory_space<vmem_shared>> -> memref<819208xf32, #tpu.memory_space<vmem_shared>>
    tpu.wait_indirect_dma semaphore(%arg13 : memref<!tpu.dma_semaphore, #tpu.memory_space<semaphore_mem>>) src(%dma_wait3A_941 : memref<128xf32, #tpu.memory_space<vmem>>) dst(%dma_wait3A_946 : memref<819208xf32, #tpu.memory_space<vmem_shared>>)
    %dma_wait3A_947 = arith.constant 8 : i32
    %dma_wait3A_948 = arith.constant 0 : i32
    %dma_wait3A_949 = tpu.memref_slice %arg7[%dma_wait3A_947, %dma_wait3A_948] : memref<40x128xi32, #tpu.memory_space<vmem>> -> memref<1x128xi32, #tpu.memory_space<vmem>>
    %dma_wait3A_950 = tpu.memref_squeeze %dma_wait3A_949 : memref<1x128xi32, #tpu.memory_space<vmem>> -> memref<128xi32, #tpu.memory_space<vmem>>
    %dma_wait3A_951 = arith.constant 0 : i32
    %dma_wait3A_952 = tpu.memref_slice %arg12[%dma_wait3A_951] : memref<819208xf32, #tpu.memory_space<vmem_shared>> -> memref<819208xf32, #tpu.memory_space<vmem_shared>>
    tpu.wait_indirect_dma semaphore(%arg13 : memref<!tpu.dma_semaphore, #tpu.memory_space<semaphore_mem>>) src(%arg9 : memref<128xf32, #tpu.memory_space<vmem>>) dst(%dma_wait3A_952 : memref<819208xf32, #tpu.memory_space<vmem_shared>>)
    %dma_wait3A_953 = arith.constant 9 : i32
    %dma_wait3A_954 = arith.constant 9 : i32
    %dma_wait3A_955 = arith.constant 0 : i32
    %dma_wait3A_956 = tpu.memref_slice %arg8[%dma_wait3A_953, %dma_wait3A_955] : memref<40x128xf32, #tpu.memory_space<vmem>> -> memref<1x128xf32, #tpu.memory_space<vmem>>
    %dma_wait3A_957 = tpu.memref_squeeze %dma_wait3A_956 : memref<1x128xf32, #tpu.memory_space<vmem>> -> memref<128xf32, #tpu.memory_space<vmem>>
    %dma_wait3A_958 = arith.constant 0 : i32
    %dma_wait3A_959 = tpu.memref_slice %arg7[%dma_wait3A_954, %dma_wait3A_958] : memref<40x128xi32, #tpu.memory_space<vmem>> -> memref<1x128xi32, #tpu.memory_space<vmem>>
    %dma_wait3A_960 = tpu.memref_squeeze %dma_wait3A_959 : memref<1x128xi32, #tpu.memory_space<vmem>> -> memref<128xi32, #tpu.memory_space<vmem>>
    %dma_wait3A_961 = arith.constant 0 : i32
    %dma_wait3A_962 = tpu.memref_slice %arg11[%dma_wait3A_961] : memref<819208xf32, #tpu.memory_space<vmem_shared>> -> memref<819208xf32, #tpu.memory_space<vmem_shared>>
    tpu.wait_indirect_dma semaphore(%arg13 : memref<!tpu.dma_semaphore, #tpu.memory_space<semaphore_mem>>) src(%dma_wait3A_957 : memref<128xf32, #tpu.memory_space<vmem>>) dst(%dma_wait3A_962 : memref<819208xf32, #tpu.memory_space<vmem_shared>>)
    %dma_wait3A_963 = arith.constant 9 : i32
    %dma_wait3A_964 = arith.constant 0 : i32
    %dma_wait3A_965 = tpu.memref_slice %arg7[%dma_wait3A_963, %dma_wait3A_964] : memref<40x128xi32, #tpu.memory_space<vmem>> -> memref<1x128xi32, #tpu.memory_space<vmem>>
    %dma_wait3A_966 = tpu.memref_squeeze %dma_wait3A_965 : memref<1x128xi32, #tpu.memory_space<vmem>> -> memref<128xi32, #tpu.memory_space<vmem>>
    %dma_wait3A_967 = arith.constant 0 : i32
    %dma_wait3A_968 = tpu.memref_slice %arg12[%dma_wait3A_967] : memref<819208xf32, #tpu.memory_space<vmem_shared>> -> memref<819208xf32, #tpu.memory_space<vmem_shared>>
    tpu.wait_indirect_dma semaphore(%arg13 : memref<!tpu.dma_semaphore, #tpu.memory_space<semaphore_mem>>) src(%arg9 : memref<128xf32, #tpu.memory_space<vmem>>) dst(%dma_wait3A_968 : memref<819208xf32, #tpu.memory_space<vmem_shared>>)
    %dma_wait3A_969 = arith.constant 10 : i32
    %dma_wait3A_970 = arith.constant 10 : i32
    %dma_wait3A_971 = arith.constant 0 : i32
    %dma_wait3A_972 = tpu.memref_slice %arg8[%dma_wait3A_969, %dma_wait3A_971] : memref<40x128xf32, #tpu.memory_space<vmem>> -> memref<1x128xf32, #tpu.memory_space<vmem>>
    %dma_wait3A_973 = tpu.memref_squeeze %dma_wait3A_972 : memref<1x128xf32, #tpu.memory_space<vmem>> -> memref<128xf32, #tpu.memory_space<vmem>>
    %dma_wait3A_974 = arith.constant 0 : i32
    %dma_wait3A_975 = tpu.memref_slice %arg7[%dma_wait3A_970, %dma_wait3A_974] : memref<40x128xi32, #tpu.memory_space<vmem>> -> memref<1x128xi32, #tpu.memory_space<vmem>>
    %dma_wait3A_976 = tpu.memref_squeeze %dma_wait3A_975 : memref<1x128xi32, #tpu.memory_space<vmem>> -> memref<128xi32, #tpu.memory_space<vmem>>
    %dma_wait3A_977 = arith.constant 0 : i32
    %dma_wait3A_978 = tpu.memref_slice %arg11[%dma_wait3A_977] : memref<819208xf32, #tpu.memory_space<vmem_shared>> -> memref<819208xf32, #tpu.memory_space<vmem_shared>>
    tpu.wait_indirect_dma semaphore(%arg13 : memref<!tpu.dma_semaphore, #tpu.memory_space<semaphore_mem>>) src(%dma_wait3A_973 : memref<128xf32, #tpu.memory_space<vmem>>) dst(%dma_wait3A_978 : memref<819208xf32, #tpu.memory_space<vmem_shared>>)
    %dma_wait3A_979 = arith.constant 10 : i32
    %dma_wait3A_980 = arith.constant 0 : i32
    %dma_wait3A_981 = tpu.memref_slice %arg7[%dma_wait3A_979, %dma_wait3A_980] : memref<40x128xi32, #tpu.memory_space<vmem>> -> memref<1x128xi32, #tpu.memory_space<vmem>>
    %dma_wait3A_982 = tpu.memref_squeeze %dma_wait3A_981 : memref<1x128xi32, #tpu.memory_space<vmem>> -> memref<128xi32, #tpu.memory_space<vmem>>
    %dma_wait3A_983 = arith.constant 0 : i32
    %dma_wait3A_984 = tpu.memref_slice %arg12[%dma_wait3A_983] : memref<819208xf32, #tpu.memory_space<vmem_shared>> -> memref<819208xf32, #tpu.memory_space<vmem_shared>>
    tpu.wait_indirect_dma semaphore(%arg13 : memref<!tpu.dma_semaphore, #tpu.memory_space<semaphore_mem>>) src(%arg9 : memref<128xf32, #tpu.memory_space<vmem>>) dst(%dma_wait3A_984 : memref<819208xf32, #tpu.memory_space<vmem_shared>>)
    %dma_wait3A_985 = arith.constant 11 : i32
    %dma_wait3A_986 = arith.constant 11 : i32
    %dma_wait3A_987 = arith.constant 0 : i32
    %dma_wait3A_988 = tpu.memref_slice %arg8[%dma_wait3A_985, %dma_wait3A_987] : memref<40x128xf32, #tpu.memory_space<vmem>> -> memref<1x128xf32, #tpu.memory_space<vmem>>
    %dma_wait3A_989 = tpu.memref_squeeze %dma_wait3A_988 : memref<1x128xf32, #tpu.memory_space<vmem>> -> memref<128xf32, #tpu.memory_space<vmem>>
    %dma_wait3A_990 = arith.constant 0 : i32
    %dma_wait3A_991 = tpu.memref_slice %arg7[%dma_wait3A_986, %dma_wait3A_990] : memref<40x128xi32, #tpu.memory_space<vmem>> -> memref<1x128xi32, #tpu.memory_space<vmem>>
    %dma_wait3A_992 = tpu.memref_squeeze %dma_wait3A_991 : memref<1x128xi32, #tpu.memory_space<vmem>> -> memref<128xi32, #tpu.memory_space<vmem>>
    %dma_wait3A_993 = arith.constant 0 : i32
    %dma_wait3A_994 = tpu.memref_slice %arg11[%dma_wait3A_993] : memref<819208xf32, #tpu.memory_space<vmem_shared>> -> memref<819208xf32, #tpu.memory_space<vmem_shared>>
    tpu.wait_indirect_dma semaphore(%arg13 : memref<!tpu.dma_semaphore, #tpu.memory_space<semaphore_mem>>) src(%dma_wait3A_989 : memref<128xf32, #tpu.memory_space<vmem>>) dst(%dma_wait3A_994 : memref<819208xf32, #tpu.memory_space<vmem_shared>>)
    %dma_wait3A_995 = arith.constant 11 : i32
    %dma_wait3A_996 = arith.constant 0 : i32
    %dma_wait3A_997 = tpu.memref_slice %arg7[%dma_wait3A_995, %dma_wait3A_996] : memref<40x128xi32, #tpu.memory_space<vmem>> -> memref<1x128xi32, #tpu.memory_space<vmem>>
    %dma_wait3A_998 = tpu.memref_squeeze %dma_wait3A_997 : memref<1x128xi32, #tpu.memory_space<vmem>> -> memref<128xi32, #tpu.memory_space<vmem>>
    %dma_wait3A_999 = arith.constant 0 : i32
    %dma_wait3A_1000 = tpu.memref_slice %arg12[%dma_wait3A_999] : memref<819208xf32, #tpu.memory_space<vmem_shared>> -> memref<819208xf32, #tpu.memory_space<vmem_shared>>
    tpu.wait_indirect_dma semaphore(%arg13 : memref<!tpu.dma_semaphore, #tpu.memory_space<semaphore_mem>>) src(%arg9 : memref<128xf32, #tpu.memory_space<vmem>>) dst(%dma_wait3A_1000 : memref<819208xf32, #tpu.memory_space<vmem_shared>>)
    %dma_wait3A_1001 = arith.constant 12 : i32
    %dma_wait3A_1002 = arith.constant 12 : i32
    %dma_wait3A_1003 = arith.constant 0 : i32
    %dma_wait3A_1004 = tpu.memref_slice %arg8[%dma_wait3A_1001, %dma_wait3A_1003] : memref<40x128xf32, #tpu.memory_space<vmem>> -> memref<1x128xf32, #tpu.memory_space<vmem>>
    %dma_wait3A_1005 = tpu.memref_squeeze %dma_wait3A_1004 : memref<1x128xf32, #tpu.memory_space<vmem>> -> memref<128xf32, #tpu.memory_space<vmem>>
    %dma_wait3A_1006 = arith.constant 0 : i32
    %dma_wait3A_1007 = tpu.memref_slice %arg7[%dma_wait3A_1002, %dma_wait3A_1006] : memref<40x128xi32, #tpu.memory_space<vmem>> -> memref<1x128xi32, #tpu.memory_space<vmem>>
    %dma_wait3A_1008 = tpu.memref_squeeze %dma_wait3A_1007 : memref<1x128xi32, #tpu.memory_space<vmem>> -> memref<128xi32, #tpu.memory_space<vmem>>
    %dma_wait3A_1009 = arith.constant 0 : i32
    %dma_wait3A_1010 = tpu.memref_slice %arg11[%dma_wait3A_1009] : memref<819208xf32, #tpu.memory_space<vmem_shared>> -> memref<819208xf32, #tpu.memory_space<vmem_shared>>
    tpu.wait_indirect_dma semaphore(%arg13 : memref<!tpu.dma_semaphore, #tpu.memory_space<semaphore_mem>>) src(%dma_wait3A_1005 : memref<128xf32, #tpu.memory_space<vmem>>) dst(%dma_wait3A_1010 : memref<819208xf32, #tpu.memory_space<vmem_shared>>)
    %dma_wait3A_1011 = arith.constant 12 : i32
    %dma_wait3A_1012 = arith.constant 0 : i32
    %dma_wait3A_1013 = tpu.memref_slice %arg7[%dma_wait3A_1011, %dma_wait3A_1012] : memref<40x128xi32, #tpu.memory_space<vmem>> -> memref<1x128xi32, #tpu.memory_space<vmem>>
    %dma_wait3A_1014 = tpu.memref_squeeze %dma_wait3A_1013 : memref<1x128xi32, #tpu.memory_space<vmem>> -> memref<128xi32, #tpu.memory_space<vmem>>
    %dma_wait3A_1015 = arith.constant 0 : i32
    %dma_wait3A_1016 = tpu.memref_slice %arg12[%dma_wait3A_1015] : memref<819208xf32, #tpu.memory_space<vmem_shared>> -> memref<819208xf32, #tpu.memory_space<vmem_shared>>
    tpu.wait_indirect_dma semaphore(%arg13 : memref<!tpu.dma_semaphore, #tpu.memory_space<semaphore_mem>>) src(%arg9 : memref<128xf32, #tpu.memory_space<vmem>>) dst(%dma_wait3A_1016 : memref<819208xf32, #tpu.memory_space<vmem_shared>>)
    %dma_wait3A_1017 = arith.constant 13 : i32
    %dma_wait3A_1018 = arith.constant 13 : i32
    %dma_wait3A_1019 = arith.constant 0 : i32
    %dma_wait3A_1020 = tpu.memref_slice %arg8[%dma_wait3A_1017, %dma_wait3A_1019] : memref<40x128xf32, #tpu.memory_space<vmem>> -> memref<1x128xf32, #tpu.memory_space<vmem>>
    %dma_wait3A_1021 = tpu.memref_squeeze %dma_wait3A_1020 : memref<1x128xf32, #tpu.memory_space<vmem>> -> memref<128xf32, #tpu.memory_space<vmem>>
    %dma_wait3A_1022 = arith.constant 0 : i32
    %dma_wait3A_1023 = tpu.memref_slice %arg7[%dma_wait3A_1018, %dma_wait3A_1022] : memref<40x128xi32, #tpu.memory_space<vmem>> -> memref<1x128xi32, #tpu.memory_space<vmem>>
    %dma_wait3A_1024 = tpu.memref_squeeze %dma_wait3A_1023 : memref<1x128xi32, #tpu.memory_space<vmem>> -> memref<128xi32, #tpu.memory_space<vmem>>
    %dma_wait3A_1025 = arith.constant 0 : i32
    %dma_wait3A_1026 = tpu.memref_slice %arg11[%dma_wait3A_1025] : memref<819208xf32, #tpu.memory_space<vmem_shared>> -> memref<819208xf32, #tpu.memory_space<vmem_shared>>
    tpu.wait_indirect_dma semaphore(%arg13 : memref<!tpu.dma_semaphore, #tpu.memory_space<semaphore_mem>>) src(%dma_wait3A_1021 : memref<128xf32, #tpu.memory_space<vmem>>) dst(%dma_wait3A_1026 : memref<819208xf32, #tpu.memory_space<vmem_shared>>)
    %dma_wait3A_1027 = arith.constant 13 : i32
    %dma_wait3A_1028 = arith.constant 0 : i32
    %dma_wait3A_1029 = tpu.memref_slice %arg7[%dma_wait3A_1027, %dma_wait3A_1028] : memref<40x128xi32, #tpu.memory_space<vmem>> -> memref<1x128xi32, #tpu.memory_space<vmem>>
    %dma_wait3A_1030 = tpu.memref_squeeze %dma_wait3A_1029 : memref<1x128xi32, #tpu.memory_space<vmem>> -> memref<128xi32, #tpu.memory_space<vmem>>
    %dma_wait3A_1031 = arith.constant 0 : i32
    %dma_wait3A_1032 = tpu.memref_slice %arg12[%dma_wait3A_1031] : memref<819208xf32, #tpu.memory_space<vmem_shared>> -> memref<819208xf32, #tpu.memory_space<vmem_shared>>
    tpu.wait_indirect_dma semaphore(%arg13 : memref<!tpu.dma_semaphore, #tpu.memory_space<semaphore_mem>>) src(%arg9 : memref<128xf32, #tpu.memory_space<vmem>>) dst(%dma_wait3A_1032 : memref<819208xf32, #tpu.memory_space<vmem_shared>>)
    %dma_wait3A_1033 = arith.constant 14 : i32
    %dma_wait3A_1034 = arith.constant 14 : i32
    %dma_wait3A_1035 = arith.constant 0 : i32
    %dma_wait3A_1036 = tpu.memref_slice %arg8[%dma_wait3A_1033, %dma_wait3A_1035] : memref<40x128xf32, #tpu.memory_space<vmem>> -> memref<1x128xf32, #tpu.memory_space<vmem>>
    %dma_wait3A_1037 = tpu.memref_squeeze %dma_wait3A_1036 : memref<1x128xf32, #tpu.memory_space<vmem>> -> memref<128xf32, #tpu.memory_space<vmem>>
    %dma_wait3A_1038 = arith.constant 0 : i32
    %dma_wait3A_1039 = tpu.memref_slice %arg7[%dma_wait3A_1034, %dma_wait3A_1038] : memref<40x128xi32, #tpu.memory_space<vmem>> -> memref<1x128xi32, #tpu.memory_space<vmem>>
    %dma_wait3A_1040 = tpu.memref_squeeze %dma_wait3A_1039 : memref<1x128xi32, #tpu.memory_space<vmem>> -> memref<128xi32, #tpu.memory_space<vmem>>
    %dma_wait3A_1041 = arith.constant 0 : i32
    %dma_wait3A_1042 = tpu.memref_slice %arg11[%dma_wait3A_1041] : memref<819208xf32, #tpu.memory_space<vmem_shared>> -> memref<819208xf32, #tpu.memory_space<vmem_shared>>
    tpu.wait_indirect_dma semaphore(%arg13 : memref<!tpu.dma_semaphore, #tpu.memory_space<semaphore_mem>>) src(%dma_wait3A_1037 : memref<128xf32, #tpu.memory_space<vmem>>) dst(%dma_wait3A_1042 : memref<819208xf32, #tpu.memory_space<vmem_shared>>)
    %dma_wait3A_1043 = arith.constant 14 : i32
    %dma_wait3A_1044 = arith.constant 0 : i32
    %dma_wait3A_1045 = tpu.memref_slice %arg7[%dma_wait3A_1043, %dma_wait3A_1044] : memref<40x128xi32, #tpu.memory_space<vmem>> -> memref<1x128xi32, #tpu.memory_space<vmem>>
    %dma_wait3A_1046 = tpu.memref_squeeze %dma_wait3A_1045 : memref<1x128xi32, #tpu.memory_space<vmem>> -> memref<128xi32, #tpu.memory_space<vmem>>
    %dma_wait3A_1047 = arith.constant 0 : i32
    %dma_wait3A_1048 = tpu.memref_slice %arg12[%dma_wait3A_1047] : memref<819208xf32, #tpu.memory_space<vmem_shared>> -> memref<819208xf32, #tpu.memory_space<vmem_shared>>
    tpu.wait_indirect_dma semaphore(%arg13 : memref<!tpu.dma_semaphore, #tpu.memory_space<semaphore_mem>>) src(%arg9 : memref<128xf32, #tpu.memory_space<vmem>>) dst(%dma_wait3A_1048 : memref<819208xf32, #tpu.memory_space<vmem_shared>>)
    %dma_wait3A_1049 = arith.constant 15 : i32
    %dma_wait3A_1050 = arith.constant 15 : i32
    %dma_wait3A_1051 = arith.constant 0 : i32
    %dma_wait3A_1052 = tpu.memref_slice %arg8[%dma_wait3A_1049, %dma_wait3A_1051] : memref<40x128xf32, #tpu.memory_space<vmem>> -> memref<1x128xf32, #tpu.memory_space<vmem>>
    %dma_wait3A_1053 = tpu.memref_squeeze %dma_wait3A_1052 : memref<1x128xf32, #tpu.memory_space<vmem>> -> memref<128xf32, #tpu.memory_space<vmem>>
    %dma_wait3A_1054 = arith.constant 0 : i32
    %dma_wait3A_1055 = tpu.memref_slice %arg7[%dma_wait3A_1050, %dma_wait3A_1054] : memref<40x128xi32, #tpu.memory_space<vmem>> -> memref<1x128xi32, #tpu.memory_space<vmem>>
    %dma_wait3A_1056 = tpu.memref_squeeze %dma_wait3A_1055 : memref<1x128xi32, #tpu.memory_space<vmem>> -> memref<128xi32, #tpu.memory_space<vmem>>
    %dma_wait3A_1057 = arith.constant 0 : i32
    %dma_wait3A_1058 = tpu.memref_slice %arg11[%dma_wait3A_1057] : memref<819208xf32, #tpu.memory_space<vmem_shared>> -> memref<819208xf32, #tpu.memory_space<vmem_shared>>
    tpu.wait_indirect_dma semaphore(%arg13 : memref<!tpu.dma_semaphore, #tpu.memory_space<semaphore_mem>>) src(%dma_wait3A_1053 : memref<128xf32, #tpu.memory_space<vmem>>) dst(%dma_wait3A_1058 : memref<819208xf32, #tpu.memory_space<vmem_shared>>)
    %dma_wait3A_1059 = arith.constant 15 : i32
    %dma_wait3A_1060 = arith.constant 0 : i32
    %dma_wait3A_1061 = tpu.memref_slice %arg7[%dma_wait3A_1059, %dma_wait3A_1060] : memref<40x128xi32, #tpu.memory_space<vmem>> -> memref<1x128xi32, #tpu.memory_space<vmem>>
    %dma_wait3A_1062 = tpu.memref_squeeze %dma_wait3A_1061 : memref<1x128xi32, #tpu.memory_space<vmem>> -> memref<128xi32, #tpu.memory_space<vmem>>
    %dma_wait3A_1063 = arith.constant 0 : i32
    %dma_wait3A_1064 = tpu.memref_slice %arg12[%dma_wait3A_1063] : memref<819208xf32, #tpu.memory_space<vmem_shared>> -> memref<819208xf32, #tpu.memory_space<vmem_shared>>
    tpu.wait_indirect_dma semaphore(%arg13 : memref<!tpu.dma_semaphore, #tpu.memory_space<semaphore_mem>>) src(%arg9 : memref<128xf32, #tpu.memory_space<vmem>>) dst(%dma_wait3A_1064 : memref<819208xf32, #tpu.memory_space<vmem_shared>>)
    %dma_wait3A_1065 = arith.constant 16 : i32
    %dma_wait3A_1066 = arith.constant 16 : i32
    %dma_wait3A_1067 = arith.constant 0 : i32
    %dma_wait3A_1068 = tpu.memref_slice %arg8[%dma_wait3A_1065, %dma_wait3A_1067] : memref<40x128xf32, #tpu.memory_space<vmem>> -> memref<1x128xf32, #tpu.memory_space<vmem>>
    %dma_wait3A_1069 = tpu.memref_squeeze %dma_wait3A_1068 : memref<1x128xf32, #tpu.memory_space<vmem>> -> memref<128xf32, #tpu.memory_space<vmem>>
    %dma_wait3A_1070 = arith.constant 0 : i32
    %dma_wait3A_1071 = tpu.memref_slice %arg7[%dma_wait3A_1066, %dma_wait3A_1070] : memref<40x128xi32, #tpu.memory_space<vmem>> -> memref<1x128xi32, #tpu.memory_space<vmem>>
    %dma_wait3A_1072 = tpu.memref_squeeze %dma_wait3A_1071 : memref<1x128xi32, #tpu.memory_space<vmem>> -> memref<128xi32, #tpu.memory_space<vmem>>
    %dma_wait3A_1073 = arith.constant 0 : i32
    %dma_wait3A_1074 = tpu.memref_slice %arg11[%dma_wait3A_1073] : memref<819208xf32, #tpu.memory_space<vmem_shared>> -> memref<819208xf32, #tpu.memory_space<vmem_shared>>
    tpu.wait_indirect_dma semaphore(%arg13 : memref<!tpu.dma_semaphore, #tpu.memory_space<semaphore_mem>>) src(%dma_wait3A_1069 : memref<128xf32, #tpu.memory_space<vmem>>) dst(%dma_wait3A_1074 : memref<819208xf32, #tpu.memory_space<vmem_shared>>)
    %dma_wait3A_1075 = arith.constant 16 : i32
    %dma_wait3A_1076 = arith.constant 0 : i32
    %dma_wait3A_1077 = tpu.memref_slice %arg7[%dma_wait3A_1075, %dma_wait3A_1076] : memref<40x128xi32, #tpu.memory_space<vmem>> -> memref<1x128xi32, #tpu.memory_space<vmem>>
    %dma_wait3A_1078 = tpu.memref_squeeze %dma_wait3A_1077 : memref<1x128xi32, #tpu.memory_space<vmem>> -> memref<128xi32, #tpu.memory_space<vmem>>
    %dma_wait3A_1079 = arith.constant 0 : i32
    %dma_wait3A_1080 = tpu.memref_slice %arg12[%dma_wait3A_1079] : memref<819208xf32, #tpu.memory_space<vmem_shared>> -> memref<819208xf32, #tpu.memory_space<vmem_shared>>
    tpu.wait_indirect_dma semaphore(%arg13 : memref<!tpu.dma_semaphore, #tpu.memory_space<semaphore_mem>>) src(%arg9 : memref<128xf32, #tpu.memory_space<vmem>>) dst(%dma_wait3A_1080 : memref<819208xf32, #tpu.memory_space<vmem_shared>>)
    %dma_wait3A_1081 = arith.constant 17 : i32
    %dma_wait3A_1082 = arith.constant 17 : i32
    %dma_wait3A_1083 = arith.constant 0 : i32
    %dma_wait3A_1084 = tpu.memref_slice %arg8[%dma_wait3A_1081, %dma_wait3A_1083] : memref<40x128xf32, #tpu.memory_space<vmem>> -> memref<1x128xf32, #tpu.memory_space<vmem>>
    %dma_wait3A_1085 = tpu.memref_squeeze %dma_wait3A_1084 : memref<1x128xf32, #tpu.memory_space<vmem>> -> memref<128xf32, #tpu.memory_space<vmem>>
    %dma_wait3A_1086 = arith.constant 0 : i32
    %dma_wait3A_1087 = tpu.memref_slice %arg7[%dma_wait3A_1082, %dma_wait3A_1086] : memref<40x128xi32, #tpu.memory_space<vmem>> -> memref<1x128xi32, #tpu.memory_space<vmem>>
    %dma_wait3A_1088 = tpu.memref_squeeze %dma_wait3A_1087 : memref<1x128xi32, #tpu.memory_space<vmem>> -> memref<128xi32, #tpu.memory_space<vmem>>
    %dma_wait3A_1089 = arith.constant 0 : i32
    %dma_wait3A_1090 = tpu.memref_slice %arg11[%dma_wait3A_1089] : memref<819208xf32, #tpu.memory_space<vmem_shared>> -> memref<819208xf32, #tpu.memory_space<vmem_shared>>
    tpu.wait_indirect_dma semaphore(%arg13 : memref<!tpu.dma_semaphore, #tpu.memory_space<semaphore_mem>>) src(%dma_wait3A_1085 : memref<128xf32, #tpu.memory_space<vmem>>) dst(%dma_wait3A_1090 : memref<819208xf32, #tpu.memory_space<vmem_shared>>)
    %dma_wait3A_1091 = arith.constant 17 : i32
    %dma_wait3A_1092 = arith.constant 0 : i32
    %dma_wait3A_1093 = tpu.memref_slice %arg7[%dma_wait3A_1091, %dma_wait3A_1092] : memref<40x128xi32, #tpu.memory_space<vmem>> -> memref<1x128xi32, #tpu.memory_space<vmem>>
    %dma_wait3A_1094 = tpu.memref_squeeze %dma_wait3A_1093 : memref<1x128xi32, #tpu.memory_space<vmem>> -> memref<128xi32, #tpu.memory_space<vmem>>
    %dma_wait3A_1095 = arith.constant 0 : i32
    %dma_wait3A_1096 = tpu.memref_slice %arg12[%dma_wait3A_1095] : memref<819208xf32, #tpu.memory_space<vmem_shared>> -> memref<819208xf32, #tpu.memory_space<vmem_shared>>
    tpu.wait_indirect_dma semaphore(%arg13 : memref<!tpu.dma_semaphore, #tpu.memory_space<semaphore_mem>>) src(%arg9 : memref<128xf32, #tpu.memory_space<vmem>>) dst(%dma_wait3A_1096 : memref<819208xf32, #tpu.memory_space<vmem_shared>>)
    %dma_wait3A_1097 = arith.constant 18 : i32
    %dma_wait3A_1098 = arith.constant 18 : i32
    %dma_wait3A_1099 = arith.constant 0 : i32
    %dma_wait3A_1100 = tpu.memref_slice %arg8[%dma_wait3A_1097, %dma_wait3A_1099] : memref<40x128xf32, #tpu.memory_space<vmem>> -> memref<1x128xf32, #tpu.memory_space<vmem>>
    %dma_wait3A_1101 = tpu.memref_squeeze %dma_wait3A_1100 : memref<1x128xf32, #tpu.memory_space<vmem>> -> memref<128xf32, #tpu.memory_space<vmem>>
    %dma_wait3A_1102 = arith.constant 0 : i32
    %dma_wait3A_1103 = tpu.memref_slice %arg7[%dma_wait3A_1098, %dma_wait3A_1102] : memref<40x128xi32, #tpu.memory_space<vmem>> -> memref<1x128xi32, #tpu.memory_space<vmem>>
    %dma_wait3A_1104 = tpu.memref_squeeze %dma_wait3A_1103 : memref<1x128xi32, #tpu.memory_space<vmem>> -> memref<128xi32, #tpu.memory_space<vmem>>
    %dma_wait3A_1105 = arith.constant 0 : i32
    %dma_wait3A_1106 = tpu.memref_slice %arg11[%dma_wait3A_1105] : memref<819208xf32, #tpu.memory_space<vmem_shared>> -> memref<819208xf32, #tpu.memory_space<vmem_shared>>
    tpu.wait_indirect_dma semaphore(%arg13 : memref<!tpu.dma_semaphore, #tpu.memory_space<semaphore_mem>>) src(%dma_wait3A_1101 : memref<128xf32, #tpu.memory_space<vmem>>) dst(%dma_wait3A_1106 : memref<819208xf32, #tpu.memory_space<vmem_shared>>)
    %dma_wait3A_1107 = arith.constant 18 : i32
    %dma_wait3A_1108 = arith.constant 0 : i32
    %dma_wait3A_1109 = tpu.memref_slice %arg7[%dma_wait3A_1107, %dma_wait3A_1108] : memref<40x128xi32, #tpu.memory_space<vmem>> -> memref<1x128xi32, #tpu.memory_space<vmem>>
    %dma_wait3A_1110 = tpu.memref_squeeze %dma_wait3A_1109 : memref<1x128xi32, #tpu.memory_space<vmem>> -> memref<128xi32, #tpu.memory_space<vmem>>
    %dma_wait3A_1111 = arith.constant 0 : i32
    %dma_wait3A_1112 = tpu.memref_slice %arg12[%dma_wait3A_1111] : memref<819208xf32, #tpu.memory_space<vmem_shared>> -> memref<819208xf32, #tpu.memory_space<vmem_shared>>
    tpu.wait_indirect_dma semaphore(%arg13 : memref<!tpu.dma_semaphore, #tpu.memory_space<semaphore_mem>>) src(%arg9 : memref<128xf32, #tpu.memory_space<vmem>>) dst(%dma_wait3A_1112 : memref<819208xf32, #tpu.memory_space<vmem_shared>>)
    %dma_wait3A_1113 = arith.constant 19 : i32
    %dma_wait3A_1114 = arith.constant 19 : i32
    %dma_wait3A_1115 = arith.constant 0 : i32
    %dma_wait3A_1116 = tpu.memref_slice %arg8[%dma_wait3A_1113, %dma_wait3A_1115] : memref<40x128xf32, #tpu.memory_space<vmem>> -> memref<1x128xf32, #tpu.memory_space<vmem>>
    %dma_wait3A_1117 = tpu.memref_squeeze %dma_wait3A_1116 : memref<1x128xf32, #tpu.memory_space<vmem>> -> memref<128xf32, #tpu.memory_space<vmem>>
    %dma_wait3A_1118 = arith.constant 0 : i32
    %dma_wait3A_1119 = tpu.memref_slice %arg7[%dma_wait3A_1114, %dma_wait3A_1118] : memref<40x128xi32, #tpu.memory_space<vmem>> -> memref<1x128xi32, #tpu.memory_space<vmem>>
    %dma_wait3A_1120 = tpu.memref_squeeze %dma_wait3A_1119 : memref<1x128xi32, #tpu.memory_space<vmem>> -> memref<128xi32, #tpu.memory_space<vmem>>
    %dma_wait3A_1121 = arith.constant 0 : i32
    %dma_wait3A_1122 = tpu.memref_slice %arg11[%dma_wait3A_1121] : memref<819208xf32, #tpu.memory_space<vmem_shared>> -> memref<819208xf32, #tpu.memory_space<vmem_shared>>
    tpu.wait_indirect_dma semaphore(%arg13 : memref<!tpu.dma_semaphore, #tpu.memory_space<semaphore_mem>>) src(%dma_wait3A_1117 : memref<128xf32, #tpu.memory_space<vmem>>) dst(%dma_wait3A_1122 : memref<819208xf32, #tpu.memory_space<vmem_shared>>)
    %dma_wait3A_1123 = arith.constant 19 : i32
    %dma_wait3A_1124 = arith.constant 0 : i32
    %dma_wait3A_1125 = tpu.memref_slice %arg7[%dma_wait3A_1123, %dma_wait3A_1124] : memref<40x128xi32, #tpu.memory_space<vmem>> -> memref<1x128xi32, #tpu.memory_space<vmem>>
    %dma_wait3A_1126 = tpu.memref_squeeze %dma_wait3A_1125 : memref<1x128xi32, #tpu.memory_space<vmem>> -> memref<128xi32, #tpu.memory_space<vmem>>
    %dma_wait3A_1127 = arith.constant 0 : i32
    %dma_wait3A_1128 = tpu.memref_slice %arg12[%dma_wait3A_1127] : memref<819208xf32, #tpu.memory_space<vmem_shared>> -> memref<819208xf32, #tpu.memory_space<vmem_shared>>
    tpu.wait_indirect_dma semaphore(%arg13 : memref<!tpu.dma_semaphore, #tpu.memory_space<semaphore_mem>>) src(%arg9 : memref<128xf32, #tpu.memory_space<vmem>>) dst(%dma_wait3A_1128 : memref<819208xf32, #tpu.memory_space<vmem_shared>>)
    %dma_wait3A_1129 = arith.constant 20 : i32
    %dma_wait3A_1130 = arith.constant 20 : i32
    %dma_wait3A_1131 = arith.constant 0 : i32
    %dma_wait3A_1132 = tpu.memref_slice %arg8[%dma_wait3A_1129, %dma_wait3A_1131] : memref<40x128xf32, #tpu.memory_space<vmem>> -> memref<1x128xf32, #tpu.memory_space<vmem>>
    %dma_wait3A_1133 = tpu.memref_squeeze %dma_wait3A_1132 : memref<1x128xf32, #tpu.memory_space<vmem>> -> memref<128xf32, #tpu.memory_space<vmem>>
    %dma_wait3A_1134 = arith.constant 0 : i32
    %dma_wait3A_1135 = tpu.memref_slice %arg7[%dma_wait3A_1130, %dma_wait3A_1134] : memref<40x128xi32, #tpu.memory_space<vmem>> -> memref<1x128xi32, #tpu.memory_space<vmem>>
    %dma_wait3A_1136 = tpu.memref_squeeze %dma_wait3A_1135 : memref<1x128xi32, #tpu.memory_space<vmem>> -> memref<128xi32, #tpu.memory_space<vmem>>
    %dma_wait3A_1137 = arith.constant 0 : i32
    %dma_wait3A_1138 = tpu.memref_slice %arg11[%dma_wait3A_1137] : memref<819208xf32, #tpu.memory_space<vmem_shared>> -> memref<819208xf32, #tpu.memory_space<vmem_shared>>
    tpu.wait_indirect_dma semaphore(%arg13 : memref<!tpu.dma_semaphore, #tpu.memory_space<semaphore_mem>>) src(%dma_wait3A_1133 : memref<128xf32, #tpu.memory_space<vmem>>) dst(%dma_wait3A_1138 : memref<819208xf32, #tpu.memory_space<vmem_shared>>)
    %dma_wait3A_1139 = arith.constant 20 : i32
    %dma_wait3A_1140 = arith.constant 0 : i32
    %dma_wait3A_1141 = tpu.memref_slice %arg7[%dma_wait3A_1139, %dma_wait3A_1140] : memref<40x128xi32, #tpu.memory_space<vmem>> -> memref<1x128xi32, #tpu.memory_space<vmem>>
    %dma_wait3A_1142 = tpu.memref_squeeze %dma_wait3A_1141 : memref<1x128xi32, #tpu.memory_space<vmem>> -> memref<128xi32, #tpu.memory_space<vmem>>
    %dma_wait3A_1143 = arith.constant 0 : i32
    %dma_wait3A_1144 = tpu.memref_slice %arg12[%dma_wait3A_1143] : memref<819208xf32, #tpu.memory_space<vmem_shared>> -> memref<819208xf32, #tpu.memory_space<vmem_shared>>
    tpu.wait_indirect_dma semaphore(%arg13 : memref<!tpu.dma_semaphore, #tpu.memory_space<semaphore_mem>>) src(%arg9 : memref<128xf32, #tpu.memory_space<vmem>>) dst(%dma_wait3A_1144 : memref<819208xf32, #tpu.memory_space<vmem_shared>>)
    %dma_wait3A_1145 = arith.constant 21 : i32
    %dma_wait3A_1146 = arith.constant 21 : i32
    %dma_wait3A_1147 = arith.constant 0 : i32
    %dma_wait3A_1148 = tpu.memref_slice %arg8[%dma_wait3A_1145, %dma_wait3A_1147] : memref<40x128xf32, #tpu.memory_space<vmem>> -> memref<1x128xf32, #tpu.memory_space<vmem>>
    %dma_wait3A_1149 = tpu.memref_squeeze %dma_wait3A_1148 : memref<1x128xf32, #tpu.memory_space<vmem>> -> memref<128xf32, #tpu.memory_space<vmem>>
    %dma_wait3A_1150 = arith.constant 0 : i32
    %dma_wait3A_1151 = tpu.memref_slice %arg7[%dma_wait3A_1146, %dma_wait3A_1150] : memref<40x128xi32, #tpu.memory_space<vmem>> -> memref<1x128xi32, #tpu.memory_space<vmem>>
    %dma_wait3A_1152 = tpu.memref_squeeze %dma_wait3A_1151 : memref<1x128xi32, #tpu.memory_space<vmem>> -> memref<128xi32, #tpu.memory_space<vmem>>
    %dma_wait3A_1153 = arith.constant 0 : i32
    %dma_wait3A_1154 = tpu.memref_slice %arg11[%dma_wait3A_1153] : memref<819208xf32, #tpu.memory_space<vmem_shared>> -> memref<819208xf32, #tpu.memory_space<vmem_shared>>
    tpu.wait_indirect_dma semaphore(%arg13 : memref<!tpu.dma_semaphore, #tpu.memory_space<semaphore_mem>>) src(%dma_wait3A_1149 : memref<128xf32, #tpu.memory_space<vmem>>) dst(%dma_wait3A_1154 : memref<819208xf32, #tpu.memory_space<vmem_shared>>)
    %dma_wait3A_1155 = arith.constant 21 : i32
    %dma_wait3A_1156 = arith.constant 0 : i32
    %dma_wait3A_1157 = tpu.memref_slice %arg7[%dma_wait3A_1155, %dma_wait3A_1156] : memref<40x128xi32, #tpu.memory_space<vmem>> -> memref<1x128xi32, #tpu.memory_space<vmem>>
    %dma_wait3A_1158 = tpu.memref_squeeze %dma_wait3A_1157 : memref<1x128xi32, #tpu.memory_space<vmem>> -> memref<128xi32, #tpu.memory_space<vmem>>
    %dma_wait3A_1159 = arith.constant 0 : i32
    %dma_wait3A_1160 = tpu.memref_slice %arg12[%dma_wait3A_1159] : memref<819208xf32, #tpu.memory_space<vmem_shared>> -> memref<819208xf32, #tpu.memory_space<vmem_shared>>
    tpu.wait_indirect_dma semaphore(%arg13 : memref<!tpu.dma_semaphore, #tpu.memory_space<semaphore_mem>>) src(%arg9 : memref<128xf32, #tpu.memory_space<vmem>>) dst(%dma_wait3A_1160 : memref<819208xf32, #tpu.memory_space<vmem_shared>>)
    %dma_wait3A_1161 = arith.constant 22 : i32
    %dma_wait3A_1162 = arith.constant 22 : i32
    %dma_wait3A_1163 = arith.constant 0 : i32
    %dma_wait3A_1164 = tpu.memref_slice %arg8[%dma_wait3A_1161, %dma_wait3A_1163] : memref<40x128xf32, #tpu.memory_space<vmem>> -> memref<1x128xf32, #tpu.memory_space<vmem>>
    %dma_wait3A_1165 = tpu.memref_squeeze %dma_wait3A_1164 : memref<1x128xf32, #tpu.memory_space<vmem>> -> memref<128xf32, #tpu.memory_space<vmem>>
    %dma_wait3A_1166 = arith.constant 0 : i32
    %dma_wait3A_1167 = tpu.memref_slice %arg7[%dma_wait3A_1162, %dma_wait3A_1166] : memref<40x128xi32, #tpu.memory_space<vmem>> -> memref<1x128xi32, #tpu.memory_space<vmem>>
    %dma_wait3A_1168 = tpu.memref_squeeze %dma_wait3A_1167 : memref<1x128xi32, #tpu.memory_space<vmem>> -> memref<128xi32, #tpu.memory_space<vmem>>
    %dma_wait3A_1169 = arith.constant 0 : i32
    %dma_wait3A_1170 = tpu.memref_slice %arg11[%dma_wait3A_1169] : memref<819208xf32, #tpu.memory_space<vmem_shared>> -> memref<819208xf32, #tpu.memory_space<vmem_shared>>
    tpu.wait_indirect_dma semaphore(%arg13 : memref<!tpu.dma_semaphore, #tpu.memory_space<semaphore_mem>>) src(%dma_wait3A_1165 : memref<128xf32, #tpu.memory_space<vmem>>) dst(%dma_wait3A_1170 : memref<819208xf32, #tpu.memory_space<vmem_shared>>)
    %dma_wait3A_1171 = arith.constant 22 : i32
    %dma_wait3A_1172 = arith.constant 0 : i32
    %dma_wait3A_1173 = tpu.memref_slice %arg7[%dma_wait3A_1171, %dma_wait3A_1172] : memref<40x128xi32, #tpu.memory_space<vmem>> -> memref<1x128xi32, #tpu.memory_space<vmem>>
    %dma_wait3A_1174 = tpu.memref_squeeze %dma_wait3A_1173 : memref<1x128xi32, #tpu.memory_space<vmem>> -> memref<128xi32, #tpu.memory_space<vmem>>
    %dma_wait3A_1175 = arith.constant 0 : i32
    %dma_wait3A_1176 = tpu.memref_slice %arg12[%dma_wait3A_1175] : memref<819208xf32, #tpu.memory_space<vmem_shared>> -> memref<819208xf32, #tpu.memory_space<vmem_shared>>
    tpu.wait_indirect_dma semaphore(%arg13 : memref<!tpu.dma_semaphore, #tpu.memory_space<semaphore_mem>>) src(%arg9 : memref<128xf32, #tpu.memory_space<vmem>>) dst(%dma_wait3A_1176 : memref<819208xf32, #tpu.memory_space<vmem_shared>>)
    %dma_wait3A_1177 = arith.constant 23 : i32
    %dma_wait3A_1178 = arith.constant 23 : i32
    %dma_wait3A_1179 = arith.constant 0 : i32
    %dma_wait3A_1180 = tpu.memref_slice %arg8[%dma_wait3A_1177, %dma_wait3A_1179] : memref<40x128xf32, #tpu.memory_space<vmem>> -> memref<1x128xf32, #tpu.memory_space<vmem>>
    %dma_wait3A_1181 = tpu.memref_squeeze %dma_wait3A_1180 : memref<1x128xf32, #tpu.memory_space<vmem>> -> memref<128xf32, #tpu.memory_space<vmem>>
    %dma_wait3A_1182 = arith.constant 0 : i32
    %dma_wait3A_1183 = tpu.memref_slice %arg7[%dma_wait3A_1178, %dma_wait3A_1182] : memref<40x128xi32, #tpu.memory_space<vmem>> -> memref<1x128xi32, #tpu.memory_space<vmem>>
    %dma_wait3A_1184 = tpu.memref_squeeze %dma_wait3A_1183 : memref<1x128xi32, #tpu.memory_space<vmem>> -> memref<128xi32, #tpu.memory_space<vmem>>
    %dma_wait3A_1185 = arith.constant 0 : i32
    %dma_wait3A_1186 = tpu.memref_slice %arg11[%dma_wait3A_1185] : memref<819208xf32, #tpu.memory_space<vmem_shared>> -> memref<819208xf32, #tpu.memory_space<vmem_shared>>
    tpu.wait_indirect_dma semaphore(%arg13 : memref<!tpu.dma_semaphore, #tpu.memory_space<semaphore_mem>>) src(%dma_wait3A_1181 : memref<128xf32, #tpu.memory_space<vmem>>) dst(%dma_wait3A_1186 : memref<819208xf32, #tpu.memory_space<vmem_shared>>)
    %dma_wait3A_1187 = arith.constant 23 : i32
    %dma_wait3A_1188 = arith.constant 0 : i32
    %dma_wait3A_1189 = tpu.memref_slice %arg7[%dma_wait3A_1187, %dma_wait3A_1188] : memref<40x128xi32, #tpu.memory_space<vmem>> -> memref<1x128xi32, #tpu.memory_space<vmem>>
    %dma_wait3A_1190 = tpu.memref_squeeze %dma_wait3A_1189 : memref<1x128xi32, #tpu.memory_space<vmem>> -> memref<128xi32, #tpu.memory_space<vmem>>
    %dma_wait3A_1191 = arith.constant 0 : i32
    %dma_wait3A_1192 = tpu.memref_slice %arg12[%dma_wait3A_1191] : memref<819208xf32, #tpu.memory_space<vmem_shared>> -> memref<819208xf32, #tpu.memory_space<vmem_shared>>
    tpu.wait_indirect_dma semaphore(%arg13 : memref<!tpu.dma_semaphore, #tpu.memory_space<semaphore_mem>>) src(%arg9 : memref<128xf32, #tpu.memory_space<vmem>>) dst(%dma_wait3A_1192 : memref<819208xf32, #tpu.memory_space<vmem_shared>>)
    %dma_wait3A_1193 = arith.constant 24 : i32
    %dma_wait3A_1194 = arith.constant 24 : i32
    %dma_wait3A_1195 = arith.constant 0 : i32
    %dma_wait3A_1196 = tpu.memref_slice %arg8[%dma_wait3A_1193, %dma_wait3A_1195] : memref<40x128xf32, #tpu.memory_space<vmem>> -> memref<1x128xf32, #tpu.memory_space<vmem>>
    %dma_wait3A_1197 = tpu.memref_squeeze %dma_wait3A_1196 : memref<1x128xf32, #tpu.memory_space<vmem>> -> memref<128xf32, #tpu.memory_space<vmem>>
    %dma_wait3A_1198 = arith.constant 0 : i32
    %dma_wait3A_1199 = tpu.memref_slice %arg7[%dma_wait3A_1194, %dma_wait3A_1198] : memref<40x128xi32, #tpu.memory_space<vmem>> -> memref<1x128xi32, #tpu.memory_space<vmem>>
    %dma_wait3A_1200 = tpu.memref_squeeze %dma_wait3A_1199 : memref<1x128xi32, #tpu.memory_space<vmem>> -> memref<128xi32, #tpu.memory_space<vmem>>
    %dma_wait3A_1201 = arith.constant 0 : i32
    %dma_wait3A_1202 = tpu.memref_slice %arg11[%dma_wait3A_1201] : memref<819208xf32, #tpu.memory_space<vmem_shared>> -> memref<819208xf32, #tpu.memory_space<vmem_shared>>
    tpu.wait_indirect_dma semaphore(%arg13 : memref<!tpu.dma_semaphore, #tpu.memory_space<semaphore_mem>>) src(%dma_wait3A_1197 : memref<128xf32, #tpu.memory_space<vmem>>) dst(%dma_wait3A_1202 : memref<819208xf32, #tpu.memory_space<vmem_shared>>)
    %dma_wait3A_1203 = arith.constant 24 : i32
    %dma_wait3A_1204 = arith.constant 0 : i32
    %dma_wait3A_1205 = tpu.memref_slice %arg7[%dma_wait3A_1203, %dma_wait3A_1204] : memref<40x128xi32, #tpu.memory_space<vmem>> -> memref<1x128xi32, #tpu.memory_space<vmem>>
    %dma_wait3A_1206 = tpu.memref_squeeze %dma_wait3A_1205 : memref<1x128xi32, #tpu.memory_space<vmem>> -> memref<128xi32, #tpu.memory_space<vmem>>
    %dma_wait3A_1207 = arith.constant 0 : i32
    %dma_wait3A_1208 = tpu.memref_slice %arg12[%dma_wait3A_1207] : memref<819208xf32, #tpu.memory_space<vmem_shared>> -> memref<819208xf32, #tpu.memory_space<vmem_shared>>
    tpu.wait_indirect_dma semaphore(%arg13 : memref<!tpu.dma_semaphore, #tpu.memory_space<semaphore_mem>>) src(%arg9 : memref<128xf32, #tpu.memory_space<vmem>>) dst(%dma_wait3A_1208 : memref<819208xf32, #tpu.memory_space<vmem_shared>>)
    %dma_wait3A_1209 = arith.constant 25 : i32
    %dma_wait3A_1210 = arith.constant 25 : i32
    %dma_wait3A_1211 = arith.constant 0 : i32
    %dma_wait3A_1212 = tpu.memref_slice %arg8[%dma_wait3A_1209, %dma_wait3A_1211] : memref<40x128xf32, #tpu.memory_space<vmem>> -> memref<1x128xf32, #tpu.memory_space<vmem>>
    %dma_wait3A_1213 = tpu.memref_squeeze %dma_wait3A_1212 : memref<1x128xf32, #tpu.memory_space<vmem>> -> memref<128xf32, #tpu.memory_space<vmem>>
    %dma_wait3A_1214 = arith.constant 0 : i32
    %dma_wait3A_1215 = tpu.memref_slice %arg7[%dma_wait3A_1210, %dma_wait3A_1214] : memref<40x128xi32, #tpu.memory_space<vmem>> -> memref<1x128xi32, #tpu.memory_space<vmem>>
    %dma_wait3A_1216 = tpu.memref_squeeze %dma_wait3A_1215 : memref<1x128xi32, #tpu.memory_space<vmem>> -> memref<128xi32, #tpu.memory_space<vmem>>
    %dma_wait3A_1217 = arith.constant 0 : i32
    %dma_wait3A_1218 = tpu.memref_slice %arg11[%dma_wait3A_1217] : memref<819208xf32, #tpu.memory_space<vmem_shared>> -> memref<819208xf32, #tpu.memory_space<vmem_shared>>
    tpu.wait_indirect_dma semaphore(%arg13 : memref<!tpu.dma_semaphore, #tpu.memory_space<semaphore_mem>>) src(%dma_wait3A_1213 : memref<128xf32, #tpu.memory_space<vmem>>) dst(%dma_wait3A_1218 : memref<819208xf32, #tpu.memory_space<vmem_shared>>)
    %dma_wait3A_1219 = arith.constant 25 : i32
    %dma_wait3A_1220 = arith.constant 0 : i32
    %dma_wait3A_1221 = tpu.memref_slice %arg7[%dma_wait3A_1219, %dma_wait3A_1220] : memref<40x128xi32, #tpu.memory_space<vmem>> -> memref<1x128xi32, #tpu.memory_space<vmem>>
    %dma_wait3A_1222 = tpu.memref_squeeze %dma_wait3A_1221 : memref<1x128xi32, #tpu.memory_space<vmem>> -> memref<128xi32, #tpu.memory_space<vmem>>
    %dma_wait3A_1223 = arith.constant 0 : i32
    %dma_wait3A_1224 = tpu.memref_slice %arg12[%dma_wait3A_1223] : memref<819208xf32, #tpu.memory_space<vmem_shared>> -> memref<819208xf32, #tpu.memory_space<vmem_shared>>
    tpu.wait_indirect_dma semaphore(%arg13 : memref<!tpu.dma_semaphore, #tpu.memory_space<semaphore_mem>>) src(%arg9 : memref<128xf32, #tpu.memory_space<vmem>>) dst(%dma_wait3A_1224 : memref<819208xf32, #tpu.memory_space<vmem_shared>>)
    %dma_wait3A_1225 = arith.constant 26 : i32
    %dma_wait3A_1226 = arith.constant 26 : i32
    %dma_wait3A_1227 = arith.constant 0 : i32
    %dma_wait3A_1228 = tpu.memref_slice %arg8[%dma_wait3A_1225, %dma_wait3A_1227] : memref<40x128xf32, #tpu.memory_space<vmem>> -> memref<1x128xf32, #tpu.memory_space<vmem>>
    %dma_wait3A_1229 = tpu.memref_squeeze %dma_wait3A_1228 : memref<1x128xf32, #tpu.memory_space<vmem>> -> memref<128xf32, #tpu.memory_space<vmem>>
    %dma_wait3A_1230 = arith.constant 0 : i32
    %dma_wait3A_1231 = tpu.memref_slice %arg7[%dma_wait3A_1226, %dma_wait3A_1230] : memref<40x128xi32, #tpu.memory_space<vmem>> -> memref<1x128xi32, #tpu.memory_space<vmem>>
    %dma_wait3A_1232 = tpu.memref_squeeze %dma_wait3A_1231 : memref<1x128xi32, #tpu.memory_space<vmem>> -> memref<128xi32, #tpu.memory_space<vmem>>
    %dma_wait3A_1233 = arith.constant 0 : i32
    %dma_wait3A_1234 = tpu.memref_slice %arg11[%dma_wait3A_1233] : memref<819208xf32, #tpu.memory_space<vmem_shared>> -> memref<819208xf32, #tpu.memory_space<vmem_shared>>
    tpu.wait_indirect_dma semaphore(%arg13 : memref<!tpu.dma_semaphore, #tpu.memory_space<semaphore_mem>>) src(%dma_wait3A_1229 : memref<128xf32, #tpu.memory_space<vmem>>) dst(%dma_wait3A_1234 : memref<819208xf32, #tpu.memory_space<vmem_shared>>)
    %dma_wait3A_1235 = arith.constant 26 : i32
    %dma_wait3A_1236 = arith.constant 0 : i32
    %dma_wait3A_1237 = tpu.memref_slice %arg7[%dma_wait3A_1235, %dma_wait3A_1236] : memref<40x128xi32, #tpu.memory_space<vmem>> -> memref<1x128xi32, #tpu.memory_space<vmem>>
    %dma_wait3A_1238 = tpu.memref_squeeze %dma_wait3A_1237 : memref<1x128xi32, #tpu.memory_space<vmem>> -> memref<128xi32, #tpu.memory_space<vmem>>
    %dma_wait3A_1239 = arith.constant 0 : i32
    %dma_wait3A_1240 = tpu.memref_slice %arg12[%dma_wait3A_1239] : memref<819208xf32, #tpu.memory_space<vmem_shared>> -> memref<819208xf32, #tpu.memory_space<vmem_shared>>
    tpu.wait_indirect_dma semaphore(%arg13 : memref<!tpu.dma_semaphore, #tpu.memory_space<semaphore_mem>>) src(%arg9 : memref<128xf32, #tpu.memory_space<vmem>>) dst(%dma_wait3A_1240 : memref<819208xf32, #tpu.memory_space<vmem_shared>>)
    %dma_wait3A_1241 = arith.constant 27 : i32
    %dma_wait3A_1242 = arith.constant 27 : i32
    %dma_wait3A_1243 = arith.constant 0 : i32
    %dma_wait3A_1244 = tpu.memref_slice %arg8[%dma_wait3A_1241, %dma_wait3A_1243] : memref<40x128xf32, #tpu.memory_space<vmem>> -> memref<1x128xf32, #tpu.memory_space<vmem>>
    %dma_wait3A_1245 = tpu.memref_squeeze %dma_wait3A_1244 : memref<1x128xf32, #tpu.memory_space<vmem>> -> memref<128xf32, #tpu.memory_space<vmem>>
    %dma_wait3A_1246 = arith.constant 0 : i32
    %dma_wait3A_1247 = tpu.memref_slice %arg7[%dma_wait3A_1242, %dma_wait3A_1246] : memref<40x128xi32, #tpu.memory_space<vmem>> -> memref<1x128xi32, #tpu.memory_space<vmem>>
    %dma_wait3A_1248 = tpu.memref_squeeze %dma_wait3A_1247 : memref<1x128xi32, #tpu.memory_space<vmem>> -> memref<128xi32, #tpu.memory_space<vmem>>
    %dma_wait3A_1249 = arith.constant 0 : i32
    %dma_wait3A_1250 = tpu.memref_slice %arg11[%dma_wait3A_1249] : memref<819208xf32, #tpu.memory_space<vmem_shared>> -> memref<819208xf32, #tpu.memory_space<vmem_shared>>
    tpu.wait_indirect_dma semaphore(%arg13 : memref<!tpu.dma_semaphore, #tpu.memory_space<semaphore_mem>>) src(%dma_wait3A_1245 : memref<128xf32, #tpu.memory_space<vmem>>) dst(%dma_wait3A_1250 : memref<819208xf32, #tpu.memory_space<vmem_shared>>)
    %dma_wait3A_1251 = arith.constant 27 : i32
    %dma_wait3A_1252 = arith.constant 0 : i32
    %dma_wait3A_1253 = tpu.memref_slice %arg7[%dma_wait3A_1251, %dma_wait3A_1252] : memref<40x128xi32, #tpu.memory_space<vmem>> -> memref<1x128xi32, #tpu.memory_space<vmem>>
    %dma_wait3A_1254 = tpu.memref_squeeze %dma_wait3A_1253 : memref<1x128xi32, #tpu.memory_space<vmem>> -> memref<128xi32, #tpu.memory_space<vmem>>
    %dma_wait3A_1255 = arith.constant 0 : i32
    %dma_wait3A_1256 = tpu.memref_slice %arg12[%dma_wait3A_1255] : memref<819208xf32, #tpu.memory_space<vmem_shared>> -> memref<819208xf32, #tpu.memory_space<vmem_shared>>
    tpu.wait_indirect_dma semaphore(%arg13 : memref<!tpu.dma_semaphore, #tpu.memory_space<semaphore_mem>>) src(%arg9 : memref<128xf32, #tpu.memory_space<vmem>>) dst(%dma_wait3A_1256 : memref<819208xf32, #tpu.memory_space<vmem_shared>>)
    %dma_wait3A_1257 = arith.constant 28 : i32
    %dma_wait3A_1258 = arith.constant 28 : i32
    %dma_wait3A_1259 = arith.constant 0 : i32
    %dma_wait3A_1260 = tpu.memref_slice %arg8[%dma_wait3A_1257, %dma_wait3A_1259] : memref<40x128xf32, #tpu.memory_space<vmem>> -> memref<1x128xf32, #tpu.memory_space<vmem>>
    %dma_wait3A_1261 = tpu.memref_squeeze %dma_wait3A_1260 : memref<1x128xf32, #tpu.memory_space<vmem>> -> memref<128xf32, #tpu.memory_space<vmem>>
    %dma_wait3A_1262 = arith.constant 0 : i32
    %dma_wait3A_1263 = tpu.memref_slice %arg7[%dma_wait3A_1258, %dma_wait3A_1262] : memref<40x128xi32, #tpu.memory_space<vmem>> -> memref<1x128xi32, #tpu.memory_space<vmem>>
    %dma_wait3A_1264 = tpu.memref_squeeze %dma_wait3A_1263 : memref<1x128xi32, #tpu.memory_space<vmem>> -> memref<128xi32, #tpu.memory_space<vmem>>
    %dma_wait3A_1265 = arith.constant 0 : i32
    %dma_wait3A_1266 = tpu.memref_slice %arg11[%dma_wait3A_1265] : memref<819208xf32, #tpu.memory_space<vmem_shared>> -> memref<819208xf32, #tpu.memory_space<vmem_shared>>
    tpu.wait_indirect_dma semaphore(%arg13 : memref<!tpu.dma_semaphore, #tpu.memory_space<semaphore_mem>>) src(%dma_wait3A_1261 : memref<128xf32, #tpu.memory_space<vmem>>) dst(%dma_wait3A_1266 : memref<819208xf32, #tpu.memory_space<vmem_shared>>)
    %dma_wait3A_1267 = arith.constant 28 : i32
    %dma_wait3A_1268 = arith.constant 0 : i32
    %dma_wait3A_1269 = tpu.memref_slice %arg7[%dma_wait3A_1267, %dma_wait3A_1268] : memref<40x128xi32, #tpu.memory_space<vmem>> -> memref<1x128xi32, #tpu.memory_space<vmem>>
    %dma_wait3A_1270 = tpu.memref_squeeze %dma_wait3A_1269 : memref<1x128xi32, #tpu.memory_space<vmem>> -> memref<128xi32, #tpu.memory_space<vmem>>
    %dma_wait3A_1271 = arith.constant 0 : i32
    %dma_wait3A_1272 = tpu.memref_slice %arg12[%dma_wait3A_1271] : memref<819208xf32, #tpu.memory_space<vmem_shared>> -> memref<819208xf32, #tpu.memory_space<vmem_shared>>
    tpu.wait_indirect_dma semaphore(%arg13 : memref<!tpu.dma_semaphore, #tpu.memory_space<semaphore_mem>>) src(%arg9 : memref<128xf32, #tpu.memory_space<vmem>>) dst(%dma_wait3A_1272 : memref<819208xf32, #tpu.memory_space<vmem_shared>>)
    %dma_wait3A_1273 = arith.constant 29 : i32
    %dma_wait3A_1274 = arith.constant 29 : i32
    %dma_wait3A_1275 = arith.constant 0 : i32
    %dma_wait3A_1276 = tpu.memref_slice %arg8[%dma_wait3A_1273, %dma_wait3A_1275] : memref<40x128xf32, #tpu.memory_space<vmem>> -> memref<1x128xf32, #tpu.memory_space<vmem>>
    %dma_wait3A_1277 = tpu.memref_squeeze %dma_wait3A_1276 : memref<1x128xf32, #tpu.memory_space<vmem>> -> memref<128xf32, #tpu.memory_space<vmem>>
    %dma_wait3A_1278 = arith.constant 0 : i32
    %dma_wait3A_1279 = tpu.memref_slice %arg7[%dma_wait3A_1274, %dma_wait3A_1278] : memref<40x128xi32, #tpu.memory_space<vmem>> -> memref<1x128xi32, #tpu.memory_space<vmem>>
    %dma_wait3A_1280 = tpu.memref_squeeze %dma_wait3A_1279 : memref<1x128xi32, #tpu.memory_space<vmem>> -> memref<128xi32, #tpu.memory_space<vmem>>
    %dma_wait3A_1281 = arith.constant 0 : i32
    %dma_wait3A_1282 = tpu.memref_slice %arg11[%dma_wait3A_1281] : memref<819208xf32, #tpu.memory_space<vmem_shared>> -> memref<819208xf32, #tpu.memory_space<vmem_shared>>
    tpu.wait_indirect_dma semaphore(%arg13 : memref<!tpu.dma_semaphore, #tpu.memory_space<semaphore_mem>>) src(%dma_wait3A_1277 : memref<128xf32, #tpu.memory_space<vmem>>) dst(%dma_wait3A_1282 : memref<819208xf32, #tpu.memory_space<vmem_shared>>)
    %dma_wait3A_1283 = arith.constant 29 : i32
    %dma_wait3A_1284 = arith.constant 0 : i32
    %dma_wait3A_1285 = tpu.memref_slice %arg7[%dma_wait3A_1283, %dma_wait3A_1284] : memref<40x128xi32, #tpu.memory_space<vmem>> -> memref<1x128xi32, #tpu.memory_space<vmem>>
    %dma_wait3A_1286 = tpu.memref_squeeze %dma_wait3A_1285 : memref<1x128xi32, #tpu.memory_space<vmem>> -> memref<128xi32, #tpu.memory_space<vmem>>
    %dma_wait3A_1287 = arith.constant 0 : i32
    %dma_wait3A_1288 = tpu.memref_slice %arg12[%dma_wait3A_1287] : memref<819208xf32, #tpu.memory_space<vmem_shared>> -> memref<819208xf32, #tpu.memory_space<vmem_shared>>
    tpu.wait_indirect_dma semaphore(%arg13 : memref<!tpu.dma_semaphore, #tpu.memory_space<semaphore_mem>>) src(%arg9 : memref<128xf32, #tpu.memory_space<vmem>>) dst(%dma_wait3A_1288 : memref<819208xf32, #tpu.memory_space<vmem_shared>>)
    %dma_wait3A_1289 = arith.constant 30 : i32
    %dma_wait3A_1290 = arith.constant 30 : i32
    %dma_wait3A_1291 = arith.constant 0 : i32
    %dma_wait3A_1292 = tpu.memref_slice %arg8[%dma_wait3A_1289, %dma_wait3A_1291] : memref<40x128xf32, #tpu.memory_space<vmem>> -> memref<1x128xf32, #tpu.memory_space<vmem>>
    %dma_wait3A_1293 = tpu.memref_squeeze %dma_wait3A_1292 : memref<1x128xf32, #tpu.memory_space<vmem>> -> memref<128xf32, #tpu.memory_space<vmem>>
    %dma_wait3A_1294 = arith.constant 0 : i32
    %dma_wait3A_1295 = tpu.memref_slice %arg7[%dma_wait3A_1290, %dma_wait3A_1294] : memref<40x128xi32, #tpu.memory_space<vmem>> -> memref<1x128xi32, #tpu.memory_space<vmem>>
    %dma_wait3A_1296 = tpu.memref_squeeze %dma_wait3A_1295 : memref<1x128xi32, #tpu.memory_space<vmem>> -> memref<128xi32, #tpu.memory_space<vmem>>
    %dma_wait3A_1297 = arith.constant 0 : i32
    %dma_wait3A_1298 = tpu.memref_slice %arg11[%dma_wait3A_1297] : memref<819208xf32, #tpu.memory_space<vmem_shared>> -> memref<819208xf32, #tpu.memory_space<vmem_shared>>
    tpu.wait_indirect_dma semaphore(%arg13 : memref<!tpu.dma_semaphore, #tpu.memory_space<semaphore_mem>>) src(%dma_wait3A_1293 : memref<128xf32, #tpu.memory_space<vmem>>) dst(%dma_wait3A_1298 : memref<819208xf32, #tpu.memory_space<vmem_shared>>)
    %dma_wait3A_1299 = arith.constant 30 : i32
    %dma_wait3A_1300 = arith.constant 0 : i32
    %dma_wait3A_1301 = tpu.memref_slice %arg7[%dma_wait3A_1299, %dma_wait3A_1300] : memref<40x128xi32, #tpu.memory_space<vmem>> -> memref<1x128xi32, #tpu.memory_space<vmem>>
    %dma_wait3A_1302 = tpu.memref_squeeze %dma_wait3A_1301 : memref<1x128xi32, #tpu.memory_space<vmem>> -> memref<128xi32, #tpu.memory_space<vmem>>
    %dma_wait3A_1303 = arith.constant 0 : i32
    %dma_wait3A_1304 = tpu.memref_slice %arg12[%dma_wait3A_1303] : memref<819208xf32, #tpu.memory_space<vmem_shared>> -> memref<819208xf32, #tpu.memory_space<vmem_shared>>
    tpu.wait_indirect_dma semaphore(%arg13 : memref<!tpu.dma_semaphore, #tpu.memory_space<semaphore_mem>>) src(%arg9 : memref<128xf32, #tpu.memory_space<vmem>>) dst(%dma_wait3A_1304 : memref<819208xf32, #tpu.memory_space<vmem_shared>>)
    %dma_wait3A_1305 = arith.constant 31 : i32
    %dma_wait3A_1306 = arith.constant 31 : i32
    %dma_wait3A_1307 = arith.constant 0 : i32
    %dma_wait3A_1308 = tpu.memref_slice %arg8[%dma_wait3A_1305, %dma_wait3A_1307] : memref<40x128xf32, #tpu.memory_space<vmem>> -> memref<1x128xf32, #tpu.memory_space<vmem>>
    %dma_wait3A_1309 = tpu.memref_squeeze %dma_wait3A_1308 : memref<1x128xf32, #tpu.memory_space<vmem>> -> memref<128xf32, #tpu.memory_space<vmem>>
    %dma_wait3A_1310 = arith.constant 0 : i32
    %dma_wait3A_1311 = tpu.memref_slice %arg7[%dma_wait3A_1306, %dma_wait3A_1310] : memref<40x128xi32, #tpu.memory_space<vmem>> -> memref<1x128xi32, #tpu.memory_space<vmem>>
    %dma_wait3A_1312 = tpu.memref_squeeze %dma_wait3A_1311 : memref<1x128xi32, #tpu.memory_space<vmem>> -> memref<128xi32, #tpu.memory_space<vmem>>
    %dma_wait3A_1313 = arith.constant 0 : i32
    %dma_wait3A_1314 = tpu.memref_slice %arg11[%dma_wait3A_1313] : memref<819208xf32, #tpu.memory_space<vmem_shared>> -> memref<819208xf32, #tpu.memory_space<vmem_shared>>
    tpu.wait_indirect_dma semaphore(%arg13 : memref<!tpu.dma_semaphore, #tpu.memory_space<semaphore_mem>>) src(%dma_wait3A_1309 : memref<128xf32, #tpu.memory_space<vmem>>) dst(%dma_wait3A_1314 : memref<819208xf32, #tpu.memory_space<vmem_shared>>)
    %dma_wait3A_1315 = arith.constant 31 : i32
    %dma_wait3A_1316 = arith.constant 0 : i32
    %dma_wait3A_1317 = tpu.memref_slice %arg7[%dma_wait3A_1315, %dma_wait3A_1316] : memref<40x128xi32, #tpu.memory_space<vmem>> -> memref<1x128xi32, #tpu.memory_space<vmem>>
    %dma_wait3A_1318 = tpu.memref_squeeze %dma_wait3A_1317 : memref<1x128xi32, #tpu.memory_space<vmem>> -> memref<128xi32, #tpu.memory_space<vmem>>
    %dma_wait3A_1319 = arith.constant 0 : i32
    %dma_wait3A_1320 = tpu.memref_slice %arg12[%dma_wait3A_1319] : memref<819208xf32, #tpu.memory_space<vmem_shared>> -> memref<819208xf32, #tpu.memory_space<vmem_shared>>
    tpu.wait_indirect_dma semaphore(%arg13 : memref<!tpu.dma_semaphore, #tpu.memory_space<semaphore_mem>>) src(%arg9 : memref<128xf32, #tpu.memory_space<vmem>>) dst(%dma_wait3A_1320 : memref<819208xf32, #tpu.memory_space<vmem_shared>>)
    %dma_wait3A_1321 = arith.constant 32 : i32
    %dma_wait3A_1322 = arith.constant 32 : i32
    %dma_wait3A_1323 = arith.constant 0 : i32
    %dma_wait3A_1324 = tpu.memref_slice %arg8[%dma_wait3A_1321, %dma_wait3A_1323] : memref<40x128xf32, #tpu.memory_space<vmem>> -> memref<1x128xf32, #tpu.memory_space<vmem>>
    %dma_wait3A_1325 = tpu.memref_squeeze %dma_wait3A_1324 : memref<1x128xf32, #tpu.memory_space<vmem>> -> memref<128xf32, #tpu.memory_space<vmem>>
    %dma_wait3A_1326 = arith.constant 0 : i32
    %dma_wait3A_1327 = tpu.memref_slice %arg7[%dma_wait3A_1322, %dma_wait3A_1326] : memref<40x128xi32, #tpu.memory_space<vmem>> -> memref<1x128xi32, #tpu.memory_space<vmem>>
    %dma_wait3A_1328 = tpu.memref_squeeze %dma_wait3A_1327 : memref<1x128xi32, #tpu.memory_space<vmem>> -> memref<128xi32, #tpu.memory_space<vmem>>
    %dma_wait3A_1329 = arith.constant 0 : i32
    %dma_wait3A_1330 = tpu.memref_slice %arg11[%dma_wait3A_1329] : memref<819208xf32, #tpu.memory_space<vmem_shared>> -> memref<819208xf32, #tpu.memory_space<vmem_shared>>
    tpu.wait_indirect_dma semaphore(%arg13 : memref<!tpu.dma_semaphore, #tpu.memory_space<semaphore_mem>>) src(%dma_wait3A_1325 : memref<128xf32, #tpu.memory_space<vmem>>) dst(%dma_wait3A_1330 : memref<819208xf32, #tpu.memory_space<vmem_shared>>)
    %dma_wait3A_1331 = arith.constant 32 : i32
    %dma_wait3A_1332 = arith.constant 0 : i32
    %dma_wait3A_1333 = tpu.memref_slice %arg7[%dma_wait3A_1331, %dma_wait3A_1332] : memref<40x128xi32, #tpu.memory_space<vmem>> -> memref<1x128xi32, #tpu.memory_space<vmem>>
    %dma_wait3A_1334 = tpu.memref_squeeze %dma_wait3A_1333 : memref<1x128xi32, #tpu.memory_space<vmem>> -> memref<128xi32, #tpu.memory_space<vmem>>
    %dma_wait3A_1335 = arith.constant 0 : i32
    %dma_wait3A_1336 = tpu.memref_slice %arg12[%dma_wait3A_1335] : memref<819208xf32, #tpu.memory_space<vmem_shared>> -> memref<819208xf32, #tpu.memory_space<vmem_shared>>
    tpu.wait_indirect_dma semaphore(%arg13 : memref<!tpu.dma_semaphore, #tpu.memory_space<semaphore_mem>>) src(%arg9 : memref<128xf32, #tpu.memory_space<vmem>>) dst(%dma_wait3A_1336 : memref<819208xf32, #tpu.memory_space<vmem_shared>>)
    %dma_wait3A_1337 = arith.constant 33 : i32
    %dma_wait3A_1338 = arith.constant 33 : i32
    %dma_wait3A_1339 = arith.constant 0 : i32
    %dma_wait3A_1340 = tpu.memref_slice %arg8[%dma_wait3A_1337, %dma_wait3A_1339] : memref<40x128xf32, #tpu.memory_space<vmem>> -> memref<1x128xf32, #tpu.memory_space<vmem>>
    %dma_wait3A_1341 = tpu.memref_squeeze %dma_wait3A_1340 : memref<1x128xf32, #tpu.memory_space<vmem>> -> memref<128xf32, #tpu.memory_space<vmem>>
    %dma_wait3A_1342 = arith.constant 0 : i32
    %dma_wait3A_1343 = tpu.memref_slice %arg7[%dma_wait3A_1338, %dma_wait3A_1342] : memref<40x128xi32, #tpu.memory_space<vmem>> -> memref<1x128xi32, #tpu.memory_space<vmem>>
    %dma_wait3A_1344 = tpu.memref_squeeze %dma_wait3A_1343 : memref<1x128xi32, #tpu.memory_space<vmem>> -> memref<128xi32, #tpu.memory_space<vmem>>
    %dma_wait3A_1345 = arith.constant 0 : i32
    %dma_wait3A_1346 = tpu.memref_slice %arg11[%dma_wait3A_1345] : memref<819208xf32, #tpu.memory_space<vmem_shared>> -> memref<819208xf32, #tpu.memory_space<vmem_shared>>
    tpu.wait_indirect_dma semaphore(%arg13 : memref<!tpu.dma_semaphore, #tpu.memory_space<semaphore_mem>>) src(%dma_wait3A_1341 : memref<128xf32, #tpu.memory_space<vmem>>) dst(%dma_wait3A_1346 : memref<819208xf32, #tpu.memory_space<vmem_shared>>)
    %dma_wait3A_1347 = arith.constant 33 : i32
    %dma_wait3A_1348 = arith.constant 0 : i32
    %dma_wait3A_1349 = tpu.memref_slice %arg7[%dma_wait3A_1347, %dma_wait3A_1348] : memref<40x128xi32, #tpu.memory_space<vmem>> -> memref<1x128xi32, #tpu.memory_space<vmem>>
    %dma_wait3A_1350 = tpu.memref_squeeze %dma_wait3A_1349 : memref<1x128xi32, #tpu.memory_space<vmem>> -> memref<128xi32, #tpu.memory_space<vmem>>
    %dma_wait3A_1351 = arith.constant 0 : i32
    %dma_wait3A_1352 = tpu.memref_slice %arg12[%dma_wait3A_1351] : memref<819208xf32, #tpu.memory_space<vmem_shared>> -> memref<819208xf32, #tpu.memory_space<vmem_shared>>
    tpu.wait_indirect_dma semaphore(%arg13 : memref<!tpu.dma_semaphore, #tpu.memory_space<semaphore_mem>>) src(%arg9 : memref<128xf32, #tpu.memory_space<vmem>>) dst(%dma_wait3A_1352 : memref<819208xf32, #tpu.memory_space<vmem_shared>>)
    %dma_wait3A_1353 = arith.constant 34 : i32
    %dma_wait3A_1354 = arith.constant 34 : i32
    %dma_wait3A_1355 = arith.constant 0 : i32
    %dma_wait3A_1356 = tpu.memref_slice %arg8[%dma_wait3A_1353, %dma_wait3A_1355] : memref<40x128xf32, #tpu.memory_space<vmem>> -> memref<1x128xf32, #tpu.memory_space<vmem>>
    %dma_wait3A_1357 = tpu.memref_squeeze %dma_wait3A_1356 : memref<1x128xf32, #tpu.memory_space<vmem>> -> memref<128xf32, #tpu.memory_space<vmem>>
    %dma_wait3A_1358 = arith.constant 0 : i32
    %dma_wait3A_1359 = tpu.memref_slice %arg7[%dma_wait3A_1354, %dma_wait3A_1358] : memref<40x128xi32, #tpu.memory_space<vmem>> -> memref<1x128xi32, #tpu.memory_space<vmem>>
    %dma_wait3A_1360 = tpu.memref_squeeze %dma_wait3A_1359 : memref<1x128xi32, #tpu.memory_space<vmem>> -> memref<128xi32, #tpu.memory_space<vmem>>
    %dma_wait3A_1361 = arith.constant 0 : i32
    %dma_wait3A_1362 = tpu.memref_slice %arg11[%dma_wait3A_1361] : memref<819208xf32, #tpu.memory_space<vmem_shared>> -> memref<819208xf32, #tpu.memory_space<vmem_shared>>
    tpu.wait_indirect_dma semaphore(%arg13 : memref<!tpu.dma_semaphore, #tpu.memory_space<semaphore_mem>>) src(%dma_wait3A_1357 : memref<128xf32, #tpu.memory_space<vmem>>) dst(%dma_wait3A_1362 : memref<819208xf32, #tpu.memory_space<vmem_shared>>)
    %dma_wait3A_1363 = arith.constant 34 : i32
    %dma_wait3A_1364 = arith.constant 0 : i32
    %dma_wait3A_1365 = tpu.memref_slice %arg7[%dma_wait3A_1363, %dma_wait3A_1364] : memref<40x128xi32, #tpu.memory_space<vmem>> -> memref<1x128xi32, #tpu.memory_space<vmem>>
    %dma_wait3A_1366 = tpu.memref_squeeze %dma_wait3A_1365 : memref<1x128xi32, #tpu.memory_space<vmem>> -> memref<128xi32, #tpu.memory_space<vmem>>
    %dma_wait3A_1367 = arith.constant 0 : i32
    %dma_wait3A_1368 = tpu.memref_slice %arg12[%dma_wait3A_1367] : memref<819208xf32, #tpu.memory_space<vmem_shared>> -> memref<819208xf32, #tpu.memory_space<vmem_shared>>
    tpu.wait_indirect_dma semaphore(%arg13 : memref<!tpu.dma_semaphore, #tpu.memory_space<semaphore_mem>>) src(%arg9 : memref<128xf32, #tpu.memory_space<vmem>>) dst(%dma_wait3A_1368 : memref<819208xf32, #tpu.memory_space<vmem_shared>>)
    %dma_wait3A_1369 = arith.constant 35 : i32
    %dma_wait3A_1370 = arith.constant 35 : i32
    %dma_wait3A_1371 = arith.constant 0 : i32
    %dma_wait3A_1372 = tpu.memref_slice %arg8[%dma_wait3A_1369, %dma_wait3A_1371] : memref<40x128xf32, #tpu.memory_space<vmem>> -> memref<1x128xf32, #tpu.memory_space<vmem>>
    %dma_wait3A_1373 = tpu.memref_squeeze %dma_wait3A_1372 : memref<1x128xf32, #tpu.memory_space<vmem>> -> memref<128xf32, #tpu.memory_space<vmem>>
    %dma_wait3A_1374 = arith.constant 0 : i32
    %dma_wait3A_1375 = tpu.memref_slice %arg7[%dma_wait3A_1370, %dma_wait3A_1374] : memref<40x128xi32, #tpu.memory_space<vmem>> -> memref<1x128xi32, #tpu.memory_space<vmem>>
    %dma_wait3A_1376 = tpu.memref_squeeze %dma_wait3A_1375 : memref<1x128xi32, #tpu.memory_space<vmem>> -> memref<128xi32, #tpu.memory_space<vmem>>
    %dma_wait3A_1377 = arith.constant 0 : i32
    %dma_wait3A_1378 = tpu.memref_slice %arg11[%dma_wait3A_1377] : memref<819208xf32, #tpu.memory_space<vmem_shared>> -> memref<819208xf32, #tpu.memory_space<vmem_shared>>
    tpu.wait_indirect_dma semaphore(%arg13 : memref<!tpu.dma_semaphore, #tpu.memory_space<semaphore_mem>>) src(%dma_wait3A_1373 : memref<128xf32, #tpu.memory_space<vmem>>) dst(%dma_wait3A_1378 : memref<819208xf32, #tpu.memory_space<vmem_shared>>)
    %dma_wait3A_1379 = arith.constant 35 : i32
    %dma_wait3A_1380 = arith.constant 0 : i32
    %dma_wait3A_1381 = tpu.memref_slice %arg7[%dma_wait3A_1379, %dma_wait3A_1380] : memref<40x128xi32, #tpu.memory_space<vmem>> -> memref<1x128xi32, #tpu.memory_space<vmem>>
    %dma_wait3A_1382 = tpu.memref_squeeze %dma_wait3A_1381 : memref<1x128xi32, #tpu.memory_space<vmem>> -> memref<128xi32, #tpu.memory_space<vmem>>
    %dma_wait3A_1383 = arith.constant 0 : i32
    %dma_wait3A_1384 = tpu.memref_slice %arg12[%dma_wait3A_1383] : memref<819208xf32, #tpu.memory_space<vmem_shared>> -> memref<819208xf32, #tpu.memory_space<vmem_shared>>
    tpu.wait_indirect_dma semaphore(%arg13 : memref<!tpu.dma_semaphore, #tpu.memory_space<semaphore_mem>>) src(%arg9 : memref<128xf32, #tpu.memory_space<vmem>>) dst(%dma_wait3A_1384 : memref<819208xf32, #tpu.memory_space<vmem_shared>>)
    %dma_wait3A_1385 = arith.constant 36 : i32
    %dma_wait3A_1386 = arith.constant 36 : i32
    %dma_wait3A_1387 = arith.constant 0 : i32
    %dma_wait3A_1388 = tpu.memref_slice %arg8[%dma_wait3A_1385, %dma_wait3A_1387] : memref<40x128xf32, #tpu.memory_space<vmem>> -> memref<1x128xf32, #tpu.memory_space<vmem>>
    %dma_wait3A_1389 = tpu.memref_squeeze %dma_wait3A_1388 : memref<1x128xf32, #tpu.memory_space<vmem>> -> memref<128xf32, #tpu.memory_space<vmem>>
    %dma_wait3A_1390 = arith.constant 0 : i32
    %dma_wait3A_1391 = tpu.memref_slice %arg7[%dma_wait3A_1386, %dma_wait3A_1390] : memref<40x128xi32, #tpu.memory_space<vmem>> -> memref<1x128xi32, #tpu.memory_space<vmem>>
    %dma_wait3A_1392 = tpu.memref_squeeze %dma_wait3A_1391 : memref<1x128xi32, #tpu.memory_space<vmem>> -> memref<128xi32, #tpu.memory_space<vmem>>
    %dma_wait3A_1393 = arith.constant 0 : i32
    %dma_wait3A_1394 = tpu.memref_slice %arg11[%dma_wait3A_1393] : memref<819208xf32, #tpu.memory_space<vmem_shared>> -> memref<819208xf32, #tpu.memory_space<vmem_shared>>
    tpu.wait_indirect_dma semaphore(%arg13 : memref<!tpu.dma_semaphore, #tpu.memory_space<semaphore_mem>>) src(%dma_wait3A_1389 : memref<128xf32, #tpu.memory_space<vmem>>) dst(%dma_wait3A_1394 : memref<819208xf32, #tpu.memory_space<vmem_shared>>)
    %dma_wait3A_1395 = arith.constant 36 : i32
    %dma_wait3A_1396 = arith.constant 0 : i32
    %dma_wait3A_1397 = tpu.memref_slice %arg7[%dma_wait3A_1395, %dma_wait3A_1396] : memref<40x128xi32, #tpu.memory_space<vmem>> -> memref<1x128xi32, #tpu.memory_space<vmem>>
    %dma_wait3A_1398 = tpu.memref_squeeze %dma_wait3A_1397 : memref<1x128xi32, #tpu.memory_space<vmem>> -> memref<128xi32, #tpu.memory_space<vmem>>
    %dma_wait3A_1399 = arith.constant 0 : i32
    %dma_wait3A_1400 = tpu.memref_slice %arg12[%dma_wait3A_1399] : memref<819208xf32, #tpu.memory_space<vmem_shared>> -> memref<819208xf32, #tpu.memory_space<vmem_shared>>
    tpu.wait_indirect_dma semaphore(%arg13 : memref<!tpu.dma_semaphore, #tpu.memory_space<semaphore_mem>>) src(%arg9 : memref<128xf32, #tpu.memory_space<vmem>>) dst(%dma_wait3A_1400 : memref<819208xf32, #tpu.memory_space<vmem_shared>>)
    %dma_wait3A_1401 = arith.constant 37 : i32
    %dma_wait3A_1402 = arith.constant 37 : i32
    %dma_wait3A_1403 = arith.constant 0 : i32
    %dma_wait3A_1404 = tpu.memref_slice %arg8[%dma_wait3A_1401, %dma_wait3A_1403] : memref<40x128xf32, #tpu.memory_space<vmem>> -> memref<1x128xf32, #tpu.memory_space<vmem>>
    %dma_wait3A_1405 = tpu.memref_squeeze %dma_wait3A_1404 : memref<1x128xf32, #tpu.memory_space<vmem>> -> memref<128xf32, #tpu.memory_space<vmem>>
    %dma_wait3A_1406 = arith.constant 0 : i32
    %dma_wait3A_1407 = tpu.memref_slice %arg7[%dma_wait3A_1402, %dma_wait3A_1406] : memref<40x128xi32, #tpu.memory_space<vmem>> -> memref<1x128xi32, #tpu.memory_space<vmem>>
    %dma_wait3A_1408 = tpu.memref_squeeze %dma_wait3A_1407 : memref<1x128xi32, #tpu.memory_space<vmem>> -> memref<128xi32, #tpu.memory_space<vmem>>
    %dma_wait3A_1409 = arith.constant 0 : i32
    %dma_wait3A_1410 = tpu.memref_slice %arg11[%dma_wait3A_1409] : memref<819208xf32, #tpu.memory_space<vmem_shared>> -> memref<819208xf32, #tpu.memory_space<vmem_shared>>
    tpu.wait_indirect_dma semaphore(%arg13 : memref<!tpu.dma_semaphore, #tpu.memory_space<semaphore_mem>>) src(%dma_wait3A_1405 : memref<128xf32, #tpu.memory_space<vmem>>) dst(%dma_wait3A_1410 : memref<819208xf32, #tpu.memory_space<vmem_shared>>)
    %dma_wait3A_1411 = arith.constant 37 : i32
    %dma_wait3A_1412 = arith.constant 0 : i32
    %dma_wait3A_1413 = tpu.memref_slice %arg7[%dma_wait3A_1411, %dma_wait3A_1412] : memref<40x128xi32, #tpu.memory_space<vmem>> -> memref<1x128xi32, #tpu.memory_space<vmem>>
    %dma_wait3A_1414 = tpu.memref_squeeze %dma_wait3A_1413 : memref<1x128xi32, #tpu.memory_space<vmem>> -> memref<128xi32, #tpu.memory_space<vmem>>
    %dma_wait3A_1415 = arith.constant 0 : i32
    %dma_wait3A_1416 = tpu.memref_slice %arg12[%dma_wait3A_1415] : memref<819208xf32, #tpu.memory_space<vmem_shared>> -> memref<819208xf32, #tpu.memory_space<vmem_shared>>
    tpu.wait_indirect_dma semaphore(%arg13 : memref<!tpu.dma_semaphore, #tpu.memory_space<semaphore_mem>>) src(%arg9 : memref<128xf32, #tpu.memory_space<vmem>>) dst(%dma_wait3A_1416 : memref<819208xf32, #tpu.memory_space<vmem_shared>>)
    %dma_wait3A_1417 = arith.constant 38 : i32
    %dma_wait3A_1418 = arith.constant 38 : i32
    %dma_wait3A_1419 = arith.constant 0 : i32
    %dma_wait3A_1420 = tpu.memref_slice %arg8[%dma_wait3A_1417, %dma_wait3A_1419] : memref<40x128xf32, #tpu.memory_space<vmem>> -> memref<1x128xf32, #tpu.memory_space<vmem>>
    %dma_wait3A_1421 = tpu.memref_squeeze %dma_wait3A_1420 : memref<1x128xf32, #tpu.memory_space<vmem>> -> memref<128xf32, #tpu.memory_space<vmem>>
    %dma_wait3A_1422 = arith.constant 0 : i32
    %dma_wait3A_1423 = tpu.memref_slice %arg7[%dma_wait3A_1418, %dma_wait3A_1422] : memref<40x128xi32, #tpu.memory_space<vmem>> -> memref<1x128xi32, #tpu.memory_space<vmem>>
    %dma_wait3A_1424 = tpu.memref_squeeze %dma_wait3A_1423 : memref<1x128xi32, #tpu.memory_space<vmem>> -> memref<128xi32, #tpu.memory_space<vmem>>
    %dma_wait3A_1425 = arith.constant 0 : i32
    %dma_wait3A_1426 = tpu.memref_slice %arg11[%dma_wait3A_1425] : memref<819208xf32, #tpu.memory_space<vmem_shared>> -> memref<819208xf32, #tpu.memory_space<vmem_shared>>
    tpu.wait_indirect_dma semaphore(%arg13 : memref<!tpu.dma_semaphore, #tpu.memory_space<semaphore_mem>>) src(%dma_wait3A_1421 : memref<128xf32, #tpu.memory_space<vmem>>) dst(%dma_wait3A_1426 : memref<819208xf32, #tpu.memory_space<vmem_shared>>)
    %dma_wait3A_1427 = arith.constant 38 : i32
    %dma_wait3A_1428 = arith.constant 0 : i32
    %dma_wait3A_1429 = tpu.memref_slice %arg7[%dma_wait3A_1427, %dma_wait3A_1428] : memref<40x128xi32, #tpu.memory_space<vmem>> -> memref<1x128xi32, #tpu.memory_space<vmem>>
    %dma_wait3A_1430 = tpu.memref_squeeze %dma_wait3A_1429 : memref<1x128xi32, #tpu.memory_space<vmem>> -> memref<128xi32, #tpu.memory_space<vmem>>
    %dma_wait3A_1431 = arith.constant 0 : i32
    %dma_wait3A_1432 = tpu.memref_slice %arg12[%dma_wait3A_1431] : memref<819208xf32, #tpu.memory_space<vmem_shared>> -> memref<819208xf32, #tpu.memory_space<vmem_shared>>
    tpu.wait_indirect_dma semaphore(%arg13 : memref<!tpu.dma_semaphore, #tpu.memory_space<semaphore_mem>>) src(%arg9 : memref<128xf32, #tpu.memory_space<vmem>>) dst(%dma_wait3A_1432 : memref<819208xf32, #tpu.memory_space<vmem_shared>>)
    %dma_wait3A_1433 = arith.constant 39 : i32
    %dma_wait3A_1434 = arith.constant 39 : i32
    %dma_wait3A_1435 = arith.constant 0 : i32
    %dma_wait3A_1436 = tpu.memref_slice %arg8[%dma_wait3A_1433, %dma_wait3A_1435] : memref<40x128xf32, #tpu.memory_space<vmem>> -> memref<1x128xf32, #tpu.memory_space<vmem>>
    %dma_wait3A_1437 = tpu.memref_squeeze %dma_wait3A_1436 : memref<1x128xf32, #tpu.memory_space<vmem>> -> memref<128xf32, #tpu.memory_space<vmem>>
    %dma_wait3A_1438 = arith.constant 0 : i32
    %dma_wait3A_1439 = tpu.memref_slice %arg7[%dma_wait3A_1434, %dma_wait3A_1438] : memref<40x128xi32, #tpu.memory_space<vmem>> -> memref<1x128xi32, #tpu.memory_space<vmem>>
    %dma_wait3A_1440 = tpu.memref_squeeze %dma_wait3A_1439 : memref<1x128xi32, #tpu.memory_space<vmem>> -> memref<128xi32, #tpu.memory_space<vmem>>
    %dma_wait3A_1441 = arith.constant 0 : i32
    %dma_wait3A_1442 = tpu.memref_slice %arg11[%dma_wait3A_1441] : memref<819208xf32, #tpu.memory_space<vmem_shared>> -> memref<819208xf32, #tpu.memory_space<vmem_shared>>
    tpu.wait_indirect_dma semaphore(%arg13 : memref<!tpu.dma_semaphore, #tpu.memory_space<semaphore_mem>>) src(%dma_wait3A_1437 : memref<128xf32, #tpu.memory_space<vmem>>) dst(%dma_wait3A_1442 : memref<819208xf32, #tpu.memory_space<vmem_shared>>)
    %dma_wait3A_1443 = arith.constant 39 : i32
    %dma_wait3A_1444 = arith.constant 0 : i32
    %dma_wait3A_1445 = tpu.memref_slice %arg7[%dma_wait3A_1443, %dma_wait3A_1444] : memref<40x128xi32, #tpu.memory_space<vmem>> -> memref<1x128xi32, #tpu.memory_space<vmem>>
    %dma_wait3A_1446 = tpu.memref_squeeze %dma_wait3A_1445 : memref<1x128xi32, #tpu.memory_space<vmem>> -> memref<128xi32, #tpu.memory_space<vmem>>
    %dma_wait3A_1447 = arith.constant 0 : i32
    %dma_wait3A_1448 = tpu.memref_slice %arg12[%dma_wait3A_1447] : memref<819208xf32, #tpu.memory_space<vmem_shared>> -> memref<819208xf32, #tpu.memory_space<vmem_shared>>
    tpu.wait_indirect_dma semaphore(%arg13 : memref<!tpu.dma_semaphore, #tpu.memory_space<semaphore_mem>>) src(%arg9 : memref<128xf32, #tpu.memory_space<vmem>>) dst(%dma_wait3A_1448 : memref<819208xf32, #tpu.memory_space<vmem_shared>>)
    %barrier3A_1449 = arith.constant 0 : index
    tpu.barrier barrier_id(%barrier3A_1449)
    %mul3A_1450 = arith.constant 819200 : i32
    %mul3A_1451 = arith.muli %arg0, %mul3A_1450 : i32
    %add3A_1452 = arith.addi %mul3A_1451, %mul3A_2 : i32
    %add3A_1453 = arith.constant 0 : i32
    %add3A_1454 = arith.addi %mul3A_2, %add3A_1453 : i32
    "tpu.region"() ({
      %run_scoped3A = tpu.sem_alloc : memref<!tpu.dma_semaphore, #tpu.memory_space<semaphore_mem>>
      %dma_start3A_1533 = tpu.memref_slice %arg11[%add3A_1454] : memref<819208xf32, #tpu.memory_space<vmem_shared>> -> memref<5120xf32, #tpu.memory_space<vmem_shared>>
      %dma_start3A_1534 = tpu.memref_slice %arg11[%add3A_1454] : memref<819208xf32, #tpu.memory_space<vmem_shared>> -> memref<5120xf32, #tpu.memory_space<vmem_shared>>
      tpu.enqueue_dma source(%dma_start3A_1534 : memref<5120xf32, #tpu.memory_space<vmem_shared>>) target(%arg10 : memref<5120xf32, #tpu.memory_space<vmem>>) target_semaphore(%run_scoped3A : memref<!tpu.dma_semaphore, #tpu.memory_space<semaphore_mem>>)
      %dma_wait3A_1535 = tpu.memref_slice %arg11[%add3A_1454] : memref<819208xf32, #tpu.memory_space<vmem_shared>> -> memref<5120xf32, #tpu.memory_space<vmem_shared>>
      %dma_wait3A_1536 = tpu.memref_slice %arg11[%add3A_1454] : memref<819208xf32, #tpu.memory_space<vmem_shared>> -> memref<5120xf32, #tpu.memory_space<vmem_shared>>
      tpu.wait_dma2 semaphore(%run_scoped3A : memref<!tpu.dma_semaphore, #tpu.memory_space<semaphore_mem>>) src(%dma_wait3A_1536 : memref<5120xf32, #tpu.memory_space<vmem_shared>>) dst(%arg10 : memref<5120xf32, #tpu.memory_space<vmem>>)
      tpu.yield
    }) : () -> ()
    %add3A_1455 = arith.constant 0 : i32
    %add3A_1456 = arith.addi %add3A_1452, %add3A_1455 : i32
    "tpu.region"() ({
      %run_scoped3A = tpu.sem_alloc : memref<!tpu.dma_semaphore, #tpu.memory_space<semaphore_mem>>
      %dma_start3A_1533 = tpu.memref_slice %arg5[%add3A_1456] : memref<1638400xf32, #tpu.memory_space<hbm>> -> memref<5120xf32, #tpu.memory_space<hbm>>
      %dma_start3A_1534 = tpu.memref_slice %arg5[%add3A_1456] : memref<1638400xf32, #tpu.memory_space<hbm>> -> memref<5120xf32, #tpu.memory_space<hbm>>
      tpu.enqueue_dma source(%arg10 : memref<5120xf32, #tpu.memory_space<vmem>>) target(%dma_start3A_1534 : memref<5120xf32, #tpu.memory_space<hbm>>) target_semaphore(%run_scoped3A : memref<!tpu.dma_semaphore, #tpu.memory_space<semaphore_mem>>)
      %dma_wait3A_1535 = tpu.memref_slice %arg5[%add3A_1456] : memref<1638400xf32, #tpu.memory_space<hbm>> -> memref<5120xf32, #tpu.memory_space<hbm>>
      %dma_wait3A_1536 = tpu.memref_slice %arg5[%add3A_1456] : memref<1638400xf32, #tpu.memory_space<hbm>> -> memref<5120xf32, #tpu.memory_space<hbm>>
      tpu.wait_dma2 semaphore(%run_scoped3A : memref<!tpu.dma_semaphore, #tpu.memory_space<semaphore_mem>>) src(%arg10 : memref<5120xf32, #tpu.memory_space<vmem>>) dst(%dma_wait3A_1536 : memref<5120xf32, #tpu.memory_space<hbm>>)
      tpu.yield
    }) : () -> ()
    %add3A_1457 = arith.constant 0 : i32
    %add3A_1458 = arith.addi %mul3A_2, %add3A_1457 : i32
    "tpu.region"() ({
      %run_scoped3A = tpu.sem_alloc : memref<!tpu.dma_semaphore, #tpu.memory_space<semaphore_mem>>
      %dma_start3A_1533 = tpu.memref_slice %arg12[%add3A_1458] : memref<819208xf32, #tpu.memory_space<vmem_shared>> -> memref<5120xf32, #tpu.memory_space<vmem_shared>>
      %dma_start3A_1534 = tpu.memref_slice %arg12[%add3A_1458] : memref<819208xf32, #tpu.memory_space<vmem_shared>> -> memref<5120xf32, #tpu.memory_space<vmem_shared>>
      tpu.enqueue_dma source(%dma_start3A_1534 : memref<5120xf32, #tpu.memory_space<vmem_shared>>) target(%arg10 : memref<5120xf32, #tpu.memory_space<vmem>>) target_semaphore(%run_scoped3A : memref<!tpu.dma_semaphore, #tpu.memory_space<semaphore_mem>>)
      %dma_wait3A_1535 = tpu.memref_slice %arg12[%add3A_1458] : memref<819208xf32, #tpu.memory_space<vmem_shared>> -> memref<5120xf32, #tpu.memory_space<vmem_shared>>
      %dma_wait3A_1536 = tpu.memref_slice %arg12[%add3A_1458] : memref<819208xf32, #tpu.memory_space<vmem_shared>> -> memref<5120xf32, #tpu.memory_space<vmem_shared>>
      tpu.wait_dma2 semaphore(%run_scoped3A : memref<!tpu.dma_semaphore, #tpu.memory_space<semaphore_mem>>) src(%dma_wait3A_1536 : memref<5120xf32, #tpu.memory_space<vmem_shared>>) dst(%arg10 : memref<5120xf32, #tpu.memory_space<vmem>>)
      tpu.yield
    }) : () -> ()
    %add3A_1459 = arith.constant 0 : i32
    %add3A_1460 = arith.addi %add3A_1452, %add3A_1459 : i32
    "tpu.region"() ({
      %run_scoped3A = tpu.sem_alloc : memref<!tpu.dma_semaphore, #tpu.memory_space<semaphore_mem>>
      %dma_start3A_1533 = tpu.memref_slice %arg6[%add3A_1460] : memref<1638400xf32, #tpu.memory_space<hbm>> -> memref<5120xf32, #tpu.memory_space<hbm>>
      %dma_start3A_1534 = tpu.memref_slice %arg6[%add3A_1460] : memref<1638400xf32, #tpu.memory_space<hbm>> -> memref<5120xf32, #tpu.memory_space<hbm>>
      tpu.enqueue_dma source(%arg10 : memref<5120xf32, #tpu.memory_space<vmem>>) target(%dma_start3A_1534 : memref<5120xf32, #tpu.memory_space<hbm>>) target_semaphore(%run_scoped3A : memref<!tpu.dma_semaphore, #tpu.memory_space<semaphore_mem>>)
      %dma_wait3A_1535 = tpu.memref_slice %arg6[%add3A_1460] : memref<1638400xf32, #tpu.memory_space<hbm>> -> memref<5120xf32, #tpu.memory_space<hbm>>
      %dma_wait3A_1536 = tpu.memref_slice %arg6[%add3A_1460] : memref<1638400xf32, #tpu.memory_space<hbm>> -> memref<5120xf32, #tpu.memory_space<hbm>>
      tpu.wait_dma2 semaphore(%run_scoped3A : memref<!tpu.dma_semaphore, #tpu.memory_space<semaphore_mem>>) src(%arg10 : memref<5120xf32, #tpu.memory_space<vmem>>) dst(%dma_wait3A_1536 : memref<5120xf32, #tpu.memory_space<hbm>>)
      tpu.yield
    }) : () -> ()
    %add3A_1461 = arith.constant 5120 : i32
    %add3A_1462 = arith.addi %mul3A_2, %add3A_1461 : i32
    "tpu.region"() ({
      %run_scoped3A = tpu.sem_alloc : memref<!tpu.dma_semaphore, #tpu.memory_space<semaphore_mem>>
      %dma_start3A_1533 = tpu.memref_slice %arg11[%add3A_1462] : memref<819208xf32, #tpu.memory_space<vmem_shared>> -> memref<5120xf32, #tpu.memory_space<vmem_shared>>
      %dma_start3A_1534 = tpu.memref_slice %arg11[%add3A_1462] : memref<819208xf32, #tpu.memory_space<vmem_shared>> -> memref<5120xf32, #tpu.memory_space<vmem_shared>>
      tpu.enqueue_dma source(%dma_start3A_1534 : memref<5120xf32, #tpu.memory_space<vmem_shared>>) target(%arg10 : memref<5120xf32, #tpu.memory_space<vmem>>) target_semaphore(%run_scoped3A : memref<!tpu.dma_semaphore, #tpu.memory_space<semaphore_mem>>)
      %dma_wait3A_1535 = tpu.memref_slice %arg11[%add3A_1462] : memref<819208xf32, #tpu.memory_space<vmem_shared>> -> memref<5120xf32, #tpu.memory_space<vmem_shared>>
      %dma_wait3A_1536 = tpu.memref_slice %arg11[%add3A_1462] : memref<819208xf32, #tpu.memory_space<vmem_shared>> -> memref<5120xf32, #tpu.memory_space<vmem_shared>>
      tpu.wait_dma2 semaphore(%run_scoped3A : memref<!tpu.dma_semaphore, #tpu.memory_space<semaphore_mem>>) src(%dma_wait3A_1536 : memref<5120xf32, #tpu.memory_space<vmem_shared>>) dst(%arg10 : memref<5120xf32, #tpu.memory_space<vmem>>)
      tpu.yield
    }) : () -> ()
    %add3A_1463 = arith.constant 5120 : i32
    %add3A_1464 = arith.addi %add3A_1452, %add3A_1463 : i32
    "tpu.region"() ({
      %run_scoped3A = tpu.sem_alloc : memref<!tpu.dma_semaphore, #tpu.memory_space<semaphore_mem>>
      %dma_start3A_1533 = tpu.memref_slice %arg5[%add3A_1464] : memref<1638400xf32, #tpu.memory_space<hbm>> -> memref<5120xf32, #tpu.memory_space<hbm>>
      %dma_start3A_1534 = tpu.memref_slice %arg5[%add3A_1464] : memref<1638400xf32, #tpu.memory_space<hbm>> -> memref<5120xf32, #tpu.memory_space<hbm>>
      tpu.enqueue_dma source(%arg10 : memref<5120xf32, #tpu.memory_space<vmem>>) target(%dma_start3A_1534 : memref<5120xf32, #tpu.memory_space<hbm>>) target_semaphore(%run_scoped3A : memref<!tpu.dma_semaphore, #tpu.memory_space<semaphore_mem>>)
      %dma_wait3A_1535 = tpu.memref_slice %arg5[%add3A_1464] : memref<1638400xf32, #tpu.memory_space<hbm>> -> memref<5120xf32, #tpu.memory_space<hbm>>
      %dma_wait3A_1536 = tpu.memref_slice %arg5[%add3A_1464] : memref<1638400xf32, #tpu.memory_space<hbm>> -> memref<5120xf32, #tpu.memory_space<hbm>>
      tpu.wait_dma2 semaphore(%run_scoped3A : memref<!tpu.dma_semaphore, #tpu.memory_space<semaphore_mem>>) src(%arg10 : memref<5120xf32, #tpu.memory_space<vmem>>) dst(%dma_wait3A_1536 : memref<5120xf32, #tpu.memory_space<hbm>>)
      tpu.yield
    }) : () -> ()
    %add3A_1465 = arith.constant 5120 : i32
    %add3A_1466 = arith.addi %mul3A_2, %add3A_1465 : i32
    "tpu.region"() ({
      %run_scoped3A = tpu.sem_alloc : memref<!tpu.dma_semaphore, #tpu.memory_space<semaphore_mem>>
      %dma_start3A_1533 = tpu.memref_slice %arg12[%add3A_1466] : memref<819208xf32, #tpu.memory_space<vmem_shared>> -> memref<5120xf32, #tpu.memory_space<vmem_shared>>
      %dma_start3A_1534 = tpu.memref_slice %arg12[%add3A_1466] : memref<819208xf32, #tpu.memory_space<vmem_shared>> -> memref<5120xf32, #tpu.memory_space<vmem_shared>>
      tpu.enqueue_dma source(%dma_start3A_1534 : memref<5120xf32, #tpu.memory_space<vmem_shared>>) target(%arg10 : memref<5120xf32, #tpu.memory_space<vmem>>) target_semaphore(%run_scoped3A : memref<!tpu.dma_semaphore, #tpu.memory_space<semaphore_mem>>)
      %dma_wait3A_1535 = tpu.memref_slice %arg12[%add3A_1466] : memref<819208xf32, #tpu.memory_space<vmem_shared>> -> memref<5120xf32, #tpu.memory_space<vmem_shared>>
      %dma_wait3A_1536 = tpu.memref_slice %arg12[%add3A_1466] : memref<819208xf32, #tpu.memory_space<vmem_shared>> -> memref<5120xf32, #tpu.memory_space<vmem_shared>>
      tpu.wait_dma2 semaphore(%run_scoped3A : memref<!tpu.dma_semaphore, #tpu.memory_space<semaphore_mem>>) src(%dma_wait3A_1536 : memref<5120xf32, #tpu.memory_space<vmem_shared>>) dst(%arg10 : memref<5120xf32, #tpu.memory_space<vmem>>)
      tpu.yield
    }) : () -> ()
    %add3A_1467 = arith.constant 5120 : i32
    %add3A_1468 = arith.addi %add3A_1452, %add3A_1467 : i32
    "tpu.region"() ({
      %run_scoped3A = tpu.sem_alloc : memref<!tpu.dma_semaphore, #tpu.memory_space<semaphore_mem>>
      %dma_start3A_1533 = tpu.memref_slice %arg6[%add3A_1468] : memref<1638400xf32, #tpu.memory_space<hbm>> -> memref<5120xf32, #tpu.memory_space<hbm>>
      %dma_start3A_1534 = tpu.memref_slice %arg6[%add3A_1468] : memref<1638400xf32, #tpu.memory_space<hbm>> -> memref<5120xf32, #tpu.memory_space<hbm>>
      tpu.enqueue_dma source(%arg10 : memref<5120xf32, #tpu.memory_space<vmem>>) target(%dma_start3A_1534 : memref<5120xf32, #tpu.memory_space<hbm>>) target_semaphore(%run_scoped3A : memref<!tpu.dma_semaphore, #tpu.memory_space<semaphore_mem>>)
      %dma_wait3A_1535 = tpu.memref_slice %arg6[%add3A_1468] : memref<1638400xf32, #tpu.memory_space<hbm>> -> memref<5120xf32, #tpu.memory_space<hbm>>
      %dma_wait3A_1536 = tpu.memref_slice %arg6[%add3A_1468] : memref<1638400xf32, #tpu.memory_space<hbm>> -> memref<5120xf32, #tpu.memory_space<hbm>>
      tpu.wait_dma2 semaphore(%run_scoped3A : memref<!tpu.dma_semaphore, #tpu.memory_space<semaphore_mem>>) src(%arg10 : memref<5120xf32, #tpu.memory_space<vmem>>) dst(%dma_wait3A_1536 : memref<5120xf32, #tpu.memory_space<hbm>>)
      tpu.yield
    }) : () -> ()
    %add3A_1469 = arith.constant 10240 : i32
    %add3A_1470 = arith.addi %mul3A_2, %add3A_1469 : i32
    "tpu.region"() ({
      %run_scoped3A = tpu.sem_alloc : memref<!tpu.dma_semaphore, #tpu.memory_space<semaphore_mem>>
      %dma_start3A_1533 = tpu.memref_slice %arg11[%add3A_1470] : memref<819208xf32, #tpu.memory_space<vmem_shared>> -> memref<5120xf32, #tpu.memory_space<vmem_shared>>
      %dma_start3A_1534 = tpu.memref_slice %arg11[%add3A_1470] : memref<819208xf32, #tpu.memory_space<vmem_shared>> -> memref<5120xf32, #tpu.memory_space<vmem_shared>>
      tpu.enqueue_dma source(%dma_start3A_1534 : memref<5120xf32, #tpu.memory_space<vmem_shared>>) target(%arg10 : memref<5120xf32, #tpu.memory_space<vmem>>) target_semaphore(%run_scoped3A : memref<!tpu.dma_semaphore, #tpu.memory_space<semaphore_mem>>)
      %dma_wait3A_1535 = tpu.memref_slice %arg11[%add3A_1470] : memref<819208xf32, #tpu.memory_space<vmem_shared>> -> memref<5120xf32, #tpu.memory_space<vmem_shared>>
      %dma_wait3A_1536 = tpu.memref_slice %arg11[%add3A_1470] : memref<819208xf32, #tpu.memory_space<vmem_shared>> -> memref<5120xf32, #tpu.memory_space<vmem_shared>>
      tpu.wait_dma2 semaphore(%run_scoped3A : memref<!tpu.dma_semaphore, #tpu.memory_space<semaphore_mem>>) src(%dma_wait3A_1536 : memref<5120xf32, #tpu.memory_space<vmem_shared>>) dst(%arg10 : memref<5120xf32, #tpu.memory_space<vmem>>)
      tpu.yield
    }) : () -> ()
    %add3A_1471 = arith.constant 10240 : i32
    %add3A_1472 = arith.addi %add3A_1452, %add3A_1471 : i32
    "tpu.region"() ({
      %run_scoped3A = tpu.sem_alloc : memref<!tpu.dma_semaphore, #tpu.memory_space<semaphore_mem>>
      %dma_start3A_1533 = tpu.memref_slice %arg5[%add3A_1472] : memref<1638400xf32, #tpu.memory_space<hbm>> -> memref<5120xf32, #tpu.memory_space<hbm>>
      %dma_start3A_1534 = tpu.memref_slice %arg5[%add3A_1472] : memref<1638400xf32, #tpu.memory_space<hbm>> -> memref<5120xf32, #tpu.memory_space<hbm>>
      tpu.enqueue_dma source(%arg10 : memref<5120xf32, #tpu.memory_space<vmem>>) target(%dma_start3A_1534 : memref<5120xf32, #tpu.memory_space<hbm>>) target_semaphore(%run_scoped3A : memref<!tpu.dma_semaphore, #tpu.memory_space<semaphore_mem>>)
      %dma_wait3A_1535 = tpu.memref_slice %arg5[%add3A_1472] : memref<1638400xf32, #tpu.memory_space<hbm>> -> memref<5120xf32, #tpu.memory_space<hbm>>
      %dma_wait3A_1536 = tpu.memref_slice %arg5[%add3A_1472] : memref<1638400xf32, #tpu.memory_space<hbm>> -> memref<5120xf32, #tpu.memory_space<hbm>>
      tpu.wait_dma2 semaphore(%run_scoped3A : memref<!tpu.dma_semaphore, #tpu.memory_space<semaphore_mem>>) src(%arg10 : memref<5120xf32, #tpu.memory_space<vmem>>) dst(%dma_wait3A_1536 : memref<5120xf32, #tpu.memory_space<hbm>>)
      tpu.yield
    }) : () -> ()
    %add3A_1473 = arith.constant 10240 : i32
    %add3A_1474 = arith.addi %mul3A_2, %add3A_1473 : i32
    "tpu.region"() ({
      %run_scoped3A = tpu.sem_alloc : memref<!tpu.dma_semaphore, #tpu.memory_space<semaphore_mem>>
      %dma_start3A_1533 = tpu.memref_slice %arg12[%add3A_1474] : memref<819208xf32, #tpu.memory_space<vmem_shared>> -> memref<5120xf32, #tpu.memory_space<vmem_shared>>
      %dma_start3A_1534 = tpu.memref_slice %arg12[%add3A_1474] : memref<819208xf32, #tpu.memory_space<vmem_shared>> -> memref<5120xf32, #tpu.memory_space<vmem_shared>>
      tpu.enqueue_dma source(%dma_start3A_1534 : memref<5120xf32, #tpu.memory_space<vmem_shared>>) target(%arg10 : memref<5120xf32, #tpu.memory_space<vmem>>) target_semaphore(%run_scoped3A : memref<!tpu.dma_semaphore, #tpu.memory_space<semaphore_mem>>)
      %dma_wait3A_1535 = tpu.memref_slice %arg12[%add3A_1474] : memref<819208xf32, #tpu.memory_space<vmem_shared>> -> memref<5120xf32, #tpu.memory_space<vmem_shared>>
      %dma_wait3A_1536 = tpu.memref_slice %arg12[%add3A_1474] : memref<819208xf32, #tpu.memory_space<vmem_shared>> -> memref<5120xf32, #tpu.memory_space<vmem_shared>>
      tpu.wait_dma2 semaphore(%run_scoped3A : memref<!tpu.dma_semaphore, #tpu.memory_space<semaphore_mem>>) src(%dma_wait3A_1536 : memref<5120xf32, #tpu.memory_space<vmem_shared>>) dst(%arg10 : memref<5120xf32, #tpu.memory_space<vmem>>)
      tpu.yield
    }) : () -> ()
    %add3A_1475 = arith.constant 10240 : i32
    %add3A_1476 = arith.addi %add3A_1452, %add3A_1475 : i32
    "tpu.region"() ({
      %run_scoped3A = tpu.sem_alloc : memref<!tpu.dma_semaphore, #tpu.memory_space<semaphore_mem>>
      %dma_start3A_1533 = tpu.memref_slice %arg6[%add3A_1476] : memref<1638400xf32, #tpu.memory_space<hbm>> -> memref<5120xf32, #tpu.memory_space<hbm>>
      %dma_start3A_1534 = tpu.memref_slice %arg6[%add3A_1476] : memref<1638400xf32, #tpu.memory_space<hbm>> -> memref<5120xf32, #tpu.memory_space<hbm>>
      tpu.enqueue_dma source(%arg10 : memref<5120xf32, #tpu.memory_space<vmem>>) target(%dma_start3A_1534 : memref<5120xf32, #tpu.memory_space<hbm>>) target_semaphore(%run_scoped3A : memref<!tpu.dma_semaphore, #tpu.memory_space<semaphore_mem>>)
      %dma_wait3A_1535 = tpu.memref_slice %arg6[%add3A_1476] : memref<1638400xf32, #tpu.memory_space<hbm>> -> memref<5120xf32, #tpu.memory_space<hbm>>
      %dma_wait3A_1536 = tpu.memref_slice %arg6[%add3A_1476] : memref<1638400xf32, #tpu.memory_space<hbm>> -> memref<5120xf32, #tpu.memory_space<hbm>>
      tpu.wait_dma2 semaphore(%run_scoped3A : memref<!tpu.dma_semaphore, #tpu.memory_space<semaphore_mem>>) src(%arg10 : memref<5120xf32, #tpu.memory_space<vmem>>) dst(%dma_wait3A_1536 : memref<5120xf32, #tpu.memory_space<hbm>>)
      tpu.yield
    }) : () -> ()
    %add3A_1477 = arith.constant 15360 : i32
    %add3A_1478 = arith.addi %mul3A_2, %add3A_1477 : i32
    "tpu.region"() ({
      %run_scoped3A = tpu.sem_alloc : memref<!tpu.dma_semaphore, #tpu.memory_space<semaphore_mem>>
      %dma_start3A_1533 = tpu.memref_slice %arg11[%add3A_1478] : memref<819208xf32, #tpu.memory_space<vmem_shared>> -> memref<5120xf32, #tpu.memory_space<vmem_shared>>
      %dma_start3A_1534 = tpu.memref_slice %arg11[%add3A_1478] : memref<819208xf32, #tpu.memory_space<vmem_shared>> -> memref<5120xf32, #tpu.memory_space<vmem_shared>>
      tpu.enqueue_dma source(%dma_start3A_1534 : memref<5120xf32, #tpu.memory_space<vmem_shared>>) target(%arg10 : memref<5120xf32, #tpu.memory_space<vmem>>) target_semaphore(%run_scoped3A : memref<!tpu.dma_semaphore, #tpu.memory_space<semaphore_mem>>)
      %dma_wait3A_1535 = tpu.memref_slice %arg11[%add3A_1478] : memref<819208xf32, #tpu.memory_space<vmem_shared>> -> memref<5120xf32, #tpu.memory_space<vmem_shared>>
      %dma_wait3A_1536 = tpu.memref_slice %arg11[%add3A_1478] : memref<819208xf32, #tpu.memory_space<vmem_shared>> -> memref<5120xf32, #tpu.memory_space<vmem_shared>>
      tpu.wait_dma2 semaphore(%run_scoped3A : memref<!tpu.dma_semaphore, #tpu.memory_space<semaphore_mem>>) src(%dma_wait3A_1536 : memref<5120xf32, #tpu.memory_space<vmem_shared>>) dst(%arg10 : memref<5120xf32, #tpu.memory_space<vmem>>)
      tpu.yield
    }) : () -> ()
    %add3A_1479 = arith.constant 15360 : i32
    %add3A_1480 = arith.addi %add3A_1452, %add3A_1479 : i32
    "tpu.region"() ({
      %run_scoped3A = tpu.sem_alloc : memref<!tpu.dma_semaphore, #tpu.memory_space<semaphore_mem>>
      %dma_start3A_1533 = tpu.memref_slice %arg5[%add3A_1480] : memref<1638400xf32, #tpu.memory_space<hbm>> -> memref<5120xf32, #tpu.memory_space<hbm>>
      %dma_start3A_1534 = tpu.memref_slice %arg5[%add3A_1480] : memref<1638400xf32, #tpu.memory_space<hbm>> -> memref<5120xf32, #tpu.memory_space<hbm>>
      tpu.enqueue_dma source(%arg10 : memref<5120xf32, #tpu.memory_space<vmem>>) target(%dma_start3A_1534 : memref<5120xf32, #tpu.memory_space<hbm>>) target_semaphore(%run_scoped3A : memref<!tpu.dma_semaphore, #tpu.memory_space<semaphore_mem>>)
      %dma_wait3A_1535 = tpu.memref_slice %arg5[%add3A_1480] : memref<1638400xf32, #tpu.memory_space<hbm>> -> memref<5120xf32, #tpu.memory_space<hbm>>
      %dma_wait3A_1536 = tpu.memref_slice %arg5[%add3A_1480] : memref<1638400xf32, #tpu.memory_space<hbm>> -> memref<5120xf32, #tpu.memory_space<hbm>>
      tpu.wait_dma2 semaphore(%run_scoped3A : memref<!tpu.dma_semaphore, #tpu.memory_space<semaphore_mem>>) src(%arg10 : memref<5120xf32, #tpu.memory_space<vmem>>) dst(%dma_wait3A_1536 : memref<5120xf32, #tpu.memory_space<hbm>>)
      tpu.yield
    }) : () -> ()
    %add3A_1481 = arith.constant 15360 : i32
    %add3A_1482 = arith.addi %mul3A_2, %add3A_1481 : i32
    "tpu.region"() ({
      %run_scoped3A = tpu.sem_alloc : memref<!tpu.dma_semaphore, #tpu.memory_space<semaphore_mem>>
      %dma_start3A_1533 = tpu.memref_slice %arg12[%add3A_1482] : memref<819208xf32, #tpu.memory_space<vmem_shared>> -> memref<5120xf32, #tpu.memory_space<vmem_shared>>
      %dma_start3A_1534 = tpu.memref_slice %arg12[%add3A_1482] : memref<819208xf32, #tpu.memory_space<vmem_shared>> -> memref<5120xf32, #tpu.memory_space<vmem_shared>>
      tpu.enqueue_dma source(%dma_start3A_1534 : memref<5120xf32, #tpu.memory_space<vmem_shared>>) target(%arg10 : memref<5120xf32, #tpu.memory_space<vmem>>) target_semaphore(%run_scoped3A : memref<!tpu.dma_semaphore, #tpu.memory_space<semaphore_mem>>)
      %dma_wait3A_1535 = tpu.memref_slice %arg12[%add3A_1482] : memref<819208xf32, #tpu.memory_space<vmem_shared>> -> memref<5120xf32, #tpu.memory_space<vmem_shared>>
      %dma_wait3A_1536 = tpu.memref_slice %arg12[%add3A_1482] : memref<819208xf32, #tpu.memory_space<vmem_shared>> -> memref<5120xf32, #tpu.memory_space<vmem_shared>>
      tpu.wait_dma2 semaphore(%run_scoped3A : memref<!tpu.dma_semaphore, #tpu.memory_space<semaphore_mem>>) src(%dma_wait3A_1536 : memref<5120xf32, #tpu.memory_space<vmem_shared>>) dst(%arg10 : memref<5120xf32, #tpu.memory_space<vmem>>)
      tpu.yield
    }) : () -> ()
    %add3A_1483 = arith.constant 15360 : i32
    %add3A_1484 = arith.addi %add3A_1452, %add3A_1483 : i32
    "tpu.region"() ({
      %run_scoped3A = tpu.sem_alloc : memref<!tpu.dma_semaphore, #tpu.memory_space<semaphore_mem>>
      %dma_start3A_1533 = tpu.memref_slice %arg6[%add3A_1484] : memref<1638400xf32, #tpu.memory_space<hbm>> -> memref<5120xf32, #tpu.memory_space<hbm>>
      %dma_start3A_1534 = tpu.memref_slice %arg6[%add3A_1484] : memref<1638400xf32, #tpu.memory_space<hbm>> -> memref<5120xf32, #tpu.memory_space<hbm>>
      tpu.enqueue_dma source(%arg10 : memref<5120xf32, #tpu.memory_space<vmem>>) target(%dma_start3A_1534 : memref<5120xf32, #tpu.memory_space<hbm>>) target_semaphore(%run_scoped3A : memref<!tpu.dma_semaphore, #tpu.memory_space<semaphore_mem>>)
      %dma_wait3A_1535 = tpu.memref_slice %arg6[%add3A_1484] : memref<1638400xf32, #tpu.memory_space<hbm>> -> memref<5120xf32, #tpu.memory_space<hbm>>
      %dma_wait3A_1536 = tpu.memref_slice %arg6[%add3A_1484] : memref<1638400xf32, #tpu.memory_space<hbm>> -> memref<5120xf32, #tpu.memory_space<hbm>>
      tpu.wait_dma2 semaphore(%run_scoped3A : memref<!tpu.dma_semaphore, #tpu.memory_space<semaphore_mem>>) src(%arg10 : memref<5120xf32, #tpu.memory_space<vmem>>) dst(%dma_wait3A_1536 : memref<5120xf32, #tpu.memory_space<hbm>>)
      tpu.yield
    }) : () -> ()
    %add3A_1485 = arith.constant 20480 : i32
    %add3A_1486 = arith.addi %mul3A_2, %add3A_1485 : i32
    "tpu.region"() ({
      %run_scoped3A = tpu.sem_alloc : memref<!tpu.dma_semaphore, #tpu.memory_space<semaphore_mem>>
      %dma_start3A_1533 = tpu.memref_slice %arg11[%add3A_1486] : memref<819208xf32, #tpu.memory_space<vmem_shared>> -> memref<5120xf32, #tpu.memory_space<vmem_shared>>
      %dma_start3A_1534 = tpu.memref_slice %arg11[%add3A_1486] : memref<819208xf32, #tpu.memory_space<vmem_shared>> -> memref<5120xf32, #tpu.memory_space<vmem_shared>>
      tpu.enqueue_dma source(%dma_start3A_1534 : memref<5120xf32, #tpu.memory_space<vmem_shared>>) target(%arg10 : memref<5120xf32, #tpu.memory_space<vmem>>) target_semaphore(%run_scoped3A : memref<!tpu.dma_semaphore, #tpu.memory_space<semaphore_mem>>)
      %dma_wait3A_1535 = tpu.memref_slice %arg11[%add3A_1486] : memref<819208xf32, #tpu.memory_space<vmem_shared>> -> memref<5120xf32, #tpu.memory_space<vmem_shared>>
      %dma_wait3A_1536 = tpu.memref_slice %arg11[%add3A_1486] : memref<819208xf32, #tpu.memory_space<vmem_shared>> -> memref<5120xf32, #tpu.memory_space<vmem_shared>>
      tpu.wait_dma2 semaphore(%run_scoped3A : memref<!tpu.dma_semaphore, #tpu.memory_space<semaphore_mem>>) src(%dma_wait3A_1536 : memref<5120xf32, #tpu.memory_space<vmem_shared>>) dst(%arg10 : memref<5120xf32, #tpu.memory_space<vmem>>)
      tpu.yield
    }) : () -> ()
    %add3A_1487 = arith.constant 20480 : i32
    %add3A_1488 = arith.addi %add3A_1452, %add3A_1487 : i32
    "tpu.region"() ({
      %run_scoped3A = tpu.sem_alloc : memref<!tpu.dma_semaphore, #tpu.memory_space<semaphore_mem>>
      %dma_start3A_1533 = tpu.memref_slice %arg5[%add3A_1488] : memref<1638400xf32, #tpu.memory_space<hbm>> -> memref<5120xf32, #tpu.memory_space<hbm>>
      %dma_start3A_1534 = tpu.memref_slice %arg5[%add3A_1488] : memref<1638400xf32, #tpu.memory_space<hbm>> -> memref<5120xf32, #tpu.memory_space<hbm>>
      tpu.enqueue_dma source(%arg10 : memref<5120xf32, #tpu.memory_space<vmem>>) target(%dma_start3A_1534 : memref<5120xf32, #tpu.memory_space<hbm>>) target_semaphore(%run_scoped3A : memref<!tpu.dma_semaphore, #tpu.memory_space<semaphore_mem>>)
      %dma_wait3A_1535 = tpu.memref_slice %arg5[%add3A_1488] : memref<1638400xf32, #tpu.memory_space<hbm>> -> memref<5120xf32, #tpu.memory_space<hbm>>
      %dma_wait3A_1536 = tpu.memref_slice %arg5[%add3A_1488] : memref<1638400xf32, #tpu.memory_space<hbm>> -> memref<5120xf32, #tpu.memory_space<hbm>>
      tpu.wait_dma2 semaphore(%run_scoped3A : memref<!tpu.dma_semaphore, #tpu.memory_space<semaphore_mem>>) src(%arg10 : memref<5120xf32, #tpu.memory_space<vmem>>) dst(%dma_wait3A_1536 : memref<5120xf32, #tpu.memory_space<hbm>>)
      tpu.yield
    }) : () -> ()
    %add3A_1489 = arith.constant 20480 : i32
    %add3A_1490 = arith.addi %mul3A_2, %add3A_1489 : i32
    "tpu.region"() ({
      %run_scoped3A = tpu.sem_alloc : memref<!tpu.dma_semaphore, #tpu.memory_space<semaphore_mem>>
      %dma_start3A_1533 = tpu.memref_slice %arg12[%add3A_1490] : memref<819208xf32, #tpu.memory_space<vmem_shared>> -> memref<5120xf32, #tpu.memory_space<vmem_shared>>
      %dma_start3A_1534 = tpu.memref_slice %arg12[%add3A_1490] : memref<819208xf32, #tpu.memory_space<vmem_shared>> -> memref<5120xf32, #tpu.memory_space<vmem_shared>>
      tpu.enqueue_dma source(%dma_start3A_1534 : memref<5120xf32, #tpu.memory_space<vmem_shared>>) target(%arg10 : memref<5120xf32, #tpu.memory_space<vmem>>) target_semaphore(%run_scoped3A : memref<!tpu.dma_semaphore, #tpu.memory_space<semaphore_mem>>)
      %dma_wait3A_1535 = tpu.memref_slice %arg12[%add3A_1490] : memref<819208xf32, #tpu.memory_space<vmem_shared>> -> memref<5120xf32, #tpu.memory_space<vmem_shared>>
      %dma_wait3A_1536 = tpu.memref_slice %arg12[%add3A_1490] : memref<819208xf32, #tpu.memory_space<vmem_shared>> -> memref<5120xf32, #tpu.memory_space<vmem_shared>>
      tpu.wait_dma2 semaphore(%run_scoped3A : memref<!tpu.dma_semaphore, #tpu.memory_space<semaphore_mem>>) src(%dma_wait3A_1536 : memref<5120xf32, #tpu.memory_space<vmem_shared>>) dst(%arg10 : memref<5120xf32, #tpu.memory_space<vmem>>)
      tpu.yield
    }) : () -> ()
    %add3A_1491 = arith.constant 20480 : i32
    %add3A_1492 = arith.addi %add3A_1452, %add3A_1491 : i32
    "tpu.region"() ({
      %run_scoped3A = tpu.sem_alloc : memref<!tpu.dma_semaphore, #tpu.memory_space<semaphore_mem>>
      %dma_start3A_1533 = tpu.memref_slice %arg6[%add3A_1492] : memref<1638400xf32, #tpu.memory_space<hbm>> -> memref<5120xf32, #tpu.memory_space<hbm>>
      %dma_start3A_1534 = tpu.memref_slice %arg6[%add3A_1492] : memref<1638400xf32, #tpu.memory_space<hbm>> -> memref<5120xf32, #tpu.memory_space<hbm>>
      tpu.enqueue_dma source(%arg10 : memref<5120xf32, #tpu.memory_space<vmem>>) target(%dma_start3A_1534 : memref<5120xf32, #tpu.memory_space<hbm>>) target_semaphore(%run_scoped3A : memref<!tpu.dma_semaphore, #tpu.memory_space<semaphore_mem>>)
      %dma_wait3A_1535 = tpu.memref_slice %arg6[%add3A_1492] : memref<1638400xf32, #tpu.memory_space<hbm>> -> memref<5120xf32, #tpu.memory_space<hbm>>
      %dma_wait3A_1536 = tpu.memref_slice %arg6[%add3A_1492] : memref<1638400xf32, #tpu.memory_space<hbm>> -> memref<5120xf32, #tpu.memory_space<hbm>>
      tpu.wait_dma2 semaphore(%run_scoped3A : memref<!tpu.dma_semaphore, #tpu.memory_space<semaphore_mem>>) src(%arg10 : memref<5120xf32, #tpu.memory_space<vmem>>) dst(%dma_wait3A_1536 : memref<5120xf32, #tpu.memory_space<hbm>>)
      tpu.yield
    }) : () -> ()
    %add3A_1493 = arith.constant 25600 : i32
    %add3A_1494 = arith.addi %mul3A_2, %add3A_1493 : i32
    "tpu.region"() ({
      %run_scoped3A = tpu.sem_alloc : memref<!tpu.dma_semaphore, #tpu.memory_space<semaphore_mem>>
      %dma_start3A_1533 = tpu.memref_slice %arg11[%add3A_1494] : memref<819208xf32, #tpu.memory_space<vmem_shared>> -> memref<5120xf32, #tpu.memory_space<vmem_shared>>
      %dma_start3A_1534 = tpu.memref_slice %arg11[%add3A_1494] : memref<819208xf32, #tpu.memory_space<vmem_shared>> -> memref<5120xf32, #tpu.memory_space<vmem_shared>>
      tpu.enqueue_dma source(%dma_start3A_1534 : memref<5120xf32, #tpu.memory_space<vmem_shared>>) target(%arg10 : memref<5120xf32, #tpu.memory_space<vmem>>) target_semaphore(%run_scoped3A : memref<!tpu.dma_semaphore, #tpu.memory_space<semaphore_mem>>)
      %dma_wait3A_1535 = tpu.memref_slice %arg11[%add3A_1494] : memref<819208xf32, #tpu.memory_space<vmem_shared>> -> memref<5120xf32, #tpu.memory_space<vmem_shared>>
      %dma_wait3A_1536 = tpu.memref_slice %arg11[%add3A_1494] : memref<819208xf32, #tpu.memory_space<vmem_shared>> -> memref<5120xf32, #tpu.memory_space<vmem_shared>>
      tpu.wait_dma2 semaphore(%run_scoped3A : memref<!tpu.dma_semaphore, #tpu.memory_space<semaphore_mem>>) src(%dma_wait3A_1536 : memref<5120xf32, #tpu.memory_space<vmem_shared>>) dst(%arg10 : memref<5120xf32, #tpu.memory_space<vmem>>)
      tpu.yield
    }) : () -> ()
    %add3A_1495 = arith.constant 25600 : i32
    %add3A_1496 = arith.addi %add3A_1452, %add3A_1495 : i32
    "tpu.region"() ({
      %run_scoped3A = tpu.sem_alloc : memref<!tpu.dma_semaphore, #tpu.memory_space<semaphore_mem>>
      %dma_start3A_1533 = tpu.memref_slice %arg5[%add3A_1496] : memref<1638400xf32, #tpu.memory_space<hbm>> -> memref<5120xf32, #tpu.memory_space<hbm>>
      %dma_start3A_1534 = tpu.memref_slice %arg5[%add3A_1496] : memref<1638400xf32, #tpu.memory_space<hbm>> -> memref<5120xf32, #tpu.memory_space<hbm>>
      tpu.enqueue_dma source(%arg10 : memref<5120xf32, #tpu.memory_space<vmem>>) target(%dma_start3A_1534 : memref<5120xf32, #tpu.memory_space<hbm>>) target_semaphore(%run_scoped3A : memref<!tpu.dma_semaphore, #tpu.memory_space<semaphore_mem>>)
      %dma_wait3A_1535 = tpu.memref_slice %arg5[%add3A_1496] : memref<1638400xf32, #tpu.memory_space<hbm>> -> memref<5120xf32, #tpu.memory_space<hbm>>
      %dma_wait3A_1536 = tpu.memref_slice %arg5[%add3A_1496] : memref<1638400xf32, #tpu.memory_space<hbm>> -> memref<5120xf32, #tpu.memory_space<hbm>>
      tpu.wait_dma2 semaphore(%run_scoped3A : memref<!tpu.dma_semaphore, #tpu.memory_space<semaphore_mem>>) src(%arg10 : memref<5120xf32, #tpu.memory_space<vmem>>) dst(%dma_wait3A_1536 : memref<5120xf32, #tpu.memory_space<hbm>>)
      tpu.yield
    }) : () -> ()
    %add3A_1497 = arith.constant 25600 : i32
    %add3A_1498 = arith.addi %mul3A_2, %add3A_1497 : i32
    "tpu.region"() ({
      %run_scoped3A = tpu.sem_alloc : memref<!tpu.dma_semaphore, #tpu.memory_space<semaphore_mem>>
      %dma_start3A_1533 = tpu.memref_slice %arg12[%add3A_1498] : memref<819208xf32, #tpu.memory_space<vmem_shared>> -> memref<5120xf32, #tpu.memory_space<vmem_shared>>
      %dma_start3A_1534 = tpu.memref_slice %arg12[%add3A_1498] : memref<819208xf32, #tpu.memory_space<vmem_shared>> -> memref<5120xf32, #tpu.memory_space<vmem_shared>>
      tpu.enqueue_dma source(%dma_start3A_1534 : memref<5120xf32, #tpu.memory_space<vmem_shared>>) target(%arg10 : memref<5120xf32, #tpu.memory_space<vmem>>) target_semaphore(%run_scoped3A : memref<!tpu.dma_semaphore, #tpu.memory_space<semaphore_mem>>)
      %dma_wait3A_1535 = tpu.memref_slice %arg12[%add3A_1498] : memref<819208xf32, #tpu.memory_space<vmem_shared>> -> memref<5120xf32, #tpu.memory_space<vmem_shared>>
      %dma_wait3A_1536 = tpu.memref_slice %arg12[%add3A_1498] : memref<819208xf32, #tpu.memory_space<vmem_shared>> -> memref<5120xf32, #tpu.memory_space<vmem_shared>>
      tpu.wait_dma2 semaphore(%run_scoped3A : memref<!tpu.dma_semaphore, #tpu.memory_space<semaphore_mem>>) src(%dma_wait3A_1536 : memref<5120xf32, #tpu.memory_space<vmem_shared>>) dst(%arg10 : memref<5120xf32, #tpu.memory_space<vmem>>)
      tpu.yield
    }) : () -> ()
    %add3A_1499 = arith.constant 25600 : i32
    %add3A_1500 = arith.addi %add3A_1452, %add3A_1499 : i32
    "tpu.region"() ({
      %run_scoped3A = tpu.sem_alloc : memref<!tpu.dma_semaphore, #tpu.memory_space<semaphore_mem>>
      %dma_start3A_1533 = tpu.memref_slice %arg6[%add3A_1500] : memref<1638400xf32, #tpu.memory_space<hbm>> -> memref<5120xf32, #tpu.memory_space<hbm>>
      %dma_start3A_1534 = tpu.memref_slice %arg6[%add3A_1500] : memref<1638400xf32, #tpu.memory_space<hbm>> -> memref<5120xf32, #tpu.memory_space<hbm>>
      tpu.enqueue_dma source(%arg10 : memref<5120xf32, #tpu.memory_space<vmem>>) target(%dma_start3A_1534 : memref<5120xf32, #tpu.memory_space<hbm>>) target_semaphore(%run_scoped3A : memref<!tpu.dma_semaphore, #tpu.memory_space<semaphore_mem>>)
      %dma_wait3A_1535 = tpu.memref_slice %arg6[%add3A_1500] : memref<1638400xf32, #tpu.memory_space<hbm>> -> memref<5120xf32, #tpu.memory_space<hbm>>
      %dma_wait3A_1536 = tpu.memref_slice %arg6[%add3A_1500] : memref<1638400xf32, #tpu.memory_space<hbm>> -> memref<5120xf32, #tpu.memory_space<hbm>>
      tpu.wait_dma2 semaphore(%run_scoped3A : memref<!tpu.dma_semaphore, #tpu.memory_space<semaphore_mem>>) src(%arg10 : memref<5120xf32, #tpu.memory_space<vmem>>) dst(%dma_wait3A_1536 : memref<5120xf32, #tpu.memory_space<hbm>>)
      tpu.yield
    }) : () -> ()
    %add3A_1501 = arith.constant 30720 : i32
    %add3A_1502 = arith.addi %mul3A_2, %add3A_1501 : i32
    "tpu.region"() ({
      %run_scoped3A = tpu.sem_alloc : memref<!tpu.dma_semaphore, #tpu.memory_space<semaphore_mem>>
      %dma_start3A_1533 = tpu.memref_slice %arg11[%add3A_1502] : memref<819208xf32, #tpu.memory_space<vmem_shared>> -> memref<5120xf32, #tpu.memory_space<vmem_shared>>
      %dma_start3A_1534 = tpu.memref_slice %arg11[%add3A_1502] : memref<819208xf32, #tpu.memory_space<vmem_shared>> -> memref<5120xf32, #tpu.memory_space<vmem_shared>>
      tpu.enqueue_dma source(%dma_start3A_1534 : memref<5120xf32, #tpu.memory_space<vmem_shared>>) target(%arg10 : memref<5120xf32, #tpu.memory_space<vmem>>) target_semaphore(%run_scoped3A : memref<!tpu.dma_semaphore, #tpu.memory_space<semaphore_mem>>)
      %dma_wait3A_1535 = tpu.memref_slice %arg11[%add3A_1502] : memref<819208xf32, #tpu.memory_space<vmem_shared>> -> memref<5120xf32, #tpu.memory_space<vmem_shared>>
      %dma_wait3A_1536 = tpu.memref_slice %arg11[%add3A_1502] : memref<819208xf32, #tpu.memory_space<vmem_shared>> -> memref<5120xf32, #tpu.memory_space<vmem_shared>>
      tpu.wait_dma2 semaphore(%run_scoped3A : memref<!tpu.dma_semaphore, #tpu.memory_space<semaphore_mem>>) src(%dma_wait3A_1536 : memref<5120xf32, #tpu.memory_space<vmem_shared>>) dst(%arg10 : memref<5120xf32, #tpu.memory_space<vmem>>)
      tpu.yield
    }) : () -> ()
    %add3A_1503 = arith.constant 30720 : i32
    %add3A_1504 = arith.addi %add3A_1452, %add3A_1503 : i32
    "tpu.region"() ({
      %run_scoped3A = tpu.sem_alloc : memref<!tpu.dma_semaphore, #tpu.memory_space<semaphore_mem>>
      %dma_start3A_1533 = tpu.memref_slice %arg5[%add3A_1504] : memref<1638400xf32, #tpu.memory_space<hbm>> -> memref<5120xf32, #tpu.memory_space<hbm>>
      %dma_start3A_1534 = tpu.memref_slice %arg5[%add3A_1504] : memref<1638400xf32, #tpu.memory_space<hbm>> -> memref<5120xf32, #tpu.memory_space<hbm>>
      tpu.enqueue_dma source(%arg10 : memref<5120xf32, #tpu.memory_space<vmem>>) target(%dma_start3A_1534 : memref<5120xf32, #tpu.memory_space<hbm>>) target_semaphore(%run_scoped3A : memref<!tpu.dma_semaphore, #tpu.memory_space<semaphore_mem>>)
      %dma_wait3A_1535 = tpu.memref_slice %arg5[%add3A_1504] : memref<1638400xf32, #tpu.memory_space<hbm>> -> memref<5120xf32, #tpu.memory_space<hbm>>
      %dma_wait3A_1536 = tpu.memref_slice %arg5[%add3A_1504] : memref<1638400xf32, #tpu.memory_space<hbm>> -> memref<5120xf32, #tpu.memory_space<hbm>>
      tpu.wait_dma2 semaphore(%run_scoped3A : memref<!tpu.dma_semaphore, #tpu.memory_space<semaphore_mem>>) src(%arg10 : memref<5120xf32, #tpu.memory_space<vmem>>) dst(%dma_wait3A_1536 : memref<5120xf32, #tpu.memory_space<hbm>>)
      tpu.yield
    }) : () -> ()
    %add3A_1505 = arith.constant 30720 : i32
    %add3A_1506 = arith.addi %mul3A_2, %add3A_1505 : i32
    "tpu.region"() ({
      %run_scoped3A = tpu.sem_alloc : memref<!tpu.dma_semaphore, #tpu.memory_space<semaphore_mem>>
      %dma_start3A_1533 = tpu.memref_slice %arg12[%add3A_1506] : memref<819208xf32, #tpu.memory_space<vmem_shared>> -> memref<5120xf32, #tpu.memory_space<vmem_shared>>
      %dma_start3A_1534 = tpu.memref_slice %arg12[%add3A_1506] : memref<819208xf32, #tpu.memory_space<vmem_shared>> -> memref<5120xf32, #tpu.memory_space<vmem_shared>>
      tpu.enqueue_dma source(%dma_start3A_1534 : memref<5120xf32, #tpu.memory_space<vmem_shared>>) target(%arg10 : memref<5120xf32, #tpu.memory_space<vmem>>) target_semaphore(%run_scoped3A : memref<!tpu.dma_semaphore, #tpu.memory_space<semaphore_mem>>)
      %dma_wait3A_1535 = tpu.memref_slice %arg12[%add3A_1506] : memref<819208xf32, #tpu.memory_space<vmem_shared>> -> memref<5120xf32, #tpu.memory_space<vmem_shared>>
      %dma_wait3A_1536 = tpu.memref_slice %arg12[%add3A_1506] : memref<819208xf32, #tpu.memory_space<vmem_shared>> -> memref<5120xf32, #tpu.memory_space<vmem_shared>>
      tpu.wait_dma2 semaphore(%run_scoped3A : memref<!tpu.dma_semaphore, #tpu.memory_space<semaphore_mem>>) src(%dma_wait3A_1536 : memref<5120xf32, #tpu.memory_space<vmem_shared>>) dst(%arg10 : memref<5120xf32, #tpu.memory_space<vmem>>)
      tpu.yield
    }) : () -> ()
    %add3A_1507 = arith.constant 30720 : i32
    %add3A_1508 = arith.addi %add3A_1452, %add3A_1507 : i32
    "tpu.region"() ({
      %run_scoped3A = tpu.sem_alloc : memref<!tpu.dma_semaphore, #tpu.memory_space<semaphore_mem>>
      %dma_start3A_1533 = tpu.memref_slice %arg6[%add3A_1508] : memref<1638400xf32, #tpu.memory_space<hbm>> -> memref<5120xf32, #tpu.memory_space<hbm>>
      %dma_start3A_1534 = tpu.memref_slice %arg6[%add3A_1508] : memref<1638400xf32, #tpu.memory_space<hbm>> -> memref<5120xf32, #tpu.memory_space<hbm>>
      tpu.enqueue_dma source(%arg10 : memref<5120xf32, #tpu.memory_space<vmem>>) target(%dma_start3A_1534 : memref<5120xf32, #tpu.memory_space<hbm>>) target_semaphore(%run_scoped3A : memref<!tpu.dma_semaphore, #tpu.memory_space<semaphore_mem>>)
      %dma_wait3A_1535 = tpu.memref_slice %arg6[%add3A_1508] : memref<1638400xf32, #tpu.memory_space<hbm>> -> memref<5120xf32, #tpu.memory_space<hbm>>
      %dma_wait3A_1536 = tpu.memref_slice %arg6[%add3A_1508] : memref<1638400xf32, #tpu.memory_space<hbm>> -> memref<5120xf32, #tpu.memory_space<hbm>>
      tpu.wait_dma2 semaphore(%run_scoped3A : memref<!tpu.dma_semaphore, #tpu.memory_space<semaphore_mem>>) src(%arg10 : memref<5120xf32, #tpu.memory_space<vmem>>) dst(%dma_wait3A_1536 : memref<5120xf32, #tpu.memory_space<hbm>>)
      tpu.yield
    }) : () -> ()
    %add3A_1509 = arith.constant 35840 : i32
    %add3A_1510 = arith.addi %mul3A_2, %add3A_1509 : i32
    "tpu.region"() ({
      %run_scoped3A = tpu.sem_alloc : memref<!tpu.dma_semaphore, #tpu.memory_space<semaphore_mem>>
      %dma_start3A_1533 = tpu.memref_slice %arg11[%add3A_1510] : memref<819208xf32, #tpu.memory_space<vmem_shared>> -> memref<5120xf32, #tpu.memory_space<vmem_shared>>
      %dma_start3A_1534 = tpu.memref_slice %arg11[%add3A_1510] : memref<819208xf32, #tpu.memory_space<vmem_shared>> -> memref<5120xf32, #tpu.memory_space<vmem_shared>>
      tpu.enqueue_dma source(%dma_start3A_1534 : memref<5120xf32, #tpu.memory_space<vmem_shared>>) target(%arg10 : memref<5120xf32, #tpu.memory_space<vmem>>) target_semaphore(%run_scoped3A : memref<!tpu.dma_semaphore, #tpu.memory_space<semaphore_mem>>)
      %dma_wait3A_1535 = tpu.memref_slice %arg11[%add3A_1510] : memref<819208xf32, #tpu.memory_space<vmem_shared>> -> memref<5120xf32, #tpu.memory_space<vmem_shared>>
      %dma_wait3A_1536 = tpu.memref_slice %arg11[%add3A_1510] : memref<819208xf32, #tpu.memory_space<vmem_shared>> -> memref<5120xf32, #tpu.memory_space<vmem_shared>>
      tpu.wait_dma2 semaphore(%run_scoped3A : memref<!tpu.dma_semaphore, #tpu.memory_space<semaphore_mem>>) src(%dma_wait3A_1536 : memref<5120xf32, #tpu.memory_space<vmem_shared>>) dst(%arg10 : memref<5120xf32, #tpu.memory_space<vmem>>)
      tpu.yield
    }) : () -> ()
    %add3A_1511 = arith.constant 35840 : i32
    %add3A_1512 = arith.addi %add3A_1452, %add3A_1511 : i32
    "tpu.region"() ({
      %run_scoped3A = tpu.sem_alloc : memref<!tpu.dma_semaphore, #tpu.memory_space<semaphore_mem>>
      %dma_start3A_1533 = tpu.memref_slice %arg5[%add3A_1512] : memref<1638400xf32, #tpu.memory_space<hbm>> -> memref<5120xf32, #tpu.memory_space<hbm>>
      %dma_start3A_1534 = tpu.memref_slice %arg5[%add3A_1512] : memref<1638400xf32, #tpu.memory_space<hbm>> -> memref<5120xf32, #tpu.memory_space<hbm>>
      tpu.enqueue_dma source(%arg10 : memref<5120xf32, #tpu.memory_space<vmem>>) target(%dma_start3A_1534 : memref<5120xf32, #tpu.memory_space<hbm>>) target_semaphore(%run_scoped3A : memref<!tpu.dma_semaphore, #tpu.memory_space<semaphore_mem>>)
      %dma_wait3A_1535 = tpu.memref_slice %arg5[%add3A_1512] : memref<1638400xf32, #tpu.memory_space<hbm>> -> memref<5120xf32, #tpu.memory_space<hbm>>
      %dma_wait3A_1536 = tpu.memref_slice %arg5[%add3A_1512] : memref<1638400xf32, #tpu.memory_space<hbm>> -> memref<5120xf32, #tpu.memory_space<hbm>>
      tpu.wait_dma2 semaphore(%run_scoped3A : memref<!tpu.dma_semaphore, #tpu.memory_space<semaphore_mem>>) src(%arg10 : memref<5120xf32, #tpu.memory_space<vmem>>) dst(%dma_wait3A_1536 : memref<5120xf32, #tpu.memory_space<hbm>>)
      tpu.yield
    }) : () -> ()
    %add3A_1513 = arith.constant 35840 : i32
    %add3A_1514 = arith.addi %mul3A_2, %add3A_1513 : i32
    "tpu.region"() ({
      %run_scoped3A = tpu.sem_alloc : memref<!tpu.dma_semaphore, #tpu.memory_space<semaphore_mem>>
      %dma_start3A_1533 = tpu.memref_slice %arg12[%add3A_1514] : memref<819208xf32, #tpu.memory_space<vmem_shared>> -> memref<5120xf32, #tpu.memory_space<vmem_shared>>
      %dma_start3A_1534 = tpu.memref_slice %arg12[%add3A_1514] : memref<819208xf32, #tpu.memory_space<vmem_shared>> -> memref<5120xf32, #tpu.memory_space<vmem_shared>>
      tpu.enqueue_dma source(%dma_start3A_1534 : memref<5120xf32, #tpu.memory_space<vmem_shared>>) target(%arg10 : memref<5120xf32, #tpu.memory_space<vmem>>) target_semaphore(%run_scoped3A : memref<!tpu.dma_semaphore, #tpu.memory_space<semaphore_mem>>)
      %dma_wait3A_1535 = tpu.memref_slice %arg12[%add3A_1514] : memref<819208xf32, #tpu.memory_space<vmem_shared>> -> memref<5120xf32, #tpu.memory_space<vmem_shared>>
      %dma_wait3A_1536 = tpu.memref_slice %arg12[%add3A_1514] : memref<819208xf32, #tpu.memory_space<vmem_shared>> -> memref<5120xf32, #tpu.memory_space<vmem_shared>>
      tpu.wait_dma2 semaphore(%run_scoped3A : memref<!tpu.dma_semaphore, #tpu.memory_space<semaphore_mem>>) src(%dma_wait3A_1536 : memref<5120xf32, #tpu.memory_space<vmem_shared>>) dst(%arg10 : memref<5120xf32, #tpu.memory_space<vmem>>)
      tpu.yield
    }) : () -> ()
    %add3A_1515 = arith.constant 35840 : i32
    %add3A_1516 = arith.addi %add3A_1452, %add3A_1515 : i32
    "tpu.region"() ({
      %run_scoped3A = tpu.sem_alloc : memref<!tpu.dma_semaphore, #tpu.memory_space<semaphore_mem>>
      %dma_start3A_1533 = tpu.memref_slice %arg6[%add3A_1516] : memref<1638400xf32, #tpu.memory_space<hbm>> -> memref<5120xf32, #tpu.memory_space<hbm>>
      %dma_start3A_1534 = tpu.memref_slice %arg6[%add3A_1516] : memref<1638400xf32, #tpu.memory_space<hbm>> -> memref<5120xf32, #tpu.memory_space<hbm>>
      tpu.enqueue_dma source(%arg10 : memref<5120xf32, #tpu.memory_space<vmem>>) target(%dma_start3A_1534 : memref<5120xf32, #tpu.memory_space<hbm>>) target_semaphore(%run_scoped3A : memref<!tpu.dma_semaphore, #tpu.memory_space<semaphore_mem>>)
      %dma_wait3A_1535 = tpu.memref_slice %arg6[%add3A_1516] : memref<1638400xf32, #tpu.memory_space<hbm>> -> memref<5120xf32, #tpu.memory_space<hbm>>
      %dma_wait3A_1536 = tpu.memref_slice %arg6[%add3A_1516] : memref<1638400xf32, #tpu.memory_space<hbm>> -> memref<5120xf32, #tpu.memory_space<hbm>>
      tpu.wait_dma2 semaphore(%run_scoped3A : memref<!tpu.dma_semaphore, #tpu.memory_space<semaphore_mem>>) src(%arg10 : memref<5120xf32, #tpu.memory_space<vmem>>) dst(%dma_wait3A_1536 : memref<5120xf32, #tpu.memory_space<hbm>>)
      tpu.yield
    }) : () -> ()
    %add3A_1517 = arith.constant 40960 : i32
    %add3A_1518 = arith.addi %mul3A_2, %add3A_1517 : i32
    "tpu.region"() ({
      %run_scoped3A = tpu.sem_alloc : memref<!tpu.dma_semaphore, #tpu.memory_space<semaphore_mem>>
      %dma_start3A_1533 = tpu.memref_slice %arg11[%add3A_1518] : memref<819208xf32, #tpu.memory_space<vmem_shared>> -> memref<5120xf32, #tpu.memory_space<vmem_shared>>
      %dma_start3A_1534 = tpu.memref_slice %arg11[%add3A_1518] : memref<819208xf32, #tpu.memory_space<vmem_shared>> -> memref<5120xf32, #tpu.memory_space<vmem_shared>>
      tpu.enqueue_dma source(%dma_start3A_1534 : memref<5120xf32, #tpu.memory_space<vmem_shared>>) target(%arg10 : memref<5120xf32, #tpu.memory_space<vmem>>) target_semaphore(%run_scoped3A : memref<!tpu.dma_semaphore, #tpu.memory_space<semaphore_mem>>)
      %dma_wait3A_1535 = tpu.memref_slice %arg11[%add3A_1518] : memref<819208xf32, #tpu.memory_space<vmem_shared>> -> memref<5120xf32, #tpu.memory_space<vmem_shared>>
      %dma_wait3A_1536 = tpu.memref_slice %arg11[%add3A_1518] : memref<819208xf32, #tpu.memory_space<vmem_shared>> -> memref<5120xf32, #tpu.memory_space<vmem_shared>>
      tpu.wait_dma2 semaphore(%run_scoped3A : memref<!tpu.dma_semaphore, #tpu.memory_space<semaphore_mem>>) src(%dma_wait3A_1536 : memref<5120xf32, #tpu.memory_space<vmem_shared>>) dst(%arg10 : memref<5120xf32, #tpu.memory_space<vmem>>)
      tpu.yield
    }) : () -> ()
    %add3A_1519 = arith.constant 40960 : i32
    %add3A_1520 = arith.addi %add3A_1452, %add3A_1519 : i32
    "tpu.region"() ({
      %run_scoped3A = tpu.sem_alloc : memref<!tpu.dma_semaphore, #tpu.memory_space<semaphore_mem>>
      %dma_start3A_1533 = tpu.memref_slice %arg5[%add3A_1520] : memref<1638400xf32, #tpu.memory_space<hbm>> -> memref<5120xf32, #tpu.memory_space<hbm>>
      %dma_start3A_1534 = tpu.memref_slice %arg5[%add3A_1520] : memref<1638400xf32, #tpu.memory_space<hbm>> -> memref<5120xf32, #tpu.memory_space<hbm>>
      tpu.enqueue_dma source(%arg10 : memref<5120xf32, #tpu.memory_space<vmem>>) target(%dma_start3A_1534 : memref<5120xf32, #tpu.memory_space<hbm>>) target_semaphore(%run_scoped3A : memref<!tpu.dma_semaphore, #tpu.memory_space<semaphore_mem>>)
      %dma_wait3A_1535 = tpu.memref_slice %arg5[%add3A_1520] : memref<1638400xf32, #tpu.memory_space<hbm>> -> memref<5120xf32, #tpu.memory_space<hbm>>
      %dma_wait3A_1536 = tpu.memref_slice %arg5[%add3A_1520] : memref<1638400xf32, #tpu.memory_space<hbm>> -> memref<5120xf32, #tpu.memory_space<hbm>>
      tpu.wait_dma2 semaphore(%run_scoped3A : memref<!tpu.dma_semaphore, #tpu.memory_space<semaphore_mem>>) src(%arg10 : memref<5120xf32, #tpu.memory_space<vmem>>) dst(%dma_wait3A_1536 : memref<5120xf32, #tpu.memory_space<hbm>>)
      tpu.yield
    }) : () -> ()
    %add3A_1521 = arith.constant 40960 : i32
    %add3A_1522 = arith.addi %mul3A_2, %add3A_1521 : i32
    "tpu.region"() ({
      %run_scoped3A = tpu.sem_alloc : memref<!tpu.dma_semaphore, #tpu.memory_space<semaphore_mem>>
      %dma_start3A_1533 = tpu.memref_slice %arg12[%add3A_1522] : memref<819208xf32, #tpu.memory_space<vmem_shared>> -> memref<5120xf32, #tpu.memory_space<vmem_shared>>
      %dma_start3A_1534 = tpu.memref_slice %arg12[%add3A_1522] : memref<819208xf32, #tpu.memory_space<vmem_shared>> -> memref<5120xf32, #tpu.memory_space<vmem_shared>>
      tpu.enqueue_dma source(%dma_start3A_1534 : memref<5120xf32, #tpu.memory_space<vmem_shared>>) target(%arg10 : memref<5120xf32, #tpu.memory_space<vmem>>) target_semaphore(%run_scoped3A : memref<!tpu.dma_semaphore, #tpu.memory_space<semaphore_mem>>)
      %dma_wait3A_1535 = tpu.memref_slice %arg12[%add3A_1522] : memref<819208xf32, #tpu.memory_space<vmem_shared>> -> memref<5120xf32, #tpu.memory_space<vmem_shared>>
      %dma_wait3A_1536 = tpu.memref_slice %arg12[%add3A_1522] : memref<819208xf32, #tpu.memory_space<vmem_shared>> -> memref<5120xf32, #tpu.memory_space<vmem_shared>>
      tpu.wait_dma2 semaphore(%run_scoped3A : memref<!tpu.dma_semaphore, #tpu.memory_space<semaphore_mem>>) src(%dma_wait3A_1536 : memref<5120xf32, #tpu.memory_space<vmem_shared>>) dst(%arg10 : memref<5120xf32, #tpu.memory_space<vmem>>)
      tpu.yield
    }) : () -> ()
    %add3A_1523 = arith.constant 40960 : i32
    %add3A_1524 = arith.addi %add3A_1452, %add3A_1523 : i32
    "tpu.region"() ({
      %run_scoped3A = tpu.sem_alloc : memref<!tpu.dma_semaphore, #tpu.memory_space<semaphore_mem>>
      %dma_start3A_1533 = tpu.memref_slice %arg6[%add3A_1524] : memref<1638400xf32, #tpu.memory_space<hbm>> -> memref<5120xf32, #tpu.memory_space<hbm>>
      %dma_start3A_1534 = tpu.memref_slice %arg6[%add3A_1524] : memref<1638400xf32, #tpu.memory_space<hbm>> -> memref<5120xf32, #tpu.memory_space<hbm>>
      tpu.enqueue_dma source(%arg10 : memref<5120xf32, #tpu.memory_space<vmem>>) target(%dma_start3A_1534 : memref<5120xf32, #tpu.memory_space<hbm>>) target_semaphore(%run_scoped3A : memref<!tpu.dma_semaphore, #tpu.memory_space<semaphore_mem>>)
      %dma_wait3A_1535 = tpu.memref_slice %arg6[%add3A_1524] : memref<1638400xf32, #tpu.memory_space<hbm>> -> memref<5120xf32, #tpu.memory_space<hbm>>
      %dma_wait3A_1536 = tpu.memref_slice %arg6[%add3A_1524] : memref<1638400xf32, #tpu.memory_space<hbm>> -> memref<5120xf32, #tpu.memory_space<hbm>>
      tpu.wait_dma2 semaphore(%run_scoped3A : memref<!tpu.dma_semaphore, #tpu.memory_space<semaphore_mem>>) src(%arg10 : memref<5120xf32, #tpu.memory_space<vmem>>) dst(%dma_wait3A_1536 : memref<5120xf32, #tpu.memory_space<hbm>>)
      tpu.yield
    }) : () -> ()
    %add3A_1525 = arith.constant 46080 : i32
    %add3A_1526 = arith.addi %mul3A_2, %add3A_1525 : i32
    "tpu.region"() ({
      %run_scoped3A = tpu.sem_alloc : memref<!tpu.dma_semaphore, #tpu.memory_space<semaphore_mem>>
      %dma_start3A_1533 = tpu.memref_slice %arg11[%add3A_1526] : memref<819208xf32, #tpu.memory_space<vmem_shared>> -> memref<5120xf32, #tpu.memory_space<vmem_shared>>
      %dma_start3A_1534 = tpu.memref_slice %arg11[%add3A_1526] : memref<819208xf32, #tpu.memory_space<vmem_shared>> -> memref<5120xf32, #tpu.memory_space<vmem_shared>>
      tpu.enqueue_dma source(%dma_start3A_1534 : memref<5120xf32, #tpu.memory_space<vmem_shared>>) target(%arg10 : memref<5120xf32, #tpu.memory_space<vmem>>) target_semaphore(%run_scoped3A : memref<!tpu.dma_semaphore, #tpu.memory_space<semaphore_mem>>)
      %dma_wait3A_1535 = tpu.memref_slice %arg11[%add3A_1526] : memref<819208xf32, #tpu.memory_space<vmem_shared>> -> memref<5120xf32, #tpu.memory_space<vmem_shared>>
      %dma_wait3A_1536 = tpu.memref_slice %arg11[%add3A_1526] : memref<819208xf32, #tpu.memory_space<vmem_shared>> -> memref<5120xf32, #tpu.memory_space<vmem_shared>>
      tpu.wait_dma2 semaphore(%run_scoped3A : memref<!tpu.dma_semaphore, #tpu.memory_space<semaphore_mem>>) src(%dma_wait3A_1536 : memref<5120xf32, #tpu.memory_space<vmem_shared>>) dst(%arg10 : memref<5120xf32, #tpu.memory_space<vmem>>)
      tpu.yield
    }) : () -> ()
    %add3A_1527 = arith.constant 46080 : i32
    %add3A_1528 = arith.addi %add3A_1452, %add3A_1527 : i32
    "tpu.region"() ({
      %run_scoped3A = tpu.sem_alloc : memref<!tpu.dma_semaphore, #tpu.memory_space<semaphore_mem>>
      %dma_start3A_1533 = tpu.memref_slice %arg5[%add3A_1528] : memref<1638400xf32, #tpu.memory_space<hbm>> -> memref<5120xf32, #tpu.memory_space<hbm>>
      %dma_start3A_1534 = tpu.memref_slice %arg5[%add3A_1528] : memref<1638400xf32, #tpu.memory_space<hbm>> -> memref<5120xf32, #tpu.memory_space<hbm>>
      tpu.enqueue_dma source(%arg10 : memref<5120xf32, #tpu.memory_space<vmem>>) target(%dma_start3A_1534 : memref<5120xf32, #tpu.memory_space<hbm>>) target_semaphore(%run_scoped3A : memref<!tpu.dma_semaphore, #tpu.memory_space<semaphore_mem>>)
      %dma_wait3A_1535 = tpu.memref_slice %arg5[%add3A_1528] : memref<1638400xf32, #tpu.memory_space<hbm>> -> memref<5120xf32, #tpu.memory_space<hbm>>
      %dma_wait3A_1536 = tpu.memref_slice %arg5[%add3A_1528] : memref<1638400xf32, #tpu.memory_space<hbm>> -> memref<5120xf32, #tpu.memory_space<hbm>>
      tpu.wait_dma2 semaphore(%run_scoped3A : memref<!tpu.dma_semaphore, #tpu.memory_space<semaphore_mem>>) src(%arg10 : memref<5120xf32, #tpu.memory_space<vmem>>) dst(%dma_wait3A_1536 : memref<5120xf32, #tpu.memory_space<hbm>>)
      tpu.yield
    }) : () -> ()
    %add3A_1529 = arith.constant 46080 : i32
    %add3A_1530 = arith.addi %mul3A_2, %add3A_1529 : i32
    "tpu.region"() ({
      %run_scoped3A = tpu.sem_alloc : memref<!tpu.dma_semaphore, #tpu.memory_space<semaphore_mem>>
      %dma_start3A_1533 = tpu.memref_slice %arg12[%add3A_1530] : memref<819208xf32, #tpu.memory_space<vmem_shared>> -> memref<5120xf32, #tpu.memory_space<vmem_shared>>
      %dma_start3A_1534 = tpu.memref_slice %arg12[%add3A_1530] : memref<819208xf32, #tpu.memory_space<vmem_shared>> -> memref<5120xf32, #tpu.memory_space<vmem_shared>>
      tpu.enqueue_dma source(%dma_start3A_1534 : memref<5120xf32, #tpu.memory_space<vmem_shared>>) target(%arg10 : memref<5120xf32, #tpu.memory_space<vmem>>) target_semaphore(%run_scoped3A : memref<!tpu.dma_semaphore, #tpu.memory_space<semaphore_mem>>)
      %dma_wait3A_1535 = tpu.memref_slice %arg12[%add3A_1530] : memref<819208xf32, #tpu.memory_space<vmem_shared>> -> memref<5120xf32, #tpu.memory_space<vmem_shared>>
      %dma_wait3A_1536 = tpu.memref_slice %arg12[%add3A_1530] : memref<819208xf32, #tpu.memory_space<vmem_shared>> -> memref<5120xf32, #tpu.memory_space<vmem_shared>>
      tpu.wait_dma2 semaphore(%run_scoped3A : memref<!tpu.dma_semaphore, #tpu.memory_space<semaphore_mem>>) src(%dma_wait3A_1536 : memref<5120xf32, #tpu.memory_space<vmem_shared>>) dst(%arg10 : memref<5120xf32, #tpu.memory_space<vmem>>)
      tpu.yield
    }) : () -> ()
    %add3A_1531 = arith.constant 46080 : i32
    %add3A_1532 = arith.addi %add3A_1452, %add3A_1531 : i32
    "tpu.region"() ({
      %run_scoped3A = tpu.sem_alloc : memref<!tpu.dma_semaphore, #tpu.memory_space<semaphore_mem>>
      %dma_start3A_1533 = tpu.memref_slice %arg6[%add3A_1532] : memref<1638400xf32, #tpu.memory_space<hbm>> -> memref<5120xf32, #tpu.memory_space<hbm>>
      %dma_start3A_1534 = tpu.memref_slice %arg6[%add3A_1532] : memref<1638400xf32, #tpu.memory_space<hbm>> -> memref<5120xf32, #tpu.memory_space<hbm>>
      tpu.enqueue_dma source(%arg10 : memref<5120xf32, #tpu.memory_space<vmem>>) target(%dma_start3A_1534 : memref<5120xf32, #tpu.memory_space<hbm>>) target_semaphore(%run_scoped3A : memref<!tpu.dma_semaphore, #tpu.memory_space<semaphore_mem>>)
      %dma_wait3A_1535 = tpu.memref_slice %arg6[%add3A_1532] : memref<1638400xf32, #tpu.memory_space<hbm>> -> memref<5120xf32, #tpu.memory_space<hbm>>
      %dma_wait3A_1536 = tpu.memref_slice %arg6[%add3A_1532] : memref<1638400xf32, #tpu.memory_space<hbm>> -> memref<5120xf32, #tpu.memory_space<hbm>>
      tpu.wait_dma2 semaphore(%run_scoped3A : memref<!tpu.dma_semaphore, #tpu.memory_space<semaphore_mem>>) src(%arg10 : memref<5120xf32, #tpu.memory_space<vmem>>) dst(%dma_wait3A_1536 : memref<5120xf32, #tpu.memory_space<hbm>>)
      tpu.yield
    }) : () -> ()
    return
  }
}

module attributes {stable_mosaic.version = 14 : i64} {
  func.func @_tc_body(%arg0: i32, %arg1: memref<2560x128xf32, #tpu.memory_space<vmem>>, %arg2: memref<2560x128xf32, #tpu.memory_space<vmem>>, %arg3: memref<2560x128xf32, #tpu.memory_space<vmem>>, %arg4: memref<128x128xf32, #tpu.memory_space<vmem>>, %arg5: memref<128x4xf32, #tpu.memory_space<vmem>>, %arg6: memref<128x128xf32, #tpu.memory_space<vmem>>, %arg7: memref<128x128xf32, #tpu.memory_space<vmem>>, %arg8: memref<128x128xf32, #tpu.memory_space<vmem>>, %arg9: memref<128x128xf32, #tpu.memory_space<vmem>>, %arg10: memref<128x1xf32, #tpu.memory_space<vmem>>, %arg11: memref<20x1x128xf32, #tpu.memory_space<vmem>>, %arg12: memref<2560x128xf32, #tpu.memory_space<vmem>>, %arg13: memref<2560x512xf32, #tpu.memory_space<vmem>>) attributes {dimension_semantics = [#tpu.dimension_semantics<arbitrary>], iteration_bounds = array<i64: 5>, scalar_prefetch = 0 : i64, scratch_operands = 2 : i64, tpu.core_type = #tpu.core_type<tc>, window_params = [{transform_indices = @transform_0, window_bounds = array<i64: 2560, 128>}, {transform_indices = @transform_1, window_bounds = array<i64: 2560, 128>}, {transform_indices = @transform_2, window_bounds = array<i64: 2560, 128>}, {pipeline_mode = #tpu.pipeline_mode<synchronous>, transform_indices = @transform_3, window_bounds = array<i64: 128, 128>}, {pipeline_mode = #tpu.pipeline_mode<synchronous>, transform_indices = @transform_4, window_bounds = array<i64: 128, 4>}, {pipeline_mode = #tpu.pipeline_mode<synchronous>, transform_indices = @transform_5, window_bounds = array<i64: 128, 128>}, {pipeline_mode = #tpu.pipeline_mode<synchronous>, transform_indices = @transform_6, window_bounds = array<i64: 128, 128>}, {pipeline_mode = #tpu.pipeline_mode<synchronous>, transform_indices = @transform_7, window_bounds = array<i64: 128, 128>}, {pipeline_mode = #tpu.pipeline_mode<synchronous>, transform_indices = @transform_8, window_bounds = array<i64: 128, 128>}, {pipeline_mode = #tpu.pipeline_mode<synchronous>, transform_indices = @transform_9, window_bounds = array<i64: 128, 1>}, {transform_indices = @transform_10, window_bounds = array<i64: 20, 1, 128>}]} {
    %get3A = arith.constant 0 : index
    %get3A_0 = arith.constant 0 : index
    %get3A_1 = vector.load %arg3[%get3A, %get3A_0] : memref<2560x128xf32, #tpu.memory_space<vmem>>, vector<2560x128xf32>
    %get3A_2 = arith.constant 0 : index
    %get3A_3 = arith.constant 0 : index
    %get3A_4 = vector.load %arg4[%get3A_2, %get3A_3] : memref<128x128xf32, #tpu.memory_space<vmem>>, vector<128x128xf32>
    %dot_general3A = arith.constant dense<0.000000e+00> : vector<2560x128xf32>
    %dot_general3A_5 = tpu.matmul %get3A_1, %get3A_4, %dot_general3A {dimension_numbers = #tpu.dot_dimension_numbers<[1], [0], [0], [1], [0, 0, 1, 1], [], []>, transpose_lhs_hint = false} : vector<2560x128xf32>, vector<128x128xf32>, vector<2560x128xf32> -> vector<2560x128xf32>
    %slice3A = vector.extract_strided_slice %dot_general3A_5 {offsets = [0, 0], sizes = [128, 128], strides = [1, 1]} : vector<2560x128xf32> to vector<128x128xf32>
    %get3A_6 = arith.constant 0 : index
    %get3A_7 = arith.constant 0 : index
    %get3A_8 = vector.load %arg1[%get3A_6, %get3A_7] : memref<2560x128xf32, #tpu.memory_space<vmem>>, vector<128x128xf32>
    %slice3A_9 = vector.extract_strided_slice %dot_general3A_5 {offsets = [0, 0], sizes = [128, 128], strides = [1, 1]} : vector<2560x128xf32> to vector<128x128xf32>
    %dot_general3A_10 = arith.constant dense<0.000000e+00> : vector<128x128xf32>
    %dot_general3A_11 = tpu.matmul %get3A_8, %slice3A_9, %dot_general3A_10 {dimension_numbers = #tpu.dot_dimension_numbers<[1], [0], [0], [1], [0, 0, 1, 1], [], []>, precision = #tpu.contract_precision<fp32>, transpose_lhs_hint = false} : vector<128x128xf32>, vector<128x128xf32>, vector<128x128xf32> -> vector<128x128xf32>
    %add3A = arith.addf %slice3A, %dot_general3A_11 : vector<128x128xf32>
    %swap3A = arith.constant 0 : index
    %swap3A_12 = arith.constant 0 : index
    %swap3A_13 = vector.load %arg12[%swap3A, %swap3A_12] : memref<2560x128xf32, #tpu.memory_space<vmem>>, vector<128x128xf32>
    tpu.vector_store %arg12[%swap3A, %swap3A_12], %add3A {strides = array<i32>} : memref<2560x128xf32, #tpu.memory_space<vmem>>, vector<128x128xf32>,
    %slice3A_14 = vector.extract_strided_slice %dot_general3A_5 {offsets = [128, 0], sizes = [128, 128], strides = [1, 1]} : vector<2560x128xf32> to vector<128x128xf32>
    %get3A_15 = arith.constant 128 : index
    %get3A_16 = arith.constant 0 : index
    %get3A_17 = vector.load %arg1[%get3A_15, %get3A_16] : memref<2560x128xf32, #tpu.memory_space<vmem>>, vector<128x128xf32>
    %slice3A_18 = vector.extract_strided_slice %dot_general3A_5 {offsets = [128, 0], sizes = [128, 128], strides = [1, 1]} : vector<2560x128xf32> to vector<128x128xf32>
    %dot_general3A_19 = arith.constant dense<0.000000e+00> : vector<128x128xf32>
    %dot_general3A_20 = tpu.matmul %get3A_17, %slice3A_18, %dot_general3A_19 {dimension_numbers = #tpu.dot_dimension_numbers<[1], [0], [0], [1], [0, 0, 1, 1], [], []>, precision = #tpu.contract_precision<fp32>, transpose_lhs_hint = false} : vector<128x128xf32>, vector<128x128xf32>, vector<128x128xf32> -> vector<128x128xf32>
    %add3A_21 = arith.addf %slice3A_14, %dot_general3A_20 : vector<128x128xf32>
    %swap3A_22 = arith.constant 128 : index
    %swap3A_23 = arith.constant 0 : index
    %swap3A_24 = vector.load %arg12[%swap3A_22, %swap3A_23] : memref<2560x128xf32, #tpu.memory_space<vmem>>, vector<128x128xf32>
    tpu.vector_store %arg12[%swap3A_22, %swap3A_23], %add3A_21 {strides = array<i32>} : memref<2560x128xf32, #tpu.memory_space<vmem>>, vector<128x128xf32>,
    %slice3A_25 = vector.extract_strided_slice %dot_general3A_5 {offsets = [256, 0], sizes = [128, 128], strides = [1, 1]} : vector<2560x128xf32> to vector<128x128xf32>
    %get3A_26 = arith.constant 256 : index
    %get3A_27 = arith.constant 0 : index
    %get3A_28 = vector.load %arg1[%get3A_26, %get3A_27] : memref<2560x128xf32, #tpu.memory_space<vmem>>, vector<128x128xf32>
    %slice3A_29 = vector.extract_strided_slice %dot_general3A_5 {offsets = [256, 0], sizes = [128, 128], strides = [1, 1]} : vector<2560x128xf32> to vector<128x128xf32>
    %dot_general3A_30 = arith.constant dense<0.000000e+00> : vector<128x128xf32>
    %dot_general3A_31 = tpu.matmul %get3A_28, %slice3A_29, %dot_general3A_30 {dimension_numbers = #tpu.dot_dimension_numbers<[1], [0], [0], [1], [0, 0, 1, 1], [], []>, precision = #tpu.contract_precision<fp32>, transpose_lhs_hint = false} : vector<128x128xf32>, vector<128x128xf32>, vector<128x128xf32> -> vector<128x128xf32>
    %add3A_32 = arith.addf %slice3A_25, %dot_general3A_31 : vector<128x128xf32>
    %swap3A_33 = arith.constant 256 : index
    %swap3A_34 = arith.constant 0 : index
    %swap3A_35 = vector.load %arg12[%swap3A_33, %swap3A_34] : memref<2560x128xf32, #tpu.memory_space<vmem>>, vector<128x128xf32>
    tpu.vector_store %arg12[%swap3A_33, %swap3A_34], %add3A_32 {strides = array<i32>} : memref<2560x128xf32, #tpu.memory_space<vmem>>, vector<128x128xf32>,
    %slice3A_36 = vector.extract_strided_slice %dot_general3A_5 {offsets = [384, 0], sizes = [128, 128], strides = [1, 1]} : vector<2560x128xf32> to vector<128x128xf32>
    %get3A_37 = arith.constant 384 : index
    %get3A_38 = arith.constant 0 : index
    %get3A_39 = vector.load %arg1[%get3A_37, %get3A_38] : memref<2560x128xf32, #tpu.memory_space<vmem>>, vector<128x128xf32>
    %slice3A_40 = vector.extract_strided_slice %dot_general3A_5 {offsets = [384, 0], sizes = [128, 128], strides = [1, 1]} : vector<2560x128xf32> to vector<128x128xf32>
    %dot_general3A_41 = arith.constant dense<0.000000e+00> : vector<128x128xf32>
    %dot_general3A_42 = tpu.matmul %get3A_39, %slice3A_40, %dot_general3A_41 {dimension_numbers = #tpu.dot_dimension_numbers<[1], [0], [0], [1], [0, 0, 1, 1], [], []>, precision = #tpu.contract_precision<fp32>, transpose_lhs_hint = false} : vector<128x128xf32>, vector<128x128xf32>, vector<128x128xf32> -> vector<128x128xf32>
    %add3A_43 = arith.addf %slice3A_36, %dot_general3A_42 : vector<128x128xf32>
    %swap3A_44 = arith.constant 384 : index
    %swap3A_45 = arith.constant 0 : index
    %swap3A_46 = vector.load %arg12[%swap3A_44, %swap3A_45] : memref<2560x128xf32, #tpu.memory_space<vmem>>, vector<128x128xf32>
    tpu.vector_store %arg12[%swap3A_44, %swap3A_45], %add3A_43 {strides = array<i32>} : memref<2560x128xf32, #tpu.memory_space<vmem>>, vector<128x128xf32>,
    %slice3A_47 = vector.extract_strided_slice %dot_general3A_5 {offsets = [512, 0], sizes = [128, 128], strides = [1, 1]} : vector<2560x128xf32> to vector<128x128xf32>
    %get3A_48 = arith.constant 512 : index
    %get3A_49 = arith.constant 0 : index
    %get3A_50 = vector.load %arg1[%get3A_48, %get3A_49] : memref<2560x128xf32, #tpu.memory_space<vmem>>, vector<128x128xf32>
    %slice3A_51 = vector.extract_strided_slice %dot_general3A_5 {offsets = [512, 0], sizes = [128, 128], strides = [1, 1]} : vector<2560x128xf32> to vector<128x128xf32>
    %dot_general3A_52 = arith.constant dense<0.000000e+00> : vector<128x128xf32>
    %dot_general3A_53 = tpu.matmul %get3A_50, %slice3A_51, %dot_general3A_52 {dimension_numbers = #tpu.dot_dimension_numbers<[1], [0], [0], [1], [0, 0, 1, 1], [], []>, precision = #tpu.contract_precision<fp32>, transpose_lhs_hint = false} : vector<128x128xf32>, vector<128x128xf32>, vector<128x128xf32> -> vector<128x128xf32>
    %add3A_54 = arith.addf %slice3A_47, %dot_general3A_53 : vector<128x128xf32>
    %swap3A_55 = arith.constant 512 : index
    %swap3A_56 = arith.constant 0 : index
    %swap3A_57 = vector.load %arg12[%swap3A_55, %swap3A_56] : memref<2560x128xf32, #tpu.memory_space<vmem>>, vector<128x128xf32>
    tpu.vector_store %arg12[%swap3A_55, %swap3A_56], %add3A_54 {strides = array<i32>} : memref<2560x128xf32, #tpu.memory_space<vmem>>, vector<128x128xf32>,
    %slice3A_58 = vector.extract_strided_slice %dot_general3A_5 {offsets = [640, 0], sizes = [128, 128], strides = [1, 1]} : vector<2560x128xf32> to vector<128x128xf32>
    %get3A_59 = arith.constant 640 : index
    %get3A_60 = arith.constant 0 : index
    %get3A_61 = vector.load %arg1[%get3A_59, %get3A_60] : memref<2560x128xf32, #tpu.memory_space<vmem>>, vector<128x128xf32>
    %slice3A_62 = vector.extract_strided_slice %dot_general3A_5 {offsets = [640, 0], sizes = [128, 128], strides = [1, 1]} : vector<2560x128xf32> to vector<128x128xf32>
    %dot_general3A_63 = arith.constant dense<0.000000e+00> : vector<128x128xf32>
    %dot_general3A_64 = tpu.matmul %get3A_61, %slice3A_62, %dot_general3A_63 {dimension_numbers = #tpu.dot_dimension_numbers<[1], [0], [0], [1], [0, 0, 1, 1], [], []>, precision = #tpu.contract_precision<fp32>, transpose_lhs_hint = false} : vector<128x128xf32>, vector<128x128xf32>, vector<128x128xf32> -> vector<128x128xf32>
    %add3A_65 = arith.addf %slice3A_58, %dot_general3A_64 : vector<128x128xf32>
    %swap3A_66 = arith.constant 640 : index
    %swap3A_67 = arith.constant 0 : index
    %swap3A_68 = vector.load %arg12[%swap3A_66, %swap3A_67] : memref<2560x128xf32, #tpu.memory_space<vmem>>, vector<128x128xf32>
    tpu.vector_store %arg12[%swap3A_66, %swap3A_67], %add3A_65 {strides = array<i32>} : memref<2560x128xf32, #tpu.memory_space<vmem>>, vector<128x128xf32>,
    %slice3A_69 = vector.extract_strided_slice %dot_general3A_5 {offsets = [768, 0], sizes = [128, 128], strides = [1, 1]} : vector<2560x128xf32> to vector<128x128xf32>
    %get3A_70 = arith.constant 768 : index
    %get3A_71 = arith.constant 0 : index
    %get3A_72 = vector.load %arg1[%get3A_70, %get3A_71] : memref<2560x128xf32, #tpu.memory_space<vmem>>, vector<128x128xf32>
    %slice3A_73 = vector.extract_strided_slice %dot_general3A_5 {offsets = [768, 0], sizes = [128, 128], strides = [1, 1]} : vector<2560x128xf32> to vector<128x128xf32>
    %dot_general3A_74 = arith.constant dense<0.000000e+00> : vector<128x128xf32>
    %dot_general3A_75 = tpu.matmul %get3A_72, %slice3A_73, %dot_general3A_74 {dimension_numbers = #tpu.dot_dimension_numbers<[1], [0], [0], [1], [0, 0, 1, 1], [], []>, precision = #tpu.contract_precision<fp32>, transpose_lhs_hint = false} : vector<128x128xf32>, vector<128x128xf32>, vector<128x128xf32> -> vector<128x128xf32>
    %add3A_76 = arith.addf %slice3A_69, %dot_general3A_75 : vector<128x128xf32>
    %swap3A_77 = arith.constant 768 : index
    %swap3A_78 = arith.constant 0 : index
    %swap3A_79 = vector.load %arg12[%swap3A_77, %swap3A_78] : memref<2560x128xf32, #tpu.memory_space<vmem>>, vector<128x128xf32>
    tpu.vector_store %arg12[%swap3A_77, %swap3A_78], %add3A_76 {strides = array<i32>} : memref<2560x128xf32, #tpu.memory_space<vmem>>, vector<128x128xf32>,
    %slice3A_80 = vector.extract_strided_slice %dot_general3A_5 {offsets = [896, 0], sizes = [128, 128], strides = [1, 1]} : vector<2560x128xf32> to vector<128x128xf32>
    %get3A_81 = arith.constant 896 : index
    %get3A_82 = arith.constant 0 : index
    %get3A_83 = vector.load %arg1[%get3A_81, %get3A_82] : memref<2560x128xf32, #tpu.memory_space<vmem>>, vector<128x128xf32>
    %slice3A_84 = vector.extract_strided_slice %dot_general3A_5 {offsets = [896, 0], sizes = [128, 128], strides = [1, 1]} : vector<2560x128xf32> to vector<128x128xf32>
    %dot_general3A_85 = arith.constant dense<0.000000e+00> : vector<128x128xf32>
    %dot_general3A_86 = tpu.matmul %get3A_83, %slice3A_84, %dot_general3A_85 {dimension_numbers = #tpu.dot_dimension_numbers<[1], [0], [0], [1], [0, 0, 1, 1], [], []>, precision = #tpu.contract_precision<fp32>, transpose_lhs_hint = false} : vector<128x128xf32>, vector<128x128xf32>, vector<128x128xf32> -> vector<128x128xf32>
    %add3A_87 = arith.addf %slice3A_80, %dot_general3A_86 : vector<128x128xf32>
    %swap3A_88 = arith.constant 896 : index
    %swap3A_89 = arith.constant 0 : index
    %swap3A_90 = vector.load %arg12[%swap3A_88, %swap3A_89] : memref<2560x128xf32, #tpu.memory_space<vmem>>, vector<128x128xf32>
    tpu.vector_store %arg12[%swap3A_88, %swap3A_89], %add3A_87 {strides = array<i32>} : memref<2560x128xf32, #tpu.memory_space<vmem>>, vector<128x128xf32>,
    %slice3A_91 = vector.extract_strided_slice %dot_general3A_5 {offsets = [1024, 0], sizes = [128, 128], strides = [1, 1]} : vector<2560x128xf32> to vector<128x128xf32>
    %get3A_92 = arith.constant 1024 : index
    %get3A_93 = arith.constant 0 : index
    %get3A_94 = vector.load %arg1[%get3A_92, %get3A_93] : memref<2560x128xf32, #tpu.memory_space<vmem>>, vector<128x128xf32>
    %slice3A_95 = vector.extract_strided_slice %dot_general3A_5 {offsets = [1024, 0], sizes = [128, 128], strides = [1, 1]} : vector<2560x128xf32> to vector<128x128xf32>
    %dot_general3A_96 = arith.constant dense<0.000000e+00> : vector<128x128xf32>
    %dot_general3A_97 = tpu.matmul %get3A_94, %slice3A_95, %dot_general3A_96 {dimension_numbers = #tpu.dot_dimension_numbers<[1], [0], [0], [1], [0, 0, 1, 1], [], []>, precision = #tpu.contract_precision<fp32>, transpose_lhs_hint = false} : vector<128x128xf32>, vector<128x128xf32>, vector<128x128xf32> -> vector<128x128xf32>
    %add3A_98 = arith.addf %slice3A_91, %dot_general3A_97 : vector<128x128xf32>
    %swap3A_99 = arith.constant 1024 : index
    %swap3A_100 = arith.constant 0 : index
    %swap3A_101 = vector.load %arg12[%swap3A_99, %swap3A_100] : memref<2560x128xf32, #tpu.memory_space<vmem>>, vector<128x128xf32>
    tpu.vector_store %arg12[%swap3A_99, %swap3A_100], %add3A_98 {strides = array<i32>} : memref<2560x128xf32, #tpu.memory_space<vmem>>, vector<128x128xf32>,
    %slice3A_102 = vector.extract_strided_slice %dot_general3A_5 {offsets = [1152, 0], sizes = [128, 128], strides = [1, 1]} : vector<2560x128xf32> to vector<128x128xf32>
    %get3A_103 = arith.constant 1152 : index
    %get3A_104 = arith.constant 0 : index
    %get3A_105 = vector.load %arg1[%get3A_103, %get3A_104] : memref<2560x128xf32, #tpu.memory_space<vmem>>, vector<128x128xf32>
    %slice3A_106 = vector.extract_strided_slice %dot_general3A_5 {offsets = [1152, 0], sizes = [128, 128], strides = [1, 1]} : vector<2560x128xf32> to vector<128x128xf32>
    %dot_general3A_107 = arith.constant dense<0.000000e+00> : vector<128x128xf32>
    %dot_general3A_108 = tpu.matmul %get3A_105, %slice3A_106, %dot_general3A_107 {dimension_numbers = #tpu.dot_dimension_numbers<[1], [0], [0], [1], [0, 0, 1, 1], [], []>, precision = #tpu.contract_precision<fp32>, transpose_lhs_hint = false} : vector<128x128xf32>, vector<128x128xf32>, vector<128x128xf32> -> vector<128x128xf32>
    %add3A_109 = arith.addf %slice3A_102, %dot_general3A_108 : vector<128x128xf32>
    %swap3A_110 = arith.constant 1152 : index
    %swap3A_111 = arith.constant 0 : index
    %swap3A_112 = vector.load %arg12[%swap3A_110, %swap3A_111] : memref<2560x128xf32, #tpu.memory_space<vmem>>, vector<128x128xf32>
    tpu.vector_store %arg12[%swap3A_110, %swap3A_111], %add3A_109 {strides = array<i32>} : memref<2560x128xf32, #tpu.memory_space<vmem>>, vector<128x128xf32>,
    %slice3A_113 = vector.extract_strided_slice %dot_general3A_5 {offsets = [1280, 0], sizes = [128, 128], strides = [1, 1]} : vector<2560x128xf32> to vector<128x128xf32>
    %get3A_114 = arith.constant 1280 : index
    %get3A_115 = arith.constant 0 : index
    %get3A_116 = vector.load %arg1[%get3A_114, %get3A_115] : memref<2560x128xf32, #tpu.memory_space<vmem>>, vector<128x128xf32>
    %slice3A_117 = vector.extract_strided_slice %dot_general3A_5 {offsets = [1280, 0], sizes = [128, 128], strides = [1, 1]} : vector<2560x128xf32> to vector<128x128xf32>
    %dot_general3A_118 = arith.constant dense<0.000000e+00> : vector<128x128xf32>
    %dot_general3A_119 = tpu.matmul %get3A_116, %slice3A_117, %dot_general3A_118 {dimension_numbers = #tpu.dot_dimension_numbers<[1], [0], [0], [1], [0, 0, 1, 1], [], []>, precision = #tpu.contract_precision<fp32>, transpose_lhs_hint = false} : vector<128x128xf32>, vector<128x128xf32>, vector<128x128xf32> -> vector<128x128xf32>
    %add3A_120 = arith.addf %slice3A_113, %dot_general3A_119 : vector<128x128xf32>
    %swap3A_121 = arith.constant 1280 : index
    %swap3A_122 = arith.constant 0 : index
    %swap3A_123 = vector.load %arg12[%swap3A_121, %swap3A_122] : memref<2560x128xf32, #tpu.memory_space<vmem>>, vector<128x128xf32>
    tpu.vector_store %arg12[%swap3A_121, %swap3A_122], %add3A_120 {strides = array<i32>} : memref<2560x128xf32, #tpu.memory_space<vmem>>, vector<128x128xf32>,
    %slice3A_124 = vector.extract_strided_slice %dot_general3A_5 {offsets = [1408, 0], sizes = [128, 128], strides = [1, 1]} : vector<2560x128xf32> to vector<128x128xf32>
    %get3A_125 = arith.constant 1408 : index
    %get3A_126 = arith.constant 0 : index
    %get3A_127 = vector.load %arg1[%get3A_125, %get3A_126] : memref<2560x128xf32, #tpu.memory_space<vmem>>, vector<128x128xf32>
    %slice3A_128 = vector.extract_strided_slice %dot_general3A_5 {offsets = [1408, 0], sizes = [128, 128], strides = [1, 1]} : vector<2560x128xf32> to vector<128x128xf32>
    %dot_general3A_129 = arith.constant dense<0.000000e+00> : vector<128x128xf32>
    %dot_general3A_130 = tpu.matmul %get3A_127, %slice3A_128, %dot_general3A_129 {dimension_numbers = #tpu.dot_dimension_numbers<[1], [0], [0], [1], [0, 0, 1, 1], [], []>, precision = #tpu.contract_precision<fp32>, transpose_lhs_hint = false} : vector<128x128xf32>, vector<128x128xf32>, vector<128x128xf32> -> vector<128x128xf32>
    %add3A_131 = arith.addf %slice3A_124, %dot_general3A_130 : vector<128x128xf32>
    %swap3A_132 = arith.constant 1408 : index
    %swap3A_133 = arith.constant 0 : index
    %swap3A_134 = vector.load %arg12[%swap3A_132, %swap3A_133] : memref<2560x128xf32, #tpu.memory_space<vmem>>, vector<128x128xf32>
    tpu.vector_store %arg12[%swap3A_132, %swap3A_133], %add3A_131 {strides = array<i32>} : memref<2560x128xf32, #tpu.memory_space<vmem>>, vector<128x128xf32>,
    %slice3A_135 = vector.extract_strided_slice %dot_general3A_5 {offsets = [1536, 0], sizes = [128, 128], strides = [1, 1]} : vector<2560x128xf32> to vector<128x128xf32>
    %get3A_136 = arith.constant 1536 : index
    %get3A_137 = arith.constant 0 : index
    %get3A_138 = vector.load %arg1[%get3A_136, %get3A_137] : memref<2560x128xf32, #tpu.memory_space<vmem>>, vector<128x128xf32>
    %slice3A_139 = vector.extract_strided_slice %dot_general3A_5 {offsets = [1536, 0], sizes = [128, 128], strides = [1, 1]} : vector<2560x128xf32> to vector<128x128xf32>
    %dot_general3A_140 = arith.constant dense<0.000000e+00> : vector<128x128xf32>
    %dot_general3A_141 = tpu.matmul %get3A_138, %slice3A_139, %dot_general3A_140 {dimension_numbers = #tpu.dot_dimension_numbers<[1], [0], [0], [1], [0, 0, 1, 1], [], []>, precision = #tpu.contract_precision<fp32>, transpose_lhs_hint = false} : vector<128x128xf32>, vector<128x128xf32>, vector<128x128xf32> -> vector<128x128xf32>
    %add3A_142 = arith.addf %slice3A_135, %dot_general3A_141 : vector<128x128xf32>
    %swap3A_143 = arith.constant 1536 : index
    %swap3A_144 = arith.constant 0 : index
    %swap3A_145 = vector.load %arg12[%swap3A_143, %swap3A_144] : memref<2560x128xf32, #tpu.memory_space<vmem>>, vector<128x128xf32>
    tpu.vector_store %arg12[%swap3A_143, %swap3A_144], %add3A_142 {strides = array<i32>} : memref<2560x128xf32, #tpu.memory_space<vmem>>, vector<128x128xf32>,
    %slice3A_146 = vector.extract_strided_slice %dot_general3A_5 {offsets = [1664, 0], sizes = [128, 128], strides = [1, 1]} : vector<2560x128xf32> to vector<128x128xf32>
    %get3A_147 = arith.constant 1664 : index
    %get3A_148 = arith.constant 0 : index
    %get3A_149 = vector.load %arg1[%get3A_147, %get3A_148] : memref<2560x128xf32, #tpu.memory_space<vmem>>, vector<128x128xf32>
    %slice3A_150 = vector.extract_strided_slice %dot_general3A_5 {offsets = [1664, 0], sizes = [128, 128], strides = [1, 1]} : vector<2560x128xf32> to vector<128x128xf32>
    %dot_general3A_151 = arith.constant dense<0.000000e+00> : vector<128x128xf32>
    %dot_general3A_152 = tpu.matmul %get3A_149, %slice3A_150, %dot_general3A_151 {dimension_numbers = #tpu.dot_dimension_numbers<[1], [0], [0], [1], [0, 0, 1, 1], [], []>, precision = #tpu.contract_precision<fp32>, transpose_lhs_hint = false} : vector<128x128xf32>, vector<128x128xf32>, vector<128x128xf32> -> vector<128x128xf32>
    %add3A_153 = arith.addf %slice3A_146, %dot_general3A_152 : vector<128x128xf32>
    %swap3A_154 = arith.constant 1664 : index
    %swap3A_155 = arith.constant 0 : index
    %swap3A_156 = vector.load %arg12[%swap3A_154, %swap3A_155] : memref<2560x128xf32, #tpu.memory_space<vmem>>, vector<128x128xf32>
    tpu.vector_store %arg12[%swap3A_154, %swap3A_155], %add3A_153 {strides = array<i32>} : memref<2560x128xf32, #tpu.memory_space<vmem>>, vector<128x128xf32>,
    %slice3A_157 = vector.extract_strided_slice %dot_general3A_5 {offsets = [1792, 0], sizes = [128, 128], strides = [1, 1]} : vector<2560x128xf32> to vector<128x128xf32>
    %get3A_158 = arith.constant 1792 : index
    %get3A_159 = arith.constant 0 : index
    %get3A_160 = vector.load %arg1[%get3A_158, %get3A_159] : memref<2560x128xf32, #tpu.memory_space<vmem>>, vector<128x128xf32>
    %slice3A_161 = vector.extract_strided_slice %dot_general3A_5 {offsets = [1792, 0], sizes = [128, 128], strides = [1, 1]} : vector<2560x128xf32> to vector<128x128xf32>
    %dot_general3A_162 = arith.constant dense<0.000000e+00> : vector<128x128xf32>
    %dot_general3A_163 = tpu.matmul %get3A_160, %slice3A_161, %dot_general3A_162 {dimension_numbers = #tpu.dot_dimension_numbers<[1], [0], [0], [1], [0, 0, 1, 1], [], []>, precision = #tpu.contract_precision<fp32>, transpose_lhs_hint = false} : vector<128x128xf32>, vector<128x128xf32>, vector<128x128xf32> -> vector<128x128xf32>
    %add3A_164 = arith.addf %slice3A_157, %dot_general3A_163 : vector<128x128xf32>
    %swap3A_165 = arith.constant 1792 : index
    %swap3A_166 = arith.constant 0 : index
    %swap3A_167 = vector.load %arg12[%swap3A_165, %swap3A_166] : memref<2560x128xf32, #tpu.memory_space<vmem>>, vector<128x128xf32>
    tpu.vector_store %arg12[%swap3A_165, %swap3A_166], %add3A_164 {strides = array<i32>} : memref<2560x128xf32, #tpu.memory_space<vmem>>, vector<128x128xf32>,
    %slice3A_168 = vector.extract_strided_slice %dot_general3A_5 {offsets = [1920, 0], sizes = [128, 128], strides = [1, 1]} : vector<2560x128xf32> to vector<128x128xf32>
    %get3A_169 = arith.constant 1920 : index
    %get3A_170 = arith.constant 0 : index
    %get3A_171 = vector.load %arg1[%get3A_169, %get3A_170] : memref<2560x128xf32, #tpu.memory_space<vmem>>, vector<128x128xf32>
    %slice3A_172 = vector.extract_strided_slice %dot_general3A_5 {offsets = [1920, 0], sizes = [128, 128], strides = [1, 1]} : vector<2560x128xf32> to vector<128x128xf32>
    %dot_general3A_173 = arith.constant dense<0.000000e+00> : vector<128x128xf32>
    %dot_general3A_174 = tpu.matmul %get3A_171, %slice3A_172, %dot_general3A_173 {dimension_numbers = #tpu.dot_dimension_numbers<[1], [0], [0], [1], [0, 0, 1, 1], [], []>, precision = #tpu.contract_precision<fp32>, transpose_lhs_hint = false} : vector<128x128xf32>, vector<128x128xf32>, vector<128x128xf32> -> vector<128x128xf32>
    %add3A_175 = arith.addf %slice3A_168, %dot_general3A_174 : vector<128x128xf32>
    %swap3A_176 = arith.constant 1920 : index
    %swap3A_177 = arith.constant 0 : index
    %swap3A_178 = vector.load %arg12[%swap3A_176, %swap3A_177] : memref<2560x128xf32, #tpu.memory_space<vmem>>, vector<128x128xf32>
    tpu.vector_store %arg12[%swap3A_176, %swap3A_177], %add3A_175 {strides = array<i32>} : memref<2560x128xf32, #tpu.memory_space<vmem>>, vector<128x128xf32>,
    %slice3A_179 = vector.extract_strided_slice %dot_general3A_5 {offsets = [2048, 0], sizes = [128, 128], strides = [1, 1]} : vector<2560x128xf32> to vector<128x128xf32>
    %get3A_180 = arith.constant 2048 : index
    %get3A_181 = arith.constant 0 : index
    %get3A_182 = vector.load %arg1[%get3A_180, %get3A_181] : memref<2560x128xf32, #tpu.memory_space<vmem>>, vector<128x128xf32>
    %slice3A_183 = vector.extract_strided_slice %dot_general3A_5 {offsets = [2048, 0], sizes = [128, 128], strides = [1, 1]} : vector<2560x128xf32> to vector<128x128xf32>
    %dot_general3A_184 = arith.constant dense<0.000000e+00> : vector<128x128xf32>
    %dot_general3A_185 = tpu.matmul %get3A_182, %slice3A_183, %dot_general3A_184 {dimension_numbers = #tpu.dot_dimension_numbers<[1], [0], [0], [1], [0, 0, 1, 1], [], []>, precision = #tpu.contract_precision<fp32>, transpose_lhs_hint = false} : vector<128x128xf32>, vector<128x128xf32>, vector<128x128xf32> -> vector<128x128xf32>
    %add3A_186 = arith.addf %slice3A_179, %dot_general3A_185 : vector<128x128xf32>
    %swap3A_187 = arith.constant 2048 : index
    %swap3A_188 = arith.constant 0 : index
    %swap3A_189 = vector.load %arg12[%swap3A_187, %swap3A_188] : memref<2560x128xf32, #tpu.memory_space<vmem>>, vector<128x128xf32>
    tpu.vector_store %arg12[%swap3A_187, %swap3A_188], %add3A_186 {strides = array<i32>} : memref<2560x128xf32, #tpu.memory_space<vmem>>, vector<128x128xf32>,
    %slice3A_190 = vector.extract_strided_slice %dot_general3A_5 {offsets = [2176, 0], sizes = [128, 128], strides = [1, 1]} : vector<2560x128xf32> to vector<128x128xf32>
    %get3A_191 = arith.constant 2176 : index
    %get3A_192 = arith.constant 0 : index
    %get3A_193 = vector.load %arg1[%get3A_191, %get3A_192] : memref<2560x128xf32, #tpu.memory_space<vmem>>, vector<128x128xf32>
    %slice3A_194 = vector.extract_strided_slice %dot_general3A_5 {offsets = [2176, 0], sizes = [128, 128], strides = [1, 1]} : vector<2560x128xf32> to vector<128x128xf32>
    %dot_general3A_195 = arith.constant dense<0.000000e+00> : vector<128x128xf32>
    %dot_general3A_196 = tpu.matmul %get3A_193, %slice3A_194, %dot_general3A_195 {dimension_numbers = #tpu.dot_dimension_numbers<[1], [0], [0], [1], [0, 0, 1, 1], [], []>, precision = #tpu.contract_precision<fp32>, transpose_lhs_hint = false} : vector<128x128xf32>, vector<128x128xf32>, vector<128x128xf32> -> vector<128x128xf32>
    %add3A_197 = arith.addf %slice3A_190, %dot_general3A_196 : vector<128x128xf32>
    %swap3A_198 = arith.constant 2176 : index
    %swap3A_199 = arith.constant 0 : index
    %swap3A_200 = vector.load %arg12[%swap3A_198, %swap3A_199] : memref<2560x128xf32, #tpu.memory_space<vmem>>, vector<128x128xf32>
    tpu.vector_store %arg12[%swap3A_198, %swap3A_199], %add3A_197 {strides = array<i32>} : memref<2560x128xf32, #tpu.memory_space<vmem>>, vector<128x128xf32>,
    %slice3A_201 = vector.extract_strided_slice %dot_general3A_5 {offsets = [2304, 0], sizes = [128, 128], strides = [1, 1]} : vector<2560x128xf32> to vector<128x128xf32>
    %get3A_202 = arith.constant 2304 : index
    %get3A_203 = arith.constant 0 : index
    %get3A_204 = vector.load %arg1[%get3A_202, %get3A_203] : memref<2560x128xf32, #tpu.memory_space<vmem>>, vector<128x128xf32>
    %slice3A_205 = vector.extract_strided_slice %dot_general3A_5 {offsets = [2304, 0], sizes = [128, 128], strides = [1, 1]} : vector<2560x128xf32> to vector<128x128xf32>
    %dot_general3A_206 = arith.constant dense<0.000000e+00> : vector<128x128xf32>
    %dot_general3A_207 = tpu.matmul %get3A_204, %slice3A_205, %dot_general3A_206 {dimension_numbers = #tpu.dot_dimension_numbers<[1], [0], [0], [1], [0, 0, 1, 1], [], []>, precision = #tpu.contract_precision<fp32>, transpose_lhs_hint = false} : vector<128x128xf32>, vector<128x128xf32>, vector<128x128xf32> -> vector<128x128xf32>
    %add3A_208 = arith.addf %slice3A_201, %dot_general3A_207 : vector<128x128xf32>
    %swap3A_209 = arith.constant 2304 : index
    %swap3A_210 = arith.constant 0 : index
    %swap3A_211 = vector.load %arg12[%swap3A_209, %swap3A_210] : memref<2560x128xf32, #tpu.memory_space<vmem>>, vector<128x128xf32>
    tpu.vector_store %arg12[%swap3A_209, %swap3A_210], %add3A_208 {strides = array<i32>} : memref<2560x128xf32, #tpu.memory_space<vmem>>, vector<128x128xf32>,
    %slice3A_212 = vector.extract_strided_slice %dot_general3A_5 {offsets = [2432, 0], sizes = [128, 128], strides = [1, 1]} : vector<2560x128xf32> to vector<128x128xf32>
    %get3A_213 = arith.constant 2432 : index
    %get3A_214 = arith.constant 0 : index
    %get3A_215 = vector.load %arg1[%get3A_213, %get3A_214] : memref<2560x128xf32, #tpu.memory_space<vmem>>, vector<128x128xf32>
    %slice3A_216 = vector.extract_strided_slice %dot_general3A_5 {offsets = [2432, 0], sizes = [128, 128], strides = [1, 1]} : vector<2560x128xf32> to vector<128x128xf32>
    %dot_general3A_217 = arith.constant dense<0.000000e+00> : vector<128x128xf32>
    %dot_general3A_218 = tpu.matmul %get3A_215, %slice3A_216, %dot_general3A_217 {dimension_numbers = #tpu.dot_dimension_numbers<[1], [0], [0], [1], [0, 0, 1, 1], [], []>, precision = #tpu.contract_precision<fp32>, transpose_lhs_hint = false} : vector<128x128xf32>, vector<128x128xf32>, vector<128x128xf32> -> vector<128x128xf32>
    %add3A_219 = arith.addf %slice3A_212, %dot_general3A_218 : vector<128x128xf32>
    %swap3A_220 = arith.constant 2432 : index
    %swap3A_221 = arith.constant 0 : index
    %swap3A_222 = vector.load %arg12[%swap3A_220, %swap3A_221] : memref<2560x128xf32, #tpu.memory_space<vmem>>, vector<128x128xf32>
    tpu.vector_store %arg12[%swap3A_220, %swap3A_221], %add3A_219 {strides = array<i32>} : memref<2560x128xf32, #tpu.memory_space<vmem>>, vector<128x128xf32>,
    %get3A_223 = arith.constant 0 : index
    %get3A_224 = arith.constant 0 : index
    %get3A_225 = vector.load %arg12[%get3A_223, %get3A_224] : memref<2560x128xf32, #tpu.memory_space<vmem>>, vector<2560x128xf32>
    %get3A_226 = arith.constant 0 : index
    %get3A_227 = arith.constant 0 : index
    %get3A_228 = vector.load %arg5[%get3A_226, %get3A_227] : memref<128x4xf32, #tpu.memory_space<vmem>>, vector<128x4xf32>
    %dot_general3A_229 = arith.constant dense<0.000000e+00> : vector<2560x4xf32>
    %dot_general3A_230 = tpu.matmul %get3A_225, %get3A_228, %dot_general3A_229 {dimension_numbers = #tpu.dot_dimension_numbers<[1], [0], [0], [1], [0, 0, 1, 1], [], []>, transpose_lhs_hint = false} : vector<2560x128xf32>, vector<128x4xf32>, vector<2560x4xf32> -> vector<2560x4xf32>
    %reduce_max3A = arith.constant dense<0xFF800000> : vector<2560xf32>
    %reduce_max3A_231 = vector.multi_reduction <maximumf>, %dot_general3A_230, %reduce_max3A [1] : vector<2560x4xf32> to vector<2560xf32>
    %broadcast_in_dim3A = vector.shape_cast %reduce_max3A_231 : vector<2560xf32> to vector<2560x1xf32>
    %sub3A = vector.broadcast %broadcast_in_dim3A : vector<2560x1xf32> to vector<2560x4xf32>
    %sub3A_232 = arith.subf %dot_general3A_230, %sub3A : vector<2560x4xf32>
    %exp3A = math.exp %sub3A_232 : vector<2560x4xf32>
    %reduce_sum3A = arith.constant dense<0.000000e+00> : vector<2560xf32>
    %reduce_sum3A_233 = vector.multi_reduction <add>, %exp3A, %reduce_sum3A [1] : vector<2560x4xf32> to vector<2560xf32>
    %broadcast_in_dim3A_234 = vector.shape_cast %reduce_sum3A_233 : vector<2560xf32> to vector<2560x1xf32>
    %div3A = vector.broadcast %broadcast_in_dim3A_234 : vector<2560x1xf32> to vector<2560x4xf32>
    %div3A_235 = arith.divf %exp3A, %div3A : vector<2560x4xf32>
    %iota3A = tpu.iota {dimensions = array<i32: 0>} : vector<2560x1xi32>
    %and3A = arith.constant 127 : i32
    %and3A_236 = vector.broadcast %and3A : i32 to vector<2560x1xi32>
    %and3A_237 = arith.andi %iota3A, %and3A_236 : vector<2560x1xi32>
    %lt3A = arith.constant 100 : i32
    %lt3A_238 = vector.broadcast %lt3A : i32 to vector<2560x1xi32>
    %lt3A_239 = arith.cmpi slt, %and3A_237, %lt3A_238 : vector<2560x1xi32>
    %convert_element_type3A = arith.extui %lt3A_239 : vector<2560x1xi1> to vector<2560x1xi32>
    %convert_element_type3A_240 = arith.sitofp %convert_element_type3A : vector<2560x1xi32> to vector<2560x1xf32>
    %mul3A = vector.broadcast %convert_element_type3A_240 : vector<2560x1xf32> to vector<2560x4xf32>
    %mul3A_241 = arith.mulf %div3A_235, %mul3A : vector<2560x4xf32>
    %slice3A_242 = vector.extract_strided_slice %mul3A_241 {offsets = [0, 0], sizes = [2560, 1], strides = [1, 1]} : vector<2560x4xf32> to vector<2560x1xf32>
    %slice3A_243 = vector.extract_strided_slice %mul3A_241 {offsets = [0, 0], sizes = [2560, 1], strides = [1, 1]} : vector<2560x4xf32> to vector<2560x1xf32>
    %mul3A_244 = arith.mulf %slice3A_242, %slice3A_243 : vector<2560x1xf32>
    %mul3A_245 = vector.broadcast %mul3A_244 : vector<2560x1xf32> to vector<2560x128xf32>
    %mul3A_246 = arith.mulf %dot_general3A_5, %mul3A_245 : vector<2560x128xf32>
    %slice3A_247 = vector.extract_strided_slice %mul3A_241 {offsets = [0, 1], sizes = [2560, 1], strides = [1, 1]} : vector<2560x4xf32> to vector<2560x1xf32>
    %slice3A_248 = vector.extract_strided_slice %mul3A_241 {offsets = [0, 1], sizes = [2560, 1], strides = [1, 1]} : vector<2560x4xf32> to vector<2560x1xf32>
    %mul3A_249 = arith.mulf %slice3A_247, %slice3A_248 : vector<2560x1xf32>
    %mul3A_250 = vector.broadcast %mul3A_249 : vector<2560x1xf32> to vector<2560x128xf32>
    %mul3A_251 = arith.mulf %dot_general3A_5, %mul3A_250 : vector<2560x128xf32>
    %slice3A_252 = vector.extract_strided_slice %mul3A_241 {offsets = [0, 2], sizes = [2560, 1], strides = [1, 1]} : vector<2560x4xf32> to vector<2560x1xf32>
    %slice3A_253 = vector.extract_strided_slice %mul3A_241 {offsets = [0, 2], sizes = [2560, 1], strides = [1, 1]} : vector<2560x4xf32> to vector<2560x1xf32>
    %mul3A_254 = arith.mulf %slice3A_252, %slice3A_253 : vector<2560x1xf32>
    %mul3A_255 = vector.broadcast %mul3A_254 : vector<2560x1xf32> to vector<2560x128xf32>
    %mul3A_256 = arith.mulf %dot_general3A_5, %mul3A_255 : vector<2560x128xf32>
    %slice3A_257 = vector.extract_strided_slice %mul3A_241 {offsets = [0, 3], sizes = [2560, 1], strides = [1, 1]} : vector<2560x4xf32> to vector<2560x1xf32>
    %slice3A_258 = vector.extract_strided_slice %mul3A_241 {offsets = [0, 3], sizes = [2560, 1], strides = [1, 1]} : vector<2560x4xf32> to vector<2560x1xf32>
    %mul3A_259 = arith.mulf %slice3A_257, %slice3A_258 : vector<2560x1xf32>
    %mul3A_260 = vector.broadcast %mul3A_259 : vector<2560x1xf32> to vector<2560x128xf32>
    %mul3A_261 = arith.mulf %dot_general3A_5, %mul3A_260 : vector<2560x128xf32>
    %concatenate3A = tpu.concatenate %mul3A_246, %mul3A_251, %mul3A_256, %mul3A_261 in 1 : vector<2560x128xf32>, vector<2560x128xf32>, vector<2560x128xf32>, vector<2560x128xf32> -> vector<2560x512xf32>
    %get3A_262 = arith.constant 0 : index
    %get3A_263 = arith.constant 0 : index
    %get3A_264 = vector.load %arg2[%get3A_262, %get3A_263] : memref<2560x128xf32, #tpu.memory_space<vmem>>, vector<128x128xf32>
    %slice3A_265 = vector.extract_strided_slice %concatenate3A {offsets = [0, 0], sizes = [128, 512], strides = [1, 1]} : vector<2560x512xf32> to vector<128x512xf32>
    %dot_general3A_266 = arith.constant dense<0.000000e+00> : vector<128x512xf32>
    %dot_general3A_267 = tpu.matmul %get3A_264, %slice3A_265, %dot_general3A_266 {dimension_numbers = #tpu.dot_dimension_numbers<[1], [0], [0], [1], [0, 0, 1, 1], [], []>, precision = #tpu.contract_precision<fp32>, transpose_lhs_hint = false} : vector<128x128xf32>, vector<128x512xf32>, vector<128x512xf32> -> vector<128x512xf32>
    %swap3A_268 = arith.constant 0 : index
    %swap3A_269 = arith.constant 0 : index
    %swap3A_270 = vector.load %arg13[%swap3A_268, %swap3A_269] : memref<2560x512xf32, #tpu.memory_space<vmem>>, vector<128x512xf32>
    tpu.vector_store %arg13[%swap3A_268, %swap3A_269], %dot_general3A_267 {strides = array<i32>} : memref<2560x512xf32, #tpu.memory_space<vmem>>, vector<128x512xf32>,
    %get3A_271 = arith.constant 128 : index
    %get3A_272 = arith.constant 0 : index
    %get3A_273 = vector.load %arg2[%get3A_271, %get3A_272] : memref<2560x128xf32, #tpu.memory_space<vmem>>, vector<128x128xf32>
    %slice3A_274 = vector.extract_strided_slice %concatenate3A {offsets = [128, 0], sizes = [128, 512], strides = [1, 1]} : vector<2560x512xf32> to vector<128x512xf32>
    %dot_general3A_275 = arith.constant dense<0.000000e+00> : vector<128x512xf32>
    %dot_general3A_276 = tpu.matmul %get3A_273, %slice3A_274, %dot_general3A_275 {dimension_numbers = #tpu.dot_dimension_numbers<[1], [0], [0], [1], [0, 0, 1, 1], [], []>, precision = #tpu.contract_precision<fp32>, transpose_lhs_hint = false} : vector<128x128xf32>, vector<128x512xf32>, vector<128x512xf32> -> vector<128x512xf32>
    %swap3A_277 = arith.constant 128 : index
    %swap3A_278 = arith.constant 0 : index
    %swap3A_279 = vector.load %arg13[%swap3A_277, %swap3A_278] : memref<2560x512xf32, #tpu.memory_space<vmem>>, vector<128x512xf32>
    tpu.vector_store %arg13[%swap3A_277, %swap3A_278], %dot_general3A_276 {strides = array<i32>} : memref<2560x512xf32, #tpu.memory_space<vmem>>, vector<128x512xf32>,
    %get3A_280 = arith.constant 256 : index
    %get3A_281 = arith.constant 0 : index
    %get3A_282 = vector.load %arg2[%get3A_280, %get3A_281] : memref<2560x128xf32, #tpu.memory_space<vmem>>, vector<128x128xf32>
    %slice3A_283 = vector.extract_strided_slice %concatenate3A {offsets = [256, 0], sizes = [128, 512], strides = [1, 1]} : vector<2560x512xf32> to vector<128x512xf32>
    %dot_general3A_284 = arith.constant dense<0.000000e+00> : vector<128x512xf32>
    %dot_general3A_285 = tpu.matmul %get3A_282, %slice3A_283, %dot_general3A_284 {dimension_numbers = #tpu.dot_dimension_numbers<[1], [0], [0], [1], [0, 0, 1, 1], [], []>, precision = #tpu.contract_precision<fp32>, transpose_lhs_hint = false} : vector<128x128xf32>, vector<128x512xf32>, vector<128x512xf32> -> vector<128x512xf32>
    %swap3A_286 = arith.constant 256 : index
    %swap3A_287 = arith.constant 0 : index
    %swap3A_288 = vector.load %arg13[%swap3A_286, %swap3A_287] : memref<2560x512xf32, #tpu.memory_space<vmem>>, vector<128x512xf32>
    tpu.vector_store %arg13[%swap3A_286, %swap3A_287], %dot_general3A_285 {strides = array<i32>} : memref<2560x512xf32, #tpu.memory_space<vmem>>, vector<128x512xf32>,
    %get3A_289 = arith.constant 384 : index
    %get3A_290 = arith.constant 0 : index
    %get3A_291 = vector.load %arg2[%get3A_289, %get3A_290] : memref<2560x128xf32, #tpu.memory_space<vmem>>, vector<128x128xf32>
    %slice3A_292 = vector.extract_strided_slice %concatenate3A {offsets = [384, 0], sizes = [128, 512], strides = [1, 1]} : vector<2560x512xf32> to vector<128x512xf32>
    %dot_general3A_293 = arith.constant dense<0.000000e+00> : vector<128x512xf32>
    %dot_general3A_294 = tpu.matmul %get3A_291, %slice3A_292, %dot_general3A_293 {dimension_numbers = #tpu.dot_dimension_numbers<[1], [0], [0], [1], [0, 0, 1, 1], [], []>, precision = #tpu.contract_precision<fp32>, transpose_lhs_hint = false} : vector<128x128xf32>, vector<128x512xf32>, vector<128x512xf32> -> vector<128x512xf32>
    %swap3A_295 = arith.constant 384 : index
    %swap3A_296 = arith.constant 0 : index
    %swap3A_297 = vector.load %arg13[%swap3A_295, %swap3A_296] : memref<2560x512xf32, #tpu.memory_space<vmem>>, vector<128x512xf32>
    tpu.vector_store %arg13[%swap3A_295, %swap3A_296], %dot_general3A_294 {strides = array<i32>} : memref<2560x512xf32, #tpu.memory_space<vmem>>, vector<128x512xf32>,
    %get3A_298 = arith.constant 512 : index
    %get3A_299 = arith.constant 0 : index
    %get3A_300 = vector.load %arg2[%get3A_298, %get3A_299] : memref<2560x128xf32, #tpu.memory_space<vmem>>, vector<128x128xf32>
    %slice3A_301 = vector.extract_strided_slice %concatenate3A {offsets = [512, 0], sizes = [128, 512], strides = [1, 1]} : vector<2560x512xf32> to vector<128x512xf32>
    %dot_general3A_302 = arith.constant dense<0.000000e+00> : vector<128x512xf32>
    %dot_general3A_303 = tpu.matmul %get3A_300, %slice3A_301, %dot_general3A_302 {dimension_numbers = #tpu.dot_dimension_numbers<[1], [0], [0], [1], [0, 0, 1, 1], [], []>, precision = #tpu.contract_precision<fp32>, transpose_lhs_hint = false} : vector<128x128xf32>, vector<128x512xf32>, vector<128x512xf32> -> vector<128x512xf32>
    %swap3A_304 = arith.constant 512 : index
    %swap3A_305 = arith.constant 0 : index
    %swap3A_306 = vector.load %arg13[%swap3A_304, %swap3A_305] : memref<2560x512xf32, #tpu.memory_space<vmem>>, vector<128x512xf32>
    tpu.vector_store %arg13[%swap3A_304, %swap3A_305], %dot_general3A_303 {strides = array<i32>} : memref<2560x512xf32, #tpu.memory_space<vmem>>, vector<128x512xf32>,
    %get3A_307 = arith.constant 640 : index
    %get3A_308 = arith.constant 0 : index
    %get3A_309 = vector.load %arg2[%get3A_307, %get3A_308] : memref<2560x128xf32, #tpu.memory_space<vmem>>, vector<128x128xf32>
    %slice3A_310 = vector.extract_strided_slice %concatenate3A {offsets = [640, 0], sizes = [128, 512], strides = [1, 1]} : vector<2560x512xf32> to vector<128x512xf32>
    %dot_general3A_311 = arith.constant dense<0.000000e+00> : vector<128x512xf32>
    %dot_general3A_312 = tpu.matmul %get3A_309, %slice3A_310, %dot_general3A_311 {dimension_numbers = #tpu.dot_dimension_numbers<[1], [0], [0], [1], [0, 0, 1, 1], [], []>, precision = #tpu.contract_precision<fp32>, transpose_lhs_hint = false} : vector<128x128xf32>, vector<128x512xf32>, vector<128x512xf32> -> vector<128x512xf32>
    %swap3A_313 = arith.constant 640 : index
    %swap3A_314 = arith.constant 0 : index
    %swap3A_315 = vector.load %arg13[%swap3A_313, %swap3A_314] : memref<2560x512xf32, #tpu.memory_space<vmem>>, vector<128x512xf32>
    tpu.vector_store %arg13[%swap3A_313, %swap3A_314], %dot_general3A_312 {strides = array<i32>} : memref<2560x512xf32, #tpu.memory_space<vmem>>, vector<128x512xf32>,
    %get3A_316 = arith.constant 768 : index
    %get3A_317 = arith.constant 0 : index
    %get3A_318 = vector.load %arg2[%get3A_316, %get3A_317] : memref<2560x128xf32, #tpu.memory_space<vmem>>, vector<128x128xf32>
    %slice3A_319 = vector.extract_strided_slice %concatenate3A {offsets = [768, 0], sizes = [128, 512], strides = [1, 1]} : vector<2560x512xf32> to vector<128x512xf32>
    %dot_general3A_320 = arith.constant dense<0.000000e+00> : vector<128x512xf32>
    %dot_general3A_321 = tpu.matmul %get3A_318, %slice3A_319, %dot_general3A_320 {dimension_numbers = #tpu.dot_dimension_numbers<[1], [0], [0], [1], [0, 0, 1, 1], [], []>, precision = #tpu.contract_precision<fp32>, transpose_lhs_hint = false} : vector<128x128xf32>, vector<128x512xf32>, vector<128x512xf32> -> vector<128x512xf32>
    %swap3A_322 = arith.constant 768 : index
    %swap3A_323 = arith.constant 0 : index
    %swap3A_324 = vector.load %arg13[%swap3A_322, %swap3A_323] : memref<2560x512xf32, #tpu.memory_space<vmem>>, vector<128x512xf32>
    tpu.vector_store %arg13[%swap3A_322, %swap3A_323], %dot_general3A_321 {strides = array<i32>} : memref<2560x512xf32, #tpu.memory_space<vmem>>, vector<128x512xf32>,
    %get3A_325 = arith.constant 896 : index
    %get3A_326 = arith.constant 0 : index
    %get3A_327 = vector.load %arg2[%get3A_325, %get3A_326] : memref<2560x128xf32, #tpu.memory_space<vmem>>, vector<128x128xf32>
    %slice3A_328 = vector.extract_strided_slice %concatenate3A {offsets = [896, 0], sizes = [128, 512], strides = [1, 1]} : vector<2560x512xf32> to vector<128x512xf32>
    %dot_general3A_329 = arith.constant dense<0.000000e+00> : vector<128x512xf32>
    %dot_general3A_330 = tpu.matmul %get3A_327, %slice3A_328, %dot_general3A_329 {dimension_numbers = #tpu.dot_dimension_numbers<[1], [0], [0], [1], [0, 0, 1, 1], [], []>, precision = #tpu.contract_precision<fp32>, transpose_lhs_hint = false} : vector<128x128xf32>, vector<128x512xf32>, vector<128x512xf32> -> vector<128x512xf32>
    %swap3A_331 = arith.constant 896 : index
    %swap3A_332 = arith.constant 0 : index
    %swap3A_333 = vector.load %arg13[%swap3A_331, %swap3A_332] : memref<2560x512xf32, #tpu.memory_space<vmem>>, vector<128x512xf32>
    tpu.vector_store %arg13[%swap3A_331, %swap3A_332], %dot_general3A_330 {strides = array<i32>} : memref<2560x512xf32, #tpu.memory_space<vmem>>, vector<128x512xf32>,
    %get3A_334 = arith.constant 1024 : index
    %get3A_335 = arith.constant 0 : index
    %get3A_336 = vector.load %arg2[%get3A_334, %get3A_335] : memref<2560x128xf32, #tpu.memory_space<vmem>>, vector<128x128xf32>
    %slice3A_337 = vector.extract_strided_slice %concatenate3A {offsets = [1024, 0], sizes = [128, 512], strides = [1, 1]} : vector<2560x512xf32> to vector<128x512xf32>
    %dot_general3A_338 = arith.constant dense<0.000000e+00> : vector<128x512xf32>
    %dot_general3A_339 = tpu.matmul %get3A_336, %slice3A_337, %dot_general3A_338 {dimension_numbers = #tpu.dot_dimension_numbers<[1], [0], [0], [1], [0, 0, 1, 1], [], []>, precision = #tpu.contract_precision<fp32>, transpose_lhs_hint = false} : vector<128x128xf32>, vector<128x512xf32>, vector<128x512xf32> -> vector<128x512xf32>
    %swap3A_340 = arith.constant 1024 : index
    %swap3A_341 = arith.constant 0 : index
    %swap3A_342 = vector.load %arg13[%swap3A_340, %swap3A_341] : memref<2560x512xf32, #tpu.memory_space<vmem>>, vector<128x512xf32>
    tpu.vector_store %arg13[%swap3A_340, %swap3A_341], %dot_general3A_339 {strides = array<i32>} : memref<2560x512xf32, #tpu.memory_space<vmem>>, vector<128x512xf32>,
    %get3A_343 = arith.constant 1152 : index
    %get3A_344 = arith.constant 0 : index
    %get3A_345 = vector.load %arg2[%get3A_343, %get3A_344] : memref<2560x128xf32, #tpu.memory_space<vmem>>, vector<128x128xf32>
    %slice3A_346 = vector.extract_strided_slice %concatenate3A {offsets = [1152, 0], sizes = [128, 512], strides = [1, 1]} : vector<2560x512xf32> to vector<128x512xf32>
    %dot_general3A_347 = arith.constant dense<0.000000e+00> : vector<128x512xf32>
    %dot_general3A_348 = tpu.matmul %get3A_345, %slice3A_346, %dot_general3A_347 {dimension_numbers = #tpu.dot_dimension_numbers<[1], [0], [0], [1], [0, 0, 1, 1], [], []>, precision = #tpu.contract_precision<fp32>, transpose_lhs_hint = false} : vector<128x128xf32>, vector<128x512xf32>, vector<128x512xf32> -> vector<128x512xf32>
    %swap3A_349 = arith.constant 1152 : index
    %swap3A_350 = arith.constant 0 : index
    %swap3A_351 = vector.load %arg13[%swap3A_349, %swap3A_350] : memref<2560x512xf32, #tpu.memory_space<vmem>>, vector<128x512xf32>
    tpu.vector_store %arg13[%swap3A_349, %swap3A_350], %dot_general3A_348 {strides = array<i32>} : memref<2560x512xf32, #tpu.memory_space<vmem>>, vector<128x512xf32>,
    %get3A_352 = arith.constant 1280 : index
    %get3A_353 = arith.constant 0 : index
    %get3A_354 = vector.load %arg2[%get3A_352, %get3A_353] : memref<2560x128xf32, #tpu.memory_space<vmem>>, vector<128x128xf32>
    %slice3A_355 = vector.extract_strided_slice %concatenate3A {offsets = [1280, 0], sizes = [128, 512], strides = [1, 1]} : vector<2560x512xf32> to vector<128x512xf32>
    %dot_general3A_356 = arith.constant dense<0.000000e+00> : vector<128x512xf32>
    %dot_general3A_357 = tpu.matmul %get3A_354, %slice3A_355, %dot_general3A_356 {dimension_numbers = #tpu.dot_dimension_numbers<[1], [0], [0], [1], [0, 0, 1, 1], [], []>, precision = #tpu.contract_precision<fp32>, transpose_lhs_hint = false} : vector<128x128xf32>, vector<128x512xf32>, vector<128x512xf32> -> vector<128x512xf32>
    %swap3A_358 = arith.constant 1280 : index
    %swap3A_359 = arith.constant 0 : index
    %swap3A_360 = vector.load %arg13[%swap3A_358, %swap3A_359] : memref<2560x512xf32, #tpu.memory_space<vmem>>, vector<128x512xf32>
    tpu.vector_store %arg13[%swap3A_358, %swap3A_359], %dot_general3A_357 {strides = array<i32>} : memref<2560x512xf32, #tpu.memory_space<vmem>>, vector<128x512xf32>,
    %get3A_361 = arith.constant 1408 : index
    %get3A_362 = arith.constant 0 : index
    %get3A_363 = vector.load %arg2[%get3A_361, %get3A_362] : memref<2560x128xf32, #tpu.memory_space<vmem>>, vector<128x128xf32>
    %slice3A_364 = vector.extract_strided_slice %concatenate3A {offsets = [1408, 0], sizes = [128, 512], strides = [1, 1]} : vector<2560x512xf32> to vector<128x512xf32>
    %dot_general3A_365 = arith.constant dense<0.000000e+00> : vector<128x512xf32>
    %dot_general3A_366 = tpu.matmul %get3A_363, %slice3A_364, %dot_general3A_365 {dimension_numbers = #tpu.dot_dimension_numbers<[1], [0], [0], [1], [0, 0, 1, 1], [], []>, precision = #tpu.contract_precision<fp32>, transpose_lhs_hint = false} : vector<128x128xf32>, vector<128x512xf32>, vector<128x512xf32> -> vector<128x512xf32>
    %swap3A_367 = arith.constant 1408 : index
    %swap3A_368 = arith.constant 0 : index
    %swap3A_369 = vector.load %arg13[%swap3A_367, %swap3A_368] : memref<2560x512xf32, #tpu.memory_space<vmem>>, vector<128x512xf32>
    tpu.vector_store %arg13[%swap3A_367, %swap3A_368], %dot_general3A_366 {strides = array<i32>} : memref<2560x512xf32, #tpu.memory_space<vmem>>, vector<128x512xf32>,
    %get3A_370 = arith.constant 1536 : index
    %get3A_371 = arith.constant 0 : index
    %get3A_372 = vector.load %arg2[%get3A_370, %get3A_371] : memref<2560x128xf32, #tpu.memory_space<vmem>>, vector<128x128xf32>
    %slice3A_373 = vector.extract_strided_slice %concatenate3A {offsets = [1536, 0], sizes = [128, 512], strides = [1, 1]} : vector<2560x512xf32> to vector<128x512xf32>
    %dot_general3A_374 = arith.constant dense<0.000000e+00> : vector<128x512xf32>
    %dot_general3A_375 = tpu.matmul %get3A_372, %slice3A_373, %dot_general3A_374 {dimension_numbers = #tpu.dot_dimension_numbers<[1], [0], [0], [1], [0, 0, 1, 1], [], []>, precision = #tpu.contract_precision<fp32>, transpose_lhs_hint = false} : vector<128x128xf32>, vector<128x512xf32>, vector<128x512xf32> -> vector<128x512xf32>
    %swap3A_376 = arith.constant 1536 : index
    %swap3A_377 = arith.constant 0 : index
    %swap3A_378 = vector.load %arg13[%swap3A_376, %swap3A_377] : memref<2560x512xf32, #tpu.memory_space<vmem>>, vector<128x512xf32>
    tpu.vector_store %arg13[%swap3A_376, %swap3A_377], %dot_general3A_375 {strides = array<i32>} : memref<2560x512xf32, #tpu.memory_space<vmem>>, vector<128x512xf32>,
    %get3A_379 = arith.constant 1664 : index
    %get3A_380 = arith.constant 0 : index
    %get3A_381 = vector.load %arg2[%get3A_379, %get3A_380] : memref<2560x128xf32, #tpu.memory_space<vmem>>, vector<128x128xf32>
    %slice3A_382 = vector.extract_strided_slice %concatenate3A {offsets = [1664, 0], sizes = [128, 512], strides = [1, 1]} : vector<2560x512xf32> to vector<128x512xf32>
    %dot_general3A_383 = arith.constant dense<0.000000e+00> : vector<128x512xf32>
    %dot_general3A_384 = tpu.matmul %get3A_381, %slice3A_382, %dot_general3A_383 {dimension_numbers = #tpu.dot_dimension_numbers<[1], [0], [0], [1], [0, 0, 1, 1], [], []>, precision = #tpu.contract_precision<fp32>, transpose_lhs_hint = false} : vector<128x128xf32>, vector<128x512xf32>, vector<128x512xf32> -> vector<128x512xf32>
    %swap3A_385 = arith.constant 1664 : index
    %swap3A_386 = arith.constant 0 : index
    %swap3A_387 = vector.load %arg13[%swap3A_385, %swap3A_386] : memref<2560x512xf32, #tpu.memory_space<vmem>>, vector<128x512xf32>
    tpu.vector_store %arg13[%swap3A_385, %swap3A_386], %dot_general3A_384 {strides = array<i32>} : memref<2560x512xf32, #tpu.memory_space<vmem>>, vector<128x512xf32>,
    %get3A_388 = arith.constant 1792 : index
    %get3A_389 = arith.constant 0 : index
    %get3A_390 = vector.load %arg2[%get3A_388, %get3A_389] : memref<2560x128xf32, #tpu.memory_space<vmem>>, vector<128x128xf32>
    %slice3A_391 = vector.extract_strided_slice %concatenate3A {offsets = [1792, 0], sizes = [128, 512], strides = [1, 1]} : vector<2560x512xf32> to vector<128x512xf32>
    %dot_general3A_392 = arith.constant dense<0.000000e+00> : vector<128x512xf32>
    %dot_general3A_393 = tpu.matmul %get3A_390, %slice3A_391, %dot_general3A_392 {dimension_numbers = #tpu.dot_dimension_numbers<[1], [0], [0], [1], [0, 0, 1, 1], [], []>, precision = #tpu.contract_precision<fp32>, transpose_lhs_hint = false} : vector<128x128xf32>, vector<128x512xf32>, vector<128x512xf32> -> vector<128x512xf32>
    %swap3A_394 = arith.constant 1792 : index
    %swap3A_395 = arith.constant 0 : index
    %swap3A_396 = vector.load %arg13[%swap3A_394, %swap3A_395] : memref<2560x512xf32, #tpu.memory_space<vmem>>, vector<128x512xf32>
    tpu.vector_store %arg13[%swap3A_394, %swap3A_395], %dot_general3A_393 {strides = array<i32>} : memref<2560x512xf32, #tpu.memory_space<vmem>>, vector<128x512xf32>,
    %get3A_397 = arith.constant 1920 : index
    %get3A_398 = arith.constant 0 : index
    %get3A_399 = vector.load %arg2[%get3A_397, %get3A_398] : memref<2560x128xf32, #tpu.memory_space<vmem>>, vector<128x128xf32>
    %slice3A_400 = vector.extract_strided_slice %concatenate3A {offsets = [1920, 0], sizes = [128, 512], strides = [1, 1]} : vector<2560x512xf32> to vector<128x512xf32>
    %dot_general3A_401 = arith.constant dense<0.000000e+00> : vector<128x512xf32>
    %dot_general3A_402 = tpu.matmul %get3A_399, %slice3A_400, %dot_general3A_401 {dimension_numbers = #tpu.dot_dimension_numbers<[1], [0], [0], [1], [0, 0, 1, 1], [], []>, precision = #tpu.contract_precision<fp32>, transpose_lhs_hint = false} : vector<128x128xf32>, vector<128x512xf32>, vector<128x512xf32> -> vector<128x512xf32>
    %swap3A_403 = arith.constant 1920 : index
    %swap3A_404 = arith.constant 0 : index
    %swap3A_405 = vector.load %arg13[%swap3A_403, %swap3A_404] : memref<2560x512xf32, #tpu.memory_space<vmem>>, vector<128x512xf32>
    tpu.vector_store %arg13[%swap3A_403, %swap3A_404], %dot_general3A_402 {strides = array<i32>} : memref<2560x512xf32, #tpu.memory_space<vmem>>, vector<128x512xf32>,
    %get3A_406 = arith.constant 2048 : index
    %get3A_407 = arith.constant 0 : index
    %get3A_408 = vector.load %arg2[%get3A_406, %get3A_407] : memref<2560x128xf32, #tpu.memory_space<vmem>>, vector<128x128xf32>
    %slice3A_409 = vector.extract_strided_slice %concatenate3A {offsets = [2048, 0], sizes = [128, 512], strides = [1, 1]} : vector<2560x512xf32> to vector<128x512xf32>
    %dot_general3A_410 = arith.constant dense<0.000000e+00> : vector<128x512xf32>
    %dot_general3A_411 = tpu.matmul %get3A_408, %slice3A_409, %dot_general3A_410 {dimension_numbers = #tpu.dot_dimension_numbers<[1], [0], [0], [1], [0, 0, 1, 1], [], []>, precision = #tpu.contract_precision<fp32>, transpose_lhs_hint = false} : vector<128x128xf32>, vector<128x512xf32>, vector<128x512xf32> -> vector<128x512xf32>
    %swap3A_412 = arith.constant 2048 : index
    %swap3A_413 = arith.constant 0 : index
    %swap3A_414 = vector.load %arg13[%swap3A_412, %swap3A_413] : memref<2560x512xf32, #tpu.memory_space<vmem>>, vector<128x512xf32>
    tpu.vector_store %arg13[%swap3A_412, %swap3A_413], %dot_general3A_411 {strides = array<i32>} : memref<2560x512xf32, #tpu.memory_space<vmem>>, vector<128x512xf32>,
    %get3A_415 = arith.constant 2176 : index
    %get3A_416 = arith.constant 0 : index
    %get3A_417 = vector.load %arg2[%get3A_415, %get3A_416] : memref<2560x128xf32, #tpu.memory_space<vmem>>, vector<128x128xf32>
    %slice3A_418 = vector.extract_strided_slice %concatenate3A {offsets = [2176, 0], sizes = [128, 512], strides = [1, 1]} : vector<2560x512xf32> to vector<128x512xf32>
    %dot_general3A_419 = arith.constant dense<0.000000e+00> : vector<128x512xf32>
    %dot_general3A_420 = tpu.matmul %get3A_417, %slice3A_418, %dot_general3A_419 {dimension_numbers = #tpu.dot_dimension_numbers<[1], [0], [0], [1], [0, 0, 1, 1], [], []>, precision = #tpu.contract_precision<fp32>, transpose_lhs_hint = false} : vector<128x128xf32>, vector<128x512xf32>, vector<128x512xf32> -> vector<128x512xf32>
    %swap3A_421 = arith.constant 2176 : index
    %swap3A_422 = arith.constant 0 : index
    %swap3A_423 = vector.load %arg13[%swap3A_421, %swap3A_422] : memref<2560x512xf32, #tpu.memory_space<vmem>>, vector<128x512xf32>
    tpu.vector_store %arg13[%swap3A_421, %swap3A_422], %dot_general3A_420 {strides = array<i32>} : memref<2560x512xf32, #tpu.memory_space<vmem>>, vector<128x512xf32>,
    %get3A_424 = arith.constant 2304 : index
    %get3A_425 = arith.constant 0 : index
    %get3A_426 = vector.load %arg2[%get3A_424, %get3A_425] : memref<2560x128xf32, #tpu.memory_space<vmem>>, vector<128x128xf32>
    %slice3A_427 = vector.extract_strided_slice %concatenate3A {offsets = [2304, 0], sizes = [128, 512], strides = [1, 1]} : vector<2560x512xf32> to vector<128x512xf32>
    %dot_general3A_428 = arith.constant dense<0.000000e+00> : vector<128x512xf32>
    %dot_general3A_429 = tpu.matmul %get3A_426, %slice3A_427, %dot_general3A_428 {dimension_numbers = #tpu.dot_dimension_numbers<[1], [0], [0], [1], [0, 0, 1, 1], [], []>, precision = #tpu.contract_precision<fp32>, transpose_lhs_hint = false} : vector<128x128xf32>, vector<128x512xf32>, vector<128x512xf32> -> vector<128x512xf32>
    %swap3A_430 = arith.constant 2304 : index
    %swap3A_431 = arith.constant 0 : index
    %swap3A_432 = vector.load %arg13[%swap3A_430, %swap3A_431] : memref<2560x512xf32, #tpu.memory_space<vmem>>, vector<128x512xf32>
    tpu.vector_store %arg13[%swap3A_430, %swap3A_431], %dot_general3A_429 {strides = array<i32>} : memref<2560x512xf32, #tpu.memory_space<vmem>>, vector<128x512xf32>,
    %get3A_433 = arith.constant 2432 : index
    %get3A_434 = arith.constant 0 : index
    %get3A_435 = vector.load %arg2[%get3A_433, %get3A_434] : memref<2560x128xf32, #tpu.memory_space<vmem>>, vector<128x128xf32>
    %slice3A_436 = vector.extract_strided_slice %concatenate3A {offsets = [2432, 0], sizes = [128, 512], strides = [1, 1]} : vector<2560x512xf32> to vector<128x512xf32>
    %dot_general3A_437 = arith.constant dense<0.000000e+00> : vector<128x512xf32>
    %dot_general3A_438 = tpu.matmul %get3A_435, %slice3A_436, %dot_general3A_437 {dimension_numbers = #tpu.dot_dimension_numbers<[1], [0], [0], [1], [0, 0, 1, 1], [], []>, precision = #tpu.contract_precision<fp32>, transpose_lhs_hint = false} : vector<128x128xf32>, vector<128x512xf32>, vector<128x512xf32> -> vector<128x512xf32>
    %swap3A_439 = arith.constant 2432 : index
    %swap3A_440 = arith.constant 0 : index
    %swap3A_441 = vector.load %arg13[%swap3A_439, %swap3A_440] : memref<2560x512xf32, #tpu.memory_space<vmem>>, vector<128x512xf32>
    tpu.vector_store %arg13[%swap3A_439, %swap3A_440], %dot_general3A_438 {strides = array<i32>} : memref<2560x512xf32, #tpu.memory_space<vmem>>, vector<128x512xf32>,
    %get3A_442 = arith.constant 0 : index
    %get3A_443 = arith.constant 0 : index
    %get3A_444 = vector.load %arg13[%get3A_442, %get3A_443] : memref<2560x512xf32, #tpu.memory_space<vmem>>, vector<2560x512xf32>
    %iota3A_445 = tpu.iota {dimensions = array<i32: 1>} : vector<32x2560xi32>
    %jit3A = arith.constant 128 : i32
    %div3A_446 = vector.broadcast %jit3A : i32 to vector<32x2560xi32>
    %div3A_447 = arith.divsi %iota3A_445, %div3A_446 : vector<32x2560xi32>
    %sign3A = arith.constant 0 : i32
    %sign3A_448 = vector.broadcast %sign3A : i32 to vector<32x2560xi32>
    %sign3A_449 = arith.cmpi sgt, %iota3A_445, %sign3A_448 : vector<32x2560xi32>
    %sign3A_450 = arith.extui %sign3A_449 : vector<32x2560xi1> to vector<32x2560xi32>
    %sign3A_451 = arith.constant 0 : i32
    %sign3A_452 = vector.broadcast %sign3A_451 : i32 to vector<32x2560xi32>
    %sign3A_453 = arith.cmpi slt, %iota3A_445, %sign3A_452 : vector<32x2560xi32>
    %sign3A_454 = arith.extui %sign3A_453 : vector<32x2560xi1> to vector<32x2560xi32>
    %sign3A_455 = arith.subi %sign3A_450, %sign3A_454 : vector<32x2560xi32>
    %sign3A_456 = arith.constant 0 : i32
    %sign3A_457 = arith.cmpi sgt, %jit3A, %sign3A_456 : i32
    %sign3A_458 = arith.extui %sign3A_457 : i1 to i32
    %sign3A_459 = arith.constant 0 : i32
    %sign3A_460 = arith.cmpi slt, %jit3A, %sign3A_459 : i32
    %sign3A_461 = arith.extui %sign3A_460 : i1 to i32
    %sign3A_462 = arith.subi %sign3A_458, %sign3A_461 : i32
    %ne3A = vector.broadcast %sign3A_462 : i32 to vector<32x2560xi32>
    %ne3A_463 = arith.cmpi ne, %sign3A_455, %ne3A : vector<32x2560xi32>
    %rem3A = vector.broadcast %jit3A : i32 to vector<32x2560xi32>
    %rem3A_464 = arith.remsi %iota3A_445, %rem3A : vector<32x2560xi32>
    %ne3A_465 = arith.constant 0 : i32
    %ne3A_466 = vector.broadcast %ne3A_465 : i32 to vector<32x2560xi32>
    %ne3A_467 = arith.cmpi ne, %rem3A_464, %ne3A_466 : vector<32x2560xi32>
    %and3A_468 = arith.andi %ne3A_463, %ne3A_467 : vector<32x2560xi1>
    %sub3A_469 = arith.constant 1 : i32
    %sub3A_470 = vector.broadcast %sub3A_469 : i32 to vector<32x2560xi32>
    %sub3A_471 = arith.subi %div3A_447, %sub3A_470 : vector<32x2560xi32>
    %select_n3A = arith.select %and3A_468, %sub3A_471, %div3A_447 : vector<32x2560xi1>, vector<32x2560xi32>
    %iota3A_472 = tpu.iota {dimensions = array<i32: 0>} : vector<32x2560xi32>
    %eq3A = arith.cmpi eq, %select_n3A, %iota3A_472 : vector<32x2560xi32>
    %convert_element_type3A_473 = arith.extui %eq3A : vector<32x2560xi1> to vector<32x2560xi32>
    %convert_element_type3A_474 = arith.sitofp %convert_element_type3A_473 : vector<32x2560xi32> to vector<32x2560xf32>
    %iota3A_475 = tpu.iota {dimensions = array<i32: 0>} : vector<2560x32xi32>
    %jit3A_476 = arith.constant 128 : i32
    %div3A_477 = vector.broadcast %jit3A_476 : i32 to vector<2560x32xi32>
    %div3A_478 = arith.divsi %iota3A_475, %div3A_477 : vector<2560x32xi32>
    %sign3A_479 = arith.constant 0 : i32
    %sign3A_480 = vector.broadcast %sign3A_479 : i32 to vector<2560x32xi32>
    %sign3A_481 = arith.cmpi sgt, %iota3A_475, %sign3A_480 : vector<2560x32xi32>
    %sign3A_482 = arith.extui %sign3A_481 : vector<2560x32xi1> to vector<2560x32xi32>
    %sign3A_483 = arith.constant 0 : i32
    %sign3A_484 = vector.broadcast %sign3A_483 : i32 to vector<2560x32xi32>
    %sign3A_485 = arith.cmpi slt, %iota3A_475, %sign3A_484 : vector<2560x32xi32>
    %sign3A_486 = arith.extui %sign3A_485 : vector<2560x32xi1> to vector<2560x32xi32>
    %sign3A_487 = arith.subi %sign3A_482, %sign3A_486 : vector<2560x32xi32>
    %sign3A_488 = arith.constant 0 : i32
    %sign3A_489 = arith.cmpi sgt, %jit3A_476, %sign3A_488 : i32
    %sign3A_490 = arith.extui %sign3A_489 : i1 to i32
    %sign3A_491 = arith.constant 0 : i32
    %sign3A_492 = arith.cmpi slt, %jit3A_476, %sign3A_491 : i32
    %sign3A_493 = arith.extui %sign3A_492 : i1 to i32
    %sign3A_494 = arith.subi %sign3A_490, %sign3A_493 : i32
    %ne3A_495 = vector.broadcast %sign3A_494 : i32 to vector<2560x32xi32>
    %ne3A_496 = arith.cmpi ne, %sign3A_487, %ne3A_495 : vector<2560x32xi32>
    %rem3A_497 = vector.broadcast %jit3A_476 : i32 to vector<2560x32xi32>
    %rem3A_498 = arith.remsi %iota3A_475, %rem3A_497 : vector<2560x32xi32>
    %ne3A_499 = arith.constant 0 : i32
    %ne3A_500 = vector.broadcast %ne3A_499 : i32 to vector<2560x32xi32>
    %ne3A_501 = arith.cmpi ne, %rem3A_498, %ne3A_500 : vector<2560x32xi32>
    %and3A_502 = arith.andi %ne3A_496, %ne3A_501 : vector<2560x32xi1>
    %sub3A_503 = arith.constant 1 : i32
    %sub3A_504 = vector.broadcast %sub3A_503 : i32 to vector<2560x32xi32>
    %sub3A_505 = arith.subi %div3A_478, %sub3A_504 : vector<2560x32xi32>
    %select_n3A_506 = arith.select %and3A_502, %sub3A_505, %div3A_478 : vector<2560x32xi1>, vector<2560x32xi32>
    %iota3A_507 = tpu.iota {dimensions = array<i32: 1>} : vector<2560x32xi32>
    %eq3A_508 = arith.cmpi eq, %select_n3A_506, %iota3A_507 : vector<2560x32xi32>
    %convert_element_type3A_509 = arith.extui %eq3A_508 : vector<2560x32xi1> to vector<2560x32xi32>
    %convert_element_type3A_510 = arith.sitofp %convert_element_type3A_509 : vector<2560x32xi32> to vector<2560x32xf32>
    %broadcast_in_dim3A_511 = arith.constant 0.000000e+00 : f32
    %broadcast_in_dim3A_512 = vector.broadcast %broadcast_in_dim3A_511 : f32 to vector<2560x128xf32>
    %slice3A_513 = vector.extract_strided_slice %mul3A_241 {offsets = [0, 0], sizes = [2560, 1], strides = [1, 1]} : vector<2560x4xf32> to vector<2560x1xf32>
    %slice3A_514 = vector.extract_strided_slice %get3A_444 {offsets = [0, 0], sizes = [2560, 128], strides = [1, 1]} : vector<2560x512xf32> to vector<2560x128xf32>
    %add3A_515 = arith.addf %dot_general3A_5, %slice3A_514 : vector<2560x128xf32>
    %mul3A_516 = vector.broadcast %slice3A_513 : vector<2560x1xf32> to vector<2560x128xf32>
    %mul3A_517 = arith.mulf %mul3A_516, %add3A_515 : vector<2560x128xf32>
    %get3A_518 = arith.constant 0 : index
    %get3A_519 = arith.constant 0 : index
    %get3A_520 = vector.load %arg6[%get3A_518, %get3A_519] : memref<128x128xf32, #tpu.memory_space<vmem>>, vector<128x128xf32>
    %dot_general3A_521 = arith.constant dense<0.000000e+00> : vector<2560x128xf32>
    %dot_general3A_522 = tpu.matmul %mul3A_517, %get3A_520, %dot_general3A_521 {dimension_numbers = #tpu.dot_dimension_numbers<[1], [0], [0], [1], [0, 0, 1, 1], [], []>, transpose_lhs_hint = false} : vector<2560x128xf32>, vector<128x128xf32>, vector<2560x128xf32> -> vector<2560x128xf32>
    %max3A = arith.constant 0.000000e+00 : f32
    %max3A_523 = vector.broadcast %max3A : f32 to vector<2560x128xf32>
    %max3A_524 = arith.maximumf %dot_general3A_522, %max3A_523 : vector<2560x128xf32>
    %dot_general3A_525 = arith.constant dense<0.000000e+00> : vector<32x128xf32>
    %dot_general3A_526 = tpu.matmul %convert_element_type3A_474, %max3A_524, %dot_general3A_525 {dimension_numbers = #tpu.dot_dimension_numbers<[1], [0], [0], [1], [0, 0, 1, 1], [], []>, precision = #tpu.contract_precision<fp32>, transpose_lhs_hint = false} : vector<32x2560xf32>, vector<2560x128xf32>, vector<32x128xf32> -> vector<32x128xf32>
    %slice3A_527 = vector.extract_strided_slice %mul3A_241 {offsets = [0, 0], sizes = [2560, 1], strides = [1, 1]} : vector<2560x4xf32> to vector<2560x1xf32>
    %dot_general3A_528 = arith.constant dense<0.000000e+00> : vector<2560x128xf32>
    %dot_general3A_529 = tpu.matmul %convert_element_type3A_510, %dot_general3A_526, %dot_general3A_528 {dimension_numbers = #tpu.dot_dimension_numbers<[1], [0], [0], [1], [0, 0, 1, 1], [], []>, precision = #tpu.contract_precision<fp32>, transpose_lhs_hint = false} : vector<2560x32xf32>, vector<32x128xf32>, vector<2560x128xf32> -> vector<2560x128xf32>
    %mul3A_530 = vector.broadcast %slice3A_527 : vector<2560x1xf32> to vector<2560x128xf32>
    %mul3A_531 = arith.mulf %mul3A_530, %dot_general3A_529 : vector<2560x128xf32>
    %add3A_532 = arith.addf %broadcast_in_dim3A_512, %mul3A_531 : vector<2560x128xf32>
    %slice3A_533 = vector.extract_strided_slice %mul3A_241 {offsets = [0, 1], sizes = [2560, 1], strides = [1, 1]} : vector<2560x4xf32> to vector<2560x1xf32>
    %slice3A_534 = vector.extract_strided_slice %get3A_444 {offsets = [0, 128], sizes = [2560, 128], strides = [1, 1]} : vector<2560x512xf32> to vector<2560x128xf32>
    %add3A_535 = arith.addf %dot_general3A_5, %slice3A_534 : vector<2560x128xf32>
    %mul3A_536 = vector.broadcast %slice3A_533 : vector<2560x1xf32> to vector<2560x128xf32>
    %mul3A_537 = arith.mulf %mul3A_536, %add3A_535 : vector<2560x128xf32>
    %get3A_538 = arith.constant 0 : index
    %get3A_539 = arith.constant 0 : index
    %get3A_540 = vector.load %arg6[%get3A_538, %get3A_539] : memref<128x128xf32, #tpu.memory_space<vmem>>, vector<128x128xf32>
    %dot_general3A_541 = arith.constant dense<0.000000e+00> : vector<2560x128xf32>
    %dot_general3A_542 = tpu.matmul %mul3A_537, %get3A_540, %dot_general3A_541 {dimension_numbers = #tpu.dot_dimension_numbers<[1], [0], [0], [1], [0, 0, 1, 1], [], []>, transpose_lhs_hint = false} : vector<2560x128xf32>, vector<128x128xf32>, vector<2560x128xf32> -> vector<2560x128xf32>
    %max3A_543 = arith.constant 0.000000e+00 : f32
    %max3A_544 = vector.broadcast %max3A_543 : f32 to vector<2560x128xf32>
    %max3A_545 = arith.maximumf %dot_general3A_542, %max3A_544 : vector<2560x128xf32>
    %dot_general3A_546 = arith.constant dense<0.000000e+00> : vector<32x128xf32>
    %dot_general3A_547 = tpu.matmul %convert_element_type3A_474, %max3A_545, %dot_general3A_546 {dimension_numbers = #tpu.dot_dimension_numbers<[1], [0], [0], [1], [0, 0, 1, 1], [], []>, precision = #tpu.contract_precision<fp32>, transpose_lhs_hint = false} : vector<32x2560xf32>, vector<2560x128xf32>, vector<32x128xf32> -> vector<32x128xf32>
    %slice3A_548 = vector.extract_strided_slice %mul3A_241 {offsets = [0, 1], sizes = [2560, 1], strides = [1, 1]} : vector<2560x4xf32> to vector<2560x1xf32>
    %dot_general3A_549 = arith.constant dense<0.000000e+00> : vector<2560x128xf32>
    %dot_general3A_550 = tpu.matmul %convert_element_type3A_510, %dot_general3A_547, %dot_general3A_549 {dimension_numbers = #tpu.dot_dimension_numbers<[1], [0], [0], [1], [0, 0, 1, 1], [], []>, precision = #tpu.contract_precision<fp32>, transpose_lhs_hint = false} : vector<2560x32xf32>, vector<32x128xf32>, vector<2560x128xf32> -> vector<2560x128xf32>
    %mul3A_551 = vector.broadcast %slice3A_548 : vector<2560x1xf32> to vector<2560x128xf32>
    %mul3A_552 = arith.mulf %mul3A_551, %dot_general3A_550 : vector<2560x128xf32>
    %add3A_553 = arith.addf %add3A_532, %mul3A_552 : vector<2560x128xf32>
    %slice3A_554 = vector.extract_strided_slice %mul3A_241 {offsets = [0, 2], sizes = [2560, 1], strides = [1, 1]} : vector<2560x4xf32> to vector<2560x1xf32>
    %slice3A_555 = vector.extract_strided_slice %get3A_444 {offsets = [0, 256], sizes = [2560, 128], strides = [1, 1]} : vector<2560x512xf32> to vector<2560x128xf32>
    %add3A_556 = arith.addf %dot_general3A_5, %slice3A_555 : vector<2560x128xf32>
    %mul3A_557 = vector.broadcast %slice3A_554 : vector<2560x1xf32> to vector<2560x128xf32>
    %mul3A_558 = arith.mulf %mul3A_557, %add3A_556 : vector<2560x128xf32>
    %get3A_559 = arith.constant 0 : index
    %get3A_560 = arith.constant 0 : index
    %get3A_561 = vector.load %arg6[%get3A_559, %get3A_560] : memref<128x128xf32, #tpu.memory_space<vmem>>, vector<128x128xf32>
    %dot_general3A_562 = arith.constant dense<0.000000e+00> : vector<2560x128xf32>
    %dot_general3A_563 = tpu.matmul %mul3A_558, %get3A_561, %dot_general3A_562 {dimension_numbers = #tpu.dot_dimension_numbers<[1], [0], [0], [1], [0, 0, 1, 1], [], []>, transpose_lhs_hint = false} : vector<2560x128xf32>, vector<128x128xf32>, vector<2560x128xf32> -> vector<2560x128xf32>
    %max3A_564 = arith.constant 0.000000e+00 : f32
    %max3A_565 = vector.broadcast %max3A_564 : f32 to vector<2560x128xf32>
    %max3A_566 = arith.maximumf %dot_general3A_563, %max3A_565 : vector<2560x128xf32>
    %dot_general3A_567 = arith.constant dense<0.000000e+00> : vector<32x128xf32>
    %dot_general3A_568 = tpu.matmul %convert_element_type3A_474, %max3A_566, %dot_general3A_567 {dimension_numbers = #tpu.dot_dimension_numbers<[1], [0], [0], [1], [0, 0, 1, 1], [], []>, precision = #tpu.contract_precision<fp32>, transpose_lhs_hint = false} : vector<32x2560xf32>, vector<2560x128xf32>, vector<32x128xf32> -> vector<32x128xf32>
    %slice3A_569 = vector.extract_strided_slice %mul3A_241 {offsets = [0, 2], sizes = [2560, 1], strides = [1, 1]} : vector<2560x4xf32> to vector<2560x1xf32>
    %dot_general3A_570 = arith.constant dense<0.000000e+00> : vector<2560x128xf32>
    %dot_general3A_571 = tpu.matmul %convert_element_type3A_510, %dot_general3A_568, %dot_general3A_570 {dimension_numbers = #tpu.dot_dimension_numbers<[1], [0], [0], [1], [0, 0, 1, 1], [], []>, precision = #tpu.contract_precision<fp32>, transpose_lhs_hint = false} : vector<2560x32xf32>, vector<32x128xf32>, vector<2560x128xf32> -> vector<2560x128xf32>
    %mul3A_572 = vector.broadcast %slice3A_569 : vector<2560x1xf32> to vector<2560x128xf32>
    %mul3A_573 = arith.mulf %mul3A_572, %dot_general3A_571 : vector<2560x128xf32>
    %add3A_574 = arith.addf %add3A_553, %mul3A_573 : vector<2560x128xf32>
    %slice3A_575 = vector.extract_strided_slice %mul3A_241 {offsets = [0, 3], sizes = [2560, 1], strides = [1, 1]} : vector<2560x4xf32> to vector<2560x1xf32>
    %slice3A_576 = vector.extract_strided_slice %get3A_444 {offsets = [0, 384], sizes = [2560, 128], strides = [1, 1]} : vector<2560x512xf32> to vector<2560x128xf32>
    %add3A_577 = arith.addf %dot_general3A_5, %slice3A_576 : vector<2560x128xf32>
    %mul3A_578 = vector.broadcast %slice3A_575 : vector<2560x1xf32> to vector<2560x128xf32>
    %mul3A_579 = arith.mulf %mul3A_578, %add3A_577 : vector<2560x128xf32>
    %get3A_580 = arith.constant 0 : index
    %get3A_581 = arith.constant 0 : index
    %get3A_582 = vector.load %arg6[%get3A_580, %get3A_581] : memref<128x128xf32, #tpu.memory_space<vmem>>, vector<128x128xf32>
    %dot_general3A_583 = arith.constant dense<0.000000e+00> : vector<2560x128xf32>
    %dot_general3A_584 = tpu.matmul %mul3A_579, %get3A_582, %dot_general3A_583 {dimension_numbers = #tpu.dot_dimension_numbers<[1], [0], [0], [1], [0, 0, 1, 1], [], []>, transpose_lhs_hint = false} : vector<2560x128xf32>, vector<128x128xf32>, vector<2560x128xf32> -> vector<2560x128xf32>
    %max3A_585 = arith.constant 0.000000e+00 : f32
    %max3A_586 = vector.broadcast %max3A_585 : f32 to vector<2560x128xf32>
    %max3A_587 = arith.maximumf %dot_general3A_584, %max3A_586 : vector<2560x128xf32>
    %dot_general3A_588 = arith.constant dense<0.000000e+00> : vector<32x128xf32>
    %dot_general3A_589 = tpu.matmul %convert_element_type3A_474, %max3A_587, %dot_general3A_588 {dimension_numbers = #tpu.dot_dimension_numbers<[1], [0], [0], [1], [0, 0, 1, 1], [], []>, precision = #tpu.contract_precision<fp32>, transpose_lhs_hint = false} : vector<32x2560xf32>, vector<2560x128xf32>, vector<32x128xf32> -> vector<32x128xf32>
    %slice3A_590 = vector.extract_strided_slice %mul3A_241 {offsets = [0, 3], sizes = [2560, 1], strides = [1, 1]} : vector<2560x4xf32> to vector<2560x1xf32>
    %dot_general3A_591 = arith.constant dense<0.000000e+00> : vector<2560x128xf32>
    %dot_general3A_592 = tpu.matmul %convert_element_type3A_510, %dot_general3A_589, %dot_general3A_591 {dimension_numbers = #tpu.dot_dimension_numbers<[1], [0], [0], [1], [0, 0, 1, 1], [], []>, precision = #tpu.contract_precision<fp32>, transpose_lhs_hint = false} : vector<2560x32xf32>, vector<32x128xf32>, vector<2560x128xf32> -> vector<2560x128xf32>
    %mul3A_593 = vector.broadcast %slice3A_590 : vector<2560x1xf32> to vector<2560x128xf32>
    %mul3A_594 = arith.mulf %mul3A_593, %dot_general3A_592 : vector<2560x128xf32>
    %add3A_595 = arith.addf %add3A_574, %mul3A_594 : vector<2560x128xf32>
    %get3A_596 = arith.constant 0 : index
    %get3A_597 = arith.constant 0 : index
    %get3A_598 = vector.load %arg8[%get3A_596, %get3A_597] : memref<128x128xf32, #tpu.memory_space<vmem>>, vector<128x128xf32>
    %dot_general3A_599 = arith.constant dense<0.000000e+00> : vector<2560x128xf32>
    %dot_general3A_600 = tpu.matmul %add3A_595, %get3A_598, %dot_general3A_599 {dimension_numbers = #tpu.dot_dimension_numbers<[1], [0], [0], [1], [0, 0, 1, 1], [], []>, transpose_lhs_hint = false} : vector<2560x128xf32>, vector<128x128xf32>, vector<2560x128xf32> -> vector<2560x128xf32>
    %get3A_601 = arith.constant 0 : index
    %get3A_602 = arith.constant 0 : index
    %get3A_603 = vector.load %arg7[%get3A_601, %get3A_602] : memref<128x128xf32, #tpu.memory_space<vmem>>, vector<128x128xf32>
    %dot_general3A_604 = arith.constant dense<0.000000e+00> : vector<2560x128xf32>
    %dot_general3A_605 = tpu.matmul %get3A_225, %get3A_603, %dot_general3A_604 {dimension_numbers = #tpu.dot_dimension_numbers<[1], [0], [0], [1], [0, 0, 1, 1], [], []>, transpose_lhs_hint = false} : vector<2560x128xf32>, vector<128x128xf32>, vector<2560x128xf32> -> vector<2560x128xf32>
    %add3A_606 = arith.addf %dot_general3A_605, %dot_general3A_600 : vector<2560x128xf32>
    %max3A_607 = arith.constant 0.000000e+00 : f32
    %max3A_608 = vector.broadcast %max3A_607 : f32 to vector<2560x128xf32>
    %max3A_609 = arith.maximumf %add3A_606, %max3A_608 : vector<2560x128xf32>
    %get3A_610 = arith.constant 0 : index
    %get3A_611 = arith.constant 0 : index
    %get3A_612 = vector.load %arg9[%get3A_610, %get3A_611] : memref<128x128xf32, #tpu.memory_space<vmem>>, vector<128x128xf32>
    %dot_general3A_613 = arith.constant dense<0.000000e+00> : vector<2560x128xf32>
    %dot_general3A_614 = tpu.matmul %max3A_609, %get3A_612, %dot_general3A_613 {dimension_numbers = #tpu.dot_dimension_numbers<[1], [0], [0], [1], [0, 0, 1, 1], [], []>, transpose_lhs_hint = false} : vector<2560x128xf32>, vector<128x128xf32>, vector<2560x128xf32> -> vector<2560x128xf32>
    %dot_general3A_615 = arith.constant dense<0.000000e+00> : vector<32x128xf32>
    %dot_general3A_616 = tpu.matmul %convert_element_type3A_474, %dot_general3A_614, %dot_general3A_615 {dimension_numbers = #tpu.dot_dimension_numbers<[1], [0], [0], [1], [0, 0, 1, 1], [], []>, precision = #tpu.contract_precision<fp32>, transpose_lhs_hint = false} : vector<32x2560xf32>, vector<2560x128xf32>, vector<32x128xf32> -> vector<32x128xf32>
    %mul3A_617 = arith.constant 0.00999999977 : f32
    %mul3A_618 = vector.broadcast %mul3A_617 : f32 to vector<32x128xf32>
    %mul3A_619 = arith.mulf %dot_general3A_616, %mul3A_618 : vector<32x128xf32>
    %get3A_620 = arith.constant 0 : index
    %get3A_621 = arith.constant 0 : index
    %get3A_622 = vector.load %arg10[%get3A_620, %get3A_621] : memref<128x1xf32, #tpu.memory_space<vmem>>, vector<128x1xf32>
    %dot_general3A_623 = arith.constant dense<0.000000e+00> : vector<32x1xf32>
    %dot_general3A_624 = tpu.matmul %mul3A_619, %get3A_622, %dot_general3A_623 {dimension_numbers = #tpu.dot_dimension_numbers<[1], [0], [0], [1], [0, 0, 1, 1], [], []>, transpose_lhs_hint = false} : vector<32x128xf32>, vector<128x1xf32>, vector<32x1xf32> -> vector<32x1xf32>
    %slice3A_625 = vector.extract_strided_slice %dot_general3A_624 {offsets = [0, 0], sizes = [20, 1], strides = [1, 1]} : vector<32x1xf32> to vector<20x1xf32>
    %reshape3A = vector.shape_cast %slice3A_625 : vector<20x1xf32> to vector<20x1x1xf32>
    %broadcast_in_dim3A_626 = vector.shape_cast %reshape3A : vector<20x1x1xf32> to vector<20x1x1xf32>
    %broadcast_in_dim3A_627 = vector.broadcast %broadcast_in_dim3A_626 : vector<20x1x1xf32> to vector<20x1x128xf32>
    %swap3A_628 = arith.constant 0 : index
    %swap3A_629 = arith.constant 0 : index
    %swap3A_630 = arith.constant 0 : index
    %swap3A_631 = vector.load %arg11[%swap3A_628, %swap3A_629, %swap3A_630] : memref<20x1x128xf32, #tpu.memory_space<vmem>>, vector<20x1x128xf32>
    tpu.vector_store %arg11[%swap3A_628, %swap3A_629, %swap3A_630], %broadcast_in_dim3A_627 {strides = array<i32>} : memref<20x1x128xf32, #tpu.memory_space<vmem>>, vector<20x1x128xf32>,
    return
  }
  func.func @transform_0(%arg0: i32) -> (i32, i32) {
    %c0_i32 = arith.constant 0 : i32
    %c0_i32_0 = arith.constant 0 : i32
    return %arg0, %c0_i32 : i32, i32
  }
  func.func @transform_1(%arg0: i32) -> (i32, i32) {
    %c0_i32 = arith.constant 0 : i32
    %c0_i32_0 = arith.constant 0 : i32
    return %arg0, %c0_i32 : i32, i32
  }
  func.func @transform_2(%arg0: i32) -> (i32, i32) {
    %c0_i32 = arith.constant 0 : i32
    %c0_i32_0 = arith.constant 0 : i32
    return %arg0, %c0_i32 : i32, i32
  }
  func.func @transform_3(%arg0: i32) -> (i32, i32) {
    %c0_i32 = arith.constant 0 : i32
    %c0_i32_0 = arith.constant 0 : i32
    %c0_i32_1 = arith.constant 0 : i32
    return %c0_i32, %c0_i32_0 : i32, i32
  }
  func.func @transform_4(%arg0: i32) -> (i32, i32) {
    %c0_i32 = arith.constant 0 : i32
    %c0_i32_0 = arith.constant 0 : i32
    %c0_i32_1 = arith.constant 0 : i32
    return %c0_i32, %c0_i32_0 : i32, i32
  }
  func.func @transform_5(%arg0: i32) -> (i32, i32) {
    %c0_i32 = arith.constant 0 : i32
    %c0_i32_0 = arith.constant 0 : i32
    %c0_i32_1 = arith.constant 0 : i32
    return %c0_i32, %c0_i32_0 : i32, i32
  }
  func.func @transform_6(%arg0: i32) -> (i32, i32) {
    %c0_i32 = arith.constant 0 : i32
    %c0_i32_0 = arith.constant 0 : i32
    %c0_i32_1 = arith.constant 0 : i32
    return %c0_i32, %c0_i32_0 : i32, i32
  }
  func.func @transform_7(%arg0: i32) -> (i32, i32) {
    %c0_i32 = arith.constant 0 : i32
    %c0_i32_0 = arith.constant 0 : i32
    %c0_i32_1 = arith.constant 0 : i32
    return %c0_i32, %c0_i32_0 : i32, i32
  }
  func.func @transform_8(%arg0: i32) -> (i32, i32) {
    %c0_i32 = arith.constant 0 : i32
    %c0_i32_0 = arith.constant 0 : i32
    %c0_i32_1 = arith.constant 0 : i32
    return %c0_i32, %c0_i32_0 : i32, i32
  }
  func.func @transform_9(%arg0: i32) -> (i32, i32) {
    %c0_i32 = arith.constant 0 : i32
    %c0_i32_0 = arith.constant 0 : i32
    %c0_i32_1 = arith.constant 0 : i32
    return %c0_i32, %c0_i32_0 : i32, i32
  }
  func.func @transform_10(%arg0: i32) -> (i32, i32, i32) {
    %c0_i32 = arith.constant 0 : i32
    %c0_i32_0 = arith.constant 0 : i32
    %c0_i32_1 = arith.constant 0 : i32
    return %arg0, %c0_i32, %c0_i32_0 : i32, i32, i32
  }
}

</mosaic_0001>

<sc_bundles>
// kernel: _run.4.cloned.1.call-start
scs
__scs_entry_jumppad:
0x0: {  	(pc) =	sbr.rel $0x88, $3  }
0x1: {  	(tag) =	ssettag $0x0;
	lr =	simm.s32 $0x1  }
0x2: {  	[smem:$0x3F97] =	sst lr;
	_ =	strace $0xD0000000  }
0x3: {  	_ = 	snop  }
0x4: {  	_ = 	snop  }
0x5: {  	_ = 	snop  }
0x6: {  	_ = 	snop  }
0x7: {  	_ = 	snop  }
__scs_overlays_trampoline_lowered:
0x8: {  	[smem:$0x3FA6] =	sst s0  }
0x9: {  	[smem:$0x3FA7] =	sst s1  }
0xa: {  	[smem:$0x3FA8] =	sst s2  }
0xb: {  	[smem:$0x3FA9] =	sst s3  }
0xc: {  	[smem:$0x3FAA] =	sst s4  }
0xd: {  	[smem:$0x3FAB] =	sst s5  }
0xe: {  	[smem:$0x3FAC] =	sst s6  }
0xf: {  	[smem:$0x3FAD] =	sst s7  }
0x10: {  	[smem:$0x3FAE] =	sst s8  }
0x11: {  	[smem:$0x3FAF] =	sst s9;
	s0 =	simm.s32 @!p0 $0x0  }
0x12: {  	s1 =	sld [smem:$0x3F95];
	s0 =	simm.s32 @p0 $0x1  }
0x13: {  	[smem:$0x3FB0] =	sst s0;
	s0 =	simm.s32 @!p1 $0x0  }
0x14: {  	s2 =	sld [smem:$0x3F94];
	s0 =	simm.s32 @p1 $0x1  }
0x15: {  	[smem:$0x3FB1] =	sst s0;
	s0 =	simm.s32 @!p2 $0x0  }
0x16: {  	s3 =	sld [smem:$0x3FDB];
	s0 =	simm.s32 @p2 $0x1  }
0x17: {  	s4 =	simm.s32 $0x1BF5;
	[smem:$0x3FB3] =	sst s0  }
0x18: {  	s0 =	sld [smem:$0x3F96];
	_ =	swait.ge [sflag:s4], $0x0  }
0x19: {  	s7 =	sld [smem:$0x3F97]  }
0x1a: {  	s8 =	sadd.s32 $0xFFFFE003, lr  }
0x1b: {  	s9 =	sadd.s32 $0xFFFFFEF7, lr;
	s5 =	simm.s32 $0xFFFFFFFF;
	p2 =	slt.u32 s8, $0xFFFFF086  }
0x1c: {  	p1 =	slt.u32 s9, $0xF7A;
	s5 =	simm.s32 @!p2 $0x0  }
0x1d: {  	s5 =	simm.s32 @p1 $0x1;
	p0 =	seq.s32 s7, s2  }
0x1e: {  	s7 =	smul.u32 @!p0 $0xF7A, s2;
	p2 =	seq.s32 @!p0 s5, $0x0  }
0x1f: {  	s9 =	smul.u32 $0xF7A, s1;
	s8 =	simm.s32 @!p0 $0x1BF5;
	p2 =	por !p2, p0  }
0x20: {  	[sflag:s8] =	ssyncset.s32 @!p0 $0xFFFFF086;
	s6 =	sadd.s32 @!p0 s3, s7;
	s7 =	simm.s32 @!p0 $0x108  }
0x21: {  	s3 =	sadd.s32 s3, s9;
	s6 =	sadd.s32 @!p0 $0x88, s6;
	s7 =	simm.s32 @p2 $0x1082  }
0x22: {  	[simem:s7], [sflag:s8] =	dma.local @!p0 [hbm:s6], $0xF7A  }
0x23: {  	s9 =	sor.u32 $0xD0000000, s2;
	s6 =	simm.s32 $0x108;
	_ =	swait.ge @!p0 [sflag:s8], $0x0  }
0x24: {  	s3 =	sadd.s32 $0x88, s3;
	s6 =	simm.s32 @!p1 $0x1082;
	[sflag:s4] =	ssyncset.s32 $0xFFFFF086  }
0x25: {  	[simem:s6], [sflag:s4] =	dma.local [hbm:s3], $0xF7A  }
0x26: {  	[smem:$0x3F97] =	sst s1;
	(tag) =	ssettag s2;
	_ =	strace s9  }
0x27: {  	s1 =	sld [smem:$0x3FA7]  }
0x28: {  	s2 =	sld [smem:$0x3FA8]  }
0x29: {  	s4 =	sld [smem:$0x3FAA]  }
0x2a: {  	p0 =	seq.s32 s5, $0x0;
	s5 =	sld [smem:$0x3FAB]  }
0x2b: {  	s6 =	sld [smem:$0x3FAC]  }
0x2c: {  	s7 =	sld [smem:$0x3FAD]  }
0x2d: {  	s3 =	simm.s32 $0x108;
	s8 =	sld [smem:$0x3FAE]  }
0x2e: {  	s3 =	simm.s32 @!p0 $0x1082;
	s9 =	sld [smem:$0x3FAF]  }
0x2f: {  	lr =	sadd.s32 s0, s3;
	s0 =	sld [smem:$0x3FA6]  }
0x30: {  	s3 =	sld [smem:$0x3FA9]  }
0x31: {  	[smem:$0x3FB2] =	sst s10  }
0x32: {  	s10 =	sld [smem:$0x3FB0];
	_ =	sdelay $0x3  }
0x33: {  	p0 =	seq.s32 s10, $0x1;
	s10 =	sld [smem:$0x3FB2];
	_ =	sdelay $0x3  }
0x34: {  	[smem:$0x3FB2] =	sst s10  }
0x35: {  	s10 =	sld [smem:$0x3FB1];
	_ =	sdelay $0x3  }
0x36: {  	p1 =	seq.s32 s10, $0x1;
	s10 =	sld [smem:$0x3FB2];
	_ =	sdelay $0x3  }
0x37: {  	[smem:$0x3FB2] =	sst s10  }
0x38: {  	s10 =	sld [smem:$0x3FB3]  }
0x39: {  	_ = 	snop;
	(pc) =	sbr.ind lr, $3  }
0x3a: {  	_ = 	snop  }
0x3b: {  	_ = 	snop  }
0x3c: {  	p2 =	seq.s32 s10, $0x1;
	s10 =	sld [smem:$0x3FB2]  }
0x3d: {  	_ =	shalt  }
0x3e: {  	_ =	shalt  }
0x3f: {  	_ =	shalt  }
0x40: {  	_ =	shalt  }
0x41: {  	_ =	shalt  }
0x42: {  	_ =	shalt  }
0x43: {  	_ =	shalt  }
0x44: {  	_ =	shalt  }
0x45: {  	_ =	shalt  }
0x46: {  	_ =	shalt  }
0x47: {  	_ =	shalt  }
0x48: {  	_ =	shalt  }
0x49: {  	_ =	shalt  }
0x4a: {  	_ =	shalt  }
0x4b: {  	_ =	shalt  }
0x4c: {  	_ =	shalt  }
0x4d: {  	_ =	shalt  }
0x4e: {  	_ =	shalt  }
0x4f: {  	_ =	shalt  }
0x50: {  	_ =	shalt  }
0x51: {  	_ =	shalt  }
0x52: {  	_ =	shalt  }
0x53: {  	_ =	shalt  }
0x54: {  	_ =	shalt  }
0x55: {  	_ =	shalt  }
0x56: {  	_ =	shalt  }
0x57: {  	_ =	shalt  }
0x58: {  	_ =	shalt  }
0x59: {  	_ =	shalt  }
0x5a: {  	_ =	shalt  }
0x5b: {  	_ =	shalt  }
0x5c: {  	_ =	shalt  }
0x5d: {  	_ =	shalt  }
0x5e: {  	_ =	shalt  }
0x5f: {  	_ =	shalt  }
0x60: {  	_ =	shalt  }
0x61: {  	_ =	shalt  }
0x62: {  	_ =	shalt  }
0x63: {  	_ =	shalt  }
0x64: {  	_ =	shalt  }
0x65: {  	_ =	shalt  }
0x66: {  	_ =	shalt  }
0x67: {  	_ =	shalt  }
0x68: {  	_ =	shalt  }
0x69: {  	_ =	shalt  }
0x6a: {  	_ =	shalt  }
0x6b: {  	_ =	shalt  }
0x6c: {  	_ =	shalt  }
0x6d: {  	_ =	shalt  }
0x6e: {  	_ =	shalt  }
0x6f: {  	_ =	shalt  }
0x70: {  	_ =	shalt  }
0x71: {  	_ =	shalt  }
0x72: {  	_ =	shalt  }
0x73: {  	_ =	shalt  }
0x74: {  	_ =	shalt  }
0x75: {  	_ =	shalt  }
0x76: {  	_ =	shalt  }
0x77: {  	_ =	shalt  }
0x78: {  	_ =	shalt  }
0x79: {  	_ =	shalt  }
0x7a: {  	_ =	shalt  }
0x7b: {  	_ =	shalt  }
0x7c: {  	_ =	shalt  }
0x7d: {  	_ =	shalt  }
0x7e: {  	_ =	shalt  }
0x7f: {  	_ =	shalt  }
0x80: {  	_ =	shalt  }
0x81: {  	_ =	shalt  }
0x82: {  	_ =	shalt  }
0x83: {  	_ =	shalt  }
0x84: {  	_ =	shalt  }
0x85: {  	_ =	shalt  }
0x86: {  	_ =	shalt  }
0x87: {  	_ =	shalt  }
.Lfunc_end0:
.L_simem_size_0:
called_computation_lowered:
.L_overlay_start_0:
0x88: {  	s2 =	sld [smem:$0x3FD9]  }
0x89: {  	s3 =	sld [smem:$0x3FFE];
	_ =	sdelay $0x1  }
0x8a: {  	s1 =	srdreg.scid  }
0x8b: {  	s0 =	sand.u32 $0x1, s1  }
0x8c: {  	s17 =	sshll.u32 s0, $0xA;
	s2 =	sadd.s32 s3, s2  }
0x8d: {  	s2 =	sadd.s32 s2, s17  }
0x8e: {  	[smem:$0x3FBE] =	sst s2  }
0x8f: {  	_ = 	snop  }
0x90: {  	s2 =	sld [smem:$0x3FC9]  }
0x91: {  	s18 =	sld [smem:$0x3FC8];
	(tm) =	ssettm $0x1  }
0x92: {  	s4 =	sld [smem:$0x3FFB];
	_ =	sdelay $0x3  }
0x93: {  	_ =	strace s4  }
0x94: {  	s4 =	sld [smem:$0x3FFC];
	_ =	sdelay $0x3  }
0x95: {  	_ =	strace s4  }
0x96: {  	s4 =	sld [smem:$0x3FFD];
	_ =	sdelay $0x3  }
0x97: {  	_ =	strace s4  }
0x98: {  	_ =	strace $0x8FFFFFFF  }
0x99: {  	s19 =	sld [smem:$0x3FDB];
	_ =	sdelay $0x1  }
0x9a: {  	s5 =	simm.s32 $_scs_section_size  }
0x9b: {  	s6 =	simm.s32 $_size__tile_overlayer_lowered;
	s7 =	simm.s32 $_tile_overlayer_lowered  }
0x9c: {  	s22 =	simm.s32 $0x1BFF;
	s21 =	sshll.u32 s7, $0x1;
	s4 =	sadd.s32 s5, s19  }
0x9d: {  	s8 =	simm.s32 $0x0;
	s20 =	sshll.u32 s6, $0x1;
	s6 =	sadd.s32 s21, s4  }
0x9e: {  	[timem:s8], [sflag:s22] =	dma.local [hbm:s6], s20  }
0x9f: {  	_ =	swait.ge [sflag:s22], s20  }
0xa0: {  	s5 =	ssub.s32 $0x0, s20;
	[sflag:s22] =	ssyncset.done $0x0  }
0xa1: {  	[sflag:s22] =	ssyncadd.s32 s5;
	_ =	sdelay $0x1  }
0xa2: {  	s23 =	simm.s32 $0x1B8B  }
0xa3: {  	_ =	swait.ge [sflag:s23], $0x1  }
0xa4: {  	[sflag:s23] =	ssyncset.done $0x0  }
0xa5: {  	s25 =	simm.s32 $0x1B8E;
	s24 =	sld [smem:$0x3FFE];
	[sflag:s23] =	ssyncadd.s32 $0xFFFFFFFF  }
0xa6: {  	s26 =	simm.s32 $execute0_lowered;
	[smem:$0x3FD2] =	sst s25  }
0xa7: {  	s6 =	sshll.u32 s26, $0x1;
	_ =	strace $0x80000046;
	[dreg:$0x1] =	wrdreg $0xFFFFFFFF  }
0xa8: {  	s28 =	simm.s32 $_size_execute0_lowered;
	s4 =	sadd.s32 s4, s6;
	[dreg:$0x0] =	wrdreg $0x0  }
0xa9: {  	s6 =	sshll.u32 s28, $0x1;
	[dreg:$0x2] =	wrdreg s4  }
0xaa: {  	[dreg:$0x3] =	wrdreg s6  }
0xab: {  	[dreg:$0x4] =	wrdreg $0xC0  }
0xac: {  	_ =	task [dreg:s8], $0x5FFFF  }
0xad: {  	[dreg:$0x1] =	wrdreg $0xFFFFFFFF  }
0xae: {  	[dreg:$0x0] =	wrdreg $0x60  }
0xaf: {  	[dreg:$0x2] =	wrdreg s2  }
0xb0: {  	[dreg:$0x3] =	wrdreg s18  }
0xb1: {  	[dreg:$0x4] =	wrdreg s24  }
0xb2: {  	[dreg:$0x5] =	wrdreg $0x3C800  }
0xb3: {  	[dreg:$0x6] =	wrdreg $0x104880  }
0xb4: {  	[dreg:$0x7] =	wrdreg $0x9  }
0xb5: {  	_ =	task.clear_ibuf [dreg:s8], $0x8FFFF;
	_ =	strace $0x90000046  }
0xb6: {  	s29 =	simm.s32 $0x9;
	_ =	strace $0x80000048  }
0xb7: {  	_ =	swait.ge [sflag:s29], $0x1  }
0xb8: {  	[sflag:s29] =	ssyncadd.s32 $0xFFFFFFFF  }
0xb9: {  	_ =	strace $0x90000048  }
0xba: {  	_ =	sfence  }
0xbb: {  	s30 =	sld [smem:$0x0];
	_ =	sdelay $0x2  }
0xbc: {  	s31 =	sshll.u32 s1, $0xD;
	s1 =	sshrl.u32 s1, $0x2  }
0xbd: {  	s3 =	sand.u32 $0x4000, s31;
	s1 =	sadd.s32 s1, s30  }
0xbe: {  	s0 =	sor.u32 s3, s0;
	s1 =	sshll.u32 s1, $0x11  }
0xbf: {  	s0 =	sor.u32 s1, s0  }
0xc0: {  	s0 =	sadd.s32 $0x8F2B, s0  }
0xc1: {  	[sflag:s0] =	ssyncadd.remote.s32 $0x1  }
0xc2: {  	_ =	sfence.sel $0xFFFF  }
0xc3: {  	[dreg:$0x0] =	wrdreg $0xFFFFFFFF;
	(pc) =	sbr.abs _section_cstart, $3  }
0xc4: {  	[dreg:$0x1] =	wrdreg $0xFFFFFFFF  }
0xc5: {  	_ =	task.clear_ibuf [dreg:s8], $0x2FFFF;
	_ =	strace $0x9FFFFFFF  }
0xc6: {  	(tm) =	ssettm $0x7FFFFFFF  }
0xc7: {  	_ =	shalt  }
tec
execute0_lowered:
.L_overlay_start_1:
0x0: {  	(tag) =	ssettag $0x1  }
0x1: {  	s1 =	srdreg.scid  }
0x2: {  	s6 =	stileid.u32;
	s4 =	sand.u32 $0x1, s1  }
0x3: {  	s0 =	rddreg [dreg:$0x0];
	s15 =	smul.u32 $0xC800, s6;
	s5 =	sshll.u32 s4, $0x4  }
0x4: {  	s2 =	rddreg [dreg:$0x1];
	s26 =	smul.u32 $0xC8000, s4;
	s5 =	sor.u32 s6, s5  }
0x5: {  	s3 =	rddreg [dreg:$0x2];
	s5 =	smul.u32 $0x280, s5  }
0x6: {  	s1 =	simm.s32 $0x0;
	s7 =	sadd.s32 $0x1800, s3;
	s9 =	sadd.s32 $0x33800, s3  }
0x7: {  	[smem:$0x7FF] =	sst s1;
	s6 =	sadd.s32 s15, s26;
	s0 =	sadd.s32 s0, s5  }
0x8: {  	s8 =	ssub.s32 $0x2, s4;
	[dreg:$0x1b] =	wrdreg s0;
	s0 =	sshrl.u32 s6, $0x3  }
0x9: {  	s10 =	sshrl.u32 s8, $0x1;
	s2 =	sadd.s32 s2, s5;
	s5 =	sadd.s32 $0x280, s0  }
0xa: {  	s17 =	ssub.s32 s8, s10;
	[dreg:$0x1d] =	wrdreg s2;
	s10 =	sadd.s32 s7, s5  }
0xb: {  	s8 =	sadd.s32 $0x500, s0;
	s2 =	sadd.s32 s9, s5;
	[dreg:$0x1f] =	wrdreg s10  }
0xc: {  	s11 =	sadd.s32 s7, s8;
	[smem:$0x7FA] =	sst s2  }
0xd: {  	s13 =	sadd.s32 $0x780, s0;
	s12 =	sadd.s32 s9, s8;
	[smem:$0x7FB] =	sst s11  }
0xe: {  	s14 =	sadd.s32 $0xA00, s0;
	s16 =	sadd.s32 s7, s13;
	[dreg:$0x6] =	wrdreg s12  }
0xf: {  	s18 =	sadd.s32 s7, s14;
	[dreg:$0x7] =	wrdreg s16  }
0x10: {  	s20 =	sadd.s32 $0xC80, s0;
	s19 =	sadd.s32 s9, s14;
	[dreg:$0x9] =	wrdreg s18  }
0x11: {  	s21 =	sadd.s32 $0xF00, s0;
	s22 =	sadd.s32 s7, s20;
	[dreg:$0xa] =	wrdreg s19  }
0x12: {  	s23 =	sadd.s32 s7, s21;
	[dreg:$0xb] =	wrdreg s22  }
0x13: {  	s25 =	sadd.s32 $0x1180, s0;
	s24 =	sadd.s32 s9, s21;
	[dreg:$0xd] =	wrdreg s23  }
0x14: {  	s31 =	simm.s32 $0x1400;
	s8 =	sadd.s32 s7, s25;
	[dreg:$0xe] =	wrdreg s24  }
0x15: {  	s28 =	simm.s32 $0x0;
	p0 =	seq.s32 s4, $0x0;
	[dreg:$0xf] =	wrdreg s8  }
0x16: {  	s26 =	sadd.s32 $0x1400, s0;
	s2 =	sadd.s32 s9, s13;
	s24 =	rddreg [dreg:$0x4]  }
0x17: {  	s21 =	sadd.s32 $0x2800, s15;
	s10 =	sadd.s32 s7, s26;
	[dreg:$0x8] =	wrdreg s2  }
0x18: {  	s11 =	sadd.s32 s9, s26;
	s12 =	sadd.s32 s7, s0;
	[dreg:$0x11] =	wrdreg s10  }
0x19: {  	s13 =	sadd.s32 s9, s0;
	s0 =	sadd.s32 $0x1680, s0;
	[dreg:$0x12] =	wrdreg s11  }
0x1a: {  	s16 =	sadd.s32 $0x1400, s15;
	s2 =	sadd.s32 s9, s20;
	s20 =	rddreg [dreg:$0x3]  }
0x1b: {  	s18 =	sadd.s32 $0x1400, s3;
	s23 =	sadd.s32 $0x3C00, s15;
	[dreg:$0x13] =	wrdreg s12  }
0x1c: {  	[dreg:$0x14] =	wrdreg s13;
	s14 =	sadd.s32 s7, s0;
	s0 =	sadd.s32 s9, s0  }
0x1d: {  	s10 =	sadd.s32 $0x5000, s15;
	s11 =	sadd.s32 s23, s24;
	[dreg:$0xc] =	wrdreg s2  }
0x1e: {  	s29 =	sadd.s32 s15, s24;
	s2 =	sadd.s32 s9, s25;
	[dreg:$0x15] =	wrdreg s14  }
0x1f: {  	[dreg:$0x16] =	wrdreg s0;
	s19 =	sadd.s32 s16, s20;
	s0 =	sadd.s32 s16, s24  }
0x20: {  	s22 =	sadd.s32 s21, s20;
	s25 =	sadd.s32 s21, s24;
	s26 =	sadd.s32 s23, s20  }
0x21: {  	s12 =	sadd.s32 s10, s20;
	s7 =	smov.u32 s11;
	s21 =	sadd.s32 $0x7800, s15  }
0x22: {  	[dreg:$0x10] =	wrdreg s2;
	s2 =	smov.u32 s19;
	s3 =	smov.u32 s0  }
0x23: {  	s19 =	sadd.s32 s10, s24;
	s4 =	smov.u32 s22;
	s5 =	smov.u32 s25  }
0x24: {  	s6 =	smov.u32 s26;
	s14 =	sadd.s32 s21, s20;
	s22 =	sadd.s32 $0x8C00, s15  }
0x25: {  	s16 =	sadd.s32 s21, s24;
	s8 =	smov.u32 s12;
	s12 =	sadd.s32 $0xA000, s15  }
0x26: {  	s25 =	sadd.s32 $0xB400, s15;
	s26 =	smax.u32 s17, $0x1;
	_ =	strace $0x80000047  }
0x27: {  	[dreg:$0x17] =	wrdreg s18;
	s18 =	sadd.s32 $0x6400, s15;
	s9 =	smov.u32 s19  }
0x28: {  	s23 =	sadd.s32 s22, s20;
	s19 =	sadd.s32 s12, s20;
	s30 =	sadd.s32 s25, s20  }
0x29: {  	s21 =	sadd.s32 s25, s24;
	[smem:$0x7FC] =	sst s26;
	s25 =	simm.s32 $0x80  }
0x2a: {  	s26 =	simm.s32 $0x2800;
	[dreg:$0x1c] =	wrdreg s29;
	s11 =	sadd.s32 s18, s20  }
0x2b: {  	s13 =	sadd.s32 s18, s24;
	s18 =	sadd.s32 s22, s24;
	s22 =	sadd.s32 s12, s24  }
0x2c: {  	s12 =	smov.u32 s14;
	s14 =	smov.u32 s23;
	[dreg:$0x1e] =	wrdreg s30  }
.Ltmp0:
0x2d: {  	s23 =	sadd.s32 s15, s20;
	[smem:$0x7FD] =	sst s21;
	(pc) =	sbr.rel .LBB2_1-.Ltmp0, $4  }
0x2e: {  	s10 =	smov.u32 s11;
	s11 =	smov.u32 s13;
	s13 =	smov.u32 s16  }
0x2f: {  	s15 =	smov.u32 s18;
	s16 =	smov.u32 s19;
	[dreg:$0x1a] =	wrdreg s23  }
0x30: {  	s17 =	smov.u32 s22;
	s18 =	simm.s32 $0x2880;
	[dreg:$0x18] =	wrdreg s16  }
0x31: {  	v0 =	vimm.f32 $1.000000000e+00;
	s19 =	simm.s32 $0x2;
	s22 =	simm.s32 $0x1;
	[dreg:$0x19] =	wrdreg s17  }
.LBB2_4:
0x32: {  	[tilespmem:s23+$0x10] =	vst v6;
	v4 =	vadd.s32 $0xFFF38000, v4;
	v63 =	vld [tilespmem:s23+$0x70];
	s2 =	smov.u32 s3;
	s3 =	smov.u32 s4;
	s4 =	smov.u32 s5  }
0x33: {  	v2 =	vadd.s32 $0xFFF38000, v2;
	s5 =	smov.u32 s6;
	s6 =	smov.u32 s7;
	s7 =	smov.u32 s8;
	[tilespmem:s23+$0x20] =	vst v4  }
0x34: {  	v1 =	vadd.s32 $0xFFF38000, v1;
	s8 =	smov.u32 s9;
	s9 =	smov.u32 s10;
	s10 =	smov.u32 s11;
	[tilespmem:s23+$0x30] =	vst v2  }
0x35: {  	s11 =	smov.u32 s12;
	s12 =	smov.u32 s13;
	s13 =	smov.u32 s14;
	[tilespmem:s23+$0x40] =	vst v1;
	v1 =	vadd.s32 $0xFFF38000, v3  }
0x36: {  	s14 =	smov.u32 s15;
	s15 =	smov.u32 s16;
	s16 =	rddreg [dreg:$0x18];
	[tilespmem:s23+$0x50] =	vst v1;
	v1 =	vadd.s32 $0xFFF38000, v5  }
0x37: {  	s17 =	rddreg [dreg:$0x19];
	[tilespmem:s23+$0x60] =	vst v1;
	v1 =	vadd.s32 $0xFFF38000, v63  }
0x38: {  	s0 =	simm.s32 $0x1400;
	[tilespmem:s23+$0x70] =	vst v1;
	s23 =	rddreg [dreg:$0x1a]  }
.LBB2_5:
0x39: {  	[bflag:$0x0] =	sbarrier.arrive $0xFFFF  }
0x3a: {  	[spmem:s20] =	stream.indirect.scatter.add.f32 [tilespmem:s0], [sflag:$0x1], $0x1, s1, s25, $0xb8;
	[tilespmem:$0x1CC90] =	vst v63  }
0x3b: {  	_ = 	snop  }
0x3c: {  	[spmem:s24] =	stream.indirect.scatter.add.f32 [tilespmem:s26], [sflag:$0x1], $0x1, s1, s25, $0xb8;
	[tilespmem:$0x1CC90] =	vst v63  }
0x3d: {  	s21 =	simm.s32 $0x1480  }
0x3e: {  	[spmem:s20] =	stream.indirect.scatter.add.f32 [tilespmem:s21], [sflag:$0x1], $0x1, s25, s25, $0xb8;
	[tilespmem:$0x1CC90] =	vst v63  }
0x3f: {  	_ = 	snop  }
0x40: {  	[spmem:s24] =	stream.indirect.scatter.add.f32 [tilespmem:s26], [sflag:$0x1], $0x1, s25, s25, $0xb8;
	[tilespmem:$0x1CC90] =	vst v63  }
0x41: {  	s0 =	simm.s32 $0x100;
	s21 =	simm.s32 $0x1500  }
0x42: {  	[spmem:s20] =	stream.indirect.scatter.add.f32 [tilespmem:s21], [sflag:$0x1], $0x1, s0, s25, $0xb8;
	[tilespmem:$0x1CC90] =	vst v63  }
0x43: {  	_ = 	snop  }
0x44: {  	[spmem:s24] =	stream.indirect.scatter.add.f32 [tilespmem:s26], [sflag:$0x1], $0x1, s0, s25, $0xb8;
	[tilespmem:$0x1CC90] =	vst v63  }
0x45: {  	s21 =	simm.s32 $0x1580;
	s0 =	simm.s32 $0x180  }
0x46: {  	[spmem:s20] =	stream.indirect.scatter.add.f32 [tilespmem:s21], [sflag:$0x1], $0x1, s0, s25, $0xb8;
	[tilespmem:$0x1CC90] =	vst v63  }
0x47: {  	_ = 	snop  }
0x48: {  	[spmem:s24] =	stream.indirect.scatter.add.f32 [tilespmem:s26], [sflag:$0x1], $0x1, s0, s25, $0xb8;
	[tilespmem:$0x1CC90] =	vst v63  }
0x49: {  	s21 =	simm.s32 $0x1600;
	s0 =	simm.s32 $0x200  }
0x4a: {  	[spmem:s20] =	stream.indirect.scatter.add.f32 [tilespmem:s21], [sflag:$0x1], $0x1, s0, s25, $0xb8;
	[tilespmem:$0x1CC90] =	vst v63  }
0x4b: {  	_ = 	snop  }
0x4c: {  	[spmem:s24] =	stream.indirect.scatter.add.f32 [tilespmem:s26], [sflag:$0x1], $0x1, s0, s25, $0xb8;
	[tilespmem:$0x1CC90] =	vst v63  }
0x4d: {  	s21 =	simm.s32 $0x1680;
	s0 =	simm.s32 $0x280  }
0x4e: {  	[spmem:s20] =	stream.indirect.scatter.add.f32 [tilespmem:s21], [sflag:$0x1], $0x1, s0, s25, $0xb8;
	[tilespmem:$0x1CC90] =	vst v63  }
0x4f: {  	_ = 	snop  }
0x50: {  	[spmem:s24] =	stream.indirect.scatter.add.f32 [tilespmem:s26], [sflag:$0x1], $0x1, s0, s25, $0xb8;
	[tilespmem:$0x1CC90] =	vst v63  }
0x51: {  	s21 =	simm.s32 $0x1700;
	s0 =	simm.s32 $0x300  }
0x52: {  	[spmem:s20] =	stream.indirect.scatter.add.f32 [tilespmem:s21], [sflag:$0x1], $0x1, s0, s25, $0xb8;
	[tilespmem:$0x1CC90] =	vst v63  }
0x53: {  	_ = 	snop  }
0x54: {  	[spmem:s24] =	stream.indirect.scatter.add.f32 [tilespmem:s26], [sflag:$0x1], $0x1, s0, s25, $0xb8;
	[tilespmem:$0x1CC90] =	vst v63  }
0x55: {  	s21 =	simm.s32 $0x1780;
	s0 =	simm.s32 $0x380  }
0x56: {  	[spmem:s20] =	stream.indirect.scatter.add.f32 [tilespmem:s21], [sflag:$0x1], $0x1, s0, s25, $0xb8;
	[tilespmem:$0x1CC90] =	vst v63  }
0x57: {  	_ = 	snop  }
0x58: {  	[spmem:s24] =	stream.indirect.scatter.add.f32 [tilespmem:s26], [sflag:$0x1], $0x1, s0, s25, $0xb8;
	[tilespmem:$0x1CC90] =	vst v63  }
0x59: {  	s21 =	simm.s32 $0x1800;
	s0 =	simm.s32 $0x400  }
0x5a: {  	[spmem:s20] =	stream.indirect.scatter.add.f32 [tilespmem:s21], [sflag:$0x1], $0x1, s0, s25, $0xb8;
	[tilespmem:$0x1CC90] =	vst v63  }
0x5b: {  	_ = 	snop  }
0x5c: {  	[spmem:s24] =	stream.indirect.scatter.add.f32 [tilespmem:s26], [sflag:$0x1], $0x1, s0, s25, $0xb8;
	[tilespmem:$0x1CC90] =	vst v63  }
0x5d: {  	s21 =	simm.s32 $0x1880;
	s0 =	simm.s32 $0x480  }
0x5e: {  	[spmem:s20] =	stream.indirect.scatter.add.f32 [tilespmem:s21], [sflag:$0x1], $0x1, s0, s25, $0xb8;
	[tilespmem:$0x1CC90] =	vst v63  }
0x5f: {  	_ = 	snop  }
0x60: {  	[spmem:s24] =	stream.indirect.scatter.add.f32 [tilespmem:s26], [sflag:$0x1], $0x1, s0, s25, $0xb8;
	[tilespmem:$0x1CC90] =	vst v63  }
0x61: {  	s21 =	simm.s32 $0x1900;
	s0 =	simm.s32 $0x500  }
0x62: {  	[spmem:s20] =	stream.indirect.scatter.add.f32 [tilespmem:s21], [sflag:$0x1], $0x1, s0, s25, $0xb8;
	[tilespmem:$0x1CC90] =	vst v63  }
0x63: {  	_ = 	snop  }
0x64: {  	[spmem:s24] =	stream.indirect.scatter.add.f32 [tilespmem:s26], [sflag:$0x1], $0x1, s0, s25, $0xb8;
	[tilespmem:$0x1CC90] =	vst v63  }
0x65: {  	s21 =	simm.s32 $0x1980;
	s0 =	simm.s32 $0x580  }
0x66: {  	[spmem:s20] =	stream.indirect.scatter.add.f32 [tilespmem:s21], [sflag:$0x1], $0x1, s0, s25, $0xb8;
	[tilespmem:$0x1CC90] =	vst v63  }
0x67: {  	_ = 	snop  }
0x68: {  	[spmem:s24] =	stream.indirect.scatter.add.f32 [tilespmem:s26], [sflag:$0x1], $0x1, s0, s25, $0xb8;
	[tilespmem:$0x1CC90] =	vst v63  }
0x69: {  	s21 =	simm.s32 $0x1A00;
	s0 =	simm.s32 $0x600  }
0x6a: {  	[spmem:s20] =	stream.indirect.scatter.add.f32 [tilespmem:s21], [sflag:$0x1], $0x1, s0, s25, $0xb8;
	[tilespmem:$0x1CC90] =	vst v63  }
0x6b: {  	_ = 	snop  }
0x6c: {  	[spmem:s24] =	stream.indirect.scatter.add.f32 [tilespmem:s26], [sflag:$0x1], $0x1, s0, s25, $0xb8;
	[tilespmem:$0x1CC90] =	vst v63  }
0x6d: {  	s21 =	simm.s32 $0x1A80;
	s0 =	simm.s32 $0x680  }
0x6e: {  	[spmem:s20] =	stream.indirect.scatter.add.f32 [tilespmem:s21], [sflag:$0x1], $0x1, s0, s25, $0xb8;
	[tilespmem:$0x1CC90] =	vst v63  }
0x6f: {  	_ = 	snop  }
0x70: {  	[spmem:s24] =	stream.indirect.scatter.add.f32 [tilespmem:s26], [sflag:$0x1], $0x1, s0, s25, $0xb8;
	[tilespmem:$0x1CC90] =	vst v63  }
0x71: {  	s21 =	simm.s32 $0x1B00;
	s0 =	simm.s32 $0x700  }
0x72: {  	[spmem:s20] =	stream.indirect.scatter.add.f32 [tilespmem:s21], [sflag:$0x1], $0x1, s0, s25, $0xb8;
	[tilespmem:$0x1CC90] =	vst v63  }
0x73: {  	_ = 	snop  }
0x74: {  	[spmem:s24] =	stream.indirect.scatter.add.f32 [tilespmem:s26], [sflag:$0x1], $0x1, s0, s25, $0xb8;
	[tilespmem:$0x1CC90] =	vst v63  }
0x75: {  	s21 =	simm.s32 $0x1B80;
	s0 =	simm.s32 $0x780  }
0x76: {  	[spmem:s20] =	stream.indirect.scatter.add.f32 [tilespmem:s21], [sflag:$0x1], $0x1, s0, s25, $0xb8;
	[tilespmem:$0x1CC90] =	vst v63  }
0x77: {  	_ = 	snop  }
0x78: {  	[spmem:s24] =	stream.indirect.scatter.add.f32 [tilespmem:s26], [sflag:$0x1], $0x1, s0, s25, $0xb8;
	[tilespmem:$0x1CC90] =	vst v63  }
0x79: {  	s21 =	simm.s32 $0x1C00;
	s0 =	simm.s32 $0x800  }
0x7a: {  	[spmem:s20] =	stream.indirect.scatter.add.f32 [tilespmem:s21], [sflag:$0x1], $0x1, s0, s25, $0xb8;
	[tilespmem:$0x1CC90] =	vst v63  }
0x7b: {  	_ = 	snop  }
0x7c: {  	[spmem:s24] =	stream.indirect.scatter.add.f32 [tilespmem:s26], [sflag:$0x1], $0x1, s0, s25, $0xb8;
	[tilespmem:$0x1CC90] =	vst v63  }
0x7d: {  	s21 =	simm.s32 $0x1C80;
	s0 =	simm.s32 $0x880  }
0x7e: {  	[spmem:s20] =	stream.indirect.scatter.add.f32 [tilespmem:s21], [sflag:$0x1], $0x1, s0, s25, $0xb8;
	[tilespmem:$0x1CC90] =	vst v63  }
0x7f: {  	_ = 	snop  }
0x80: {  	[spmem:s24] =	stream.indirect.scatter.add.f32 [tilespmem:s26], [sflag:$0x1], $0x1, s0, s25, $0xb8;
	[tilespmem:$0x1CC90] =	vst v63  }
0x81: {  	s21 =	simm.s32 $0x1D00;
	s0 =	simm.s32 $0x900  }
0x82: {  	[spmem:s20] =	stream.indirect.scatter.add.f32 [tilespmem:s21], [sflag:$0x1], $0x1, s0, s25, $0xb8;
	[tilespmem:$0x1CC90] =	vst v63  }
0x83: {  	_ = 	snop  }
0x84: {  	[spmem:s24] =	stream.indirect.scatter.add.f32 [tilespmem:s26], [sflag:$0x1], $0x1, s0, s25, $0xb8;
	[tilespmem:$0x1CC90] =	vst v63  }
0x85: {  	s21 =	simm.s32 $0x1D80;
	s0 =	simm.s32 $0x980  }
0x86: {  	[spmem:s20] =	stream.indirect.scatter.add.f32 [tilespmem:s21], [sflag:$0x1], $0x1, s0, s25, $0xb8;
	[tilespmem:$0x1CC90] =	vst v63  }
0x87: {  	_ = 	snop  }
0x88: {  	[spmem:s24] =	stream.indirect.scatter.add.f32 [tilespmem:s26], [sflag:$0x1], $0x1, s0, s25, $0xb8;
	[tilespmem:$0x1CC90] =	vst v63  }
0x89: {  	s21 =	simm.s32 $0x1E00;
	s0 =	simm.s32 $0xA00  }
0x8a: {  	[spmem:s20] =	stream.indirect.scatter.add.f32 [tilespmem:s21], [sflag:$0x1], $0x1, s0, s25, $0xb8;
	[tilespmem:$0x1CC90] =	vst v63  }
0x8b: {  	_ = 	snop  }
0x8c: {  	[spmem:s24] =	stream.indirect.scatter.add.f32 [tilespmem:s26], [sflag:$0x1], $0x1, s0, s25, $0xb8;
	[tilespmem:$0x1CC90] =	vst v63  }
0x8d: {  	s21 =	simm.s32 $0x1E80;
	s0 =	simm.s32 $0xA80  }
0x8e: {  	[spmem:s20] =	stream.indirect.scatter.add.f32 [tilespmem:s21], [sflag:$0x1], $0x1, s0, s25, $0xb8;
	[tilespmem:$0x1CC90] =	vst v63  }
0x8f: {  	_ = 	snop  }
0x90: {  	[spmem:s24] =	stream.indirect.scatter.add.f32 [tilespmem:s26], [sflag:$0x1], $0x1, s0, s25, $0xb8;
	[tilespmem:$0x1CC90] =	vst v63  }
0x91: {  	s21 =	simm.s32 $0x1F00;
	s0 =	simm.s32 $0xB00  }
0x92: {  	[spmem:s20] =	stream.indirect.scatter.add.f32 [tilespmem:s21], [sflag:$0x1], $0x1, s0, s25, $0xb8;
	[tilespmem:$0x1CC90] =	vst v63  }
0x93: {  	_ = 	snop  }
0x94: {  	[spmem:s24] =	stream.indirect.scatter.add.f32 [tilespmem:s26], [sflag:$0x1], $0x1, s0, s25, $0xb8;
	[tilespmem:$0x1CC90] =	vst v63  }
0x95: {  	s21 =	simm.s32 $0x1F80;
	s0 =	simm.s32 $0xB80  }
0x96: {  	[spmem:s20] =	stream.indirect.scatter.add.f32 [tilespmem:s21], [sflag:$0x1], $0x1, s0, s25, $0xb8;
	[tilespmem:$0x1CC90] =	vst v63  }
0x97: {  	_ = 	snop  }
0x98: {  	[spmem:s24] =	stream.indirect.scatter.add.f32 [tilespmem:s26], [sflag:$0x1], $0x1, s0, s25, $0xb8;
	[tilespmem:$0x1CC90] =	vst v63  }
0x99: {  	s21 =	simm.s32 $0x2000;
	s0 =	simm.s32 $0xC00  }
0x9a: {  	[spmem:s20] =	stream.indirect.scatter.add.f32 [tilespmem:s21], [sflag:$0x1], $0x1, s0, s25, $0xb8;
	[tilespmem:$0x1CC90] =	vst v63  }
0x9b: {  	_ = 	snop  }
0x9c: {  	[spmem:s24] =	stream.indirect.scatter.add.f32 [tilespmem:s26], [sflag:$0x1], $0x1, s0, s25, $0xb8;
	[tilespmem:$0x1CC90] =	vst v63  }
0x9d: {  	s21 =	simm.s32 $0x2080;
	s0 =	simm.s32 $0xC80  }
0x9e: {  	[spmem:s20] =	stream.indirect.scatter.add.f32 [tilespmem:s21], [sflag:$0x1], $0x1, s0, s25, $0xb8;
	[tilespmem:$0x1CC90] =	vst v63  }
0x9f: {  	_ = 	snop  }
0xa0: {  	[spmem:s24] =	stream.indirect.scatter.add.f32 [tilespmem:s26], [sflag:$0x1], $0x1, s0, s25, $0xb8;
	[tilespmem:$0x1CC90] =	vst v63  }
0xa1: {  	s21 =	simm.s32 $0x2100;
	s0 =	simm.s32 $0xD00  }
0xa2: {  	[spmem:s20] =	stream.indirect.scatter.add.f32 [tilespmem:s21], [sflag:$0x1], $0x1, s0, s25, $0xb8;
	[tilespmem:$0x1CC90] =	vst v63  }
0xa3: {  	_ = 	snop  }
0xa4: {  	[spmem:s24] =	stream.indirect.scatter.add.f32 [tilespmem:s26], [sflag:$0x1], $0x1, s0, s25, $0xb8;
	[tilespmem:$0x1CC90] =	vst v63  }
0xa5: {  	s21 =	simm.s32 $0x2180;
	s0 =	simm.s32 $0xD80  }
0xa6: {  	[spmem:s20] =	stream.indirect.scatter.add.f32 [tilespmem:s21], [sflag:$0x1], $0x1, s0, s25, $0xb8;
	[tilespmem:$0x1CC90] =	vst v63  }
0xa7: {  	_ = 	snop  }
0xa8: {  	[spmem:s24] =	stream.indirect.scatter.add.f32 [tilespmem:s26], [sflag:$0x1], $0x1, s0, s25, $0xb8;
	[tilespmem:$0x1CC90] =	vst v63  }
0xa9: {  	s21 =	simm.s32 $0x2200;
	s0 =	simm.s32 $0xE00  }
0xaa: {  	[spmem:s20] =	stream.indirect.scatter.add.f32 [tilespmem:s21], [sflag:$0x1], $0x1, s0, s25, $0xb8;
	[tilespmem:$0x1CC90] =	vst v63  }
0xab: {  	_ = 	snop  }
0xac: {  	[spmem:s24] =	stream.indirect.scatter.add.f32 [tilespmem:s26], [sflag:$0x1], $0x1, s0, s25, $0xb8;
	[tilespmem:$0x1CC90] =	vst v63  }
0xad: {  	s21 =	simm.s32 $0x2280;
	s0 =	simm.s32 $0xE80  }
0xae: {  	[spmem:s20] =	stream.indirect.scatter.add.f32 [tilespmem:s21], [sflag:$0x1], $0x1, s0, s25, $0xb8;
	[tilespmem:$0x1CC90] =	vst v63  }
0xaf: {  	_ = 	snop  }
0xb0: {  	[spmem:s24] =	stream.indirect.scatter.add.f32 [tilespmem:s26], [sflag:$0x1], $0x1, s0, s25, $0xb8;
	[tilespmem:$0x1CC90] =	vst v63  }
0xb1: {  	s21 =	simm.s32 $0x2300;
	s0 =	simm.s32 $0xF00  }
0xb2: {  	[spmem:s20] =	stream.indirect.scatter.add.f32 [tilespmem:s21], [sflag:$0x1], $0x1, s0, s25, $0xb8;
	[tilespmem:$0x1CC90] =	vst v63  }
0xb3: {  	_ = 	snop  }
0xb4: {  	[spmem:s24] =	stream.indirect.scatter.add.f32 [tilespmem:s26], [sflag:$0x1], $0x1, s0, s25, $0xb8;
	[tilespmem:$0x1CC90] =	vst v63  }
0xb5: {  	s21 =	simm.s32 $0x2380;
	s0 =	simm.s32 $0xF80  }
0xb6: {  	[spmem:s20] =	stream.indirect.scatter.add.f32 [tilespmem:s21], [sflag:$0x1], $0x1, s0, s25, $0xb8;
	[tilespmem:$0x1CC90] =	vst v63  }
0xb7: {  	_ = 	snop  }
0xb8: {  	[spmem:s24] =	stream.indirect.scatter.add.f32 [tilespmem:s26], [sflag:$0x1], $0x1, s0, s25, $0xb8;
	[tilespmem:$0x1CC90] =	vst v63  }
0xb9: {  	s21 =	simm.s32 $0x2400;
	s0 =	simm.s32 $0x1000  }
0xba: {  	[spmem:s20] =	stream.indirect.scatter.add.f32 [tilespmem:s21], [sflag:$0x1], $0x1, s0, s25, $0xb8;
	[tilespmem:$0x1CC90] =	vst v63  }
0xbb: {  	_ = 	snop  }
0xbc: {  	[spmem:s24] =	stream.indirect.scatter.add.f32 [tilespmem:s26], [sflag:$0x1], $0x1, s0, s25, $0xb8;
	[tilespmem:$0x1CC90] =	vst v63  }
0xbd: {  	s21 =	simm.s32 $0x2480;
	s0 =	simm.s32 $0x1080  }
0xbe: {  	[spmem:s20] =	stream.indirect.scatter.add.f32 [tilespmem:s21], [sflag:$0x1], $0x1, s0, s25, $0xb8;
	[tilespmem:$0x1CC90] =	vst v63  }
0xbf: {  	_ = 	snop  }
0xc0: {  	[spmem:s24] =	stream.indirect.scatter.add.f32 [tilespmem:s26], [sflag:$0x1], $0x1, s0, s25, $0xb8;
	[tilespmem:$0x1CC90] =	vst v63  }
0xc1: {  	s21 =	simm.s32 $0x2500;
	s0 =	simm.s32 $0x1100  }
0xc2: {  	[spmem:s20] =	stream.indirect.scatter.add.f32 [tilespmem:s21], [sflag:$0x1], $0x1, s0, s25, $0xb8;
	[tilespmem:$0x1CC90] =	vst v63  }
0xc3: {  	_ = 	snop  }
0xc4: {  	[spmem:s24] =	stream.indirect.scatter.add.f32 [tilespmem:s26], [sflag:$0x1], $0x1, s0, s25, $0xb8;
	[tilespmem:$0x1CC90] =	vst v63  }
0xc5: {  	s21 =	simm.s32 $0x2580;
	s0 =	simm.s32 $0x1180  }
0xc6: {  	[spmem:s20] =	stream.indirect.scatter.add.f32 [tilespmem:s21], [sflag:$0x1], $0x1, s0, s25, $0xb8;
	[tilespmem:$0x1CC90] =	vst v63  }
0xc7: {  	_ = 	snop  }
0xc8: {  	[spmem:s24] =	stream.indirect.scatter.add.f32 [tilespmem:s26], [sflag:$0x1], $0x1, s0, s25, $0xb8;
	[tilespmem:$0x1CC90] =	vst v63  }
0xc9: {  	s21 =	simm.s32 $0x2600;
	s0 =	simm.s32 $0x1200  }
0xca: {  	[spmem:s20] =	stream.indirect.scatter.add.f32 [tilespmem:s21], [sflag:$0x1], $0x1, s0, s25, $0xb8;
	[tilespmem:$0x1CC90] =	vst v63  }
0xcb: {  	_ = 	snop  }
0xcc: {  	[spmem:s24] =	stream.indirect.scatter.add.f32 [tilespmem:s26], [sflag:$0x1], $0x1, s0, s25, $0xb8;
	[tilespmem:$0x1CC90] =	vst v63  }
0xcd: {  	s21 =	simm.s32 $0x2680;
	s0 =	simm.s32 $0x1280  }
0xce: {  	[spmem:s20] =	stream.indirect.scatter.add.f32 [tilespmem:s21], [sflag:$0x1], $0x1, s0, s25, $0xb8;
	[tilespmem:$0x1CC90] =	vst v63  }
0xcf: {  	_ = 	snop  }
0xd0: {  	[spmem:s24] =	stream.indirect.scatter.add.f32 [tilespmem:s26], [sflag:$0x1], $0x1, s0, s25, $0xb8;
	[tilespmem:$0x1CC90] =	vst v63  }
0xd1: {  	s21 =	simm.s32 $0x2700;
	s0 =	simm.s32 $0x1300  }
0xd2: {  	[spmem:s20] =	stream.indirect.scatter.add.f32 [tilespmem:s21], [sflag:$0x1], $0x1, s0, s25, $0xb8;
	[tilespmem:$0x1CC90] =	vst v63  }
0xd3: {  	_ = 	snop  }
0xd4: {  	[spmem:s24] =	stream.indirect.scatter.add.f32 [tilespmem:s26], [sflag:$0x1], $0x1, s0, s25, $0xb8;
	[tilespmem:$0x1CC90] =	vst v63  }
0xd5: {  	s21 =	simm.s32 $0x2780;
	s0 =	simm.s32 $0x1380  }
0xd6: {  	[spmem:s20] =	stream.indirect.scatter.add.f32 [tilespmem:s21], [sflag:$0x1], $0x1, s0, s25, $0xb8;
	[tilespmem:$0x1CC90] =	vst v63  }
0xd7: {  	_ = 	snop  }
0xd8: {  	[spmem:s24] =	stream.indirect.scatter.add.f32 [tilespmem:s26], [sflag:$0x1], $0x1, s0, s25, $0xb8;
	[tilespmem:$0x1CC90] =	vst v63  }
0xd9: {  	_ =	swait.ge [sflag:s22], $0x80  }
0xda: {  	[sflag:s22] =	ssyncset.done $0x0  }
0xdb: {  	[sflag:s22] =	ssyncadd.s32 $0xFFFFFF80  }
0xdc: {  	_ =	swait.ge [sflag:s22], $0x80  }
0xdd: {  	[sflag:s22] =	ssyncset.done $0x0  }
0xde: {  	[sflag:s22] =	ssyncadd.s32 $0xFFFFFF80  }
0xdf: {  	_ =	swait.ge [sflag:s22], $0x80  }
0xe0: {  	[sflag:s22] =	ssyncset.done $0x0  }
0xe1: {  	[sflag:s22] =	ssyncadd.s32 $0xFFFFFF80  }
0xe2: {  	_ =	swait.ge [sflag:s22], $0x80  }
0xe3: {  	[sflag:s22] =	ssyncset.done $0x0  }
0xe4: {  	[sflag:s22] =	ssyncadd.s32 $0xFFFFFF80  }
0xe5: {  	_ =	swait.ge [sflag:s22], $0x80  }
0xe6: {  	[sflag:s22] =	ssyncset.done $0x0  }
0xe7: {  	[sflag:s22] =	ssyncadd.s32 $0xFFFFFF80  }
0xe8: {  	_ =	swait.ge [sflag:s22], $0x80  }
0xe9: {  	[sflag:s22] =	ssyncset.done $0x0  }
0xea: {  	[sflag:s22] =	ssyncadd.s32 $0xFFFFFF80  }
0xeb: {  	_ =	swait.ge [sflag:s22], $0x80  }
0xec: {  	[sflag:s22] =	ssyncset.done $0x0  }
0xed: {  	[sflag:s22] =	ssyncadd.s32 $0xFFFFFF80  }
0xee: {  	_ =	swait.ge [sflag:s22], $0x80  }
0xef: {  	[sflag:s22] =	ssyncset.done $0x0  }
0xf0: {  	[sflag:s22] =	ssyncadd.s32 $0xFFFFFF80  }
0xf1: {  	_ =	swait.ge [sflag:s22], $0x80  }
0xf2: {  	[sflag:s22] =	ssyncset.done $0x0  }
0xf3: {  	[sflag:s22] =	ssyncadd.s32 $0xFFFFFF80  }
0xf4: {  	_ =	swait.ge [sflag:s22], $0x80  }
0xf5: {  	[sflag:s22] =	ssyncset.done $0x0  }
0xf6: {  	[sflag:s22] =	ssyncadd.s32 $0xFFFFFF80  }
0xf7: {  	_ =	swait.ge [sflag:s22], $0x80  }
0xf8: {  	[sflag:s22] =	ssyncset.done $0x0  }
0xf9: {  	[sflag:s22] =	ssyncadd.s32 $0xFFFFFF80  }
0xfa: {  	_ =	swait.ge [sflag:s22], $0x80  }
0xfb: {  	[sflag:s22] =	ssyncset.done $0x0  }
0xfc: {  	[sflag:s22] =	ssyncadd.s32 $0xFFFFFF80  }
0xfd: {  	_ =	swait.ge [sflag:s22], $0x80  }
0xfe: {  	[sflag:s22] =	ssyncset.done $0x0  }
0xff: {  	[sflag:s22] =	ssyncadd.s32 $0xFFFFFF80  }
0x100: {  	_ =	swait.ge [sflag:s22], $0x80  }
0x101: {  	[sflag:s22] =	ssyncset.done $0x0  }
0x102: {  	[sflag:s22] =	ssyncadd.s32 $0xFFFFFF80  }
0x103: {  	_ =	swait.ge [sflag:s22], $0x80  }
0x104: {  	[sflag:s22] =	ssyncset.done $0x0  }
0x105: {  	[sflag:s22] =	ssyncadd.s32 $0xFFFFFF80  }
0x106: {  	_ =	swait.ge [sflag:s22], $0x80  }
0x107: {  	[sflag:s22] =	ssyncset.done $0x0  }
0x108: {  	[sflag:s22] =	ssyncadd.s32 $0xFFFFFF80  }
0x109: {  	_ =	swait.ge [sflag:s22], $0x80  }
0x10a: {  	[sflag:s22] =	ssyncset.done $0x0  }
0x10b: {  	[sflag:s22] =	ssyncadd.s32 $0xFFFFFF80  }
0x10c: {  	_ =	swait.ge [sflag:s22], $0x80  }
0x10d: {  	[sflag:s22] =	ssyncset.done $0x0  }
0x10e: {  	[sflag:s22] =	ssyncadd.s32 $0xFFFFFF80  }
0x10f: {  	_ =	swait.ge [sflag:s22], $0x80  }
0x110: {  	[sflag:s22] =	ssyncset.done $0x0  }
0x111: {  	[sflag:s22] =	ssyncadd.s32 $0xFFFFFF80  }
0x112: {  	_ =	swait.ge [sflag:s22], $0x80  }
0x113: {  	[sflag:s22] =	ssyncset.done $0x0  }
0x114: {  	[sflag:s22] =	ssyncadd.s32 $0xFFFFFF80  }
0x115: {  	_ =	swait.ge [sflag:s22], $0x80  }
0x116: {  	[sflag:s22] =	ssyncset.done $0x0  }
0x117: {  	[sflag:s22] =	ssyncadd.s32 $0xFFFFFF80  }
0x118: {  	_ =	swait.ge [sflag:s22], $0x80  }
0x119: {  	[sflag:s22] =	ssyncset.done $0x0  }
0x11a: {  	[sflag:s22] =	ssyncadd.s32 $0xFFFFFF80  }
0x11b: {  	_ =	swait.ge [sflag:s22], $0x80  }
0x11c: {  	[sflag:s22] =	ssyncset.done $0x0  }
0x11d: {  	[sflag:s22] =	ssyncadd.s32 $0xFFFFFF80  }
0x11e: {  	_ =	swait.ge [sflag:s22], $0x80  }
0x11f: {  	[sflag:s22] =	ssyncset.done $0x0  }
0x120: {  	[sflag:s22] =	ssyncadd.s32 $0xFFFFFF80  }
0x121: {  	_ =	swait.ge [sflag:s22], $0x80  }
0x122: {  	[sflag:s22] =	ssyncset.done $0x0  }
0x123: {  	[sflag:s22] =	ssyncadd.s32 $0xFFFFFF80  }
0x124: {  	_ =	swait.ge [sflag:s22], $0x80  }
0x125: {  	[sflag:s22] =	ssyncset.done $0x0  }
0x126: {  	[sflag:s22] =	ssyncadd.s32 $0xFFFFFF80  }
0x127: {  	_ =	swait.ge [sflag:s22], $0x80  }
0x128: {  	[sflag:s22] =	ssyncset.done $0x0  }
0x129: {  	[sflag:s22] =	ssyncadd.s32 $0xFFFFFF80  }
0x12a: {  	_ =	swait.ge [sflag:s22], $0x80  }
0x12b: {  	[sflag:s22] =	ssyncset.done $0x0  }
0x12c: {  	[sflag:s22] =	ssyncadd.s32 $0xFFFFFF80  }
0x12d: {  	_ =	swait.ge [sflag:s22], $0x80  }
0x12e: {  	[sflag:s22] =	ssyncset.done $0x0  }
0x12f: {  	[sflag:s22] =	ssyncadd.s32 $0xFFFFFF80  }
0x130: {  	_ =	swait.ge [sflag:s22], $0x80  }
0x131: {  	[sflag:s22] =	ssyncset.done $0x0  }
0x132: {  	[sflag:s22] =	ssyncadd.s32 $0xFFFFFF80  }
0x133: {  	_ =	swait.ge [sflag:s22], $0x80  }
0x134: {  	[sflag:s22] =	ssyncset.done $0x0  }
0x135: {  	[sflag:s22] =	ssyncadd.s32 $0xFFFFFF80  }
0x136: {  	_ =	swait.ge [sflag:s22], $0x80  }
0x137: {  	[sflag:s22] =	ssyncset.done $0x0  }
0x138: {  	[sflag:s22] =	ssyncadd.s32 $0xFFFFFF80  }
0x139: {  	_ =	swait.ge [sflag:s22], $0x80  }
0x13a: {  	[sflag:s22] =	ssyncset.done $0x0  }
0x13b: {  	[sflag:s22] =	ssyncadd.s32 $0xFFFFFF80  }
0x13c: {  	_ =	swait.ge [sflag:s22], $0x80  }
0x13d: {  	[sflag:s22] =	ssyncset.done $0x0  }
0x13e: {  	[sflag:s22] =	ssyncadd.s32 $0xFFFFFF80  }
0x13f: {  	_ =	swait.ge [sflag:s22], $0x80  }
0x140: {  	[sflag:s22] =	ssyncset.done $0x0  }
0x141: {  	[sflag:s22] =	ssyncadd.s32 $0xFFFFFF80  }
0x142: {  	_ =	swait.ge [sflag:s22], $0x80  }
0x143: {  	[sflag:s22] =	ssyncset.done $0x0  }
0x144: {  	[sflag:s22] =	ssyncadd.s32 $0xFFFFFF80  }
0x145: {  	_ =	swait.ge [sflag:s22], $0x80  }
0x146: {  	[sflag:s22] =	ssyncset.done $0x0  }
0x147: {  	[sflag:s22] =	ssyncadd.s32 $0xFFFFFF80  }
0x148: {  	_ =	swait.ge [sflag:s22], $0x80  }
0x149: {  	[sflag:s22] =	ssyncset.done $0x0  }
0x14a: {  	[sflag:s22] =	ssyncadd.s32 $0xFFFFFF80  }
0x14b: {  	_ =	swait.ge [sflag:s22], $0x80  }
0x14c: {  	[sflag:s22] =	ssyncset.done $0x0  }
0x14d: {  	[sflag:s22] =	ssyncadd.s32 $0xFFFFFF80  }
0x14e: {  	_ =	swait.ge [sflag:s22], $0x80  }
0x14f: {  	[sflag:s22] =	ssyncset.done $0x0  }
0x150: {  	[sflag:s22] =	ssyncadd.s32 $0xFFFFFF80  }
0x151: {  	_ =	swait.ge [sflag:s22], $0x80  }
0x152: {  	[sflag:s22] =	ssyncset.done $0x0  }
0x153: {  	[sflag:s22] =	ssyncadd.s32 $0xFFFFFF80  }
0x154: {  	_ =	swait.ge [sflag:s22], $0x80  }
0x155: {  	[sflag:s22] =	ssyncset.done $0x0  }
0x156: {  	[sflag:s22] =	ssyncadd.s32 $0xFFFFFF80  }
0x157: {  	_ =	swait.ge [sflag:s22], $0x80  }
0x158: {  	[sflag:s22] =	ssyncset.done $0x0  }
0x159: {  	[sflag:s22] =	ssyncadd.s32 $0xFFFFFF80  }
0x15a: {  	_ =	swait.ge [sflag:s22], $0x80  }
0x15b: {  	[sflag:s22] =	ssyncset.done $0x0  }
0x15c: {  	[sflag:s22] =	ssyncadd.s32 $0xFFFFFF80  }
0x15d: {  	_ =	swait.ge [sflag:s22], $0x80  }
0x15e: {  	[sflag:s22] =	ssyncset.done $0x0  }
0x15f: {  	[sflag:s22] =	ssyncadd.s32 $0xFFFFFF80  }
0x160: {  	_ =	swait.ge [sflag:s22], $0x80  }
0x161: {  	[sflag:s22] =	ssyncset.done $0x0  }
0x162: {  	[sflag:s22] =	ssyncadd.s32 $0xFFFFFF80  }
0x163: {  	_ =	swait.ge [sflag:s22], $0x80  }
0x164: {  	[sflag:s22] =	ssyncset.done $0x0  }
0x165: {  	[sflag:s22] =	ssyncadd.s32 $0xFFFFFF80  }
0x166: {  	_ =	swait.ge [sflag:s22], $0x80  }
0x167: {  	[sflag:s22] =	ssyncset.done $0x0  }
0x168: {  	[sflag:s22] =	ssyncadd.s32 $0xFFFFFF80  }
0x169: {  	_ =	swait.ge [sflag:s22], $0x80  }
0x16a: {  	[sflag:s22] =	ssyncset.done $0x0  }
0x16b: {  	[sflag:s22] =	ssyncadd.s32 $0xFFFFFF80  }
0x16c: {  	_ =	swait.ge [sflag:s22], $0x80  }
0x16d: {  	[sflag:s22] =	ssyncset.done $0x0  }
0x16e: {  	[sflag:s22] =	ssyncadd.s32 $0xFFFFFF80  }
0x16f: {  	_ =	swait.ge [sflag:s22], $0x80  }
0x170: {  	[sflag:s22] =	ssyncset.done $0x0  }
0x171: {  	[sflag:s22] =	ssyncadd.s32 $0xFFFFFF80  }
0x172: {  	_ =	swait.ge [sflag:s22], $0x80  }
0x173: {  	[sflag:s22] =	ssyncset.done $0x0  }
0x174: {  	[sflag:s22] =	ssyncadd.s32 $0xFFFFFF80  }
0x175: {  	_ =	swait.ge [sflag:s22], $0x80  }
0x176: {  	[sflag:s22] =	ssyncset.done $0x0  }
0x177: {  	[sflag:s22] =	ssyncadd.s32 $0xFFFFFF80  }
0x178: {  	_ =	swait.ge [sflag:s22], $0x80  }
0x179: {  	[sflag:s22] =	ssyncset.done $0x0  }
0x17a: {  	[sflag:s22] =	ssyncadd.s32 $0xFFFFFF80  }
0x17b: {  	_ =	swait.ge [sflag:s22], $0x80  }
0x17c: {  	[sflag:s22] =	ssyncset.done $0x0  }
0x17d: {  	[sflag:s22] =	ssyncadd.s32 $0xFFFFFF80  }
0x17e: {  	_ =	swait.ge [sflag:s22], $0x80  }
0x17f: {  	[sflag:s22] =	ssyncset.done $0x0  }
0x180: {  	[sflag:s22] =	ssyncadd.s32 $0xFFFFFF80  }
0x181: {  	_ =	swait.ge [sflag:s22], $0x80  }
0x182: {  	[sflag:s22] =	ssyncset.done $0x0  }
0x183: {  	[sflag:s22] =	ssyncadd.s32 $0xFFFFFF80  }
0x184: {  	_ =	swait.ge [sflag:s22], $0x80  }
0x185: {  	[sflag:s22] =	ssyncset.done $0x0  }
0x186: {  	[sflag:s22] =	ssyncadd.s32 $0xFFFFFF80  }
0x187: {  	_ =	swait.ge [sflag:s22], $0x80  }
0x188: {  	[sflag:s22] =	ssyncset.done $0x0  }
0x189: {  	[sflag:s22] =	ssyncadd.s32 $0xFFFFFF80  }
0x18a: {  	_ =	swait.ge [sflag:s22], $0x80  }
0x18b: {  	[sflag:s22] =	ssyncset.done $0x0  }
0x18c: {  	[sflag:s22] =	ssyncadd.s32 $0xFFFFFF80  }
0x18d: {  	_ =	swait.ge [sflag:s22], $0x80  }
0x18e: {  	[sflag:s22] =	ssyncset.done $0x0  }
0x18f: {  	[sflag:s22] =	ssyncadd.s32 $0xFFFFFF80  }
0x190: {  	_ =	swait.ge [sflag:s22], $0x80  }
0x191: {  	[sflag:s22] =	ssyncset.done $0x0  }
0x192: {  	[sflag:s22] =	ssyncadd.s32 $0xFFFFFF80  }
0x193: {  	_ =	swait.ge [sflag:s22], $0x80  }
0x194: {  	[sflag:s22] =	ssyncset.done $0x0  }
0x195: {  	[sflag:s22] =	ssyncadd.s32 $0xFFFFFF80  }
0x196: {  	_ =	swait.ge [sflag:s22], $0x80  }
0x197: {  	[sflag:s22] =	ssyncset.done $0x0  }
0x198: {  	[sflag:s22] =	ssyncadd.s32 $0xFFFFFF80  }
0x199: {  	_ =	swait.ge [sflag:s22], $0x80  }
0x19a: {  	[sflag:s22] =	ssyncset.done $0x0  }
0x19b: {  	[sflag:s22] =	ssyncadd.s32 $0xFFFFFF80  }
0x19c: {  	_ =	swait.ge [sflag:s22], $0x80  }
0x19d: {  	[sflag:s22] =	ssyncset.done $0x0  }
0x19e: {  	[sflag:s22] =	ssyncadd.s32 $0xFFFFFF80  }
0x19f: {  	_ =	swait.ge [sflag:s22], $0x80  }
0x1a0: {  	[sflag:s22] =	ssyncset.done $0x0  }
0x1a1: {  	[sflag:s22] =	ssyncadd.s32 $0xFFFFFF80  }
0x1a2: {  	_ =	swait.ge [sflag:s22], $0x80  }
0x1a3: {  	[sflag:s22] =	ssyncset.done $0x0  }
0x1a4: {  	[sflag:s22] =	ssyncadd.s32 $0xFFFFFF80  }
0x1a5: {  	_ =	swait.ge [sflag:s22], $0x80  }
0x1a6: {  	[sflag:s22] =	ssyncset.done $0x0  }
0x1a7: {  	[sflag:s22] =	ssyncadd.s32 $0xFFFFFF80  }
0x1a8: {  	_ =	swait.ge [sflag:s22], $0x80  }
0x1a9: {  	[sflag:s22] =	ssyncset.done $0x0  }
0x1aa: {  	[sflag:s22] =	ssyncadd.s32 $0xFFFFFF80  }
0x1ab: {  	_ =	swait.ge [sflag:s22], $0x80  }
0x1ac: {  	[sflag:s22] =	ssyncset.done $0x0  }
0x1ad: {  	[sflag:s22] =	ssyncadd.s32 $0xFFFFFF80  }
0x1ae: {  	_ =	swait.ge [sflag:s22], $0x80  }
0x1af: {  	[sflag:s22] =	ssyncset.done $0x0  }
0x1b0: {  	[sflag:s22] =	ssyncadd.s32 $0xFFFFFF80  }
0x1b1: {  	_ =	swait.ge [sflag:s22], $0x80  }
0x1b2: {  	[sflag:s22] =	ssyncset.done $0x0  }
0x1b3: {  	[sflag:s22] =	ssyncadd.s32 $0xFFFFFF80  }
0x1b4: {  	_ =	swait.ge [sflag:s22], $0x80  }
0x1b5: {  	[sflag:s22] =	ssyncset.done $0x0  }
0x1b6: {  	[sflag:s22] =	ssyncadd.s32 $0xFFFFFF80  }
0x1b7: {  	_ =	swait.ge [sflag:s22], $0x80  }
0x1b8: {  	[sflag:s22] =	ssyncset.done $0x0  }
0x1b9: {  	[sflag:s22] =	ssyncadd.s32 $0xFFFFFF80  }
0x1ba: {  	_ =	swait.ge [sflag:s22], $0x80  }
0x1bb: {  	[sflag:s22] =	ssyncset.done $0x0  }
0x1bc: {  	[sflag:s22] =	ssyncadd.s32 $0xFFFFFF80  }
0x1bd: {  	_ =	swait.ge [sflag:s22], $0x80  }
0x1be: {  	[sflag:s22] =	ssyncset.done $0x0  }
0x1bf: {  	[sflag:s22] =	ssyncadd.s32 $0xFFFFFF80  }
0x1c0: {  	_ =	swait.ge [sflag:s22], $0x80  }
0x1c1: {  	[sflag:s22] =	ssyncset.done $0x0  }
0x1c2: {  	[sflag:s22] =	ssyncadd.s32 $0xFFFFFF80  }
0x1c3: {  	_ =	swait.ge [sflag:s22], $0x80  }
0x1c4: {  	[sflag:s22] =	ssyncset.done $0x0  }
0x1c5: {  	[sflag:s22] =	ssyncadd.s32 $0xFFFFFF80  }
0x1c6: {  	_ =	swait.ge [sflag:s22], $0x80  }
0x1c7: {  	[sflag:s22] =	ssyncset.done $0x0  }
0x1c8: {  	[sflag:s22] =	ssyncadd.s32 $0xFFFFFF80  }
0x1c9: {  	[bflag:$0x0] =	sbarrier.arrive $0xFFFF  }
0x1ca: {  	[tilespmem:s18], [sflag:$0x2] =	stream.linear.gather [spmem:s23], $0x1400, $0x38;
	[tilespmem:$0x1CC90] =	vst v63  }
0x1cb: {  	_ =	swait.ge [sflag:s19], $0x1400  }
0x1cc: {  	[sflag:s19] =	ssyncset.done $0x0  }
0x1cd: {  	s21 =	rddreg [dreg:$0x13];
	[sflag:s19] =	ssyncadd.s32 $0xFFFFEC00  }
0x1ce: {  	[hbm4b:s21+s1] =	stream.linear.scatter [tilespmem:s18], [sflag:$0x2], $0x1400, $0x38;
	[tilespmem:$0x1CC90] =	vst v63  }
0x1cf: {  	_ =	swait.ge [sflag:s19], $0x1400  }
0x1d0: {  	[sflag:s19] =	ssyncset.done $0x0  }
0x1d1: {  	s29 =	rddreg [dreg:$0x1c];
	[sflag:s19] =	ssyncadd.s32 $0xFFFFEC00  }
0x1d2: {  	[tilespmem:s18], [sflag:$0x2] =	stream.linear.gather [spmem:s29], $0x1400, $0x38;
	[tilespmem:$0x1CC90] =	vst v63  }
0x1d3: {  	_ =	swait.ge [sflag:s19], $0x1400  }
0x1d4: {  	[sflag:s19] =	ssyncset.done $0x0  }
0x1d5: {  	s21 =	rddreg [dreg:$0x14];
	[sflag:s19] =	ssyncadd.s32 $0xFFFFEC00  }
0x1d6: {  	[hbm4b:s21+s1] =	stream.linear.scatter [tilespmem:s18], [sflag:$0x2], $0x1400, $0x38;
	[tilespmem:$0x1CC90] =	vst v63  }
0x1d7: {  	_ =	swait.ge [sflag:s19], $0x1400  }
0x1d8: {  	[sflag:s19] =	ssyncset.done $0x0  }
0x1d9: {  	[sflag:s19] =	ssyncadd.s32 $0xFFFFEC00  }
0x1da: {  	[tilespmem:s18], [sflag:$0x2] =	stream.linear.gather [spmem:s2], $0x1400, $0x38;
	[tilespmem:$0x1CC90] =	vst v63  }
0x1db: {  	_ =	swait.ge [sflag:s19], $0x1400  }
0x1dc: {  	[sflag:s19] =	ssyncset.done $0x0  }
0x1dd: {  	s21 =	rddreg [dreg:$0x1f];
	[sflag:s19] =	ssyncadd.s32 $0xFFFFEC00  }
0x1de: {  	[hbm4b:s21+s1] =	stream.linear.scatter [tilespmem:s18], [sflag:$0x2], $0x1400, $0x38;
	[tilespmem:$0x1CC90] =	vst v63  }
0x1df: {  	_ =	swait.ge [sflag:s19], $0x1400  }
0x1e0: {  	[sflag:s19] =	ssyncset.done $0x0  }
0x1e1: {  	[sflag:s19] =	ssyncadd.s32 $0xFFFFEC00  }
0x1e2: {  	[tilespmem:s18], [sflag:$0x2] =	stream.linear.gather [spmem:s3], $0x1400, $0x38;
	[tilespmem:$0x1CC90] =	vst v63  }
0x1e3: {  	_ =	swait.ge [sflag:s19], $0x1400  }
0x1e4: {  	s21 =	sld [smem:$0x7FA]  }
0x1e5: {  	[sflag:s19] =	ssyncset.done $0x0  }
0x1e6: {  	[sflag:s19] =	ssyncadd.s32 $0xFFFFEC00  }
0x1e7: {  	[hbm4b:s21+s1] =	stream.linear.scatter [tilespmem:s18], [sflag:$0x2], $0x1400, $0x38;
	[tilespmem:$0x1CC90] =	vst v63  }
0x1e8: {  	_ =	swait.ge [sflag:s19], $0x1400  }
0x1e9: {  	[sflag:s19] =	ssyncset.done $0x0  }
0x1ea: {  	[sflag:s19] =	ssyncadd.s32 $0xFFFFEC00  }
0x1eb: {  	[tilespmem:s18], [sflag:$0x2] =	stream.linear.gather [spmem:s4], $0x1400, $0x38;
	[tilespmem:$0x1CC90] =	vst v63  }
0x1ec: {  	_ =	swait.ge [sflag:s19], $0x1400  }
0x1ed: {  	s21 =	sld [smem:$0x7FB]  }
0x1ee: {  	[sflag:s19] =	ssyncset.done $0x0  }
0x1ef: {  	[sflag:s19] =	ssyncadd.s32 $0xFFFFEC00  }
0x1f0: {  	[hbm4b:s21+s1] =	stream.linear.scatter [tilespmem:s18], [sflag:$0x2], $0x1400, $0x38;
	[tilespmem:$0x1CC90] =	vst v63  }
0x1f1: {  	_ =	swait.ge [sflag:s19], $0x1400  }
0x1f2: {  	[sflag:s19] =	ssyncset.done $0x0  }
0x1f3: {  	[sflag:s19] =	ssyncadd.s32 $0xFFFFEC00  }
0x1f4: {  	[tilespmem:s18], [sflag:$0x2] =	stream.linear.gather [spmem:s5], $0x1400, $0x38;
	[tilespmem:$0x1CC90] =	vst v63  }
0x1f5: {  	_ =	swait.ge [sflag:s19], $0x1400  }
0x1f6: {  	[sflag:s19] =	ssyncset.done $0x0  }
0x1f7: {  	s21 =	rddreg [dreg:$0x6];
	[sflag:s19] =	ssyncadd.s32 $0xFFFFEC00  }
0x1f8: {  	[hbm4b:s21+s1] =	stream.linear.scatter [tilespmem:s18], [sflag:$0x2], $0x1400, $0x38;
	[tilespmem:$0x1CC90] =	vst v63  }
0x1f9: {  	_ =	swait.ge [sflag:s19], $0x1400  }
0x1fa: {  	[sflag:s19] =	ssyncset.done $0x0  }
0x1fb: {  	[sflag:s19] =	ssyncadd.s32 $0xFFFFEC00  }
0x1fc: {  	[tilespmem:s18], [sflag:$0x2] =	stream.linear.gather [spmem:s6], $0x1400, $0x38;
	[tilespmem:$0x1CC90] =	vst v63  }
0x1fd: {  	_ =	swait.ge [sflag:s19], $0x1400  }
0x1fe: {  	[sflag:s19] =	ssyncset.done $0x0  }
0x1ff: {  	s21 =	rddreg [dreg:$0x7];
	[sflag:s19] =	ssyncadd.s32 $0xFFFFEC00  }
0x200: {  	[hbm4b:s21+s1] =	stream.linear.scatter [tilespmem:s18], [sflag:$0x2], $0x1400, $0x38;
	[tilespmem:$0x1CC90] =	vst v63  }
0x201: {  	_ =	swait.ge [sflag:s19], $0x1400  }
0x202: {  	[sflag:s19] =	ssyncset.done $0x0  }
0x203: {  	[sflag:s19] =	ssyncadd.s32 $0xFFFFEC00  }
0x204: {  	[tilespmem:s18], [sflag:$0x2] =	stream.linear.gather [spmem:s7], $0x1400, $0x38;
	[tilespmem:$0x1CC90] =	vst v63  }
0x205: {  	_ =	swait.ge [sflag:s19], $0x1400  }
0x206: {  	[sflag:s19] =	ssyncset.done $0x0  }
0x207: {  	s21 =	rddreg [dreg:$0x8];
	[sflag:s19] =	ssyncadd.s32 $0xFFFFEC00  }
0x208: {  	[hbm4b:s21+s1] =	stream.linear.scatter [tilespmem:s18], [sflag:$0x2], $0x1400, $0x38;
	[tilespmem:$0x1CC90] =	vst v63  }
0x209: {  	_ =	swait.ge [sflag:s19], $0x1400  }
0x20a: {  	[sflag:s19] =	ssyncset.done $0x0  }
0x20b: {  	[sflag:s19] =	ssyncadd.s32 $0xFFFFEC00  }
0x20c: {  	[tilespmem:s18], [sflag:$0x2] =	stream.linear.gather [spmem:s8], $0x1400, $0x38;
	[tilespmem:$0x1CC90] =	vst v63  }
0x20d: {  	_ =	swait.ge [sflag:s19], $0x1400  }
0x20e: {  	[sflag:s19] =	ssyncset.done $0x0  }
0x20f: {  	s21 =	rddreg [dreg:$0x9];
	[sflag:s19] =	ssyncadd.s32 $0xFFFFEC00  }
0x210: {  	[hbm4b:s21+s1] =	stream.linear.scatter [tilespmem:s18], [sflag:$0x2], $0x1400, $0x38;
	[tilespmem:$0x1CC90] =	vst v63  }
0x211: {  	_ =	swait.ge [sflag:s19], $0x1400  }
0x212: {  	[sflag:s19] =	ssyncset.done $0x0  }
0x213: {  	[sflag:s19] =	ssyncadd.s32 $0xFFFFEC00  }
0x214: {  	[tilespmem:s18], [sflag:$0x2] =	stream.linear.gather [spmem:s9], $0x1400, $0x38;
	[tilespmem:$0x1CC90] =	vst v63  }
0x215: {  	_ =	swait.ge [sflag:s19], $0x1400  }
0x216: {  	[sflag:s19] =	ssyncset.done $0x0  }
0x217: {  	s21 =	rddreg [dreg:$0xa];
	[sflag:s19] =	ssyncadd.s32 $0xFFFFEC00  }
0x218: {  	[hbm4b:s21+s1] =	stream.linear.scatter [tilespmem:s18], [sflag:$0x2], $0x1400, $0x38;
	[tilespmem:$0x1CC90] =	vst v63  }
0x219: {  	_ =	swait.ge [sflag:s19], $0x1400  }
0x21a: {  	[sflag:s19] =	ssyncset.done $0x0  }
0x21b: {  	[sflag:s19] =	ssyncadd.s32 $0xFFFFEC00  }
0x21c: {  	[tilespmem:s18], [sflag:$0x2] =	stream.linear.gather [spmem:s10], $0x1400, $0x38;
	[tilespmem:$0x1CC90] =	vst v63  }
0x21d: {  	_ =	swait.ge [sflag:s19], $0x1400  }
0x21e: {  	[sflag:s19] =	ssyncset.done $0x0  }
0x21f: {  	s21 =	rddreg [dreg:$0xb];
	[sflag:s19] =	ssyncadd.s32 $0xFFFFEC00  }
0x220: {  	[hbm4b:s21+s1] =	stream.linear.scatter [tilespmem:s18], [sflag:$0x2], $0x1400, $0x38;
	[tilespmem:$0x1CC90] =	vst v63  }
0x221: {  	_ =	swait.ge [sflag:s19], $0x1400  }
0x222: {  	[sflag:s19] =	ssyncset.done $0x0  }
0x223: {  	[sflag:s19] =	ssyncadd.s32 $0xFFFFEC00  }
0x224: {  	[tilespmem:s18], [sflag:$0x2] =	stream.linear.gather [spmem:s11], $0x1400, $0x38;
	[tilespmem:$0x1CC90] =	vst v63  }
0x225: {  	_ =	swait.ge [sflag:s19], $0x1400  }
0x226: {  	[sflag:s19] =	ssyncset.done $0x0  }
0x227: {  	s21 =	rddreg [dreg:$0xc];
	[sflag:s19] =	ssyncadd.s32 $0xFFFFEC00  }
0x228: {  	[hbm4b:s21+s1] =	stream.linear.scatter [tilespmem:s18], [sflag:$0x2], $0x1400, $0x38;
	[tilespmem:$0x1CC90] =	vst v63  }
0x229: {  	_ =	swait.ge [sflag:s19], $0x1400  }
0x22a: {  	[sflag:s19] =	ssyncset.done $0x0  }
0x22b: {  	[sflag:s19] =	ssyncadd.s32 $0xFFFFEC00  }
0x22c: {  	[tilespmem:s18], [sflag:$0x2] =	stream.linear.gather [spmem:s12], $0x1400, $0x38;
	[tilespmem:$0x1CC90] =	vst v63  }
0x22d: {  	_ =	swait.ge [sflag:s19], $0x1400  }
0x22e: {  	[sflag:s19] =	ssyncset.done $0x0  }
0x22f: {  	s21 =	rddreg [dreg:$0xd];
	[sflag:s19] =	ssyncadd.s32 $0xFFFFEC00  }
0x230: {  	[hbm4b:s21+s1] =	stream.linear.scatter [tilespmem:s18], [sflag:$0x2], $0x1400, $0x38;
	[tilespmem:$0x1CC90] =	vst v63  }
0x231: {  	_ =	swait.ge [sflag:s19], $0x1400  }
0x232: {  	[sflag:s19] =	ssyncset.done $0x0  }
0x233: {  	[sflag:s19] =	ssyncadd.s32 $0xFFFFEC00  }
0x234: {  	[tilespmem:s18], [sflag:$0x2] =	stream.linear.gather [spmem:s13], $0x1400, $0x38;
	[tilespmem:$0x1CC90] =	vst v63  }
0x235: {  	_ =	swait.ge [sflag:s19], $0x1400  }
0x236: {  	[sflag:s19] =	ssyncset.done $0x0  }
0x237: {  	s21 =	rddreg [dreg:$0xe];
	[sflag:s19] =	ssyncadd.s32 $0xFFFFEC00  }
0x238: {  	[hbm4b:s21+s1] =	stream.linear.scatter [tilespmem:s18], [sflag:$0x2], $0x1400, $0x38;
	[tilespmem:$0x1CC90] =	vst v63  }
0x239: {  	_ =	swait.ge [sflag:s19], $0x1400  }
0x23a: {  	[sflag:s19] =	ssyncset.done $0x0  }
0x23b: {  	[sflag:s19] =	ssyncadd.s32 $0xFFFFEC00  }
0x23c: {  	[tilespmem:s18], [sflag:$0x2] =	stream.linear.gather [spmem:s14], $0x1400, $0x38;
	[tilespmem:$0x1CC90] =	vst v63  }
0x23d: {  	_ =	swait.ge [sflag:s19], $0x1400  }
0x23e: {  	[sflag:s19] =	ssyncset.done $0x0  }
0x23f: {  	s21 =	rddreg [dreg:$0xf];
	[sflag:s19] =	ssyncadd.s32 $0xFFFFEC00  }
0x240: {  	[hbm4b:s21+s1] =	stream.linear.scatter [tilespmem:s18], [sflag:$0x2], $0x1400, $0x38;
	[tilespmem:$0x1CC90] =	vst v63  }
0x241: {  	_ =	swait.ge [sflag:s19], $0x1400  }
0x242: {  	[sflag:s19] =	ssyncset.done $0x0  }
0x243: {  	[sflag:s19] =	ssyncadd.s32 $0xFFFFEC00  }
0x244: {  	[tilespmem:s18], [sflag:$0x2] =	stream.linear.gather [spmem:s15], $0x1400, $0x38;
	[tilespmem:$0x1CC90] =	vst v63  }
0x245: {  	_ =	swait.ge [sflag:s19], $0x1400  }
0x246: {  	[sflag:s19] =	ssyncset.done $0x0  }
0x247: {  	s21 =	rddreg [dreg:$0x10];
	[sflag:s19] =	ssyncadd.s32 $0xFFFFEC00  }
0x248: {  	[hbm4b:s21+s1] =	stream.linear.scatter [tilespmem:s18], [sflag:$0x2], $0x1400, $0x38;
	[tilespmem:$0x1CC90] =	vst v63  }
0x249: {  	_ =	swait.ge [sflag:s19], $0x1400  }
0x24a: {  	[sflag:s19] =	ssyncset.done $0x0  }
0x24b: {  	[sflag:s19] =	ssyncadd.s32 $0xFFFFEC00  }
0x24c: {  	[tilespmem:s18], [sflag:$0x2] =	stream.linear.gather [spmem:s16], $0x1400, $0x38;
	[tilespmem:$0x1CC90] =	vst v63  }
0x24d: {  	_ =	swait.ge [sflag:s19], $0x1400  }
0x24e: {  	[sflag:s19] =	ssyncset.done $0x0  }
0x24f: {  	s21 =	rddreg [dreg:$0x11];
	[sflag:s19] =	ssyncadd.s32 $0xFFFFEC00  }
0x250: {  	[hbm4b:s21+s1] =	stream.linear.scatter [tilespmem:s18], [sflag:$0x2], $0x1400, $0x38;
	[tilespmem:$0x1CC90] =	vst v63  }
0x251: {  	_ =	swait.ge [sflag:s19], $0x1400  }
0x252: {  	[sflag:s19] =	ssyncset.done $0x0  }
0x253: {  	[sflag:s19] =	ssyncadd.s32 $0xFFFFEC00  }
0x254: {  	[tilespmem:s18], [sflag:$0x2] =	stream.linear.gather [spmem:s17], $0x1400, $0x38;
	[tilespmem:$0x1CC90] =	vst v63  }
0x255: {  	_ =	swait.ge [sflag:s19], $0x1400  }
0x256: {  	[sflag:s19] =	ssyncset.done $0x0  }
0x257: {  	s21 =	rddreg [dreg:$0x12];
	[sflag:s19] =	ssyncadd.s32 $0xFFFFEC00  }
0x258: {  	[hbm4b:s21+s1] =	stream.linear.scatter [tilespmem:s18], [sflag:$0x2], $0x1400, $0x38;
	[tilespmem:$0x1CC90] =	vst v63  }
0x259: {  	_ =	swait.ge [sflag:s19], $0x1400  }
0x25a: {  	[sflag:s19] =	ssyncset.done $0x0  }
0x25b: {  	s30 =	rddreg [dreg:$0x1e];
	[sflag:s19] =	ssyncadd.s32 $0xFFFFEC00  }
0x25c: {  	[tilespmem:s18], [sflag:$0x2] =	stream.linear.gather [spmem:s30], $0x1400, $0x38;
	[tilespmem:$0x1CC90] =	vst v63  }
0x25d: {  	_ =	swait.ge [sflag:s19], $0x1400  }
0x25e: {  	[sflag:s19] =	ssyncset.done $0x0  }
0x25f: {  	s21 =	rddreg [dreg:$0x15];
	[sflag:s19] =	ssyncadd.s32 $0xFFFFEC00  }
0x260: {  	[hbm4b:s21+s1] =	stream.linear.scatter [tilespmem:s18], [sflag:$0x2], $0x1400, $0x38;
	[tilespmem:$0x1CC90] =	vst v63  }
0x261: {  	_ =	swait.ge [sflag:s19], $0x1400  }
0x262: {  	s21 =	sld [smem:$0x7FD]  }
0x263: {  	[sflag:s19] =	ssyncset.done $0x0  }
0x264: {  	[sflag:s19] =	ssyncadd.s32 $0xFFFFEC00  }
0x265: {  	[tilespmem:s18], [sflag:$0x2] =	stream.linear.gather [spmem:s21], $0x1400, $0x38;
	[tilespmem:$0x1CC90] =	vst v63  }
0x266: {  	_ =	swait.ge [sflag:s19], $0x1400  }
0x267: {  	[sflag:s19] =	ssyncset.done $0x0  }
0x268: {  	s0 =	rddreg [dreg:$0x16];
	[sflag:s19] =	ssyncadd.s32 $0xFFFFEC00  }
0x269: {  	[hbm4b:s0+s1] =	stream.linear.scatter [tilespmem:s18], [sflag:$0x2], $0x1400, $0x38;
	[tilespmem:$0x1CC90] =	vst v63  }
0x26a: {  	_ =	swait.ge [sflag:s19], $0x1400  }
0x26b: {  	s0 =	sld [smem:$0x7FC];
	_ =	sdelay $0x1  }
0x26c: {  	s28 =	sadd.s32 $0x1, s28  }
0x26d: {  	p1 =	sne.s32 s28, s0  }
.Ltmp1:
0x26e: {  	_ = 	snop;
	(pc) =	sbr.rel @!p1 .LBB2_6-.Ltmp1, $3  }
0x26f: {  	_ =	sdelay $0x1  }
0x270: {  	[sflag:s19] =	ssyncset.done $0x0  }
0x271: {  	s31 =	simm.s32 $0x1400;
	[sflag:s19] =	ssyncadd.s32 $0xFFFFEC00  }
.LBB2_1:
0x272: {  	s0 =	rddreg [dreg:$0x17]  }
0x273: {  	[tilespmem:s18], [sflag:$0x2] =	stream.linear.gather [hbm4b:s0+s1], $0x1400, $0x38;
	[tilespmem:$0x1CC90] =	vst v63  }
0x274: {  	_ =	swait.ge [sflag:s19], $0x1400  }
0x275: {  	[sflag:s19] =	ssyncset.done $0x0  }
0x276: {  	[sflag:s19] =	ssyncadd.s32 $0xFFFFEC00  }
0x277: {  	[spmem:s23] =	stream.linear.scatter [tilespmem:s18], [sflag:$0x1], $0x1400, $0x38;
	[tilespmem:$0x1CC90] =	vst v63  }
0x278: {  	_ = 	snop  }
0x279: {  	[spmem:s29] =	stream.linear.scatter [tilespmem:s18], [sflag:$0x1], $0x1400, $0x38;
	[tilespmem:$0x1CC90] =	vst v63  }
0x27a: {  	_ = 	snop  }
0x27b: {  	[spmem:s2] =	stream.linear.scatter [tilespmem:s18], [sflag:$0x1], $0x1400, $0x38;
	[tilespmem:$0x1CC90] =	vst v63  }
0x27c: {  	_ = 	snop  }
0x27d: {  	[spmem:s3] =	stream.linear.scatter [tilespmem:s18], [sflag:$0x1], $0x1400, $0x38;
	[tilespmem:$0x1CC90] =	vst v63  }
0x27e: {  	_ = 	snop  }
0x27f: {  	[spmem:s4] =	stream.linear.scatter [tilespmem:s18], [sflag:$0x1], $0x1400, $0x38;
	[tilespmem:$0x1CC90] =	vst v63  }
0x280: {  	_ = 	snop  }
0x281: {  	[spmem:s5] =	stream.linear.scatter [tilespmem:s18], [sflag:$0x1], $0x1400, $0x38;
	[tilespmem:$0x1CC90] =	vst v63  }
0x282: {  	_ = 	snop  }
0x283: {  	[spmem:s6] =	stream.linear.scatter [tilespmem:s18], [sflag:$0x1], $0x1400, $0x38;
	[tilespmem:$0x1CC90] =	vst v63  }
0x284: {  	_ = 	snop  }
0x285: {  	[spmem:s7] =	stream.linear.scatter [tilespmem:s18], [sflag:$0x1], $0x1400, $0x38;
	[tilespmem:$0x1CC90] =	vst v63  }
0x286: {  	_ = 	snop  }
0x287: {  	[spmem:s8] =	stream.linear.scatter [tilespmem:s18], [sflag:$0x1], $0x1400, $0x38;
	[tilespmem:$0x1CC90] =	vst v63  }
0x288: {  	_ = 	snop  }
0x289: {  	[spmem:s9] =	stream.linear.scatter [tilespmem:s18], [sflag:$0x1], $0x1400, $0x38;
	[tilespmem:$0x1CC90] =	vst v63  }
0x28a: {  	_ = 	snop  }
0x28b: {  	[spmem:s10] =	stream.linear.scatter [tilespmem:s18], [sflag:$0x1], $0x1400, $0x38;
	[tilespmem:$0x1CC90] =	vst v63  }
0x28c: {  	_ = 	snop  }
0x28d: {  	[spmem:s11] =	stream.linear.scatter [tilespmem:s18], [sflag:$0x1], $0x1400, $0x38;
	[tilespmem:$0x1CC90] =	vst v63  }
0x28e: {  	_ = 	snop  }
0x28f: {  	[spmem:s12] =	stream.linear.scatter [tilespmem:s18], [sflag:$0x1], $0x1400, $0x38;
	[tilespmem:$0x1CC90] =	vst v63  }
0x290: {  	_ = 	snop  }
0x291: {  	[spmem:s13] =	stream.linear.scatter [tilespmem:s18], [sflag:$0x1], $0x1400, $0x38;
	[tilespmem:$0x1CC90] =	vst v63  }
0x292: {  	_ = 	snop  }
0x293: {  	[spmem:s14] =	stream.linear.scatter [tilespmem:s18], [sflag:$0x1], $0x1400, $0x38;
	[tilespmem:$0x1CC90] =	vst v63  }
0x294: {  	_ = 	snop  }
0x295: {  	[spmem:s15] =	stream.linear.scatter [tilespmem:s18], [sflag:$0x1], $0x1400, $0x38;
	[tilespmem:$0x1CC90] =	vst v63  }
0x296: {  	_ = 	snop  }
0x297: {  	[spmem:s16] =	stream.linear.scatter [tilespmem:s18], [sflag:$0x1], $0x1400, $0x38;
	[tilespmem:$0x1CC90] =	vst v63  }
0x298: {  	_ = 	snop  }
0x299: {  	[spmem:s17] =	stream.linear.scatter [tilespmem:s18], [sflag:$0x1], $0x1400, $0x38;
	[tilespmem:$0x1CC90] =	vst v63  }
0x29a: {  	_ = 	snop  }
0x29b: {  	[spmem:s30] =	stream.linear.scatter [tilespmem:s18], [sflag:$0x1], $0x1400, $0x38;
	[tilespmem:$0x1CC90] =	vst v63  }
0x29c: {  	_ = 	snop  }
0x29d: {  	[spmem:s21] =	stream.linear.scatter [tilespmem:s18], [sflag:$0x1], $0x1400, $0x38;
	[tilespmem:$0x1CC90] =	vst v63  }
0x29e: {  	_ =	swait.ge [sflag:s22], $0x1400  }
0x29f: {  	[sflag:s22] =	ssyncset.done $0x0  }
0x2a0: {  	[sflag:s22] =	ssyncadd.s32 $0xFFFFEC00  }
0x2a1: {  	_ =	swait.ge [sflag:s22], $0x1400  }
0x2a2: {  	[sflag:s22] =	ssyncset.done $0x0  }
0x2a3: {  	[sflag:s22] =	ssyncadd.s32 $0xFFFFEC00  }
0x2a4: {  	_ =	swait.ge [sflag:s22], $0x1400  }
0x2a5: {  	[sflag:s22] =	ssyncset.done $0x0  }
0x2a6: {  	[sflag:s22] =	ssyncadd.s32 $0xFFFFEC00  }
0x2a7: {  	_ =	swait.ge [sflag:s22], $0x1400  }
0x2a8: {  	[sflag:s22] =	ssyncset.done $0x0  }
0x2a9: {  	[sflag:s22] =	ssyncadd.s32 $0xFFFFEC00  }
0x2aa: {  	_ =	swait.ge [sflag:s22], $0x1400  }
0x2ab: {  	[sflag:s22] =	ssyncset.done $0x0  }
0x2ac: {  	[sflag:s22] =	ssyncadd.s32 $0xFFFFEC00  }
0x2ad: {  	_ =	swait.ge [sflag:s22], $0x1400  }
0x2ae: {  	[sflag:s22] =	ssyncset.done $0x0  }
0x2af: {  	[sflag:s22] =	ssyncadd.s32 $0xFFFFEC00  }
0x2b0: {  	_ =	swait.ge [sflag:s22], $0x1400  }
0x2b1: {  	[sflag:s22] =	ssyncset.done $0x0  }
0x2b2: {  	[sflag:s22] =	ssyncadd.s32 $0xFFFFEC00  }
0x2b3: {  	_ =	swait.ge [sflag:s22], $0x1400  }
0x2b4: {  	[sflag:s22] =	ssyncset.done $0x0  }
0x2b5: {  	[sflag:s22] =	ssyncadd.s32 $0xFFFFEC00  }
0x2b6: {  	_ =	swait.ge [sflag:s22], $0x1400  }
0x2b7: {  	[sflag:s22] =	ssyncset.done $0x0  }
0x2b8: {  	[sflag:s22] =	ssyncadd.s32 $0xFFFFEC00  }
0x2b9: {  	_ =	swait.ge [sflag:s22], $0x1400  }
0x2ba: {  	[sflag:s22] =	ssyncset.done $0x0  }
0x2bb: {  	[sflag:s22] =	ssyncadd.s32 $0xFFFFEC00  }
0x2bc: {  	_ =	swait.ge [sflag:s22], $0x1400  }
0x2bd: {  	[sflag:s22] =	ssyncset.done $0x0  }
0x2be: {  	[sflag:s22] =	ssyncadd.s32 $0xFFFFEC00  }
0x2bf: {  	_ =	swait.ge [sflag:s22], $0x1400  }
0x2c0: {  	[sflag:s22] =	ssyncset.done $0x0  }
0x2c1: {  	[sflag:s22] =	ssyncadd.s32 $0xFFFFEC00  }
0x2c2: {  	_ =	swait.ge [sflag:s22], $0x1400  }
0x2c3: {  	[sflag:s22] =	ssyncset.done $0x0  }
0x2c4: {  	[sflag:s22] =	ssyncadd.s32 $0xFFFFEC00  }
0x2c5: {  	_ =	swait.ge [sflag:s22], $0x1400  }
0x2c6: {  	[sflag:s22] =	ssyncset.done $0x0  }
0x2c7: {  	[sflag:s22] =	ssyncadd.s32 $0xFFFFEC00  }
0x2c8: {  	_ =	swait.ge [sflag:s22], $0x1400  }
0x2c9: {  	[sflag:s22] =	ssyncset.done $0x0  }
0x2ca: {  	[sflag:s22] =	ssyncadd.s32 $0xFFFFEC00  }
0x2cb: {  	_ =	swait.ge [sflag:s22], $0x1400  }
0x2cc: {  	[sflag:s22] =	ssyncset.done $0x0  }
0x2cd: {  	[sflag:s22] =	ssyncadd.s32 $0xFFFFEC00  }
0x2ce: {  	_ =	swait.ge [sflag:s22], $0x1400  }
0x2cf: {  	[sflag:s22] =	ssyncset.done $0x0  }
0x2d0: {  	[sflag:s22] =	ssyncadd.s32 $0xFFFFEC00  }
0x2d1: {  	_ =	swait.ge [sflag:s22], $0x1400  }
0x2d2: {  	[sflag:s22] =	ssyncset.done $0x0  }
0x2d3: {  	[sflag:s22] =	ssyncadd.s32 $0xFFFFEC00  }
0x2d4: {  	_ =	swait.ge [sflag:s22], $0x1400  }
0x2d5: {  	[sflag:s22] =	ssyncset.done $0x0  }
0x2d6: {  	[sflag:s22] =	ssyncadd.s32 $0xFFFFEC00  }
0x2d7: {  	_ =	swait.ge [sflag:s22], $0x1400  }
0x2d8: {  	[sflag:s22] =	ssyncset.done $0x0  }
0x2d9: {  	s29 =	rddreg [dreg:$0x1b];
	[sflag:s22] =	ssyncadd.s32 $0xFFFFEC00  }
0x2da: {  	[tilespmem:s1], [sflag:$0x2] =	stream.linear.gather [hbm4b:s29+s1], $0x1400, $0x38;
	[tilespmem:$0x1CC90] =	vst v63  }
0x2db: {  	_ =	swait.ge [sflag:s19], $0x1400  }
0x2dc: {  	[sflag:s19] =	ssyncset.done $0x0  }
0x2dd: {  	s30 =	rddreg [dreg:$0x1d];
	[sflag:s19] =	ssyncadd.s32 $0xFFFFEC00  }
0x2de: {  	[tilespmem:s31], [sflag:$0x2] =	stream.linear.gather [hbm4b:s30+s1], $0x1400, $0x38;
	[tilespmem:$0x1CC90] =	vst v63  }
0x2df: {  	_ =	swait.ge [sflag:s19], $0x1400  }
0x2e0: {  	[sflag:s19] =	ssyncset.done $0x0  }
0x2e1: {  	[sflag:s19] =	ssyncadd.s32 $0xFFFFEC00  }
0x2e2: {  	[tilespmem:$0x2800] =	vst v0  }
0x2e3: {  	[tilespmem:$0x2810] =	vst v0  }
0x2e4: {  	[tilespmem:$0x2820] =	vst v0  }
.Ltmp2:
0x2e5: {  	[tilespmem:$0x2830] =	vst v0;
	(pc) =	sbr.rel @p0 .LBB2_5-.Ltmp2, $4  }
0x2e6: {  	[tilespmem:$0x2840] =	vst v0  }
0x2e7: {  	[tilespmem:$0x2850] =	vst v0  }
0x2e8: {  	[tilespmem:$0x2860] =	vst v0  }
0x2e9: {  	s0 =	simm.s32 $0x1400;
	[tilespmem:$0x2870] =	vst v0  }
0x2ea: {  	s23 =	simm.s32 $0x0  }
0x2eb: {  	v3 =	vld [tilespmem:s23+$0x0]  }
0x2ec: {  	v5 =	vld [tilespmem:s23+$0x10]  }
0x2ed: {  	s16 =	smov.u32 s15;
	s15 =	smov.u32 s14;
	s14 =	smov.u32 s13;
	v4 =	vld [tilespmem:s23+$0x20]  }
0x2ee: {  	s13 =	smov.u32 s12;
	s12 =	smov.u32 s11;
	s11 =	smov.u32 s10;
	v2 =	vld [tilespmem:s23+$0x30]  }
0x2ef: {  	s10 =	smov.u32 s9;
	s9 =	smov.u32 s8;
	s8 =	smov.u32 s7;
	v1 =	vld [tilespmem:s23+$0x40]  }
0x2f0: {  	s7 =	smov.u32 s6;
	s6 =	smov.u32 s5;
	s5 =	smov.u32 s4;
	v6 =	vadd.s32 $0xFFF38000, v3;
	v3 =	vld [tilespmem:s23+$0x50]  }
0x2f1: {  	s4 =	smov.u32 s3;
	s3 =	smov.u32 s2;
	s17 =	simm.s32 $0x200;
	[tilespmem:s23+$0x0] =	vst v6;
	v6 =	vadd.s32 $0xFFF38000, v5;
	v5 =	vld [tilespmem:s23+$0x60]  }
.LBB2_3:
0x2f2: {  	s29 =	sshra.s32 s17, $0x2;
	p1 =	sne.s32 s17, $0x4E00;
	[tilespmem:s23+$0x10] =	vst v6;
	v4 =	vadd.s32 $0xFFF38000, v4;
	v6 =	vld [tilespmem:s23+$0x70]  }
0x2f3: {  	v2 =	vadd.s32 $0xFFF38000, v2;
	v7 =	vld [tilespmem:s29+$0x0];
	[tilespmem:s23+$0x20] =	vst v4  }
0x2f4: {  	v1 =	vadd.s32 $0xFFF38000, v1;
	v8 =	vld [tilespmem:s29+$0x10];
	[tilespmem:s23+$0x30] =	vst v2  }
.Ltmp3:
0x2f5: {  	v4 =	vld [tilespmem:s29+$0x20];
	[tilespmem:s23+$0x40] =	vst v1;
	v1 =	vadd.s32 $0xFFF38000, v3;
	(pc) =	sbr.rel @p1 .LBB2_3-.Ltmp3, $4  }
0x2f6: {  	v3 =	vadd.s32 $0xFFF38000, v5;
	v2 =	vld [tilespmem:s29+$0x30];
	[tilespmem:s23+$0x50] =	vst v1  }
0x2f7: {  	v1 =	vld [tilespmem:s29+$0x40];
	[tilespmem:s23+$0x60] =	vst v3;
	v5 =	vadd.s32 $0xFFF38000, v6  }
0x2f8: {  	v6 =	vadd.s32 $0xFFF38000, v7;
	v3 =	vld [tilespmem:s29+$0x50];
	[tilespmem:s23+$0x70] =	vst v5;
	s23 =	smov.u32 s29  }
0x2f9: {  	s17 =	sadd.s32 $0x200, s17;
	[tilespmem:s23+$0x0] =	vst v6;
	v6 =	vadd.s32 $0xFFF38000, v8;
	v5 =	vld [tilespmem:s23+$0x60]  }
.Ltmp4:
0x2fa: {  	_ = 	snop;
	(pc) =	sbr.rel .LBB2_4-.Ltmp4, $1  }
0x2fb: {  	_ =	sdelay $0x3  }
.LBB2_6:
0x2fc: {  	_ =	sfence.sel $0x180000  }
0x2fd: {  	[bflag:$0x0] =	sbarrier.arrive $0xFFFF  }
0x2fe: {  	_ =	strace $0x90000047  }
0x2ff: {  	s0 =	stileid.u32;
	[bflag:$0x2] =	sbarrier.arrive $0xFFFF  }
0x300: {  	p0 =	sne.s32 s0, $0x0;
	s0 =	rddreg [dreg:$0x5]  }
0x301: {  	s0 =	sadd.s32 @!p0 $0x100000, s0  }
0x302: {  	[sflag:s0] =	ssyncadd.tile.s32 @!p0 $0x1;
	_ =	shalt  }
.Lfunc_end2:
_tile_overlayer_lowered:
.L_overlay_start_2:
0x303: {  	(tag) =	ssettag $0x2  }
0x304: {  	s0 =	rddreg [dreg:$0x0];
	s2 =	stileid.u32  }
0x305: {  	s1 =	rddreg [dreg:$0x1];
	p0 =	sne.s32 s2, $0x0  }
0x306: {  	s3 =	rddreg [dreg:$0x2];
	[bflag:$0x3] =	sbarrier.arrive $0xFFFF;
	s2 =	simm.s32 @!p0 $0x1C02  }
0x307: {  	[timem:s3], [sflag:s2] =	dma.local @!p0 [hbm:s0], s1  }
0x308: {  	s0 =	simm.s32 @!p0 $0x2  }
0x309: {  	_ =	swait.ge @!p0 [sflag:s0], s1  }
0x30a: {  	s1 =	ssub.s32 @!p0 $0x0, s1;
	[sflag:s0] =	ssyncset.done @!p0 $0x0  }
0x30b: {  	[sflag:s0] =	ssyncadd.s32 @!p0 s1  }
0x30c: {  	[bflag:$0x3] =	sbarrier.arrive $0xFFFF  }
0x30d: {  	_ =	shalt  }

</sc_bundles>
